<compile_context>
chip_gen: v7x
topology: tpu7x:2x2x1
jax: 0.10.2.dev20260603
libtpu: 0.0.44.dev20260713+nightly
codegen_flags: <defaults>
</compile_context>

<pallas_src>
import jax
import jax.numpy as jnp
from jax import lax
from jax.experimental import pallas as pl
from jax.experimental.pallas import tpu as pltpu
from jax.experimental.pallas import tpu_sc as plsc

N_NODES = 10000
N_EDGES = 320000
D_FEAT = 128
D_EDGE = 16
OUT_DIM = 64
HALF = N_EDGES // 2

NC = 2
NS = 16
NW = NC * NS
LANES = 16
K = 80
EPW = N_EDGES // NW
NBLK = EPW // K
ROW = OUT_DIM + 16
RPT = 624



def _tc_node_body(nodes_ref, ws_ref, bs_ref, wr_ref, br_ref, wm_ref, bm_ref,
                  wa_ref, ts_ref, tr_ref, tm_ref, as_ref, ar_ref):
    n = nodes_ref[...]
    ts = jnp.dot(n, ws_ref[...], preferred_element_type=jnp.float32) + bs_ref[...]
    tr = jnp.dot(n, wr_ref[...], preferred_element_type=jnp.float32) + br_ref[...]
    ts_ref[...] = ts
    tr_ref[...] = tr
    tm_ref[...] = jnp.dot(n, wm_ref[...],
                          preferred_element_type=jnp.float32) + bm_ref[...]
    wa = wa_ref[...]
    as_ref[...] = jnp.sum(ts * wa, axis=1).reshape(1, 1, -1)
    ar_ref[...] = jnp.sum(tr * wa, axis=1).reshape(1, 1, -1)


def _tc_node(nodes, W_sent1, b_sent1, W_recv, b_recv, W_msg, b_msg, W_attn):
    nb = 1000
    grid = (N_NODES // nb,)
    full = lambda shape: pl.BlockSpec(shape, lambda i: (0, 0))
    return pl.pallas_call(
        _tc_node_body,
        grid=grid,
        in_specs=[
            pl.BlockSpec((nb, D_FEAT), lambda i: (i, 0)),
            full((D_FEAT, OUT_DIM)), full((1, OUT_DIM)),
            full((D_FEAT, OUT_DIM)), full((1, OUT_DIM)),
            full((D_FEAT, OUT_DIM)), full((1, OUT_DIM)),
            full((1, OUT_DIM)),
        ],
        out_specs=[
            pl.BlockSpec((nb, OUT_DIM), lambda i: (i, 0)),
            pl.BlockSpec((nb, OUT_DIM), lambda i: (i, 0)),
            pl.BlockSpec((nb, OUT_DIM), lambda i: (i, 0)),
            pl.BlockSpec((1, 1, nb), lambda i: (i, 0, 0)),
            pl.BlockSpec((1, 1, nb), lambda i: (i, 0, 0)),
        ],
        out_shape=[
            jax.ShapeDtypeStruct((N_NODES, OUT_DIM), jnp.float32),
            jax.ShapeDtypeStruct((N_NODES, OUT_DIM), jnp.float32),
            jax.ShapeDtypeStruct((N_NODES, OUT_DIM), jnp.float32),
            jax.ShapeDtypeStruct((N_NODES // nb, 1, nb), jnp.float32),
            jax.ShapeDtypeStruct((N_NODES // nb, 1, nb), jnp.float32),
        ],
    )(nodes, W_sent1, b_sent1.reshape(1, -1), W_recv, b_recv.reshape(1, -1),
      W_msg, b_msg.reshape(1, -1), W_attn.reshape(1, -1))


def _tc_edge_body(elo_ref, ehi_ref, we_ref, be_ref, wa_ref, ba_ref,
                  e2_ref, ae_ref):
    dn = (((0,), (0,)), ((), ()))
    lo = lax.dot_general(elo_ref[...], we_ref[...], dn,
                         preferred_element_type=jnp.float32) + be_ref[...]
    hi = lax.dot_general(ehi_ref[...], we_ref[...], dn,
                         preferred_element_type=jnp.float32) + be_ref[...]
    e2_ref[...] = jnp.concatenate([lo, hi], axis=1)
    wa = wa_ref[...]
    ba = ba_ref[...]
    aelo = jnp.sum(lo * wa, axis=1).reshape(1, -1) + ba
    aehi = jnp.sum(hi * wa, axis=1).reshape(1, -1) + ba
    ae_ref[...] = jnp.concatenate([aelo, aehi], axis=0).reshape(1, 2, -1)


def _tc_edge(edgesT, W_edge, b_edge, W_attn, b_attn):
    eb = 6400
    grid = (HALF // eb,)
    full = lambda shape: pl.BlockSpec(shape, lambda i: (0, 0))
    return pl.pallas_call(
        _tc_edge_body,
        grid=grid,
        in_specs=[
            pl.BlockSpec((D_EDGE, eb), lambda i: (0, i)),
            pl.BlockSpec((D_EDGE, eb), lambda i: (0, i + HALF // eb)),
            full((D_EDGE, OUT_DIM)), full((1, OUT_DIM)),
            full((1, OUT_DIM)), full((1, 1)),
        ],
        out_specs=[
            pl.BlockSpec((eb, 2 * OUT_DIM), lambda i: (i, 0)),
            pl.BlockSpec((1, 2, eb), lambda i: (i, 0, 0)),
        ],
        out_shape=[
            jax.ShapeDtypeStruct((HALF, 2 * OUT_DIM), jnp.float32),
            jax.ShapeDtypeStruct((HALF // eb, 2, eb), jnp.float32),
        ],
    )(edgesT, edgesT, W_edge, b_edge.reshape(1, -1), W_attn.reshape(1, -1),
      b_attn.reshape(1, 1))


def _tc_eft_body(ef2_ref, out_ref):
    h = pl.program_id(1)
    blk_t = jnp.transpose(ef2_ref[...])
    out_ref[...] = jnp.where(h == 0, blk_t[:OUT_DIM, :], blk_t[OUT_DIM:, :])


def _tc_eft(ef2):
    eb = 6400
    nblk = HALF // eb
    return pl.pallas_call(
        _tc_eft_body,
        grid=(nblk, 2),
        in_specs=[pl.BlockSpec((eb, 2 * OUT_DIM), lambda g, h: (g, 0))],
        out_specs=pl.BlockSpec((OUT_DIM, eb), lambda g, h: (0, h * nblk + g)),
        out_shape=jax.ShapeDtypeStruct((OUT_DIM, N_EDGES), jnp.float32),
    )(ef2)


def _tc_final_body(a0_ref, a1_ref, nodes_ref, wsf_ref, bsf_ref, out_ref):
    s = a0_ref[...] + a1_ref[...]
    vec = s[:, :OUT_DIM]
    den = s[:, OUT_DIM:OUT_DIM + 1]
    safe = jnp.where(den == 0.0, 1.0, den)
    self_part = jnp.dot(nodes_ref[...], wsf_ref[...],
                        preferred_element_type=jnp.float32) + bsf_ref[...]
    out_ref[...] = jnp.transpose(vec / safe + self_part)


def _tc_final(acc0, acc1, nodes, W_self, b_self):
    full = lambda shape: pl.BlockSpec(shape, lambda i: (0, 0))
    return pl.pallas_call(
        _tc_final_body,
        grid=(1,),
        in_specs=[
            full((N_NODES, ROW)),
            full((N_NODES, ROW)),
            full((N_NODES, D_FEAT)),
            full((D_FEAT, OUT_DIM)), full((1, OUT_DIM)),
        ],
        out_specs=full((OUT_DIM, N_NODES)),
        out_shape=jax.ShapeDtypeStruct((OUT_DIM, N_NODES), jnp.float32),
    )(acc0, acc1, nodes, W_self, b_self.reshape(1, -1))



def _sc_body(ts_hbm, tr_hbm, tm_hbm, e2_hbm, as_hbm, ar_hbm, ae_hbm,
             s2d_hbm, r2d_hbm,
             ef_out, acc_out,
             s2d_v, r2d_v, wbuf,
             abuf0, bbuf0, cbuf0, mbuf0, dbuf0, asb0, arb0, aeb0,
             abuf1, bbuf1, cbuf1, mbuf1, dbuf1, asb1, arb1, aeb1,
             isem0, isem1, osem0, osem1, acc_sh):
    c = lax.axis_index("c")
    sid = lax.axis_index("s")
    wid = sid * NC + c
    half_hi = wid >= NS
    hrow0 = (wid - jnp.where(half_hi, NS, 0)) * EPW
    sets = ((abuf0, bbuf0, cbuf0, mbuf0, dbuf0, asb0, arb0, aeb0,
             isem0, osem0),
            (abuf1, bbuf1, cbuf1, mbuf1, dbuf1, asb1, arb1, aeb1,
             isem1, osem1))
    dbuf = dbuf0

    pltpu.sync_copy(s2d_hbm.at[wid], s2d_v)
    pltpu.sync_copy(r2d_hbm.at[wid], r2d_v)

    zeros16 = jnp.zeros((LANES,), jnp.float32)

    def zero_row(k, _):
        for l in range(ROW // LANES):
            dbuf[k, pl.ds(l * LANES, LANES)] = zeros16
        return 0

    lax.fori_loop(0, K, zero_row, 0)
    base_row = sid * RPT
    nfull = RPT // K
    tail = RPT - nfull * K
    for i in range(nfull):
        pltpu.sync_copy(dbuf, acc_sh.at[pl.ds(base_row + i * K, K)])
    pltpu.sync_copy(dbuf.at[pl.ds(0, tail)],
                    acc_sh.at[pl.ds(base_row + nfull * K, tail)])

    extra = N_NODES - NS * RPT
    @pl.when(sid == NS - 1)
    def _():
        pltpu.sync_copy(dbuf.at[pl.ds(0, extra)],
                        acc_sh.at[pl.ds(NS * RPT, extra)])
    plsc.subcore_barrier()

    lane0 = lax.broadcasted_iota(jnp.int32, (LANES,), 0) == 0

    def start_in(blk, s):
        a, b, cb, m, _, asb, arb, aeb, isem, _ = sets[s]
        hrow = hrow0 + blk * K
        row = wid * NBLK + blk
        pltpu.async_copy(ts_hbm.at[s2d_v.at[blk]], a, isem)
        pltpu.async_copy(tr_hbm.at[r2d_v.at[blk]], b, isem)
        pltpu.async_copy(tm_hbm.at[s2d_v.at[blk]], m, isem)
        pltpu.async_copy(as_hbm.at[s2d_v.at[blk]], asb, isem)
        pltpu.async_copy(ar_hbm.at[r2d_v.at[blk]], arb, isem)
        pltpu.async_copy(ae_hbm.at[pl.ds(row * K, K)], aeb, isem)

        @pl.when(jnp.logical_not(half_hi))
        def _():
            pltpu.async_copy(
                e2_hbm.at[pl.ds(hrow, K), pl.ds(0, OUT_DIM)], cb, isem)

        @pl.when(half_hi)
        def _():
            pltpu.async_copy(
                e2_hbm.at[pl.ds(hrow, K), pl.ds(OUT_DIM, OUT_DIM)], cb, isem)

    def phase(blk, s):
        a, b, cb, m, db, asb, arb, aeb, isem, osem = sets[s]
        _, _, cbo, _, dbo, _, _, _, _, osemo = sets[1 - s]
        hrow = hrow0 + blk * K

        @pl.when(blk > 0)
        def _():
            pltpu.make_async_copy(
                cbo, ef_out.at[pl.ds(0, K), pl.ds(0, OUT_DIM)], osemo).wait()
            pltpu.make_async_copy(dbo, acc_sh.at[pl.ds(0, K)], osemo).wait()

        @pl.when(blk + 1 < NBLK)
        def _():
            start_in(blk + 1, 1 - s)

        for _ in range(4):
            pltpu.make_async_copy(tm_hbm.at[pl.ds(0, K)], a, isem).wait()
        for _ in range(3):
            pltpu.make_async_copy(ae_hbm.at[pl.ds(0, K)], aeb, isem).wait()

        def ef_row(k, _):
            for l in range(OUT_DIM // LANES):
                sl = pl.ds(l * LANES, LANES)
                cb[k, sl] = a[k, sl] + b[k, sl] + cb[k, sl]
            return 0

        lax.fori_loop(0, K, ef_row, 0)

        @pl.when(jnp.logical_not(half_hi))
        def _():
            pltpu.async_copy(
                cb, ef_out.at[pl.ds(hrow, K), pl.ds(0, OUT_DIM)], osem)

        @pl.when(half_hi)
        def _():
            pltpu.async_copy(
                cb, ef_out.at[pl.ds(hrow, K), pl.ds(OUT_DIM, OUT_DIM)], osem)

        for j in range(K // LANES):
            sl = pl.ds(j * LANES, LANES)
            x = asb[sl] + arb[sl] + aeb[sl]
            x = jnp.where(x >= 0.0, x, 0.01 * x)
            wbuf[sl] = jnp.exp(x)

        def scale_group(j, _):
            wv16 = wbuf[pl.ds(j * LANES, LANES)]
            for k2 in range(LANES):
                k = j * LANES + k2
                wv = jnp.full((LANES,), wv16[k2], jnp.float32)
                for l in range(OUT_DIM // LANES):
                    sl = pl.ds(l * LANES, LANES)
                    db[k, sl] = m[k, sl] * wv
                db[k, pl.ds(OUT_DIM, LANES)] = jnp.where(lane0, wv, 0.0)
            return 0

        lax.fori_loop(0, K // LANES, scale_group, 0)
        pltpu.async_copy(db, acc_sh.at[r2d_v.at[blk]], osem, add=True)

    start_in(0, 0)

    def pair(g, _):
        phase(2 * g, 0)
        phase(2 * g + 1, 1)
        return 0

    lax.fori_loop(0, NBLK // 2, pair, 0)
    phase(jnp.int32(NBLK - 1), 0)
    pltpu.make_async_copy(
        cbuf0, ef_out.at[pl.ds(0, K), pl.ds(0, OUT_DIM)], osem0).wait()
    pltpu.make_async_copy(dbuf0, acc_sh.at[pl.ds(0, K)], osem0).wait()

    plsc.subcore_barrier()
    pltpu.sync_copy(acc_sh.at[pl.ds(base_row, RPT)],
                    acc_out.at[c, pl.ds(base_row, RPT)])
    @pl.when(sid == NS - 1)
    def _():
        pltpu.sync_copy(acc_sh.at[pl.ds(NS * RPT, extra)],
                        acc_out.at[c, pl.ds(NS * RPT, extra)])


def _sc_call(ts, tr, tm, e2, a_s, a_r, ae, s2d, r2d):
    mesh = plsc.VectorSubcoreMesh(core_axis_name="c", subcore_axis_name="s")
    buf_set = [
        pltpu.VMEM((K, OUT_DIM), jnp.float32),
        pltpu.VMEM((K, OUT_DIM), jnp.float32),
        pltpu.VMEM((K, OUT_DIM), jnp.float32),
        pltpu.VMEM((K, OUT_DIM), jnp.float32),
        pltpu.VMEM((K, ROW), jnp.float32),
        pltpu.VMEM((K,), jnp.float32),
        pltpu.VMEM((K,), jnp.float32),
        pltpu.VMEM((K,), jnp.float32),
    ]
    return pl.kernel(
        _sc_body,
        mesh=mesh,
        compiler_params=pltpu.CompilerParams(needs_layout_passes=False,
                                             use_tc_tiling_on_sc=False),
        out_type=[
            jax.ShapeDtypeStruct((HALF, 2 * OUT_DIM), jnp.float32),
            jax.ShapeDtypeStruct((NC, N_NODES, ROW), jnp.float32),
        ],
        scratch_types=[
            pltpu.VMEM((NBLK, K), jnp.int32),
            pltpu.VMEM((NBLK, K), jnp.int32),
            pltpu.VMEM((K,), jnp.float32),
        ] + buf_set + buf_set + [
            pltpu.SemaphoreType.DMA,
            pltpu.SemaphoreType.DMA,
            pltpu.SemaphoreType.DMA,
            pltpu.SemaphoreType.DMA,
            pltpu.VMEM_SHARED((N_NODES, ROW), jnp.float32),
        ],
    )(ts, tr, tm, e2, a_s, a_r, ae, s2d, r2d)



@jax.jit
def kernel(nodes, edges, senders, receivers, W_sent1, b_sent1, W_recv, b_recv,
           W_edge, b_edge, W_attn, b_attn, W_msg, b_msg, W_self, b_self):
    ts, tr, tm, a_s, a_r = _tc_node(nodes, W_sent1, b_sent1, W_recv, b_recv,
                                    W_msg, b_msg, W_attn)
    e2, ae2 = _tc_edge(edges.T, W_edge, b_edge, W_attn, b_attn)
    s2d = senders.reshape(NW, NBLK, K)
    r2d = receivers.reshape(NW, NBLK, K)
    ae = jnp.concatenate([ae2[:, 0, :].reshape(-1), ae2[:, 1, :].reshape(-1)])
    ef2, acc = _sc_call(ts, tr, tm, e2, a_s.reshape(-1), a_r.reshape(-1),
                        ae, s2d, r2d)
    ef = _tc_eft(ef2).T
    nf = _tc_final(acc[0], acc[1], nodes, W_self, b_self).T
    return nf, ef

# --- scband reference (transcript-rebuilt; emitter-appended) ---
"""Pipeline reference for scband-gateau-12558484373813 (READ-ONLY COPY).

The authoritative reference and input builder live on the scoring server;
editing this copy changes nothing except your own understanding.
"""

import jax, jax.numpy as jnp
import numpy as np

N_NODES = 10000
N_EDGES = 320000
D_FEAT = 128
D_EDGE = 16
OUT_DIM = 64


def setup_inputs(seed: int = 0) -> dict:
    key = jax.random.key(seed)
    ks = jax.random.split(key, 12)
    nodes = jax.random.normal(ks[0], (N_NODES, D_FEAT), dtype=jnp.float32)
    edges = jax.random.normal(ks[1], (N_EDGES, D_EDGE), dtype=jnp.float32)
    senders = jax.random.randint(ks[2], (N_EDGES,), 0, N_NODES, dtype=jnp.int32)
    receivers = jax.random.randint(ks[3], (N_EDGES,), 0, N_NODES, dtype=jnp.int32)
    # Learned params (flax Dense: y = x @ kernel + bias)
    s_feat = 1.0 / np.sqrt(D_FEAT)
    s_edge = 1.0 / np.sqrt(D_EDGE)
    s_out = 1.0 / np.sqrt(OUT_DIM)
    W_sent1 = jax.random.normal(ks[4], (D_FEAT, OUT_DIM), dtype=jnp.float32) * s_feat
    b_sent1 = jnp.zeros((OUT_DIM,), dtype=jnp.float32)
    W_recv = jax.random.normal(ks[5], (D_FEAT, OUT_DIM), dtype=jnp.float32) * s_feat
    b_recv = jnp.zeros((OUT_DIM,), dtype=jnp.float32)
    W_edge = jax.random.normal(ks[6], (D_EDGE, OUT_DIM), dtype=jnp.float32) * s_edge
    b_edge = jnp.zeros((OUT_DIM,), dtype=jnp.float32)
    W_attn = jax.random.normal(ks[7], (OUT_DIM, 1), dtype=jnp.float32) * s_out
    b_attn = jnp.zeros((1,), dtype=jnp.float32)
    W_msg = jax.random.normal(ks[8], (D_FEAT, OUT_DIM), dtype=jnp.float32) * s_feat
    b_msg = jnp.zeros((OUT_DIM,), dtype=jnp.float32)
    W_self = jax.random.normal(ks[9], (D_FEAT, OUT_DIM), dtype=jnp.float32) * s_feat
    b_self = jnp.zeros((OUT_DIM,), dtype=jnp.float32)
    return {
        "nodes": nodes, "edges": edges, "senders": senders, "receivers": receivers,
        "W_sent1": W_sent1, "b_sent1": b_sent1, "W_recv": W_recv, "b_recv": b_recv,
        "W_edge": W_edge, "b_edge": b_edge, "W_attn": W_attn, "b_attn": b_attn,
        "W_msg": W_msg, "b_msg": b_msg, "W_self": W_self, "b_self": b_self,
    }


def _segment_softmax(logits, segment_ids, num_segments):
    maxes = jax.ops.segment_max(logits, segment_ids, num_segments=num_segments)
    maxes = jnp.where(jnp.isfinite(maxes), maxes, 0.0)
    shifted = logits - maxes[segment_ids]
    e = jnp.exp(shifted)
    denom = jax.ops.segment_sum(e, segment_ids, num_segments=num_segments)
    return e / denom[segment_ids]


def reference(nodes, edges, senders, receivers, W_sent1, b_sent1, W_recv, b_recv,
              W_edge, b_edge, W_attn, b_attn, W_msg, b_msg, W_self, b_self):
    # GATEAU with out_dim=64, mix_edge_node=False, add_features=True,
    # self_edges=True, simple_update=True -> sync_updates=False
    sum_n_node = nodes.shape[0]
    sent_attributes_1 = (nodes @ W_sent1 + b_sent1)[senders]
    sent_attributes_2 = nodes[senders]  # simple_update branch
    received_attributes = (nodes @ W_recv + b_recv)[receivers]
    edge_features = edges @ W_edge + b_edge
    # add_features=True
    edge_features = sent_attributes_1 + edge_features + received_attributes
    attention_coeffs = jax.nn.leaky_relu(edge_features @ W_attn + b_attn)
    attention_weights = _segment_softmax(attention_coeffs, receivers, sum_n_node)
    # mix_edge_node=False -> message = sent_attributes_2
    message = sent_attributes_2
    # simple_update=True -> extra Dense on message
    message = message @ W_msg + b_msg
    message = attention_weights * message
    node_features = jax.ops.segment_sum(message, receivers, num_segments=sum_n_node)
    # self_edges=True
    node_features = node_features + (nodes @ W_self + b_self)
    return node_features, edge_features

if __name__ == "__main__":
    import jax
    _d = setup_inputs()
    print(jax.jit(kernel)(*tuple(_d.values())))

</pallas_src>

<mosaic_0001>
#map = affine_map<(d0, d1) -> (0, 0)>
#map1 = affine_map<(d0, d1) -> (0)>
#map2 = affine_map<(d0, d1) -> (0, 0, 0)>
module attributes {stable_mosaic.version = 14 : i64} {
  func.func @_sc_body(%arg0: i32, %arg1: i32, %arg2: memref<10000x64xf32, #tpu.memory_space<hbm>>, %arg3: memref<10000x64xf32, #tpu.memory_space<hbm>>, %arg4: memref<10000x64xf32, #tpu.memory_space<hbm>>, %arg5: memref<160000x128xf32, #tpu.memory_space<hbm>>, %arg6: memref<10000xf32, #tpu.memory_space<hbm>>, %arg7: memref<10000xf32, #tpu.memory_space<hbm>>, %arg8: memref<320000xf32, #tpu.memory_space<hbm>>, %arg9: memref<32x125x80xi32, #tpu.memory_space<hbm>>, %arg10: memref<32x125x80xi32, #tpu.memory_space<hbm>>, %arg11: memref<160000x128xf32, #tpu.memory_space<hbm>>, %arg12: memref<2x10000x80xf32, #tpu.memory_space<hbm>>, %arg13: memref<125x80xi32, #tpu.memory_space<vmem>>, %arg14: memref<125x80xi32, #tpu.memory_space<vmem>>, %arg15: memref<80xf32, #tpu.memory_space<vmem>>, %arg16: memref<80x64xf32, #tpu.memory_space<vmem>>, %arg17: memref<80x64xf32, #tpu.memory_space<vmem>>, %arg18: memref<80x64xf32, #tpu.memory_space<vmem>>, %arg19: memref<80x64xf32, #tpu.memory_space<vmem>>, %arg20: memref<80x80xf32, #tpu.memory_space<vmem>>, %arg21: memref<80xf32, #tpu.memory_space<vmem>>, %arg22: memref<80xf32, #tpu.memory_space<vmem>>, %arg23: memref<80xf32, #tpu.memory_space<vmem>>, %arg24: memref<80x64xf32, #tpu.memory_space<vmem>>, %arg25: memref<80x64xf32, #tpu.memory_space<vmem>>, %arg26: memref<80x64xf32, #tpu.memory_space<vmem>>, %arg27: memref<80x64xf32, #tpu.memory_space<vmem>>, %arg28: memref<80x80xf32, #tpu.memory_space<vmem>>, %arg29: memref<80xf32, #tpu.memory_space<vmem>>, %arg30: memref<80xf32, #tpu.memory_space<vmem>>, %arg31: memref<80xf32, #tpu.memory_space<vmem>>, %arg32: memref<!tpu.dma_semaphore, #tpu.memory_space<semaphore_mem>>, %arg33: memref<!tpu.dma_semaphore, #tpu.memory_space<semaphore_mem>>, %arg34: memref<!tpu.dma_semaphore, #tpu.memory_space<semaphore_mem>>, %arg35: memref<!tpu.dma_semaphore, #tpu.memory_space<semaphore_mem>>, %arg36: memref<10000x80xf32, #tpu.memory_space<vmem_shared>>) attributes {dimension_semantics = [#tpu.dimension_semantics<core_parallel>, #tpu.dimension_semantics<subcore_parallel>], iteration_bounds = array<i64: 2, 16>, scalar_prefetch = 0 : i64, scratch_operands = 24 : i64, tpu.core_type = #tpu.core_type<sc_vector_subcore>, window_params = [{transform_indices = #map}, {transform_indices = #map}, {transform_indices = #map}, {transform_indices = #map}, {transform_indices = #map1}, {transform_indices = #map1}, {transform_indices = #map1}, {transform_indices = #map2}, {transform_indices = #map2}, {transform_indices = #map}, {transform_indices = #map2}]} {
    %mul3A = arith.constant 2 : i32
    %mul3A_0 = arith.muli %arg1, %mul3A : i32
    %add3A = arith.addi %mul3A_0, %arg0 : i32
    %ge3A = arith.constant 16 : i32
    %ge3A_1 = arith.cmpi sge, %add3A, %ge3A : i32
    %jit3A = arith.constant 16 : i32
    %jit3A_2 = arith.constant 0 : i32
    %select_n3A = arith.select %ge3A_1, %jit3A, %jit3A_2 : i32
    %sub3A = arith.subi %add3A, %select_n3A : i32
    %mul3A_3 = arith.constant 10000 : i32
    %mul3A_4 = arith.muli %sub3A, %mul3A_3 : i32
    "tpu.region"() ({
      %run_scoped3A = tpu.sem_alloc : memref<!tpu.dma_semaphore, #tpu.memory_space<semaphore_mem>>
      %dma_start3A_277 = arith.constant 0 : i32
      %dma_start3A_278 = arith.constant 0 : i32
      %dma_start3A_279 = tpu.memref_slice %arg9[%add3A, %dma_start3A_277, %dma_start3A_278] : memref<32x125x80xi32, #tpu.memory_space<hbm>> -> memref<1x125x80xi32, #tpu.memory_space<hbm>>
      %dma_start3A_280 = tpu.memref_squeeze %dma_start3A_279 : memref<1x125x80xi32, #tpu.memory_space<hbm>> -> memref<125x80xi32, #tpu.memory_space<hbm>>
      %dma_start3A_281 = arith.constant 0 : i32
      %dma_start3A_282 = arith.constant 0 : i32
      %dma_start3A_283 = tpu.memref_slice %arg9[%add3A, %dma_start3A_281, %dma_start3A_282] : memref<32x125x80xi32, #tpu.memory_space<hbm>> -> memref<1x125x80xi32, #tpu.memory_space<hbm>>
      %dma_start3A_284 = tpu.memref_squeeze %dma_start3A_283 : memref<1x125x80xi32, #tpu.memory_space<hbm>> -> memref<125x80xi32, #tpu.memory_space<hbm>>
      tpu.enqueue_dma source(%dma_start3A_284 : memref<125x80xi32, #tpu.memory_space<hbm>>) target(%arg13 : memref<125x80xi32, #tpu.memory_space<vmem>>) target_semaphore(%run_scoped3A : memref<!tpu.dma_semaphore, #tpu.memory_space<semaphore_mem>>)
      %dma_wait3A_285 = arith.constant 0 : i32
      %dma_wait3A_286 = arith.constant 0 : i32
      %dma_wait3A_287 = tpu.memref_slice %arg9[%add3A, %dma_wait3A_285, %dma_wait3A_286] : memref<32x125x80xi32, #tpu.memory_space<hbm>> -> memref<1x125x80xi32, #tpu.memory_space<hbm>>
      %dma_wait3A_288 = tpu.memref_squeeze %dma_wait3A_287 : memref<1x125x80xi32, #tpu.memory_space<hbm>> -> memref<125x80xi32, #tpu.memory_space<hbm>>
      %dma_wait3A_289 = arith.constant 0 : i32
      %dma_wait3A_290 = arith.constant 0 : i32
      %dma_wait3A_291 = tpu.memref_slice %arg9[%add3A, %dma_wait3A_289, %dma_wait3A_290] : memref<32x125x80xi32, #tpu.memory_space<hbm>> -> memref<1x125x80xi32, #tpu.memory_space<hbm>>
      %dma_wait3A_292 = tpu.memref_squeeze %dma_wait3A_291 : memref<1x125x80xi32, #tpu.memory_space<hbm>> -> memref<125x80xi32, #tpu.memory_space<hbm>>
      tpu.wait_dma2 semaphore(%run_scoped3A : memref<!tpu.dma_semaphore, #tpu.memory_space<semaphore_mem>>) src(%dma_wait3A_292 : memref<125x80xi32, #tpu.memory_space<hbm>>) dst(%arg13 : memref<125x80xi32, #tpu.memory_space<vmem>>)
      tpu.yield
    }) : () -> ()
    "tpu.region"() ({
      %run_scoped3A = tpu.sem_alloc : memref<!tpu.dma_semaphore, #tpu.memory_space<semaphore_mem>>
      %dma_start3A_277 = arith.constant 0 : i32
      %dma_start3A_278 = arith.constant 0 : i32
      %dma_start3A_279 = tpu.memref_slice %arg10[%add3A, %dma_start3A_277, %dma_start3A_278] : memref<32x125x80xi32, #tpu.memory_space<hbm>> -> memref<1x125x80xi32, #tpu.memory_space<hbm>>
      %dma_start3A_280 = tpu.memref_squeeze %dma_start3A_279 : memref<1x125x80xi32, #tpu.memory_space<hbm>> -> memref<125x80xi32, #tpu.memory_space<hbm>>
      %dma_start3A_281 = arith.constant 0 : i32
      %dma_start3A_282 = arith.constant 0 : i32
      %dma_start3A_283 = tpu.memref_slice %arg10[%add3A, %dma_start3A_281, %dma_start3A_282] : memref<32x125x80xi32, #tpu.memory_space<hbm>> -> memref<1x125x80xi32, #tpu.memory_space<hbm>>
      %dma_start3A_284 = tpu.memref_squeeze %dma_start3A_283 : memref<1x125x80xi32, #tpu.memory_space<hbm>> -> memref<125x80xi32, #tpu.memory_space<hbm>>
      tpu.enqueue_dma source(%dma_start3A_284 : memref<125x80xi32, #tpu.memory_space<hbm>>) target(%arg14 : memref<125x80xi32, #tpu.memory_space<vmem>>) target_semaphore(%run_scoped3A : memref<!tpu.dma_semaphore, #tpu.memory_space<semaphore_mem>>)
      %dma_wait3A_285 = arith.constant 0 : i32
      %dma_wait3A_286 = arith.constant 0 : i32
      %dma_wait3A_287 = tpu.memref_slice %arg10[%add3A, %dma_wait3A_285, %dma_wait3A_286] : memref<32x125x80xi32, #tpu.memory_space<hbm>> -> memref<1x125x80xi32, #tpu.memory_space<hbm>>
      %dma_wait3A_288 = tpu.memref_squeeze %dma_wait3A_287 : memref<1x125x80xi32, #tpu.memory_space<hbm>> -> memref<125x80xi32, #tpu.memory_space<hbm>>
      %dma_wait3A_289 = arith.constant 0 : i32
      %dma_wait3A_290 = arith.constant 0 : i32
      %dma_wait3A_291 = tpu.memref_slice %arg10[%add3A, %dma_wait3A_289, %dma_wait3A_290] : memref<32x125x80xi32, #tpu.memory_space<hbm>> -> memref<1x125x80xi32, #tpu.memory_space<hbm>>
      %dma_wait3A_292 = tpu.memref_squeeze %dma_wait3A_291 : memref<1x125x80xi32, #tpu.memory_space<hbm>> -> memref<125x80xi32, #tpu.memory_space<hbm>>
      tpu.wait_dma2 semaphore(%run_scoped3A : memref<!tpu.dma_semaphore, #tpu.memory_space<semaphore_mem>>) src(%dma_wait3A_292 : memref<125x80xi32, #tpu.memory_space<hbm>>) dst(%arg14 : memref<125x80xi32, #tpu.memory_space<vmem>>)
      tpu.yield
    }) : () -> ()
    %broadcast_in_dim3A = arith.constant 0.000000e+00 : f32
    %broadcast_in_dim3A_5 = vector.broadcast %broadcast_in_dim3A : f32 to vector<16xf32>
    %scan3A = arith.constant 0 : i32
    %scan3A_6 = arith.constant 0 : i32
    %scan3A_7 = arith.constant 80 : i32
    %scan3A_8 = arith.addi %scan3A_6, %scan3A_7 : i32
    %scan3A_9 = arith.constant 1 : i32
    %scan3A_10 = scf.for %scan3A_277 = %scan3A_6 to %scan3A_8 step %scan3A_9 iter_args(%scan3A_278 = %scan3A) -> (i32)  : i32 {
      %swap3A_279 = arith.index_cast %scan3A_277 : i32 to index
      %swap3A_280 = arith.constant 0 : index
      %swap3A_281 = tpu.vector_load %arg20[%swap3A_279, %swap3A_280] {strides = array<i32>} : memref<80x80xf32, #tpu.memory_space<vmem>>, vector<16xf32>,
      tpu.vector_store %arg20[%swap3A_279, %swap3A_280], %broadcast_in_dim3A_5 {strides = array<i32>} : memref<80x80xf32, #tpu.memory_space<vmem>>, vector<16xf32>,
      %swap3A_282 = arith.index_cast %scan3A_277 : i32 to index
      %swap3A_283 = arith.constant 16 : index
      %swap3A_284 = tpu.vector_load %arg20[%swap3A_282, %swap3A_283] {strides = array<i32>} : memref<80x80xf32, #tpu.memory_space<vmem>>, vector<16xf32>,
      tpu.vector_store %arg20[%swap3A_282, %swap3A_283], %broadcast_in_dim3A_5 {strides = array<i32>} : memref<80x80xf32, #tpu.memory_space<vmem>>, vector<16xf32>,
      %swap3A_285 = arith.index_cast %scan3A_277 : i32 to index
      %swap3A_286 = arith.constant 32 : index
      %swap3A_287 = tpu.vector_load %arg20[%swap3A_285, %swap3A_286] {strides = array<i32>} : memref<80x80xf32, #tpu.memory_space<vmem>>, vector<16xf32>,
      tpu.vector_store %arg20[%swap3A_285, %swap3A_286], %broadcast_in_dim3A_5 {strides = array<i32>} : memref<80x80xf32, #tpu.memory_space<vmem>>, vector<16xf32>,
      %swap3A_288 = arith.index_cast %scan3A_277 : i32 to index
      %swap3A_289 = arith.constant 48 : index
      %swap3A_290 = tpu.vector_load %arg20[%swap3A_288, %swap3A_289] {strides = array<i32>} : memref<80x80xf32, #tpu.memory_space<vmem>>, vector<16xf32>,
      tpu.vector_store %arg20[%swap3A_288, %swap3A_289], %broadcast_in_dim3A_5 {strides = array<i32>} : memref<80x80xf32, #tpu.memory_space<vmem>>, vector<16xf32>,
      %swap3A_291 = arith.index_cast %scan3A_277 : i32 to index
      %swap3A_292 = arith.constant 64 : index
      %swap3A_293 = tpu.vector_load %arg20[%swap3A_291, %swap3A_292] {strides = array<i32>} : memref<80x80xf32, #tpu.memory_space<vmem>>, vector<16xf32>,
      tpu.vector_store %arg20[%swap3A_291, %swap3A_292], %broadcast_in_dim3A_5 {strides = array<i32>} : memref<80x80xf32, #tpu.memory_space<vmem>>, vector<16xf32>,
      %scan3A_294 = arith.constant 0 : i32
      scf.yield %scan3A_294 : i32
    }
    %scan3A_11 = arith.constant 80 : i32
    %mul3A_12 = arith.constant 624 : i32
    %mul3A_13 = arith.muli %arg1, %mul3A_12 : i32
    %add3A_14 = arith.constant 0 : i32
    %add3A_15 = arith.addi %mul3A_13, %add3A_14 : i32
    "tpu.region"() ({
      %run_scoped3A = tpu.sem_alloc : memref<!tpu.dma_semaphore, #tpu.memory_space<semaphore_mem>>
      %dma_start3A_277 = arith.constant 0 : i32
      %dma_start3A_278 = tpu.memref_slice %arg36[%add3A_15, %dma_start3A_277] : memref<10000x80xf32, #tpu.memory_space<vmem_shared>> -> memref<80x80xf32, #tpu.memory_space<vmem_shared>>
      %dma_start3A_279 = arith.constant 0 : i32
      %dma_start3A_280 = tpu.memref_slice %arg36[%add3A_15, %dma_start3A_279] : memref<10000x80xf32, #tpu.memory_space<vmem_shared>> -> memref<80x80xf32, #tpu.memory_space<vmem_shared>>
      tpu.enqueue_dma source(%arg20 : memref<80x80xf32, #tpu.memory_space<vmem>>) target(%dma_start3A_280 : memref<80x80xf32, #tpu.memory_space<vmem_shared>>) target_semaphore(%run_scoped3A : memref<!tpu.dma_semaphore, #tpu.memory_space<semaphore_mem>>)
      %dma_wait3A_281 = arith.constant 0 : i32
      %dma_wait3A_282 = tpu.memref_slice %arg36[%add3A_15, %dma_wait3A_281] : memref<10000x80xf32, #tpu.memory_space<vmem_shared>> -> memref<80x80xf32, #tpu.memory_space<vmem_shared>>
      %dma_wait3A_283 = arith.constant 0 : i32
      %dma_wait3A_284 = tpu.memref_slice %arg36[%add3A_15, %dma_wait3A_283] : memref<10000x80xf32, #tpu.memory_space<vmem_shared>> -> memref<80x80xf32, #tpu.memory_space<vmem_shared>>
      tpu.wait_dma2 semaphore(%run_scoped3A : memref<!tpu.dma_semaphore, #tpu.memory_space<semaphore_mem>>) src(%arg20 : memref<80x80xf32, #tpu.memory_space<vmem>>) dst(%dma_wait3A_284 : memref<80x80xf32, #tpu.memory_space<vmem_shared>>)
      tpu.yield
    }) : () -> ()
    %add3A_16 = arith.constant 80 : i32
    %add3A_17 = arith.addi %mul3A_13, %add3A_16 : i32
    "tpu.region"() ({
      %run_scoped3A = tpu.sem_alloc : memref<!tpu.dma_semaphore, #tpu.memory_space<semaphore_mem>>
      %dma_start3A_277 = arith.constant 0 : i32
      %dma_start3A_278 = tpu.memref_slice %arg36[%add3A_17, %dma_start3A_277] : memref<10000x80xf32, #tpu.memory_space<vmem_shared>> -> memref<80x80xf32, #tpu.memory_space<vmem_shared>>
      %dma_start3A_279 = arith.constant 0 : i32
      %dma_start3A_280 = tpu.memref_slice %arg36[%add3A_17, %dma_start3A_279] : memref<10000x80xf32, #tpu.memory_space<vmem_shared>> -> memref<80x80xf32, #tpu.memory_space<vmem_shared>>
      tpu.enqueue_dma source(%arg20 : memref<80x80xf32, #tpu.memory_space<vmem>>) target(%dma_start3A_280 : memref<80x80xf32, #tpu.memory_space<vmem_shared>>) target_semaphore(%run_scoped3A : memref<!tpu.dma_semaphore, #tpu.memory_space<semaphore_mem>>)
      %dma_wait3A_281 = arith.constant 0 : i32
      %dma_wait3A_282 = tpu.memref_slice %arg36[%add3A_17, %dma_wait3A_281] : memref<10000x80xf32, #tpu.memory_space<vmem_shared>> -> memref<80x80xf32, #tpu.memory_space<vmem_shared>>
      %dma_wait3A_283 = arith.constant 0 : i32
      %dma_wait3A_284 = tpu.memref_slice %arg36[%add3A_17, %dma_wait3A_283] : memref<10000x80xf32, #tpu.memory_space<vmem_shared>> -> memref<80x80xf32, #tpu.memory_space<vmem_shared>>
      tpu.wait_dma2 semaphore(%run_scoped3A : memref<!tpu.dma_semaphore, #tpu.memory_space<semaphore_mem>>) src(%arg20 : memref<80x80xf32, #tpu.memory_space<vmem>>) dst(%dma_wait3A_284 : memref<80x80xf32, #tpu.memory_space<vmem_shared>>)
      tpu.yield
    }) : () -> ()
    %add3A_18 = arith.constant 160 : i32
    %add3A_19 = arith.addi %mul3A_13, %add3A_18 : i32
    "tpu.region"() ({
      %run_scoped3A = tpu.sem_alloc : memref<!tpu.dma_semaphore, #tpu.memory_space<semaphore_mem>>
      %dma_start3A_277 = arith.constant 0 : i32
      %dma_start3A_278 = tpu.memref_slice %arg36[%add3A_19, %dma_start3A_277] : memref<10000x80xf32, #tpu.memory_space<vmem_shared>> -> memref<80x80xf32, #tpu.memory_space<vmem_shared>>
      %dma_start3A_279 = arith.constant 0 : i32
      %dma_start3A_280 = tpu.memref_slice %arg36[%add3A_19, %dma_start3A_279] : memref<10000x80xf32, #tpu.memory_space<vmem_shared>> -> memref<80x80xf32, #tpu.memory_space<vmem_shared>>
      tpu.enqueue_dma source(%arg20 : memref<80x80xf32, #tpu.memory_space<vmem>>) target(%dma_start3A_280 : memref<80x80xf32, #tpu.memory_space<vmem_shared>>) target_semaphore(%run_scoped3A : memref<!tpu.dma_semaphore, #tpu.memory_space<semaphore_mem>>)
      %dma_wait3A_281 = arith.constant 0 : i32
      %dma_wait3A_282 = tpu.memref_slice %arg36[%add3A_19, %dma_wait3A_281] : memref<10000x80xf32, #tpu.memory_space<vmem_shared>> -> memref<80x80xf32, #tpu.memory_space<vmem_shared>>
      %dma_wait3A_283 = arith.constant 0 : i32
      %dma_wait3A_284 = tpu.memref_slice %arg36[%add3A_19, %dma_wait3A_283] : memref<10000x80xf32, #tpu.memory_space<vmem_shared>> -> memref<80x80xf32, #tpu.memory_space<vmem_shared>>
      tpu.wait_dma2 semaphore(%run_scoped3A : memref<!tpu.dma_semaphore, #tpu.memory_space<semaphore_mem>>) src(%arg20 : memref<80x80xf32, #tpu.memory_space<vmem>>) dst(%dma_wait3A_284 : memref<80x80xf32, #tpu.memory_space<vmem_shared>>)
      tpu.yield
    }) : () -> ()
    %add3A_20 = arith.constant 240 : i32
    %add3A_21 = arith.addi %mul3A_13, %add3A_20 : i32
    "tpu.region"() ({
      %run_scoped3A = tpu.sem_alloc : memref<!tpu.dma_semaphore, #tpu.memory_space<semaphore_mem>>
      %dma_start3A_277 = arith.constant 0 : i32
      %dma_start3A_278 = tpu.memref_slice %arg36[%add3A_21, %dma_start3A_277] : memref<10000x80xf32, #tpu.memory_space<vmem_shared>> -> memref<80x80xf32, #tpu.memory_space<vmem_shared>>
      %dma_start3A_279 = arith.constant 0 : i32
      %dma_start3A_280 = tpu.memref_slice %arg36[%add3A_21, %dma_start3A_279] : memref<10000x80xf32, #tpu.memory_space<vmem_shared>> -> memref<80x80xf32, #tpu.memory_space<vmem_shared>>
      tpu.enqueue_dma source(%arg20 : memref<80x80xf32, #tpu.memory_space<vmem>>) target(%dma_start3A_280 : memref<80x80xf32, #tpu.memory_space<vmem_shared>>) target_semaphore(%run_scoped3A : memref<!tpu.dma_semaphore, #tpu.memory_space<semaphore_mem>>)
      %dma_wait3A_281 = arith.constant 0 : i32
      %dma_wait3A_282 = tpu.memref_slice %arg36[%add3A_21, %dma_wait3A_281] : memref<10000x80xf32, #tpu.memory_space<vmem_shared>> -> memref<80x80xf32, #tpu.memory_space<vmem_shared>>
      %dma_wait3A_283 = arith.constant 0 : i32
      %dma_wait3A_284 = tpu.memref_slice %arg36[%add3A_21, %dma_wait3A_283] : memref<10000x80xf32, #tpu.memory_space<vmem_shared>> -> memref<80x80xf32, #tpu.memory_space<vmem_shared>>
      tpu.wait_dma2 semaphore(%run_scoped3A : memref<!tpu.dma_semaphore, #tpu.memory_space<semaphore_mem>>) src(%arg20 : memref<80x80xf32, #tpu.memory_space<vmem>>) dst(%dma_wait3A_284 : memref<80x80xf32, #tpu.memory_space<vmem_shared>>)
      tpu.yield
    }) : () -> ()
    %add3A_22 = arith.constant 320 : i32
    %add3A_23 = arith.addi %mul3A_13, %add3A_22 : i32
    "tpu.region"() ({
      %run_scoped3A = tpu.sem_alloc : memref<!tpu.dma_semaphore, #tpu.memory_space<semaphore_mem>>
      %dma_start3A_277 = arith.constant 0 : i32
      %dma_start3A_278 = tpu.memref_slice %arg36[%add3A_23, %dma_start3A_277] : memref<10000x80xf32, #tpu.memory_space<vmem_shared>> -> memref<80x80xf32, #tpu.memory_space<vmem_shared>>
      %dma_start3A_279 = arith.constant 0 : i32
      %dma_start3A_280 = tpu.memref_slice %arg36[%add3A_23, %dma_start3A_279] : memref<10000x80xf32, #tpu.memory_space<vmem_shared>> -> memref<80x80xf32, #tpu.memory_space<vmem_shared>>
      tpu.enqueue_dma source(%arg20 : memref<80x80xf32, #tpu.memory_space<vmem>>) target(%dma_start3A_280 : memref<80x80xf32, #tpu.memory_space<vmem_shared>>) target_semaphore(%run_scoped3A : memref<!tpu.dma_semaphore, #tpu.memory_space<semaphore_mem>>)
      %dma_wait3A_281 = arith.constant 0 : i32
      %dma_wait3A_282 = tpu.memref_slice %arg36[%add3A_23, %dma_wait3A_281] : memref<10000x80xf32, #tpu.memory_space<vmem_shared>> -> memref<80x80xf32, #tpu.memory_space<vmem_shared>>
      %dma_wait3A_283 = arith.constant 0 : i32
      %dma_wait3A_284 = tpu.memref_slice %arg36[%add3A_23, %dma_wait3A_283] : memref<10000x80xf32, #tpu.memory_space<vmem_shared>> -> memref<80x80xf32, #tpu.memory_space<vmem_shared>>
      tpu.wait_dma2 semaphore(%run_scoped3A : memref<!tpu.dma_semaphore, #tpu.memory_space<semaphore_mem>>) src(%arg20 : memref<80x80xf32, #tpu.memory_space<vmem>>) dst(%dma_wait3A_284 : memref<80x80xf32, #tpu.memory_space<vmem_shared>>)
      tpu.yield
    }) : () -> ()
    %add3A_24 = arith.constant 400 : i32
    %add3A_25 = arith.addi %mul3A_13, %add3A_24 : i32
    "tpu.region"() ({
      %run_scoped3A = tpu.sem_alloc : memref<!tpu.dma_semaphore, #tpu.memory_space<semaphore_mem>>
      %dma_start3A_277 = arith.constant 0 : i32
      %dma_start3A_278 = tpu.memref_slice %arg36[%add3A_25, %dma_start3A_277] : memref<10000x80xf32, #tpu.memory_space<vmem_shared>> -> memref<80x80xf32, #tpu.memory_space<vmem_shared>>
      %dma_start3A_279 = arith.constant 0 : i32
      %dma_start3A_280 = tpu.memref_slice %arg36[%add3A_25, %dma_start3A_279] : memref<10000x80xf32, #tpu.memory_space<vmem_shared>> -> memref<80x80xf32, #tpu.memory_space<vmem_shared>>
      tpu.enqueue_dma source(%arg20 : memref<80x80xf32, #tpu.memory_space<vmem>>) target(%dma_start3A_280 : memref<80x80xf32, #tpu.memory_space<vmem_shared>>) target_semaphore(%run_scoped3A : memref<!tpu.dma_semaphore, #tpu.memory_space<semaphore_mem>>)
      %dma_wait3A_281 = arith.constant 0 : i32
      %dma_wait3A_282 = tpu.memref_slice %arg36[%add3A_25, %dma_wait3A_281] : memref<10000x80xf32, #tpu.memory_space<vmem_shared>> -> memref<80x80xf32, #tpu.memory_space<vmem_shared>>
      %dma_wait3A_283 = arith.constant 0 : i32
      %dma_wait3A_284 = tpu.memref_slice %arg36[%add3A_25, %dma_wait3A_283] : memref<10000x80xf32, #tpu.memory_space<vmem_shared>> -> memref<80x80xf32, #tpu.memory_space<vmem_shared>>
      tpu.wait_dma2 semaphore(%run_scoped3A : memref<!tpu.dma_semaphore, #tpu.memory_space<semaphore_mem>>) src(%arg20 : memref<80x80xf32, #tpu.memory_space<vmem>>) dst(%dma_wait3A_284 : memref<80x80xf32, #tpu.memory_space<vmem_shared>>)
      tpu.yield
    }) : () -> ()
    %add3A_26 = arith.constant 480 : i32
    %add3A_27 = arith.addi %mul3A_13, %add3A_26 : i32
    "tpu.region"() ({
      %run_scoped3A = tpu.sem_alloc : memref<!tpu.dma_semaphore, #tpu.memory_space<semaphore_mem>>
      %dma_start3A_277 = arith.constant 0 : i32
      %dma_start3A_278 = tpu.memref_slice %arg36[%add3A_27, %dma_start3A_277] : memref<10000x80xf32, #tpu.memory_space<vmem_shared>> -> memref<80x80xf32, #tpu.memory_space<vmem_shared>>
      %dma_start3A_279 = arith.constant 0 : i32
      %dma_start3A_280 = tpu.memref_slice %arg36[%add3A_27, %dma_start3A_279] : memref<10000x80xf32, #tpu.memory_space<vmem_shared>> -> memref<80x80xf32, #tpu.memory_space<vmem_shared>>
      tpu.enqueue_dma source(%arg20 : memref<80x80xf32, #tpu.memory_space<vmem>>) target(%dma_start3A_280 : memref<80x80xf32, #tpu.memory_space<vmem_shared>>) target_semaphore(%run_scoped3A : memref<!tpu.dma_semaphore, #tpu.memory_space<semaphore_mem>>)
      %dma_wait3A_281 = arith.constant 0 : i32
      %dma_wait3A_282 = tpu.memref_slice %arg36[%add3A_27, %dma_wait3A_281] : memref<10000x80xf32, #tpu.memory_space<vmem_shared>> -> memref<80x80xf32, #tpu.memory_space<vmem_shared>>
      %dma_wait3A_283 = arith.constant 0 : i32
      %dma_wait3A_284 = tpu.memref_slice %arg36[%add3A_27, %dma_wait3A_283] : memref<10000x80xf32, #tpu.memory_space<vmem_shared>> -> memref<80x80xf32, #tpu.memory_space<vmem_shared>>
      tpu.wait_dma2 semaphore(%run_scoped3A : memref<!tpu.dma_semaphore, #tpu.memory_space<semaphore_mem>>) src(%arg20 : memref<80x80xf32, #tpu.memory_space<vmem>>) dst(%dma_wait3A_284 : memref<80x80xf32, #tpu.memory_space<vmem_shared>>)
      tpu.yield
    }) : () -> ()
    %add3A_28 = arith.constant 560 : i32
    %add3A_29 = arith.addi %mul3A_13, %add3A_28 : i32
    "tpu.region"() ({
      %run_scoped3A = tpu.sem_alloc : memref<!tpu.dma_semaphore, #tpu.memory_space<semaphore_mem>>
      %dma_start3A_277 = arith.constant 0 : i32
      %dma_start3A_278 = arith.constant 0 : i32
      %dma_start3A_279 = tpu.memref_slice %arg20[%dma_start3A_277, %dma_start3A_278] : memref<80x80xf32, #tpu.memory_space<vmem>> -> memref<64x80xf32, #tpu.memory_space<vmem>>
      %dma_start3A_280 = arith.constant 0 : i32
      %dma_start3A_281 = tpu.memref_slice %arg36[%add3A_29, %dma_start3A_280] : memref<10000x80xf32, #tpu.memory_space<vmem_shared>> -> memref<64x80xf32, #tpu.memory_space<vmem_shared>>
      %dma_start3A_282 = arith.constant 0 : i32
      %dma_start3A_283 = tpu.memref_slice %arg36[%add3A_29, %dma_start3A_282] : memref<10000x80xf32, #tpu.memory_space<vmem_shared>> -> memref<64x80xf32, #tpu.memory_space<vmem_shared>>
      %dma_start3A_284 = arith.constant 0 : i32
      %dma_start3A_285 = arith.constant 0 : i32
      %dma_start3A_286 = tpu.memref_slice %arg20[%dma_start3A_284, %dma_start3A_285] : memref<80x80xf32, #tpu.memory_space<vmem>> -> memref<64x80xf32, #tpu.memory_space<vmem>>
      tpu.enqueue_dma source(%dma_start3A_286 : memref<64x80xf32, #tpu.memory_space<vmem>>) target(%dma_start3A_283 : memref<64x80xf32, #tpu.memory_space<vmem_shared>>) target_semaphore(%run_scoped3A : memref<!tpu.dma_semaphore, #tpu.memory_space<semaphore_mem>>)
      %dma_wait3A_287 = arith.constant 0 : i32
      %dma_wait3A_288 = arith.constant 0 : i32
      %dma_wait3A_289 = tpu.memref_slice %arg20[%dma_wait3A_287, %dma_wait3A_288] : memref<80x80xf32, #tpu.memory_space<vmem>> -> memref<64x80xf32, #tpu.memory_space<vmem>>
      %dma_wait3A_290 = arith.constant 0 : i32
      %dma_wait3A_291 = tpu.memref_slice %arg36[%add3A_29, %dma_wait3A_290] : memref<10000x80xf32, #tpu.memory_space<vmem_shared>> -> memref<64x80xf32, #tpu.memory_space<vmem_shared>>
      %dma_wait3A_292 = arith.constant 0 : i32
      %dma_wait3A_293 = tpu.memref_slice %arg36[%add3A_29, %dma_wait3A_292] : memref<10000x80xf32, #tpu.memory_space<vmem_shared>> -> memref<64x80xf32, #tpu.memory_space<vmem_shared>>
      %dma_wait3A_294 = arith.constant 0 : i32
      %dma_wait3A_295 = arith.constant 0 : i32
      %dma_wait3A_296 = tpu.memref_slice %arg20[%dma_wait3A_294, %dma_wait3A_295] : memref<80x80xf32, #tpu.memory_space<vmem>> -> memref<64x80xf32, #tpu.memory_space<vmem>>
      tpu.wait_dma2 semaphore(%run_scoped3A : memref<!tpu.dma_semaphore, #tpu.memory_space<semaphore_mem>>) src(%dma_wait3A_296 : memref<64x80xf32, #tpu.memory_space<vmem>>) dst(%dma_wait3A_293 : memref<64x80xf32, #tpu.memory_space<vmem_shared>>)
      tpu.yield
    }) : () -> ()
    %eq3A = arith.constant 15 : i32
    %eq3A_30 = arith.cmpi eq, %arg1, %eq3A : i32
    %convert_element_type3A = arith.extui %eq3A_30 : i1 to i32
    %cond3A = arith.constant 0 : i32
    %cond3A_31 = arith.cmpi ne, %convert_element_type3A, %cond3A : i32
    scf.if %cond3A_31 {
      "tpu.region"() ({
        %run_scoped3A = tpu.sem_alloc : memref<!tpu.dma_semaphore, #tpu.memory_space<semaphore_mem>>
        %dma_start3A_277 = arith.constant 0 : i32
        %dma_start3A_278 = arith.constant 0 : i32
        %dma_start3A_279 = tpu.memref_slice %arg20[%dma_start3A_277, %dma_start3A_278] : memref<80x80xf32, #tpu.memory_space<vmem>> -> memref<16x80xf32, #tpu.memory_space<vmem>>
        %dma_start3A_280 = arith.constant 9984 : i32
        %dma_start3A_281 = arith.constant 0 : i32
        %dma_start3A_282 = tpu.memref_slice %arg36[%dma_start3A_280, %dma_start3A_281] : memref<10000x80xf32, #tpu.memory_space<vmem_shared>> -> memref<16x80xf32, #tpu.memory_space<vmem_shared>>
        %dma_start3A_283 = arith.constant 9984 : i32
        %dma_start3A_284 = arith.constant 0 : i32
        %dma_start3A_285 = tpu.memref_slice %arg36[%dma_start3A_283, %dma_start3A_284] : memref<10000x80xf32, #tpu.memory_space<vmem_shared>> -> memref<16x80xf32, #tpu.memory_space<vmem_shared>>
        %dma_start3A_286 = arith.constant 0 : i32
        %dma_start3A_287 = arith.constant 0 : i32
        %dma_start3A_288 = tpu.memref_slice %arg20[%dma_start3A_286, %dma_start3A_287] : memref<80x80xf32, #tpu.memory_space<vmem>> -> memref<16x80xf32, #tpu.memory_space<vmem>>
        tpu.enqueue_dma source(%dma_start3A_288 : memref<16x80xf32, #tpu.memory_space<vmem>>) target(%dma_start3A_285 : memref<16x80xf32, #tpu.memory_space<vmem_shared>>) target_semaphore(%run_scoped3A : memref<!tpu.dma_semaphore, #tpu.memory_space<semaphore_mem>>)
        %dma_wait3A_289 = arith.constant 0 : i32
        %dma_wait3A_290 = arith.constant 0 : i32
        %dma_wait3A_291 = tpu.memref_slice %arg20[%dma_wait3A_289, %dma_wait3A_290] : memref<80x80xf32, #tpu.memory_space<vmem>> -> memref<16x80xf32, #tpu.memory_space<vmem>>
        %dma_wait3A_292 = arith.constant 9984 : i32
        %dma_wait3A_293 = arith.constant 0 : i32
        %dma_wait3A_294 = tpu.memref_slice %arg36[%dma_wait3A_292, %dma_wait3A_293] : memref<10000x80xf32, #tpu.memory_space<vmem_shared>> -> memref<16x80xf32, #tpu.memory_space<vmem_shared>>
        %dma_wait3A_295 = arith.constant 9984 : i32
        %dma_wait3A_296 = arith.constant 0 : i32
        %dma_wait3A_297 = tpu.memref_slice %arg36[%dma_wait3A_295, %dma_wait3A_296] : memref<10000x80xf32, #tpu.memory_space<vmem_shared>> -> memref<16x80xf32, #tpu.memory_space<vmem_shared>>
        %dma_wait3A_298 = arith.constant 0 : i32
        %dma_wait3A_299 = arith.constant 0 : i32
        %dma_wait3A_300 = tpu.memref_slice %arg20[%dma_wait3A_298, %dma_wait3A_299] : memref<80x80xf32, #tpu.memory_space<vmem>> -> memref<16x80xf32, #tpu.memory_space<vmem>>
        tpu.wait_dma2 semaphore(%run_scoped3A : memref<!tpu.dma_semaphore, #tpu.memory_space<semaphore_mem>>) src(%dma_wait3A_300 : memref<16x80xf32, #tpu.memory_space<vmem>>) dst(%dma_wait3A_297 : memref<16x80xf32, #tpu.memory_space<vmem_shared>>)
        tpu.yield
      }) : () -> ()
    } else {
    }
    %barrier3A = arith.constant 0 : index
    tpu.barrier barrier_id(%barrier3A)
    %iota3A = tpu.iota {dimensions = array<i32: 0>} : vector<16xi32>
    %eq3A_32 = arith.constant 0 : i32
    %eq3A_33 = vector.broadcast %eq3A_32 : i32 to vector<16xi32>
    %eq3A_34 = arith.cmpi eq, %iota3A, %eq3A_33 : vector<16xi32>
    %add3A_35 = arith.constant 0 : i32
    %add3A_36 = arith.addi %mul3A_4, %add3A_35 : i32
    %mul3A_37 = arith.constant 125 : i32
    %mul3A_38 = arith.muli %add3A, %mul3A_37 : i32
    %add3A_39 = arith.constant 0 : i32
    %add3A_40 = arith.addi %mul3A_38, %add3A_39 : i32
    %dma_start3A = arith.constant 0 : i32
    %dma_start3A_41 = arith.constant 0 : i32
    %dma_start3A_42 = tpu.memref_slice %arg13[%dma_start3A, %dma_start3A_41] : memref<125x80xi32, #tpu.memory_space<vmem>> -> memref<1x80xi32, #tpu.memory_space<vmem>>
    %dma_start3A_43 = tpu.memref_squeeze %dma_start3A_42 : memref<1x80xi32, #tpu.memory_space<vmem>> -> memref<80xi32, #tpu.memory_space<vmem>>
    %dma_start3A_44 = arith.constant 0 : i32
    %dma_start3A_45 = arith.constant 0 : i32
    %dma_start3A_46 = tpu.memref_slice %arg2[%dma_start3A_44, %dma_start3A_45] : memref<10000x64xf32, #tpu.memory_space<hbm>> -> memref<10000x64xf32, #tpu.memory_space<hbm>>
    tpu.enqueue_indirect_dma source(%dma_start3A_46 : memref<10000x64xf32, #tpu.memory_space<hbm>>) target(%arg16 : memref<80x64xf32, #tpu.memory_space<vmem>>) offsets(%dma_start3A_43 : memref<80xi32, #tpu.memory_space<vmem>>) semaphore(%arg32 : memref<!tpu.dma_semaphore, #tpu.memory_space<semaphore_mem>>)
    %dma_start3A_47 = arith.constant 0 : i32
    %dma_start3A_48 = arith.constant 0 : i32
    %dma_start3A_49 = tpu.memref_slice %arg14[%dma_start3A_47, %dma_start3A_48] : memref<125x80xi32, #tpu.memory_space<vmem>> -> memref<1x80xi32, #tpu.memory_space<vmem>>
    %dma_start3A_50 = tpu.memref_squeeze %dma_start3A_49 : memref<1x80xi32, #tpu.memory_space<vmem>> -> memref<80xi32, #tpu.memory_space<vmem>>
    %dma_start3A_51 = arith.constant 0 : i32
    %dma_start3A_52 = arith.constant 0 : i32
    %dma_start3A_53 = tpu.memref_slice %arg3[%dma_start3A_51, %dma_start3A_52] : memref<10000x64xf32, #tpu.memory_space<hbm>> -> memref<10000x64xf32, #tpu.memory_space<hbm>>
    tpu.enqueue_indirect_dma source(%dma_start3A_53 : memref<10000x64xf32, #tpu.memory_space<hbm>>) target(%arg17 : memref<80x64xf32, #tpu.memory_space<vmem>>) offsets(%dma_start3A_50 : memref<80xi32, #tpu.memory_space<vmem>>) semaphore(%arg32 : memref<!tpu.dma_semaphore, #tpu.memory_space<semaphore_mem>>)
    %dma_start3A_54 = arith.constant 0 : i32
    %dma_start3A_55 = arith.constant 0 : i32
    %dma_start3A_56 = tpu.memref_slice %arg13[%dma_start3A_54, %dma_start3A_55] : memref<125x80xi32, #tpu.memory_space<vmem>> -> memref<1x80xi32, #tpu.memory_space<vmem>>
    %dma_start3A_57 = tpu.memref_squeeze %dma_start3A_56 : memref<1x80xi32, #tpu.memory_space<vmem>> -> memref<80xi32, #tpu.memory_space<vmem>>
    %dma_start3A_58 = arith.constant 0 : i32
    %dma_start3A_59 = arith.constant 0 : i32
    %dma_start3A_60 = tpu.memref_slice %arg4[%dma_start3A_58, %dma_start3A_59] : memref<10000x64xf32, #tpu.memory_space<hbm>> -> memref<10000x64xf32, #tpu.memory_space<hbm>>
    tpu.enqueue_indirect_dma source(%dma_start3A_60 : memref<10000x64xf32, #tpu.memory_space<hbm>>) target(%arg19 : memref<80x64xf32, #tpu.memory_space<vmem>>) offsets(%dma_start3A_57 : memref<80xi32, #tpu.memory_space<vmem>>) semaphore(%arg32 : memref<!tpu.dma_semaphore, #tpu.memory_space<semaphore_mem>>)
    %dma_start3A_61 = arith.constant 0 : i32
    %dma_start3A_62 = arith.constant 0 : i32
    %dma_start3A_63 = tpu.memref_slice %arg13[%dma_start3A_61, %dma_start3A_62] : memref<125x80xi32, #tpu.memory_space<vmem>> -> memref<1x80xi32, #tpu.memory_space<vmem>>
    %dma_start3A_64 = tpu.memref_squeeze %dma_start3A_63 : memref<1x80xi32, #tpu.memory_space<vmem>> -> memref<80xi32, #tpu.memory_space<vmem>>
    %dma_start3A_65 = arith.constant 0 : i32
    %dma_start3A_66 = tpu.memref_slice %arg6[%dma_start3A_65] : memref<10000xf32, #tpu.memory_space<hbm>> -> memref<10000xf32, #tpu.memory_space<hbm>>
    tpu.enqueue_indirect_dma source(%dma_start3A_66 : memref<10000xf32, #tpu.memory_space<hbm>>) target(%arg21 : memref<80xf32, #tpu.memory_space<vmem>>) offsets(%dma_start3A_64 : memref<80xi32, #tpu.memory_space<vmem>>) semaphore(%arg32 : memref<!tpu.dma_semaphore, #tpu.memory_space<semaphore_mem>>)
    %dma_start3A_67 = arith.constant 0 : i32
    %dma_start3A_68 = arith.constant 0 : i32
    %dma_start3A_69 = tpu.memref_slice %arg14[%dma_start3A_67, %dma_start3A_68] : memref<125x80xi32, #tpu.memory_space<vmem>> -> memref<1x80xi32, #tpu.memory_space<vmem>>
    %dma_start3A_70 = tpu.memref_squeeze %dma_start3A_69 : memref<1x80xi32, #tpu.memory_space<vmem>> -> memref<80xi32, #tpu.memory_space<vmem>>
    %dma_start3A_71 = arith.constant 0 : i32
    %dma_start3A_72 = tpu.memref_slice %arg7[%dma_start3A_71] : memref<10000xf32, #tpu.memory_space<hbm>> -> memref<10000xf32, #tpu.memory_space<hbm>>
    tpu.enqueue_indirect_dma source(%dma_start3A_72 : memref<10000xf32, #tpu.memory_space<hbm>>) target(%arg22 : memref<80xf32, #tpu.memory_space<vmem>>) offsets(%dma_start3A_70 : memref<80xi32, #tpu.memory_space<vmem>>) semaphore(%arg32 : memref<!tpu.dma_semaphore, #tpu.memory_space<semaphore_mem>>)
    %mul3A_73 = arith.constant 80 : i32
    %mul3A_74 = arith.muli %add3A_40, %mul3A_73 : i32
    %dma_start3A_75 = tpu.memref_slice %arg8[%mul3A_74] : memref<320000xf32, #tpu.memory_space<hbm>> -> memref<80xf32, #tpu.memory_space<hbm>>
    %dma_start3A_76 = tpu.memref_slice %arg8[%mul3A_74] : memref<320000xf32, #tpu.memory_space<hbm>> -> memref<80xf32, #tpu.memory_space<hbm>>
    tpu.enqueue_dma source(%dma_start3A_76 : memref<80xf32, #tpu.memory_space<hbm>>) target(%arg23 : memref<80xf32, #tpu.memory_space<vmem>>) target_semaphore(%arg32 : memref<!tpu.dma_semaphore, #tpu.memory_space<semaphore_mem>>)
    %not3A = arith.constant true
    %not3A_77 = arith.xori %ge3A_1, %not3A : i1
    %convert_element_type3A_78 = arith.extui %not3A_77 : i1 to i32
    %cond3A_79 = arith.constant 0 : i32
    %cond3A_80 = arith.cmpi ne, %convert_element_type3A_78, %cond3A_79 : i32
    scf.if %cond3A_80 {
      %dma_start3A_277 = arith.constant 0 : i32
      %dma_start3A_278 = tpu.memref_slice %arg5[%add3A_36, %dma_start3A_277] : memref<160000x128xf32, #tpu.memory_space<hbm>> -> memref<80x64xf32, #tpu.memory_space<hbm>>
      %dma_start3A_279 = arith.constant 0 : i32
      %dma_start3A_280 = tpu.memref_slice %arg5[%add3A_36, %dma_start3A_279] : memref<160000x128xf32, #tpu.memory_space<hbm>> -> memref<80x64xf32, #tpu.memory_space<hbm>>
      tpu.enqueue_dma source(%dma_start3A_280 : memref<80x64xf32, #tpu.memory_space<hbm>>) target(%arg18 : memref<80x64xf32, #tpu.memory_space<vmem>>) target_semaphore(%arg32 : memref<!tpu.dma_semaphore, #tpu.memory_space<semaphore_mem>>)
    } else {
    }
    %convert_element_type3A_81 = arith.extui %ge3A_1 : i1 to i32
    %cond3A_82 = arith.constant 0 : i32
    %cond3A_83 = arith.cmpi ne, %convert_element_type3A_81, %cond3A_82 : i32
    scf.if %cond3A_83 {
      %dma_start3A_277 = arith.constant 64 : i32
      %dma_start3A_278 = tpu.memref_slice %arg5[%add3A_36, %dma_start3A_277] : memref<160000x128xf32, #tpu.memory_space<hbm>> -> memref<80x64xf32, #tpu.memory_space<hbm>>
      %dma_start3A_279 = arith.constant 64 : i32
      %dma_start3A_280 = tpu.memref_slice %arg5[%add3A_36, %dma_start3A_279] : memref<160000x128xf32, #tpu.memory_space<hbm>> -> memref<80x64xf32, #tpu.memory_space<hbm>>
      tpu.enqueue_dma source(%dma_start3A_280 : memref<80x64xf32, #tpu.memory_space<hbm>>) target(%arg18 : memref<80x64xf32, #tpu.memory_space<vmem>>) target_semaphore(%arg32 : memref<!tpu.dma_semaphore, #tpu.memory_space<semaphore_mem>>)
    } else {
    }
    %scan3A_84 = arith.constant 0 : i32
    %scan3A_85 = arith.constant 0 : i32
    %scan3A_86 = arith.constant 62 : i32
    %scan3A_87 = arith.addi %scan3A_85, %scan3A_86 : i32
    %scan3A_88 = arith.constant 1 : i32
    %scan3A_89 = scf.for %scan3A_277 = %scan3A_85 to %scan3A_87 step %scan3A_88 iter_args(%scan3A_278 = %scan3A_84) -> (i32)  : i32 {
      %mul3A_279 = arith.constant 2 : i32
      %mul3A_280 = arith.muli %mul3A_279, %scan3A_277 : i32
      %mul3A_281 = arith.constant 80 : i32
      %mul3A_282 = arith.muli %mul3A_280, %mul3A_281 : i32
      %add3A_283 = arith.addi %mul3A_4, %mul3A_282 : i32
      %gt3A_284 = arith.constant 0 : i32
      %gt3A_285 = arith.cmpi sgt, %mul3A_280, %gt3A_284 : i32
      %convert_element_type3A_286 = arith.extui %gt3A_285 : i1 to i32
      %cond3A_287 = arith.constant 0 : i32
      %cond3A_288 = arith.cmpi ne, %convert_element_type3A_286, %cond3A_287 : i32
      scf.if %cond3A_288 {
        %dma_wait3A_624 = arith.constant 0 : i32
        %dma_wait3A_625 = arith.constant 0 : i32
        %dma_wait3A_626 = tpu.memref_slice %arg11[%dma_wait3A_624, %dma_wait3A_625] : memref<160000x128xf32, #tpu.memory_space<hbm>> -> memref<80x64xf32, #tpu.memory_space<hbm>>
        %dma_wait3A_627 = arith.constant 0 : i32
        %dma_wait3A_628 = arith.constant 0 : i32
        %dma_wait3A_629 = tpu.memref_slice %arg11[%dma_wait3A_627, %dma_wait3A_628] : memref<160000x128xf32, #tpu.memory_space<hbm>> -> memref<80x64xf32, #tpu.memory_space<hbm>>
        tpu.wait_dma2 semaphore(%arg35 : memref<!tpu.dma_semaphore, #tpu.memory_space<semaphore_mem>>) src(%arg26 : memref<80x64xf32, #tpu.memory_space<vmem>>) dst(%dma_wait3A_629 : memref<80x64xf32, #tpu.memory_space<hbm>>)
        %dma_wait3A_630 = arith.constant 0 : i32
        %dma_wait3A_631 = arith.constant 0 : i32
        %dma_wait3A_632 = tpu.memref_slice %arg36[%dma_wait3A_630, %dma_wait3A_631] : memref<10000x80xf32, #tpu.memory_space<vmem_shared>> -> memref<80x80xf32, #tpu.memory_space<vmem_shared>>
        %dma_wait3A_633 = arith.constant 0 : i32
        %dma_wait3A_634 = arith.constant 0 : i32
        %dma_wait3A_635 = tpu.memref_slice %arg36[%dma_wait3A_633, %dma_wait3A_634] : memref<10000x80xf32, #tpu.memory_space<vmem_shared>> -> memref<80x80xf32, #tpu.memory_space<vmem_shared>>
        tpu.wait_dma2 semaphore(%arg35 : memref<!tpu.dma_semaphore, #tpu.memory_space<semaphore_mem>>) src(%arg28 : memref<80x80xf32, #tpu.memory_space<vmem>>) dst(%dma_wait3A_635 : memref<80x80xf32, #tpu.memory_space<vmem_shared>>)
      } else {
      }
      %add3A_289 = arith.constant 1 : i32
      %add3A_290 = arith.addi %mul3A_280, %add3A_289 : i32
      %lt3A_291 = arith.constant 125 : i32
      %lt3A_292 = arith.cmpi slt, %add3A_290, %lt3A_291 : i32
      %convert_element_type3A_293 = arith.extui %lt3A_292 : i1 to i32
      %cond3A_294 = arith.constant 0 : i32
      %cond3A_295 = arith.cmpi ne, %convert_element_type3A_293, %cond3A_294 : i32
      scf.if %cond3A_295 {
        %add3A_624 = arith.constant 1 : i32
        %add3A_625 = arith.addi %mul3A_280, %add3A_624 : i32
        %mul3A_626 = arith.constant 80 : i32
        %mul3A_627 = arith.muli %add3A_625, %mul3A_626 : i32
        %add3A_628 = arith.addi %mul3A_4, %mul3A_627 : i32
        %mul3A_629 = arith.constant 125 : i32
        %mul3A_630 = arith.muli %add3A, %mul3A_629 : i32
        %add3A_631 = arith.addi %mul3A_630, %add3A_625 : i32
        %dma_start3A_632 = arith.constant 0 : i32
        %dma_start3A_633 = tpu.memref_slice %arg13[%add3A_625, %dma_start3A_632] : memref<125x80xi32, #tpu.memory_space<vmem>> -> memref<1x80xi32, #tpu.memory_space<vmem>>
        %dma_start3A_634 = tpu.memref_squeeze %dma_start3A_633 : memref<1x80xi32, #tpu.memory_space<vmem>> -> memref<80xi32, #tpu.memory_space<vmem>>
        %dma_start3A_635 = arith.constant 0 : i32
        %dma_start3A_636 = arith.constant 0 : i32
        %dma_start3A_637 = tpu.memref_slice %arg2[%dma_start3A_635, %dma_start3A_636] : memref<10000x64xf32, #tpu.memory_space<hbm>> -> memref<10000x64xf32, #tpu.memory_space<hbm>>
        tpu.enqueue_indirect_dma source(%dma_start3A_637 : memref<10000x64xf32, #tpu.memory_space<hbm>>) target(%arg24 : memref<80x64xf32, #tpu.memory_space<vmem>>) offsets(%dma_start3A_634 : memref<80xi32, #tpu.memory_space<vmem>>) semaphore(%arg33 : memref<!tpu.dma_semaphore, #tpu.memory_space<semaphore_mem>>)
        %dma_start3A_638 = arith.constant 0 : i32
        %dma_start3A_639 = tpu.memref_slice %arg14[%add3A_625, %dma_start3A_638] : memref<125x80xi32, #tpu.memory_space<vmem>> -> memref<1x80xi32, #tpu.memory_space<vmem>>
        %dma_start3A_640 = tpu.memref_squeeze %dma_start3A_639 : memref<1x80xi32, #tpu.memory_space<vmem>> -> memref<80xi32, #tpu.memory_space<vmem>>
        %dma_start3A_641 = arith.constant 0 : i32
        %dma_start3A_642 = arith.constant 0 : i32
        %dma_start3A_643 = tpu.memref_slice %arg3[%dma_start3A_641, %dma_start3A_642] : memref<10000x64xf32, #tpu.memory_space<hbm>> -> memref<10000x64xf32, #tpu.memory_space<hbm>>
        tpu.enqueue_indirect_dma source(%dma_start3A_643 : memref<10000x64xf32, #tpu.memory_space<hbm>>) target(%arg25 : memref<80x64xf32, #tpu.memory_space<vmem>>) offsets(%dma_start3A_640 : memref<80xi32, #tpu.memory_space<vmem>>) semaphore(%arg33 : memref<!tpu.dma_semaphore, #tpu.memory_space<semaphore_mem>>)
        %dma_start3A_644 = arith.constant 0 : i32
        %dma_start3A_645 = tpu.memref_slice %arg13[%add3A_625, %dma_start3A_644] : memref<125x80xi32, #tpu.memory_space<vmem>> -> memref<1x80xi32, #tpu.memory_space<vmem>>
        %dma_start3A_646 = tpu.memref_squeeze %dma_start3A_645 : memref<1x80xi32, #tpu.memory_space<vmem>> -> memref<80xi32, #tpu.memory_space<vmem>>
        %dma_start3A_647 = arith.constant 0 : i32
        %dma_start3A_648 = arith.constant 0 : i32
        %dma_start3A_649 = tpu.memref_slice %arg4[%dma_start3A_647, %dma_start3A_648] : memref<10000x64xf32, #tpu.memory_space<hbm>> -> memref<10000x64xf32, #tpu.memory_space<hbm>>
        tpu.enqueue_indirect_dma source(%dma_start3A_649 : memref<10000x64xf32, #tpu.memory_space<hbm>>) target(%arg27 : memref<80x64xf32, #tpu.memory_space<vmem>>) offsets(%dma_start3A_646 : memref<80xi32, #tpu.memory_space<vmem>>) semaphore(%arg33 : memref<!tpu.dma_semaphore, #tpu.memory_space<semaphore_mem>>)
        %dma_start3A_650 = arith.constant 0 : i32
        %dma_start3A_651 = tpu.memref_slice %arg13[%add3A_625, %dma_start3A_650] : memref<125x80xi32, #tpu.memory_space<vmem>> -> memref<1x80xi32, #tpu.memory_space<vmem>>
        %dma_start3A_652 = tpu.memref_squeeze %dma_start3A_651 : memref<1x80xi32, #tpu.memory_space<vmem>> -> memref<80xi32, #tpu.memory_space<vmem>>
        %dma_start3A_653 = arith.constant 0 : i32
        %dma_start3A_654 = tpu.memref_slice %arg6[%dma_start3A_653] : memref<10000xf32, #tpu.memory_space<hbm>> -> memref<10000xf32, #tpu.memory_space<hbm>>
        tpu.enqueue_indirect_dma source(%dma_start3A_654 : memref<10000xf32, #tpu.memory_space<hbm>>) target(%arg29 : memref<80xf32, #tpu.memory_space<vmem>>) offsets(%dma_start3A_652 : memref<80xi32, #tpu.memory_space<vmem>>) semaphore(%arg33 : memref<!tpu.dma_semaphore, #tpu.memory_space<semaphore_mem>>)
        %dma_start3A_655 = arith.constant 0 : i32
        %dma_start3A_656 = tpu.memref_slice %arg14[%add3A_625, %dma_start3A_655] : memref<125x80xi32, #tpu.memory_space<vmem>> -> memref<1x80xi32, #tpu.memory_space<vmem>>
        %dma_start3A_657 = tpu.memref_squeeze %dma_start3A_656 : memref<1x80xi32, #tpu.memory_space<vmem>> -> memref<80xi32, #tpu.memory_space<vmem>>
        %dma_start3A_658 = arith.constant 0 : i32
        %dma_start3A_659 = tpu.memref_slice %arg7[%dma_start3A_658] : memref<10000xf32, #tpu.memory_space<hbm>> -> memref<10000xf32, #tpu.memory_space<hbm>>
        tpu.enqueue_indirect_dma source(%dma_start3A_659 : memref<10000xf32, #tpu.memory_space<hbm>>) target(%arg30 : memref<80xf32, #tpu.memory_space<vmem>>) offsets(%dma_start3A_657 : memref<80xi32, #tpu.memory_space<vmem>>) semaphore(%arg33 : memref<!tpu.dma_semaphore, #tpu.memory_space<semaphore_mem>>)
        %mul3A_660 = arith.constant 80 : i32
        %mul3A_661 = arith.muli %add3A_631, %mul3A_660 : i32
        %dma_start3A_662 = tpu.memref_slice %arg8[%mul3A_661] : memref<320000xf32, #tpu.memory_space<hbm>> -> memref<80xf32, #tpu.memory_space<hbm>>
        %dma_start3A_663 = tpu.memref_slice %arg8[%mul3A_661] : memref<320000xf32, #tpu.memory_space<hbm>> -> memref<80xf32, #tpu.memory_space<hbm>>
        tpu.enqueue_dma source(%dma_start3A_663 : memref<80xf32, #tpu.memory_space<hbm>>) target(%arg31 : memref<80xf32, #tpu.memory_space<vmem>>) target_semaphore(%arg33 : memref<!tpu.dma_semaphore, #tpu.memory_space<semaphore_mem>>)
        %not3A_664 = arith.constant true
        %not3A_665 = arith.xori %ge3A_1, %not3A_664 : i1
        %convert_element_type3A_666 = arith.extui %not3A_665 : i1 to i32
        %cond3A_667 = arith.constant 0 : i32
        %cond3A_668 = arith.cmpi ne, %convert_element_type3A_666, %cond3A_667 : i32
        scf.if %cond3A_668 {
          %dma_start3A_672 = arith.constant 0 : i32
          %dma_start3A_673 = tpu.memref_slice %arg5[%add3A_628, %dma_start3A_672] : memref<160000x128xf32, #tpu.memory_space<hbm>> -> memref<80x64xf32, #tpu.memory_space<hbm>>
          %dma_start3A_674 = arith.constant 0 : i32
          %dma_start3A_675 = tpu.memref_slice %arg5[%add3A_628, %dma_start3A_674] : memref<160000x128xf32, #tpu.memory_space<hbm>> -> memref<80x64xf32, #tpu.memory_space<hbm>>
          tpu.enqueue_dma source(%dma_start3A_675 : memref<80x64xf32, #tpu.memory_space<hbm>>) target(%arg26 : memref<80x64xf32, #tpu.memory_space<vmem>>) target_semaphore(%arg33 : memref<!tpu.dma_semaphore, #tpu.memory_space<semaphore_mem>>)
        } else {
        }
        %convert_element_type3A_669 = arith.extui %ge3A_1 : i1 to i32
        %cond3A_670 = arith.constant 0 : i32
        %cond3A_671 = arith.cmpi ne, %convert_element_type3A_669, %cond3A_670 : i32
        scf.if %cond3A_671 {
          %dma_start3A_672 = arith.constant 64 : i32
          %dma_start3A_673 = tpu.memref_slice %arg5[%add3A_628, %dma_start3A_672] : memref<160000x128xf32, #tpu.memory_space<hbm>> -> memref<80x64xf32, #tpu.memory_space<hbm>>
          %dma_start3A_674 = arith.constant 64 : i32
          %dma_start3A_675 = tpu.memref_slice %arg5[%add3A_628, %dma_start3A_674] : memref<160000x128xf32, #tpu.memory_space<hbm>> -> memref<80x64xf32, #tpu.memory_space<hbm>>
          tpu.enqueue_dma source(%dma_start3A_675 : memref<80x64xf32, #tpu.memory_space<hbm>>) target(%arg26 : memref<80x64xf32, #tpu.memory_space<vmem>>) target_semaphore(%arg33 : memref<!tpu.dma_semaphore, #tpu.memory_space<semaphore_mem>>)
        } else {
        }
      } else {
      }
      %dma_wait3A_296 = arith.constant 0 : i32
      %dma_wait3A_297 = arith.constant 0 : i32
      %dma_wait3A_298 = tpu.memref_slice %arg4[%dma_wait3A_296, %dma_wait3A_297] : memref<10000x64xf32, #tpu.memory_space<hbm>> -> memref<80x64xf32, #tpu.memory_space<hbm>>
      %dma_wait3A_299 = arith.constant 0 : i32
      %dma_wait3A_300 = arith.constant 0 : i32
      %dma_wait3A_301 = tpu.memref_slice %arg4[%dma_wait3A_299, %dma_wait3A_300] : memref<10000x64xf32, #tpu.memory_space<hbm>> -> memref<80x64xf32, #tpu.memory_space<hbm>>
      tpu.wait_dma2 semaphore(%arg32 : memref<!tpu.dma_semaphore, #tpu.memory_space<semaphore_mem>>) src(%dma_wait3A_301 : memref<80x64xf32, #tpu.memory_space<hbm>>) dst(%arg16 : memref<80x64xf32, #tpu.memory_space<vmem>>)
      %dma_wait3A_302 = arith.constant 0 : i32
      %dma_wait3A_303 = arith.constant 0 : i32
      %dma_wait3A_304 = tpu.memref_slice %arg4[%dma_wait3A_302, %dma_wait3A_303] : memref<10000x64xf32, #tpu.memory_space<hbm>> -> memref<80x64xf32, #tpu.memory_space<hbm>>
      %dma_wait3A_305 = arith.constant 0 : i32
      %dma_wait3A_306 = arith.constant 0 : i32
      %dma_wait3A_307 = tpu.memref_slice %arg4[%dma_wait3A_305, %dma_wait3A_306] : memref<10000x64xf32, #tpu.memory_space<hbm>> -> memref<80x64xf32, #tpu.memory_space<hbm>>
      tpu.wait_dma2 semaphore(%arg32 : memref<!tpu.dma_semaphore, #tpu.memory_space<semaphore_mem>>) src(%dma_wait3A_307 : memref<80x64xf32, #tpu.memory_space<hbm>>) dst(%arg16 : memref<80x64xf32, #tpu.memory_space<vmem>>)
      %dma_wait3A_308 = arith.constant 0 : i32
      %dma_wait3A_309 = arith.constant 0 : i32
      %dma_wait3A_310 = tpu.memref_slice %arg4[%dma_wait3A_308, %dma_wait3A_309] : memref<10000x64xf32, #tpu.memory_space<hbm>> -> memref<80x64xf32, #tpu.memory_space<hbm>>
      %dma_wait3A_311 = arith.constant 0 : i32
      %dma_wait3A_312 = arith.constant 0 : i32
      %dma_wait3A_313 = tpu.memref_slice %arg4[%dma_wait3A_311, %dma_wait3A_312] : memref<10000x64xf32, #tpu.memory_space<hbm>> -> memref<80x64xf32, #tpu.memory_space<hbm>>
      tpu.wait_dma2 semaphore(%arg32 : memref<!tpu.dma_semaphore, #tpu.memory_space<semaphore_mem>>) src(%dma_wait3A_313 : memref<80x64xf32, #tpu.memory_space<hbm>>) dst(%arg16 : memref<80x64xf32, #tpu.memory_space<vmem>>)
      %dma_wait3A_314 = arith.constant 0 : i32
      %dma_wait3A_315 = arith.constant 0 : i32
      %dma_wait3A_316 = tpu.memref_slice %arg4[%dma_wait3A_314, %dma_wait3A_315] : memref<10000x64xf32, #tpu.memory_space<hbm>> -> memref<80x64xf32, #tpu.memory_space<hbm>>
      %dma_wait3A_317 = arith.constant 0 : i32
      %dma_wait3A_318 = arith.constant 0 : i32
      %dma_wait3A_319 = tpu.memref_slice %arg4[%dma_wait3A_317, %dma_wait3A_318] : memref<10000x64xf32, #tpu.memory_space<hbm>> -> memref<80x64xf32, #tpu.memory_space<hbm>>
      tpu.wait_dma2 semaphore(%arg32 : memref<!tpu.dma_semaphore, #tpu.memory_space<semaphore_mem>>) src(%dma_wait3A_319 : memref<80x64xf32, #tpu.memory_space<hbm>>) dst(%arg16 : memref<80x64xf32, #tpu.memory_space<vmem>>)
      %dma_wait3A_320 = arith.constant 0 : i32
      %dma_wait3A_321 = tpu.memref_slice %arg8[%dma_wait3A_320] : memref<320000xf32, #tpu.memory_space<hbm>> -> memref<80xf32, #tpu.memory_space<hbm>>
      %dma_wait3A_322 = arith.constant 0 : i32
      %dma_wait3A_323 = tpu.memref_slice %arg8[%dma_wait3A_322] : memref<320000xf32, #tpu.memory_space<hbm>> -> memref<80xf32, #tpu.memory_space<hbm>>
      tpu.wait_dma2 semaphore(%arg32 : memref<!tpu.dma_semaphore, #tpu.memory_space<semaphore_mem>>) src(%dma_wait3A_323 : memref<80xf32, #tpu.memory_space<hbm>>) dst(%arg23 : memref<80xf32, #tpu.memory_space<vmem>>)
      %dma_wait3A_324 = arith.constant 0 : i32
      %dma_wait3A_325 = tpu.memref_slice %arg8[%dma_wait3A_324] : memref<320000xf32, #tpu.memory_space<hbm>> -> memref<80xf32, #tpu.memory_space<hbm>>
      %dma_wait3A_326 = arith.constant 0 : i32
      %dma_wait3A_327 = tpu.memref_slice %arg8[%dma_wait3A_326] : memref<320000xf32, #tpu.memory_space<hbm>> -> memref<80xf32, #tpu.memory_space<hbm>>
      tpu.wait_dma2 semaphore(%arg32 : memref<!tpu.dma_semaphore, #tpu.memory_space<semaphore_mem>>) src(%dma_wait3A_327 : memref<80xf32, #tpu.memory_space<hbm>>) dst(%arg23 : memref<80xf32, #tpu.memory_space<vmem>>)
      %dma_wait3A_328 = arith.constant 0 : i32
      %dma_wait3A_329 = tpu.memref_slice %arg8[%dma_wait3A_328] : memref<320000xf32, #tpu.memory_space<hbm>> -> memref<80xf32, #tpu.memory_space<hbm>>
      %dma_wait3A_330 = arith.constant 0 : i32
      %dma_wait3A_331 = tpu.memref_slice %arg8[%dma_wait3A_330] : memref<320000xf32, #tpu.memory_space<hbm>> -> memref<80xf32, #tpu.memory_space<hbm>>
      tpu.wait_dma2 semaphore(%arg32 : memref<!tpu.dma_semaphore, #tpu.memory_space<semaphore_mem>>) src(%dma_wait3A_331 : memref<80xf32, #tpu.memory_space<hbm>>) dst(%arg23 : memref<80xf32, #tpu.memory_space<vmem>>)
      %scan3A_332 = arith.constant 0 : i32
      %scan3A_333 = arith.constant 0 : i32
      %scan3A_334 = arith.constant 80 : i32
      %scan3A_335 = arith.addi %scan3A_333, %scan3A_334 : i32
      %scan3A_336 = arith.constant 1 : i32
      %scan3A_337 = scf.for %scan3A_624 = %scan3A_333 to %scan3A_335 step %scan3A_336 iter_args(%scan3A_625 = %scan3A_332) -> (i32)  : i32 {
        %get3A_626 = arith.index_cast %scan3A_624 : i32 to index
        %get3A_627 = arith.constant 0 : index
        %get3A_628 = tpu.vector_load %arg16[%get3A_626, %get3A_627] {strides = array<i32>} : memref<80x64xf32, #tpu.memory_space<vmem>>, vector<16xf32>,
        %get3A_629 = arith.index_cast %scan3A_624 : i32 to index
        %get3A_630 = arith.constant 0 : index
        %get3A_631 = tpu.vector_load %arg17[%get3A_629, %get3A_630] {strides = array<i32>} : memref<80x64xf32, #tpu.memory_space<vmem>>, vector<16xf32>,
        %add3A_632 = arith.addf %get3A_628, %get3A_631 : vector<16xf32>
        %get3A_633 = arith.index_cast %scan3A_624 : i32 to index
        %get3A_634 = arith.constant 0 : index
        %get3A_635 = tpu.vector_load %arg18[%get3A_633, %get3A_634] {strides = array<i32>} : memref<80x64xf32, #tpu.memory_space<vmem>>, vector<16xf32>,
        %add3A_636 = arith.addf %add3A_632, %get3A_635 : vector<16xf32>
        %swap3A_637 = arith.index_cast %scan3A_624 : i32 to index
        %swap3A_638 = arith.constant 0 : index
        %swap3A_639 = tpu.vector_load %arg18[%swap3A_637, %swap3A_638] {strides = array<i32>} : memref<80x64xf32, #tpu.memory_space<vmem>>, vector<16xf32>,
        tpu.vector_store %arg18[%swap3A_637, %swap3A_638], %add3A_636 {strides = array<i32>} : memref<80x64xf32, #tpu.memory_space<vmem>>, vector<16xf32>,
        %get3A_640 = arith.index_cast %scan3A_624 : i32 to index
        %get3A_641 = arith.constant 16 : index
        %get3A_642 = tpu.vector_load %arg16[%get3A_640, %get3A_641] {strides = array<i32>} : memref<80x64xf32, #tpu.memory_space<vmem>>, vector<16xf32>,
        %get3A_643 = arith.index_cast %scan3A_624 : i32 to index
        %get3A_644 = arith.constant 16 : index
        %get3A_645 = tpu.vector_load %arg17[%get3A_643, %get3A_644] {strides = array<i32>} : memref<80x64xf32, #tpu.memory_space<vmem>>, vector<16xf32>,
        %add3A_646 = arith.addf %get3A_642, %get3A_645 : vector<16xf32>
        %get3A_647 = arith.index_cast %scan3A_624 : i32 to index
        %get3A_648 = arith.constant 16 : index
        %get3A_649 = tpu.vector_load %arg18[%get3A_647, %get3A_648] {strides = array<i32>} : memref<80x64xf32, #tpu.memory_space<vmem>>, vector<16xf32>,
        %add3A_650 = arith.addf %add3A_646, %get3A_649 : vector<16xf32>
        %swap3A_651 = arith.index_cast %scan3A_624 : i32 to index
        %swap3A_652 = arith.constant 16 : index
        %swap3A_653 = tpu.vector_load %arg18[%swap3A_651, %swap3A_652] {strides = array<i32>} : memref<80x64xf32, #tpu.memory_space<vmem>>, vector<16xf32>,
        tpu.vector_store %arg18[%swap3A_651, %swap3A_652], %add3A_650 {strides = array<i32>} : memref<80x64xf32, #tpu.memory_space<vmem>>, vector<16xf32>,
        %get3A_654 = arith.index_cast %scan3A_624 : i32 to index
        %get3A_655 = arith.constant 32 : index
        %get3A_656 = tpu.vector_load %arg16[%get3A_654, %get3A_655] {strides = array<i32>} : memref<80x64xf32, #tpu.memory_space<vmem>>, vector<16xf32>,
        %get3A_657 = arith.index_cast %scan3A_624 : i32 to index
        %get3A_658 = arith.constant 32 : index
        %get3A_659 = tpu.vector_load %arg17[%get3A_657, %get3A_658] {strides = array<i32>} : memref<80x64xf32, #tpu.memory_space<vmem>>, vector<16xf32>,
        %add3A_660 = arith.addf %get3A_656, %get3A_659 : vector<16xf32>
        %get3A_661 = arith.index_cast %scan3A_624 : i32 to index
        %get3A_662 = arith.constant 32 : index
        %get3A_663 = tpu.vector_load %arg18[%get3A_661, %get3A_662] {strides = array<i32>} : memref<80x64xf32, #tpu.memory_space<vmem>>, vector<16xf32>,
        %add3A_664 = arith.addf %add3A_660, %get3A_663 : vector<16xf32>
        %swap3A_665 = arith.index_cast %scan3A_624 : i32 to index
        %swap3A_666 = arith.constant 32 : index
        %swap3A_667 = tpu.vector_load %arg18[%swap3A_665, %swap3A_666] {strides = array<i32>} : memref<80x64xf32, #tpu.memory_space<vmem>>, vector<16xf32>,
        tpu.vector_store %arg18[%swap3A_665, %swap3A_666], %add3A_664 {strides = array<i32>} : memref<80x64xf32, #tpu.memory_space<vmem>>, vector<16xf32>,
        %get3A_668 = arith.index_cast %scan3A_624 : i32 to index
        %get3A_669 = arith.constant 48 : index
        %get3A_670 = tpu.vector_load %arg16[%get3A_668, %get3A_669] {strides = array<i32>} : memref<80x64xf32, #tpu.memory_space<vmem>>, vector<16xf32>,
        %get3A_671 = arith.index_cast %scan3A_624 : i32 to index
        %get3A_672 = arith.constant 48 : index
        %get3A_673 = tpu.vector_load %arg17[%get3A_671, %get3A_672] {strides = array<i32>} : memref<80x64xf32, #tpu.memory_space<vmem>>, vector<16xf32>,
        %add3A_674 = arith.addf %get3A_670, %get3A_673 : vector<16xf32>
        %get3A_675 = arith.index_cast %scan3A_624 : i32 to index
        %get3A_676 = arith.constant 48 : index
        %get3A_677 = tpu.vector_load %arg18[%get3A_675, %get3A_676] {strides = array<i32>} : memref<80x64xf32, #tpu.memory_space<vmem>>, vector<16xf32>,
        %add3A_678 = arith.addf %add3A_674, %get3A_677 : vector<16xf32>
        %swap3A_679 = arith.index_cast %scan3A_624 : i32 to index
        %swap3A_680 = arith.constant 48 : index
        %swap3A_681 = tpu.vector_load %arg18[%swap3A_679, %swap3A_680] {strides = array<i32>} : memref<80x64xf32, #tpu.memory_space<vmem>>, vector<16xf32>,
        tpu.vector_store %arg18[%swap3A_679, %swap3A_680], %add3A_678 {strides = array<i32>} : memref<80x64xf32, #tpu.memory_space<vmem>>, vector<16xf32>,
        %scan3A_682 = arith.constant 0 : i32
        scf.yield %scan3A_682 : i32
      }
      %scan3A_338 = arith.constant 80 : i32
      %not3A_339 = arith.constant true
      %not3A_340 = arith.xori %ge3A_1, %not3A_339 : i1
      %convert_element_type3A_341 = arith.extui %not3A_340 : i1 to i32
      %cond3A_342 = arith.constant 0 : i32
      %cond3A_343 = arith.cmpi ne, %convert_element_type3A_341, %cond3A_342 : i32
      scf.if %cond3A_343 {
        %dma_start3A_624 = arith.constant 0 : i32
        %dma_start3A_625 = tpu.memref_slice %arg11[%add3A_283, %dma_start3A_624] : memref<160000x128xf32, #tpu.memory_space<hbm>> -> memref<80x64xf32, #tpu.memory_space<hbm>>
        %dma_start3A_626 = arith.constant 0 : i32
        %dma_start3A_627 = tpu.memref_slice %arg11[%add3A_283, %dma_start3A_626] : memref<160000x128xf32, #tpu.memory_space<hbm>> -> memref<80x64xf32, #tpu.memory_space<hbm>>
        tpu.enqueue_dma source(%arg18 : memref<80x64xf32, #tpu.memory_space<vmem>>) target(%dma_start3A_627 : memref<80x64xf32, #tpu.memory_space<hbm>>) target_semaphore(%arg34 : memref<!tpu.dma_semaphore, #tpu.memory_space<semaphore_mem>>)
      } else {
      }
      %convert_element_type3A_344 = arith.extui %ge3A_1 : i1 to i32
      %cond3A_345 = arith.constant 0 : i32
      %cond3A_346 = arith.cmpi ne, %convert_element_type3A_344, %cond3A_345 : i32
      scf.if %cond3A_346 {
        %dma_start3A_624 = arith.constant 64 : i32
        %dma_start3A_625 = tpu.memref_slice %arg11[%add3A_283, %dma_start3A_624] : memref<160000x128xf32, #tpu.memory_space<hbm>> -> memref<80x64xf32, #tpu.memory_space<hbm>>
        %dma_start3A_626 = arith.constant 64 : i32
        %dma_start3A_627 = tpu.memref_slice %arg11[%add3A_283, %dma_start3A_626] : memref<160000x128xf32, #tpu.memory_space<hbm>> -> memref<80x64xf32, #tpu.memory_space<hbm>>
        tpu.enqueue_dma source(%arg18 : memref<80x64xf32, #tpu.memory_space<vmem>>) target(%dma_start3A_627 : memref<80x64xf32, #tpu.memory_space<hbm>>) target_semaphore(%arg34 : memref<!tpu.dma_semaphore, #tpu.memory_space<semaphore_mem>>)
      } else {
      }
      %get3A_347 = arith.constant 0 : index
      %get3A_348 = tpu.vector_load %arg21[%get3A_347] {strides = array<i32>} : memref<80xf32, #tpu.memory_space<vmem>>, vector<16xf32>,
      %get3A_349 = arith.constant 0 : index
      %get3A_350 = tpu.vector_load %arg22[%get3A_349] {strides = array<i32>} : memref<80xf32, #tpu.memory_space<vmem>>, vector<16xf32>,
      %add3A_351 = arith.addf %get3A_348, %get3A_350 : vector<16xf32>
      %get3A_352 = arith.constant 0 : index
      %get3A_353 = tpu.vector_load %arg23[%get3A_352] {strides = array<i32>} : memref<80xf32, #tpu.memory_space<vmem>>, vector<16xf32>,
      %add3A_354 = arith.addf %add3A_351, %get3A_353 : vector<16xf32>
      %ge3A_355 = arith.constant 0.000000e+00 : f32
      %ge3A_356 = vector.broadcast %ge3A_355 : f32 to vector<16xf32>
      %ge3A_357 = arith.cmpf oge, %add3A_354, %ge3A_356 : vector<16xf32>
      %mul3A_358 = arith.constant 0.00999999977 : f32
      %mul3A_359 = vector.broadcast %mul3A_358 : f32 to vector<16xf32>
      %mul3A_360 = arith.mulf %mul3A_359, %add3A_354 : vector<16xf32>
      %select_n3A_361 = arith.select %ge3A_357, %add3A_354, %mul3A_360 : vector<16xi1>, vector<16xf32>
      %exp3A_362 = math.exp %select_n3A_361 : vector<16xf32>
      %swap3A_363 = arith.constant 0 : index
      %swap3A_364 = tpu.vector_load %arg15[%swap3A_363] {strides = array<i32>} : memref<80xf32, #tpu.memory_space<vmem>>, vector<16xf32>,
      tpu.vector_store %arg15[%swap3A_363], %exp3A_362 {strides = array<i32>} : memref<80xf32, #tpu.memory_space<vmem>>, vector<16xf32>,
      %get3A_365 = arith.constant 16 : index
      %get3A_366 = tpu.vector_load %arg21[%get3A_365] {strides = array<i32>} : memref<80xf32, #tpu.memory_space<vmem>>, vector<16xf32>,
      %get3A_367 = arith.constant 16 : index
      %get3A_368 = tpu.vector_load %arg22[%get3A_367] {strides = array<i32>} : memref<80xf32, #tpu.memory_space<vmem>>, vector<16xf32>,
      %add3A_369 = arith.addf %get3A_366, %get3A_368 : vector<16xf32>
      %get3A_370 = arith.constant 16 : index
      %get3A_371 = tpu.vector_load %arg23[%get3A_370] {strides = array<i32>} : memref<80xf32, #tpu.memory_space<vmem>>, vector<16xf32>,
      %add3A_372 = arith.addf %add3A_369, %get3A_371 : vector<16xf32>
      %ge3A_373 = arith.constant 0.000000e+00 : f32
      %ge3A_374 = vector.broadcast %ge3A_373 : f32 to vector<16xf32>
      %ge3A_375 = arith.cmpf oge, %add3A_372, %ge3A_374 : vector<16xf32>
      %mul3A_376 = arith.constant 0.00999999977 : f32
      %mul3A_377 = vector.broadcast %mul3A_376 : f32 to vector<16xf32>
      %mul3A_378 = arith.mulf %mul3A_377, %add3A_372 : vector<16xf32>
      %select_n3A_379 = arith.select %ge3A_375, %add3A_372, %mul3A_378 : vector<16xi1>, vector<16xf32>
      %exp3A_380 = math.exp %select_n3A_379 : vector<16xf32>
      %swap3A_381 = arith.constant 16 : index
      %swap3A_382 = tpu.vector_load %arg15[%swap3A_381] {strides = array<i32>} : memref<80xf32, #tpu.memory_space<vmem>>, vector<16xf32>,
      tpu.vector_store %arg15[%swap3A_381], %exp3A_380 {strides = array<i32>} : memref<80xf32, #tpu.memory_space<vmem>>, vector<16xf32>,
      %get3A_383 = arith.constant 32 : index
      %get3A_384 = tpu.vector_load %arg21[%get3A_383] {strides = array<i32>} : memref<80xf32, #tpu.memory_space<vmem>>, vector<16xf32>,
      %get3A_385 = arith.constant 32 : index
      %get3A_386 = tpu.vector_load %arg22[%get3A_385] {strides = array<i32>} : memref<80xf32, #tpu.memory_space<vmem>>, vector<16xf32>,
      %add3A_387 = arith.addf %get3A_384, %get3A_386 : vector<16xf32>
      %get3A_388 = arith.constant 32 : index
      %get3A_389 = tpu.vector_load %arg23[%get3A_388] {strides = array<i32>} : memref<80xf32, #tpu.memory_space<vmem>>, vector<16xf32>,
      %add3A_390 = arith.addf %add3A_387, %get3A_389 : vector<16xf32>
      %ge3A_391 = arith.constant 0.000000e+00 : f32
      %ge3A_392 = vector.broadcast %ge3A_391 : f32 to vector<16xf32>
      %ge3A_393 = arith.cmpf oge, %add3A_390, %ge3A_392 : vector<16xf32>
      %mul3A_394 = arith.constant 0.00999999977 : f32
      %mul3A_395 = vector.broadcast %mul3A_394 : f32 to vector<16xf32>
      %mul3A_396 = arith.mulf %mul3A_395, %add3A_390 : vector<16xf32>
      %select_n3A_397 = arith.select %ge3A_393, %add3A_390, %mul3A_396 : vector<16xi1>, vector<16xf32>
      %exp3A_398 = math.exp %select_n3A_397 : vector<16xf32>
      %swap3A_399 = arith.constant 32 : index
      %swap3A_400 = tpu.vector_load %arg15[%swap3A_399] {strides = array<i32>} : memref<80xf32, #tpu.memory_space<vmem>>, vector<16xf32>,
      tpu.vector_store %arg15[%swap3A_399], %exp3A_398 {strides = array<i32>} : memref<80xf32, #tpu.memory_space<vmem>>, vector<16xf32>,
      %get3A_401 = arith.constant 48 : index
      %get3A_402 = tpu.vector_load %arg21[%get3A_401] {strides = array<i32>} : memref<80xf32, #tpu.memory_space<vmem>>, vector<16xf32>,
      %get3A_403 = arith.constant 48 : index
      %get3A_404 = tpu.vector_load %arg22[%get3A_403] {strides = array<i32>} : memref<80xf32, #tpu.memory_space<vmem>>, vector<16xf32>,
      %add3A_405 = arith.addf %get3A_402, %get3A_404 : vector<16xf32>
      %get3A_406 = arith.constant 48 : index
      %get3A_407 = tpu.vector_load %arg23[%get3A_406] {strides = array<i32>} : memref<80xf32, #tpu.memory_space<vmem>>, vector<16xf32>,
      %add3A_408 = arith.addf %add3A_405, %get3A_407 : vector<16xf32>
      %ge3A_409 = arith.constant 0.000000e+00 : f32
      %ge3A_410 = vector.broadcast %ge3A_409 : f32 to vector<16xf32>
      %ge3A_411 = arith.cmpf oge, %add3A_408, %ge3A_410 : vector<16xf32>
      %mul3A_412 = arith.constant 0.00999999977 : f32
      %mul3A_413 = vector.broadcast %mul3A_412 : f32 to vector<16xf32>
      %mul3A_414 = arith.mulf %mul3A_413, %add3A_408 : vector<16xf32>
      %select_n3A_415 = arith.select %ge3A_411, %add3A_408, %mul3A_414 : vector<16xi1>, vector<16xf32>
      %exp3A_416 = math.exp %select_n3A_415 : vector<16xf32>
      %swap3A_417 = arith.constant 48 : index
      %swap3A_418 = tpu.vector_load %arg15[%swap3A_417] {strides = array<i32>} : memref<80xf32, #tpu.memory_space<vmem>>, vector<16xf32>,
      tpu.vector_store %arg15[%swap3A_417], %exp3A_416 {strides = array<i32>} : memref<80xf32, #tpu.memory_space<vmem>>, vector<16xf32>,
      %get3A_419 = arith.constant 64 : index
      %get3A_420 = tpu.vector_load %arg21[%get3A_419] {strides = array<i32>} : memref<80xf32, #tpu.memory_space<vmem>>, vector<16xf32>,
      %get3A_421 = arith.constant 64 : index
      %get3A_422 = tpu.vector_load %arg22[%get3A_421] {strides = array<i32>} : memref<80xf32, #tpu.memory_space<vmem>>, vector<16xf32>,
      %add3A_423 = arith.addf %get3A_420, %get3A_422 : vector<16xf32>
      %get3A_424 = arith.constant 64 : index
      %get3A_425 = tpu.vector_load %arg23[%get3A_424] {strides = array<i32>} : memref<80xf32, #tpu.memory_space<vmem>>, vector<16xf32>,
      %add3A_426 = arith.addf %add3A_423, %get3A_425 : vector<16xf32>
      %ge3A_427 = arith.constant 0.000000e+00 : f32
      %ge3A_428 = vector.broadcast %ge3A_427 : f32 to vector<16xf32>
      %ge3A_429 = arith.cmpf oge, %add3A_426, %ge3A_428 : vector<16xf32>
      %mul3A_430 = arith.constant 0.00999999977 : f32
      %mul3A_431 = vector.broadcast %mul3A_430 : f32 to vector<16xf32>
      %mul3A_432 = arith.mulf %mul3A_431, %add3A_426 : vector<16xf32>
      %select_n3A_433 = arith.select %ge3A_429, %add3A_426, %mul3A_432 : vector<16xi1>, vector<16xf32>
      %exp3A_434 = math.exp %select_n3A_433 : vector<16xf32>
      %swap3A_435 = arith.constant 64 : index
      %swap3A_436 = tpu.vector_load %arg15[%swap3A_435] {strides = array<i32>} : memref<80xf32, #tpu.memory_space<vmem>>, vector<16xf32>,
      tpu.vector_store %arg15[%swap3A_435], %exp3A_434 {strides = array<i32>} : memref<80xf32, #tpu.memory_space<vmem>>, vector<16xf32>,
      %scan3A_437 = arith.constant 0 : i32
      %scan3A_438 = arith.constant 0 : i32
      %scan3A_439 = arith.constant 5 : i32
      %scan3A_440 = arith.addi %scan3A_438, %scan3A_439 : i32
      %scan3A_441 = arith.constant 1 : i32
      %scan3A_442 = scf.for %scan3A_624 = %scan3A_438 to %scan3A_440 step %scan3A_441 iter_args(%scan3A_625 = %scan3A_437) -> (i32)  : i32 {
        %mul3A_626 = arith.constant 16 : i32
        %mul3A_627 = arith.muli %scan3A_624, %mul3A_626 : i32
        %get3A_628 = arith.index_cast %mul3A_627 : i32 to index
        %get3A_629 = tpu.vector_load %arg15[%get3A_628] {strides = array<i32>} : memref<80xf32, #tpu.memory_space<vmem>>, vector<16xf32>,
        %mul3A_630 = arith.constant 16 : i32
        %mul3A_631 = arith.muli %scan3A_624, %mul3A_630 : i32
        %add3A_632 = arith.constant 0 : i32
        %add3A_633 = arith.addi %mul3A_631, %add3A_632 : i32
        %slice3A = vector.extract_strided_slice %get3A_629 {offsets = [0], sizes = [1], strides = [1]} : vector<16xf32> to vector<1xf32>
        %squeeze3A = vector.extract %slice3A[0] : f32 from vector<1xf32>
        %broadcast_in_dim3A_634 = vector.broadcast %squeeze3A : f32 to vector<16xf32>
        %get3A_635 = arith.index_cast %add3A_633 : i32 to index
        %get3A_636 = arith.constant 0 : index
        %get3A_637 = tpu.vector_load %arg19[%get3A_635, %get3A_636] {strides = array<i32>} : memref<80x64xf32, #tpu.memory_space<vmem>>, vector<16xf32>,
        %mul3A_638 = arith.mulf %get3A_637, %broadcast_in_dim3A_634 : vector<16xf32>
        %swap3A_639 = arith.index_cast %add3A_633 : i32 to index
        %swap3A_640 = arith.constant 0 : index
        %swap3A_641 = tpu.vector_load %arg20[%swap3A_639, %swap3A_640] {strides = array<i32>} : memref<80x80xf32, #tpu.memory_space<vmem>>, vector<16xf32>,
        tpu.vector_store %arg20[%swap3A_639, %swap3A_640], %mul3A_638 {strides = array<i32>} : memref<80x80xf32, #tpu.memory_space<vmem>>, vector<16xf32>,
        %get3A_642 = arith.index_cast %add3A_633 : i32 to index
        %get3A_643 = arith.constant 16 : index
        %get3A_644 = tpu.vector_load %arg19[%get3A_642, %get3A_643] {strides = array<i32>} : memref<80x64xf32, #tpu.memory_space<vmem>>, vector<16xf32>,
        %mul3A_645 = arith.mulf %get3A_644, %broadcast_in_dim3A_634 : vector<16xf32>
        %swap3A_646 = arith.index_cast %add3A_633 : i32 to index
        %swap3A_647 = arith.constant 16 : index
        %swap3A_648 = tpu.vector_load %arg20[%swap3A_646, %swap3A_647] {strides = array<i32>} : memref<80x80xf32, #tpu.memory_space<vmem>>, vector<16xf32>,
        tpu.vector_store %arg20[%swap3A_646, %swap3A_647], %mul3A_645 {strides = array<i32>} : memref<80x80xf32, #tpu.memory_space<vmem>>, vector<16xf32>,
        %get3A_649 = arith.index_cast %add3A_633 : i32 to index
        %get3A_650 = arith.constant 32 : index
        %get3A_651 = tpu.vector_load %arg19[%get3A_649, %get3A_650] {strides = array<i32>} : memref<80x64xf32, #tpu.memory_space<vmem>>, vector<16xf32>,
        %mul3A_652 = arith.mulf %get3A_651, %broadcast_in_dim3A_634 : vector<16xf32>
        %swap3A_653 = arith.index_cast %add3A_633 : i32 to index
        %swap3A_654 = arith.constant 32 : index
        %swap3A_655 = tpu.vector_load %arg20[%swap3A_653, %swap3A_654] {strides = array<i32>} : memref<80x80xf32, #tpu.memory_space<vmem>>, vector<16xf32>,
        tpu.vector_store %arg20[%swap3A_653, %swap3A_654], %mul3A_652 {strides = array<i32>} : memref<80x80xf32, #tpu.memory_space<vmem>>, vector<16xf32>,
        %get3A_656 = arith.index_cast %add3A_633 : i32 to index
        %get3A_657 = arith.constant 48 : index
        %get3A_658 = tpu.vector_load %arg19[%get3A_656, %get3A_657] {strides = array<i32>} : memref<80x64xf32, #tpu.memory_space<vmem>>, vector<16xf32>,
        %mul3A_659 = arith.mulf %get3A_658, %broadcast_in_dim3A_634 : vector<16xf32>
        %swap3A_660 = arith.index_cast %add3A_633 : i32 to index
        %swap3A_661 = arith.constant 48 : index
        %swap3A_662 = tpu.vector_load %arg20[%swap3A_660, %swap3A_661] {strides = array<i32>} : memref<80x80xf32, #tpu.memory_space<vmem>>, vector<16xf32>,
        tpu.vector_store %arg20[%swap3A_660, %swap3A_661], %mul3A_659 {strides = array<i32>} : memref<80x80xf32, #tpu.memory_space<vmem>>, vector<16xf32>,
        %jit3A_663 = arith.constant 0.000000e+00 : f32
        %broadcast_in_dim3A_664 = vector.broadcast %jit3A_663 : f32 to vector<16xf32>
        %select_n3A_665 = arith.select %eq3A_34, %broadcast_in_dim3A_634, %broadcast_in_dim3A_664 : vector<16xi1>, vector<16xf32>
        %swap3A_666 = arith.index_cast %add3A_633 : i32 to index
        %swap3A_667 = arith.constant 64 : index
        %swap3A_668 = tpu.vector_load %arg20[%swap3A_666, %swap3A_667] {strides = array<i32>} : memref<80x80xf32, #tpu.memory_space<vmem>>, vector<16xf32>,
        tpu.vector_store %arg20[%swap3A_666, %swap3A_667], %select_n3A_665 {strides = array<i32>} : memref<80x80xf32, #tpu.memory_space<vmem>>, vector<16xf32>,
        %mul3A_669 = arith.constant 16 : i32
        %mul3A_670 = arith.muli %scan3A_624, %mul3A_669 : i32
        %add3A_671 = arith.constant 1 : i32
        %add3A_672 = arith.addi %mul3A_670, %add3A_671 : i32
        %slice3A_673 = vector.extract_strided_slice %get3A_629 {offsets = [1], sizes = [1], strides = [1]} : vector<16xf32> to vector<1xf32>
        %squeeze3A_674 = vector.extract %slice3A_673[0] : f32 from vector<1xf32>
        %broadcast_in_dim3A_675 = vector.broadcast %squeeze3A_674 : f32 to vector<16xf32>
        %get3A_676 = arith.index_cast %add3A_672 : i32 to index
        %get3A_677 = arith.constant 0 : index
        %get3A_678 = tpu.vector_load %arg19[%get3A_676, %get3A_677] {strides = array<i32>} : memref<80x64xf32, #tpu.memory_space<vmem>>, vector<16xf32>,
        %mul3A_679 = arith.mulf %get3A_678, %broadcast_in_dim3A_675 : vector<16xf32>
        %swap3A_680 = arith.index_cast %add3A_672 : i32 to index
        %swap3A_681 = arith.constant 0 : index
        %swap3A_682 = tpu.vector_load %arg20[%swap3A_680, %swap3A_681] {strides = array<i32>} : memref<80x80xf32, #tpu.memory_space<vmem>>, vector<16xf32>,
        tpu.vector_store %arg20[%swap3A_680, %swap3A_681], %mul3A_679 {strides = array<i32>} : memref<80x80xf32, #tpu.memory_space<vmem>>, vector<16xf32>,
        %get3A_683 = arith.index_cast %add3A_672 : i32 to index
        %get3A_684 = arith.constant 16 : index
        %get3A_685 = tpu.vector_load %arg19[%get3A_683, %get3A_684] {strides = array<i32>} : memref<80x64xf32, #tpu.memory_space<vmem>>, vector<16xf32>,
        %mul3A_686 = arith.mulf %get3A_685, %broadcast_in_dim3A_675 : vector<16xf32>
        %swap3A_687 = arith.index_cast %add3A_672 : i32 to index
        %swap3A_688 = arith.constant 16 : index
        %swap3A_689 = tpu.vector_load %arg20[%swap3A_687, %swap3A_688] {strides = array<i32>} : memref<80x80xf32, #tpu.memory_space<vmem>>, vector<16xf32>,
        tpu.vector_store %arg20[%swap3A_687, %swap3A_688], %mul3A_686 {strides = array<i32>} : memref<80x80xf32, #tpu.memory_space<vmem>>, vector<16xf32>,
        %get3A_690 = arith.index_cast %add3A_672 : i32 to index
        %get3A_691 = arith.constant 32 : index
        %get3A_692 = tpu.vector_load %arg19[%get3A_690, %get3A_691] {strides = array<i32>} : memref<80x64xf32, #tpu.memory_space<vmem>>, vector<16xf32>,
        %mul3A_693 = arith.mulf %get3A_692, %broadcast_in_dim3A_675 : vector<16xf32>
        %swap3A_694 = arith.index_cast %add3A_672 : i32 to index
        %swap3A_695 = arith.constant 32 : index
        %swap3A_696 = tpu.vector_load %arg20[%swap3A_694, %swap3A_695] {strides = array<i32>} : memref<80x80xf32, #tpu.memory_space<vmem>>, vector<16xf32>,
        tpu.vector_store %arg20[%swap3A_694, %swap3A_695], %mul3A_693 {strides = array<i32>} : memref<80x80xf32, #tpu.memory_space<vmem>>, vector<16xf32>,
        %get3A_697 = arith.index_cast %add3A_672 : i32 to index
        %get3A_698 = arith.constant 48 : index
        %get3A_699 = tpu.vector_load %arg19[%get3A_697, %get3A_698] {strides = array<i32>} : memref<80x64xf32, #tpu.memory_space<vmem>>, vector<16xf32>,
        %mul3A_700 = arith.mulf %get3A_699, %broadcast_in_dim3A_675 : vector<16xf32>
        %swap3A_701 = arith.index_cast %add3A_672 : i32 to index
        %swap3A_702 = arith.constant 48 : index
        %swap3A_703 = tpu.vector_load %arg20[%swap3A_701, %swap3A_702] {strides = array<i32>} : memref<80x80xf32, #tpu.memory_space<vmem>>, vector<16xf32>,
        tpu.vector_store %arg20[%swap3A_701, %swap3A_702], %mul3A_700 {strides = array<i32>} : memref<80x80xf32, #tpu.memory_space<vmem>>, vector<16xf32>,
        %jit3A_704 = arith.constant 0.000000e+00 : f32
        %broadcast_in_dim3A_705 = vector.broadcast %jit3A_704 : f32 to vector<16xf32>
        %select_n3A_706 = arith.select %eq3A_34, %broadcast_in_dim3A_675, %broadcast_in_dim3A_705 : vector<16xi1>, vector<16xf32>
        %swap3A_707 = arith.index_cast %add3A_672 : i32 to index
        %swap3A_708 = arith.constant 64 : index
        %swap3A_709 = tpu.vector_load %arg20[%swap3A_707, %swap3A_708] {strides = array<i32>} : memref<80x80xf32, #tpu.memory_space<vmem>>, vector<16xf32>,
        tpu.vector_store %arg20[%swap3A_707, %swap3A_708], %select_n3A_706 {strides = array<i32>} : memref<80x80xf32, #tpu.memory_space<vmem>>, vector<16xf32>,
        %mul3A_710 = arith.constant 16 : i32
        %mul3A_711 = arith.muli %scan3A_624, %mul3A_710 : i32
        %add3A_712 = arith.constant 2 : i32
        %add3A_713 = arith.addi %mul3A_711, %add3A_712 : i32
        %slice3A_714 = vector.extract_strided_slice %get3A_629 {offsets = [2], sizes = [1], strides = [1]} : vector<16xf32> to vector<1xf32>
        %squeeze3A_715 = vector.extract %slice3A_714[0] : f32 from vector<1xf32>
        %broadcast_in_dim3A_716 = vector.broadcast %squeeze3A_715 : f32 to vector<16xf32>
        %get3A_717 = arith.index_cast %add3A_713 : i32 to index
        %get3A_718 = arith.constant 0 : index
        %get3A_719 = tpu.vector_load %arg19[%get3A_717, %get3A_718] {strides = array<i32>} : memref<80x64xf32, #tpu.memory_space<vmem>>, vector<16xf32>,
        %mul3A_720 = arith.mulf %get3A_719, %broadcast_in_dim3A_716 : vector<16xf32>
        %swap3A_721 = arith.index_cast %add3A_713 : i32 to index
        %swap3A_722 = arith.constant 0 : index
        %swap3A_723 = tpu.vector_load %arg20[%swap3A_721, %swap3A_722] {strides = array<i32>} : memref<80x80xf32, #tpu.memory_space<vmem>>, vector<16xf32>,
        tpu.vector_store %arg20[%swap3A_721, %swap3A_722], %mul3A_720 {strides = array<i32>} : memref<80x80xf32, #tpu.memory_space<vmem>>, vector<16xf32>,
        %get3A_724 = arith.index_cast %add3A_713 : i32 to index
        %get3A_725 = arith.constant 16 : index
        %get3A_726 = tpu.vector_load %arg19[%get3A_724, %get3A_725] {strides = array<i32>} : memref<80x64xf32, #tpu.memory_space<vmem>>, vector<16xf32>,
        %mul3A_727 = arith.mulf %get3A_726, %broadcast_in_dim3A_716 : vector<16xf32>
        %swap3A_728 = arith.index_cast %add3A_713 : i32 to index
        %swap3A_729 = arith.constant 16 : index
        %swap3A_730 = tpu.vector_load %arg20[%swap3A_728, %swap3A_729] {strides = array<i32>} : memref<80x80xf32, #tpu.memory_space<vmem>>, vector<16xf32>,
        tpu.vector_store %arg20[%swap3A_728, %swap3A_729], %mul3A_727 {strides = array<i32>} : memref<80x80xf32, #tpu.memory_space<vmem>>, vector<16xf32>,
        %get3A_731 = arith.index_cast %add3A_713 : i32 to index
        %get3A_732 = arith.constant 32 : index
        %get3A_733 = tpu.vector_load %arg19[%get3A_731, %get3A_732] {strides = array<i32>} : memref<80x64xf32, #tpu.memory_space<vmem>>, vector<16xf32>,
        %mul3A_734 = arith.mulf %get3A_733, %broadcast_in_dim3A_716 : vector<16xf32>
        %swap3A_735 = arith.index_cast %add3A_713 : i32 to index
        %swap3A_736 = arith.constant 32 : index
        %swap3A_737 = tpu.vector_load %arg20[%swap3A_735, %swap3A_736] {strides = array<i32>} : memref<80x80xf32, #tpu.memory_space<vmem>>, vector<16xf32>,
        tpu.vector_store %arg20[%swap3A_735, %swap3A_736], %mul3A_734 {strides = array<i32>} : memref<80x80xf32, #tpu.memory_space<vmem>>, vector<16xf32>,
        %get3A_738 = arith.index_cast %add3A_713 : i32 to index
        %get3A_739 = arith.constant 48 : index
        %get3A_740 = tpu.vector_load %arg19[%get3A_738, %get3A_739] {strides = array<i32>} : memref<80x64xf32, #tpu.memory_space<vmem>>, vector<16xf32>,
        %mul3A_741 = arith.mulf %get3A_740, %broadcast_in_dim3A_716 : vector<16xf32>
        %swap3A_742 = arith.index_cast %add3A_713 : i32 to index
        %swap3A_743 = arith.constant 48 : index
        %swap3A_744 = tpu.vector_load %arg20[%swap3A_742, %swap3A_743] {strides = array<i32>} : memref<80x80xf32, #tpu.memory_space<vmem>>, vector<16xf32>,
        tpu.vector_store %arg20[%swap3A_742, %swap3A_743], %mul3A_741 {strides = array<i32>} : memref<80x80xf32, #tpu.memory_space<vmem>>, vector<16xf32>,
        %jit3A_745 = arith.constant 0.000000e+00 : f32
        %broadcast_in_dim3A_746 = vector.broadcast %jit3A_745 : f32 to vector<16xf32>
        %select_n3A_747 = arith.select %eq3A_34, %broadcast_in_dim3A_716, %broadcast_in_dim3A_746 : vector<16xi1>, vector<16xf32>
        %swap3A_748 = arith.index_cast %add3A_713 : i32 to index
        %swap3A_749 = arith.constant 64 : index
        %swap3A_750 = tpu.vector_load %arg20[%swap3A_748, %swap3A_749] {strides = array<i32>} : memref<80x80xf32, #tpu.memory_space<vmem>>, vector<16xf32>,
        tpu.vector_store %arg20[%swap3A_748, %swap3A_749], %select_n3A_747 {strides = array<i32>} : memref<80x80xf32, #tpu.memory_space<vmem>>, vector<16xf32>,
        %mul3A_751 = arith.constant 16 : i32
        %mul3A_752 = arith.muli %scan3A_624, %mul3A_751 : i32
        %add3A_753 = arith.constant 3 : i32
        %add3A_754 = arith.addi %mul3A_752, %add3A_753 : i32
        %slice3A_755 = vector.extract_strided_slice %get3A_629 {offsets = [3], sizes = [1], strides = [1]} : vector<16xf32> to vector<1xf32>
        %squeeze3A_756 = vector.extract %slice3A_755[0] : f32 from vector<1xf32>
        %broadcast_in_dim3A_757 = vector.broadcast %squeeze3A_756 : f32 to vector<16xf32>
        %get3A_758 = arith.index_cast %add3A_754 : i32 to index
        %get3A_759 = arith.constant 0 : index
        %get3A_760 = tpu.vector_load %arg19[%get3A_758, %get3A_759] {strides = array<i32>} : memref<80x64xf32, #tpu.memory_space<vmem>>, vector<16xf32>,
        %mul3A_761 = arith.mulf %get3A_760, %broadcast_in_dim3A_757 : vector<16xf32>
        %swap3A_762 = arith.index_cast %add3A_754 : i32 to index
        %swap3A_763 = arith.constant 0 : index
        %swap3A_764 = tpu.vector_load %arg20[%swap3A_762, %swap3A_763] {strides = array<i32>} : memref<80x80xf32, #tpu.memory_space<vmem>>, vector<16xf32>,
        tpu.vector_store %arg20[%swap3A_762, %swap3A_763], %mul3A_761 {strides = array<i32>} : memref<80x80xf32, #tpu.memory_space<vmem>>, vector<16xf32>,
        %get3A_765 = arith.index_cast %add3A_754 : i32 to index
        %get3A_766 = arith.constant 16 : index
        %get3A_767 = tpu.vector_load %arg19[%get3A_765, %get3A_766] {strides = array<i32>} : memref<80x64xf32, #tpu.memory_space<vmem>>, vector<16xf32>,
        %mul3A_768 = arith.mulf %get3A_767, %broadcast_in_dim3A_757 : vector<16xf32>
        %swap3A_769 = arith.index_cast %add3A_754 : i32 to index
        %swap3A_770 = arith.constant 16 : index
        %swap3A_771 = tpu.vector_load %arg20[%swap3A_769, %swap3A_770] {strides = array<i32>} : memref<80x80xf32, #tpu.memory_space<vmem>>, vector<16xf32>,
        tpu.vector_store %arg20[%swap3A_769, %swap3A_770], %mul3A_768 {strides = array<i32>} : memref<80x80xf32, #tpu.memory_space<vmem>>, vector<16xf32>,
        %get3A_772 = arith.index_cast %add3A_754 : i32 to index
        %get3A_773 = arith.constant 32 : index
        %get3A_774 = tpu.vector_load %arg19[%get3A_772, %get3A_773] {strides = array<i32>} : memref<80x64xf32, #tpu.memory_space<vmem>>, vector<16xf32>,
        %mul3A_775 = arith.mulf %get3A_774, %broadcast_in_dim3A_757 : vector<16xf32>
        %swap3A_776 = arith.index_cast %add3A_754 : i32 to index
        %swap3A_777 = arith.constant 32 : index
        %swap3A_778 = tpu.vector_load %arg20[%swap3A_776, %swap3A_777] {strides = array<i32>} : memref<80x80xf32, #tpu.memory_space<vmem>>, vector<16xf32>,
        tpu.vector_store %arg20[%swap3A_776, %swap3A_777], %mul3A_775 {strides = array<i32>} : memref<80x80xf32, #tpu.memory_space<vmem>>, vector<16xf32>,
        %get3A_779 = arith.index_cast %add3A_754 : i32 to index
        %get3A_780 = arith.constant 48 : index
        %get3A_781 = tpu.vector_load %arg19[%get3A_779, %get3A_780] {strides = array<i32>} : memref<80x64xf32, #tpu.memory_space<vmem>>, vector<16xf32>,
        %mul3A_782 = arith.mulf %get3A_781, %broadcast_in_dim3A_757 : vector<16xf32>
        %swap3A_783 = arith.index_cast %add3A_754 : i32 to index
        %swap3A_784 = arith.constant 48 : index
        %swap3A_785 = tpu.vector_load %arg20[%swap3A_783, %swap3A_784] {strides = array<i32>} : memref<80x80xf32, #tpu.memory_space<vmem>>, vector<16xf32>,
        tpu.vector_store %arg20[%swap3A_783, %swap3A_784], %mul3A_782 {strides = array<i32>} : memref<80x80xf32, #tpu.memory_space<vmem>>, vector<16xf32>,
        %jit3A_786 = arith.constant 0.000000e+00 : f32
        %broadcast_in_dim3A_787 = vector.broadcast %jit3A_786 : f32 to vector<16xf32>
        %select_n3A_788 = arith.select %eq3A_34, %broadcast_in_dim3A_757, %broadcast_in_dim3A_787 : vector<16xi1>, vector<16xf32>
        %swap3A_789 = arith.index_cast %add3A_754 : i32 to index
        %swap3A_790 = arith.constant 64 : index
        %swap3A_791 = tpu.vector_load %arg20[%swap3A_789, %swap3A_790] {strides = array<i32>} : memref<80x80xf32, #tpu.memory_space<vmem>>, vector<16xf32>,
        tpu.vector_store %arg20[%swap3A_789, %swap3A_790], %select_n3A_788 {strides = array<i32>} : memref<80x80xf32, #tpu.memory_space<vmem>>, vector<16xf32>,
        %mul3A_792 = arith.constant 16 : i32
        %mul3A_793 = arith.muli %scan3A_624, %mul3A_792 : i32
        %add3A_794 = arith.constant 4 : i32
        %add3A_795 = arith.addi %mul3A_793, %add3A_794 : i32
        %slice3A_796 = vector.extract_strided_slice %get3A_629 {offsets = [4], sizes = [1], strides = [1]} : vector<16xf32> to vector<1xf32>
        %squeeze3A_797 = vector.extract %slice3A_796[0] : f32 from vector<1xf32>
        %broadcast_in_dim3A_798 = vector.broadcast %squeeze3A_797 : f32 to vector<16xf32>
        %get3A_799 = arith.index_cast %add3A_795 : i32 to index
        %get3A_800 = arith.constant 0 : index
        %get3A_801 = tpu.vector_load %arg19[%get3A_799, %get3A_800] {strides = array<i32>} : memref<80x64xf32, #tpu.memory_space<vmem>>, vector<16xf32>,
        %mul3A_802 = arith.mulf %get3A_801, %broadcast_in_dim3A_798 : vector<16xf32>
        %swap3A_803 = arith.index_cast %add3A_795 : i32 to index
        %swap3A_804 = arith.constant 0 : index
        %swap3A_805 = tpu.vector_load %arg20[%swap3A_803, %swap3A_804] {strides = array<i32>} : memref<80x80xf32, #tpu.memory_space<vmem>>, vector<16xf32>,
        tpu.vector_store %arg20[%swap3A_803, %swap3A_804], %mul3A_802 {strides = array<i32>} : memref<80x80xf32, #tpu.memory_space<vmem>>, vector<16xf32>,
        %get3A_806 = arith.index_cast %add3A_795 : i32 to index
        %get3A_807 = arith.constant 16 : index
        %get3A_808 = tpu.vector_load %arg19[%get3A_806, %get3A_807] {strides = array<i32>} : memref<80x64xf32, #tpu.memory_space<vmem>>, vector<16xf32>,
        %mul3A_809 = arith.mulf %get3A_808, %broadcast_in_dim3A_798 : vector<16xf32>
        %swap3A_810 = arith.index_cast %add3A_795 : i32 to index
        %swap3A_811 = arith.constant 16 : index
        %swap3A_812 = tpu.vector_load %arg20[%swap3A_810, %swap3A_811] {strides = array<i32>} : memref<80x80xf32, #tpu.memory_space<vmem>>, vector<16xf32>,
        tpu.vector_store %arg20[%swap3A_810, %swap3A_811], %mul3A_809 {strides = array<i32>} : memref<80x80xf32, #tpu.memory_space<vmem>>, vector<16xf32>,
        %get3A_813 = arith.index_cast %add3A_795 : i32 to index
        %get3A_814 = arith.constant 32 : index
        %get3A_815 = tpu.vector_load %arg19[%get3A_813, %get3A_814] {strides = array<i32>} : memref<80x64xf32, #tpu.memory_space<vmem>>, vector<16xf32>,
        %mul3A_816 = arith.mulf %get3A_815, %broadcast_in_dim3A_798 : vector<16xf32>
        %swap3A_817 = arith.index_cast %add3A_795 : i32 to index
        %swap3A_818 = arith.constant 32 : index
        %swap3A_819 = tpu.vector_load %arg20[%swap3A_817, %swap3A_818] {strides = array<i32>} : memref<80x80xf32, #tpu.memory_space<vmem>>, vector<16xf32>,
        tpu.vector_store %arg20[%swap3A_817, %swap3A_818], %mul3A_816 {strides = array<i32>} : memref<80x80xf32, #tpu.memory_space<vmem>>, vector<16xf32>,
        %get3A_820 = arith.index_cast %add3A_795 : i32 to index
        %get3A_821 = arith.constant 48 : index
        %get3A_822 = tpu.vector_load %arg19[%get3A_820, %get3A_821] {strides = array<i32>} : memref<80x64xf32, #tpu.memory_space<vmem>>, vector<16xf32>,
        %mul3A_823 = arith.mulf %get3A_822, %broadcast_in_dim3A_798 : vector<16xf32>
        %swap3A_824 = arith.index_cast %add3A_795 : i32 to index
        %swap3A_825 = arith.constant 48 : index
        %swap3A_826 = tpu.vector_load %arg20[%swap3A_824, %swap3A_825] {strides = array<i32>} : memref<80x80xf32, #tpu.memory_space<vmem>>, vector<16xf32>,
        tpu.vector_store %arg20[%swap3A_824, %swap3A_825], %mul3A_823 {strides = array<i32>} : memref<80x80xf32, #tpu.memory_space<vmem>>, vector<16xf32>,
        %jit3A_827 = arith.constant 0.000000e+00 : f32
        %broadcast_in_dim3A_828 = vector.broadcast %jit3A_827 : f32 to vector<16xf32>
        %select_n3A_829 = arith.select %eq3A_34, %broadcast_in_dim3A_798, %broadcast_in_dim3A_828 : vector<16xi1>, vector<16xf32>
        %swap3A_830 = arith.index_cast %add3A_795 : i32 to index
        %swap3A_831 = arith.constant 64 : index
        %swap3A_832 = tpu.vector_load %arg20[%swap3A_830, %swap3A_831] {strides = array<i32>} : memref<80x80xf32, #tpu.memory_space<vmem>>, vector<16xf32>,
        tpu.vector_store %arg20[%swap3A_830, %swap3A_831], %select_n3A_829 {strides = array<i32>} : memref<80x80xf32, #tpu.memory_space<vmem>>, vector<16xf32>,
        %mul3A_833 = arith.constant 16 : i32
        %mul3A_834 = arith.muli %scan3A_624, %mul3A_833 : i32
        %add3A_835 = arith.constant 5 : i32
        %add3A_836 = arith.addi %mul3A_834, %add3A_835 : i32
        %slice3A_837 = vector.extract_strided_slice %get3A_629 {offsets = [5], sizes = [1], strides = [1]} : vector<16xf32> to vector<1xf32>
        %squeeze3A_838 = vector.extract %slice3A_837[0] : f32 from vector<1xf32>
        %broadcast_in_dim3A_839 = vector.broadcast %squeeze3A_838 : f32 to vector<16xf32>
        %get3A_840 = arith.index_cast %add3A_836 : i32 to index
        %get3A_841 = arith.constant 0 : index
        %get3A_842 = tpu.vector_load %arg19[%get3A_840, %get3A_841] {strides = array<i32>} : memref<80x64xf32, #tpu.memory_space<vmem>>, vector<16xf32>,
        %mul3A_843 = arith.mulf %get3A_842, %broadcast_in_dim3A_839 : vector<16xf32>
        %swap3A_844 = arith.index_cast %add3A_836 : i32 to index
        %swap3A_845 = arith.constant 0 : index
        %swap3A_846 = tpu.vector_load %arg20[%swap3A_844, %swap3A_845] {strides = array<i32>} : memref<80x80xf32, #tpu.memory_space<vmem>>, vector<16xf32>,
        tpu.vector_store %arg20[%swap3A_844, %swap3A_845], %mul3A_843 {strides = array<i32>} : memref<80x80xf32, #tpu.memory_space<vmem>>, vector<16xf32>,
        %get3A_847 = arith.index_cast %add3A_836 : i32 to index
        %get3A_848 = arith.constant 16 : index
        %get3A_849 = tpu.vector_load %arg19[%get3A_847, %get3A_848] {strides = array<i32>} : memref<80x64xf32, #tpu.memory_space<vmem>>, vector<16xf32>,
        %mul3A_850 = arith.mulf %get3A_849, %broadcast_in_dim3A_839 : vector<16xf32>
        %swap3A_851 = arith.index_cast %add3A_836 : i32 to index
        %swap3A_852 = arith.constant 16 : index
        %swap3A_853 = tpu.vector_load %arg20[%swap3A_851, %swap3A_852] {strides = array<i32>} : memref<80x80xf32, #tpu.memory_space<vmem>>, vector<16xf32>,
        tpu.vector_store %arg20[%swap3A_851, %swap3A_852], %mul3A_850 {strides = array<i32>} : memref<80x80xf32, #tpu.memory_space<vmem>>, vector<16xf32>,
        %get3A_854 = arith.index_cast %add3A_836 : i32 to index
        %get3A_855 = arith.constant 32 : index
        %get3A_856 = tpu.vector_load %arg19[%get3A_854, %get3A_855] {strides = array<i32>} : memref<80x64xf32, #tpu.memory_space<vmem>>, vector<16xf32>,
        %mul3A_857 = arith.mulf %get3A_856, %broadcast_in_dim3A_839 : vector<16xf32>
        %swap3A_858 = arith.index_cast %add3A_836 : i32 to index
        %swap3A_859 = arith.constant 32 : index
        %swap3A_860 = tpu.vector_load %arg20[%swap3A_858, %swap3A_859] {strides = array<i32>} : memref<80x80xf32, #tpu.memory_space<vmem>>, vector<16xf32>,
        tpu.vector_store %arg20[%swap3A_858, %swap3A_859], %mul3A_857 {strides = array<i32>} : memref<80x80xf32, #tpu.memory_space<vmem>>, vector<16xf32>,
        %get3A_861 = arith.index_cast %add3A_836 : i32 to index
        %get3A_862 = arith.constant 48 : index
        %get3A_863 = tpu.vector_load %arg19[%get3A_861, %get3A_862] {strides = array<i32>} : memref<80x64xf32, #tpu.memory_space<vmem>>, vector<16xf32>,
        %mul3A_864 = arith.mulf %get3A_863, %broadcast_in_dim3A_839 : vector<16xf32>
        %swap3A_865 = arith.index_cast %add3A_836 : i32 to index
        %swap3A_866 = arith.constant 48 : index
        %swap3A_867 = tpu.vector_load %arg20[%swap3A_865, %swap3A_866] {strides = array<i32>} : memref<80x80xf32, #tpu.memory_space<vmem>>, vector<16xf32>,
        tpu.vector_store %arg20[%swap3A_865, %swap3A_866], %mul3A_864 {strides = array<i32>} : memref<80x80xf32, #tpu.memory_space<vmem>>, vector<16xf32>,
        %jit3A_868 = arith.constant 0.000000e+00 : f32
        %broadcast_in_dim3A_869 = vector.broadcast %jit3A_868 : f32 to vector<16xf32>
        %select_n3A_870 = arith.select %eq3A_34, %broadcast_in_dim3A_839, %broadcast_in_dim3A_869 : vector<16xi1>, vector<16xf32>
        %swap3A_871 = arith.index_cast %add3A_836 : i32 to index
        %swap3A_872 = arith.constant 64 : index
        %swap3A_873 = tpu.vector_load %arg20[%swap3A_871, %swap3A_872] {strides = array<i32>} : memref<80x80xf32, #tpu.memory_space<vmem>>, vector<16xf32>,
        tpu.vector_store %arg20[%swap3A_871, %swap3A_872], %select_n3A_870 {strides = array<i32>} : memref<80x80xf32, #tpu.memory_space<vmem>>, vector<16xf32>,
        %mul3A_874 = arith.constant 16 : i32
        %mul3A_875 = arith.muli %scan3A_624, %mul3A_874 : i32
        %add3A_876 = arith.constant 6 : i32
        %add3A_877 = arith.addi %mul3A_875, %add3A_876 : i32
        %slice3A_878 = vector.extract_strided_slice %get3A_629 {offsets = [6], sizes = [1], strides = [1]} : vector<16xf32> to vector<1xf32>
        %squeeze3A_879 = vector.extract %slice3A_878[0] : f32 from vector<1xf32>
        %broadcast_in_dim3A_880 = vector.broadcast %squeeze3A_879 : f32 to vector<16xf32>
        %get3A_881 = arith.index_cast %add3A_877 : i32 to index
        %get3A_882 = arith.constant 0 : index
        %get3A_883 = tpu.vector_load %arg19[%get3A_881, %get3A_882] {strides = array<i32>} : memref<80x64xf32, #tpu.memory_space<vmem>>, vector<16xf32>,
        %mul3A_884 = arith.mulf %get3A_883, %broadcast_in_dim3A_880 : vector<16xf32>
        %swap3A_885 = arith.index_cast %add3A_877 : i32 to index
        %swap3A_886 = arith.constant 0 : index
        %swap3A_887 = tpu.vector_load %arg20[%swap3A_885, %swap3A_886] {strides = array<i32>} : memref<80x80xf32, #tpu.memory_space<vmem>>, vector<16xf32>,
        tpu.vector_store %arg20[%swap3A_885, %swap3A_886], %mul3A_884 {strides = array<i32>} : memref<80x80xf32, #tpu.memory_space<vmem>>, vector<16xf32>,
        %get3A_888 = arith.index_cast %add3A_877 : i32 to index
        %get3A_889 = arith.constant 16 : index
        %get3A_890 = tpu.vector_load %arg19[%get3A_888, %get3A_889] {strides = array<i32>} : memref<80x64xf32, #tpu.memory_space<vmem>>, vector<16xf32>,
        %mul3A_891 = arith.mulf %get3A_890, %broadcast_in_dim3A_880 : vector<16xf32>
        %swap3A_892 = arith.index_cast %add3A_877 : i32 to index
        %swap3A_893 = arith.constant 16 : index
        %swap3A_894 = tpu.vector_load %arg20[%swap3A_892, %swap3A_893] {strides = array<i32>} : memref<80x80xf32, #tpu.memory_space<vmem>>, vector<16xf32>,
        tpu.vector_store %arg20[%swap3A_892, %swap3A_893], %mul3A_891 {strides = array<i32>} : memref<80x80xf32, #tpu.memory_space<vmem>>, vector<16xf32>,
        %get3A_895 = arith.index_cast %add3A_877 : i32 to index
        %get3A_896 = arith.constant 32 : index
        %get3A_897 = tpu.vector_load %arg19[%get3A_895, %get3A_896] {strides = array<i32>} : memref<80x64xf32, #tpu.memory_space<vmem>>, vector<16xf32>,
        %mul3A_898 = arith.mulf %get3A_897, %broadcast_in_dim3A_880 : vector<16xf32>
        %swap3A_899 = arith.index_cast %add3A_877 : i32 to index
        %swap3A_900 = arith.constant 32 : index
        %swap3A_901 = tpu.vector_load %arg20[%swap3A_899, %swap3A_900] {strides = array<i32>} : memref<80x80xf32, #tpu.memory_space<vmem>>, vector<16xf32>,
        tpu.vector_store %arg20[%swap3A_899, %swap3A_900], %mul3A_898 {strides = array<i32>} : memref<80x80xf32, #tpu.memory_space<vmem>>, vector<16xf32>,
        %get3A_902 = arith.index_cast %add3A_877 : i32 to index
        %get3A_903 = arith.constant 48 : index
        %get3A_904 = tpu.vector_load %arg19[%get3A_902, %get3A_903] {strides = array<i32>} : memref<80x64xf32, #tpu.memory_space<vmem>>, vector<16xf32>,
        %mul3A_905 = arith.mulf %get3A_904, %broadcast_in_dim3A_880 : vector<16xf32>
        %swap3A_906 = arith.index_cast %add3A_877 : i32 to index
        %swap3A_907 = arith.constant 48 : index
        %swap3A_908 = tpu.vector_load %arg20[%swap3A_906, %swap3A_907] {strides = array<i32>} : memref<80x80xf32, #tpu.memory_space<vmem>>, vector<16xf32>,
        tpu.vector_store %arg20[%swap3A_906, %swap3A_907], %mul3A_905 {strides = array<i32>} : memref<80x80xf32, #tpu.memory_space<vmem>>, vector<16xf32>,
        %jit3A_909 = arith.constant 0.000000e+00 : f32
        %broadcast_in_dim3A_910 = vector.broadcast %jit3A_909 : f32 to vector<16xf32>
        %select_n3A_911 = arith.select %eq3A_34, %broadcast_in_dim3A_880, %broadcast_in_dim3A_910 : vector<16xi1>, vector<16xf32>
        %swap3A_912 = arith.index_cast %add3A_877 : i32 to index
        %swap3A_913 = arith.constant 64 : index
        %swap3A_914 = tpu.vector_load %arg20[%swap3A_912, %swap3A_913] {strides = array<i32>} : memref<80x80xf32, #tpu.memory_space<vmem>>, vector<16xf32>,
        tpu.vector_store %arg20[%swap3A_912, %swap3A_913], %select_n3A_911 {strides = array<i32>} : memref<80x80xf32, #tpu.memory_space<vmem>>, vector<16xf32>,
        %mul3A_915 = arith.constant 16 : i32
        %mul3A_916 = arith.muli %scan3A_624, %mul3A_915 : i32
        %add3A_917 = arith.constant 7 : i32
        %add3A_918 = arith.addi %mul3A_916, %add3A_917 : i32
        %slice3A_919 = vector.extract_strided_slice %get3A_629 {offsets = [7], sizes = [1], strides = [1]} : vector<16xf32> to vector<1xf32>
        %squeeze3A_920 = vector.extract %slice3A_919[0] : f32 from vector<1xf32>
        %broadcast_in_dim3A_921 = vector.broadcast %squeeze3A_920 : f32 to vector<16xf32>
        %get3A_922 = arith.index_cast %add3A_918 : i32 to index
        %get3A_923 = arith.constant 0 : index
        %get3A_924 = tpu.vector_load %arg19[%get3A_922, %get3A_923] {strides = array<i32>} : memref<80x64xf32, #tpu.memory_space<vmem>>, vector<16xf32>,
        %mul3A_925 = arith.mulf %get3A_924, %broadcast_in_dim3A_921 : vector<16xf32>
        %swap3A_926 = arith.index_cast %add3A_918 : i32 to index
        %swap3A_927 = arith.constant 0 : index
        %swap3A_928 = tpu.vector_load %arg20[%swap3A_926, %swap3A_927] {strides = array<i32>} : memref<80x80xf32, #tpu.memory_space<vmem>>, vector<16xf32>,
        tpu.vector_store %arg20[%swap3A_926, %swap3A_927], %mul3A_925 {strides = array<i32>} : memref<80x80xf32, #tpu.memory_space<vmem>>, vector<16xf32>,
        %get3A_929 = arith.index_cast %add3A_918 : i32 to index
        %get3A_930 = arith.constant 16 : index
        %get3A_931 = tpu.vector_load %arg19[%get3A_929, %get3A_930] {strides = array<i32>} : memref<80x64xf32, #tpu.memory_space<vmem>>, vector<16xf32>,
        %mul3A_932 = arith.mulf %get3A_931, %broadcast_in_dim3A_921 : vector<16xf32>
        %swap3A_933 = arith.index_cast %add3A_918 : i32 to index
        %swap3A_934 = arith.constant 16 : index
        %swap3A_935 = tpu.vector_load %arg20[%swap3A_933, %swap3A_934] {strides = array<i32>} : memref<80x80xf32, #tpu.memory_space<vmem>>, vector<16xf32>,
        tpu.vector_store %arg20[%swap3A_933, %swap3A_934], %mul3A_932 {strides = array<i32>} : memref<80x80xf32, #tpu.memory_space<vmem>>, vector<16xf32>,
        %get3A_936 = arith.index_cast %add3A_918 : i32 to index
        %get3A_937 = arith.constant 32 : index
        %get3A_938 = tpu.vector_load %arg19[%get3A_936, %get3A_937] {strides = array<i32>} : memref<80x64xf32, #tpu.memory_space<vmem>>, vector<16xf32>,
        %mul3A_939 = arith.mulf %get3A_938, %broadcast_in_dim3A_921 : vector<16xf32>
        %swap3A_940 = arith.index_cast %add3A_918 : i32 to index
        %swap3A_941 = arith.constant 32 : index
        %swap3A_942 = tpu.vector_load %arg20[%swap3A_940, %swap3A_941] {strides = array<i32>} : memref<80x80xf32, #tpu.memory_space<vmem>>, vector<16xf32>,
        tpu.vector_store %arg20[%swap3A_940, %swap3A_941], %mul3A_939 {strides = array<i32>} : memref<80x80xf32, #tpu.memory_space<vmem>>, vector<16xf32>,
        %get3A_943 = arith.index_cast %add3A_918 : i32 to index
        %get3A_944 = arith.constant 48 : index
        %get3A_945 = tpu.vector_load %arg19[%get3A_943, %get3A_944] {strides = array<i32>} : memref<80x64xf32, #tpu.memory_space<vmem>>, vector<16xf32>,
        %mul3A_946 = arith.mulf %get3A_945, %broadcast_in_dim3A_921 : vector<16xf32>
        %swap3A_947 = arith.index_cast %add3A_918 : i32 to index
        %swap3A_948 = arith.constant 48 : index
        %swap3A_949 = tpu.vector_load %arg20[%swap3A_947, %swap3A_948] {strides = array<i32>} : memref<80x80xf32, #tpu.memory_space<vmem>>, vector<16xf32>,
        tpu.vector_store %arg20[%swap3A_947, %swap3A_948], %mul3A_946 {strides = array<i32>} : memref<80x80xf32, #tpu.memory_space<vmem>>, vector<16xf32>,
        %jit3A_950 = arith.constant 0.000000e+00 : f32
        %broadcast_in_dim3A_951 = vector.broadcast %jit3A_950 : f32 to vector<16xf32>
        %select_n3A_952 = arith.select %eq3A_34, %broadcast_in_dim3A_921, %broadcast_in_dim3A_951 : vector<16xi1>, vector<16xf32>
        %swap3A_953 = arith.index_cast %add3A_918 : i32 to index
        %swap3A_954 = arith.constant 64 : index
        %swap3A_955 = tpu.vector_load %arg20[%swap3A_953, %swap3A_954] {strides = array<i32>} : memref<80x80xf32, #tpu.memory_space<vmem>>, vector<16xf32>,
        tpu.vector_store %arg20[%swap3A_953, %swap3A_954], %select_n3A_952 {strides = array<i32>} : memref<80x80xf32, #tpu.memory_space<vmem>>, vector<16xf32>,
        %mul3A_956 = arith.constant 16 : i32
        %mul3A_957 = arith.muli %scan3A_624, %mul3A_956 : i32
        %add3A_958 = arith.constant 8 : i32
        %add3A_959 = arith.addi %mul3A_957, %add3A_958 : i32
        %slice3A_960 = vector.extract_strided_slice %get3A_629 {offsets = [8], sizes = [1], strides = [1]} : vector<16xf32> to vector<1xf32>
        %squeeze3A_961 = vector.extract %slice3A_960[0] : f32 from vector<1xf32>
        %broadcast_in_dim3A_962 = vector.broadcast %squeeze3A_961 : f32 to vector<16xf32>
        %get3A_963 = arith.index_cast %add3A_959 : i32 to index
        %get3A_964 = arith.constant 0 : index
        %get3A_965 = tpu.vector_load %arg19[%get3A_963, %get3A_964] {strides = array<i32>} : memref<80x64xf32, #tpu.memory_space<vmem>>, vector<16xf32>,
        %mul3A_966 = arith.mulf %get3A_965, %broadcast_in_dim3A_962 : vector<16xf32>
        %swap3A_967 = arith.index_cast %add3A_959 : i32 to index
        %swap3A_968 = arith.constant 0 : index
        %swap3A_969 = tpu.vector_load %arg20[%swap3A_967, %swap3A_968] {strides = array<i32>} : memref<80x80xf32, #tpu.memory_space<vmem>>, vector<16xf32>,
        tpu.vector_store %arg20[%swap3A_967, %swap3A_968], %mul3A_966 {strides = array<i32>} : memref<80x80xf32, #tpu.memory_space<vmem>>, vector<16xf32>,
        %get3A_970 = arith.index_cast %add3A_959 : i32 to index
        %get3A_971 = arith.constant 16 : index
        %get3A_972 = tpu.vector_load %arg19[%get3A_970, %get3A_971] {strides = array<i32>} : memref<80x64xf32, #tpu.memory_space<vmem>>, vector<16xf32>,
        %mul3A_973 = arith.mulf %get3A_972, %broadcast_in_dim3A_962 : vector<16xf32>
        %swap3A_974 = arith.index_cast %add3A_959 : i32 to index
        %swap3A_975 = arith.constant 16 : index
        %swap3A_976 = tpu.vector_load %arg20[%swap3A_974, %swap3A_975] {strides = array<i32>} : memref<80x80xf32, #tpu.memory_space<vmem>>, vector<16xf32>,
        tpu.vector_store %arg20[%swap3A_974, %swap3A_975], %mul3A_973 {strides = array<i32>} : memref<80x80xf32, #tpu.memory_space<vmem>>, vector<16xf32>,
        %get3A_977 = arith.index_cast %add3A_959 : i32 to index
        %get3A_978 = arith.constant 32 : index
        %get3A_979 = tpu.vector_load %arg19[%get3A_977, %get3A_978] {strides = array<i32>} : memref<80x64xf32, #tpu.memory_space<vmem>>, vector<16xf32>,
        %mul3A_980 = arith.mulf %get3A_979, %broadcast_in_dim3A_962 : vector<16xf32>
        %swap3A_981 = arith.index_cast %add3A_959 : i32 to index
        %swap3A_982 = arith.constant 32 : index
        %swap3A_983 = tpu.vector_load %arg20[%swap3A_981, %swap3A_982] {strides = array<i32>} : memref<80x80xf32, #tpu.memory_space<vmem>>, vector<16xf32>,
        tpu.vector_store %arg20[%swap3A_981, %swap3A_982], %mul3A_980 {strides = array<i32>} : memref<80x80xf32, #tpu.memory_space<vmem>>, vector<16xf32>,
        %get3A_984 = arith.index_cast %add3A_959 : i32 to index
        %get3A_985 = arith.constant 48 : index
        %get3A_986 = tpu.vector_load %arg19[%get3A_984, %get3A_985] {strides = array<i32>} : memref<80x64xf32, #tpu.memory_space<vmem>>, vector<16xf32>,
        %mul3A_987 = arith.mulf %get3A_986, %broadcast_in_dim3A_962 : vector<16xf32>
        %swap3A_988 = arith.index_cast %add3A_959 : i32 to index
        %swap3A_989 = arith.constant 48 : index
        %swap3A_990 = tpu.vector_load %arg20[%swap3A_988, %swap3A_989] {strides = array<i32>} : memref<80x80xf32, #tpu.memory_space<vmem>>, vector<16xf32>,
        tpu.vector_store %arg20[%swap3A_988, %swap3A_989], %mul3A_987 {strides = array<i32>} : memref<80x80xf32, #tpu.memory_space<vmem>>, vector<16xf32>,
        %jit3A_991 = arith.constant 0.000000e+00 : f32
        %broadcast_in_dim3A_992 = vector.broadcast %jit3A_991 : f32 to vector<16xf32>
        %select_n3A_993 = arith.select %eq3A_34, %broadcast_in_dim3A_962, %broadcast_in_dim3A_992 : vector<16xi1>, vector<16xf32>
        %swap3A_994 = arith.index_cast %add3A_959 : i32 to index
        %swap3A_995 = arith.constant 64 : index
        %swap3A_996 = tpu.vector_load %arg20[%swap3A_994, %swap3A_995] {strides = array<i32>} : memref<80x80xf32, #tpu.memory_space<vmem>>, vector<16xf32>,
        tpu.vector_store %arg20[%swap3A_994, %swap3A_995], %select_n3A_993 {strides = array<i32>} : memref<80x80xf32, #tpu.memory_space<vmem>>, vector<16xf32>,
        %mul3A_997 = arith.constant 16 : i32
        %mul3A_998 = arith.muli %scan3A_624, %mul3A_997 : i32
        %add3A_999 = arith.constant 9 : i32
        %add3A_1000 = arith.addi %mul3A_998, %add3A_999 : i32
        %slice3A_1001 = vector.extract_strided_slice %get3A_629 {offsets = [9], sizes = [1], strides = [1]} : vector<16xf32> to vector<1xf32>
        %squeeze3A_1002 = vector.extract %slice3A_1001[0] : f32 from vector<1xf32>
        %broadcast_in_dim3A_1003 = vector.broadcast %squeeze3A_1002 : f32 to vector<16xf32>
        %get3A_1004 = arith.index_cast %add3A_1000 : i32 to index
        %get3A_1005 = arith.constant 0 : index
        %get3A_1006 = tpu.vector_load %arg19[%get3A_1004, %get3A_1005] {strides = array<i32>} : memref<80x64xf32, #tpu.memory_space<vmem>>, vector<16xf32>,
        %mul3A_1007 = arith.mulf %get3A_1006, %broadcast_in_dim3A_1003 : vector<16xf32>
        %swap3A_1008 = arith.index_cast %add3A_1000 : i32 to index
        %swap3A_1009 = arith.constant 0 : index
        %swap3A_1010 = tpu.vector_load %arg20[%swap3A_1008, %swap3A_1009] {strides = array<i32>} : memref<80x80xf32, #tpu.memory_space<vmem>>, vector<16xf32>,
        tpu.vector_store %arg20[%swap3A_1008, %swap3A_1009], %mul3A_1007 {strides = array<i32>} : memref<80x80xf32, #tpu.memory_space<vmem>>, vector<16xf32>,
        %get3A_1011 = arith.index_cast %add3A_1000 : i32 to index
        %get3A_1012 = arith.constant 16 : index
        %get3A_1013 = tpu.vector_load %arg19[%get3A_1011, %get3A_1012] {strides = array<i32>} : memref<80x64xf32, #tpu.memory_space<vmem>>, vector<16xf32>,
        %mul3A_1014 = arith.mulf %get3A_1013, %broadcast_in_dim3A_1003 : vector<16xf32>
        %swap3A_1015 = arith.index_cast %add3A_1000 : i32 to index
        %swap3A_1016 = arith.constant 16 : index
        %swap3A_1017 = tpu.vector_load %arg20[%swap3A_1015, %swap3A_1016] {strides = array<i32>} : memref<80x80xf32, #tpu.memory_space<vmem>>, vector<16xf32>,
        tpu.vector_store %arg20[%swap3A_1015, %swap3A_1016], %mul3A_1014 {strides = array<i32>} : memref<80x80xf32, #tpu.memory_space<vmem>>, vector<16xf32>,
        %get3A_1018 = arith.index_cast %add3A_1000 : i32 to index
        %get3A_1019 = arith.constant 32 : index
        %get3A_1020 = tpu.vector_load %arg19[%get3A_1018, %get3A_1019] {strides = array<i32>} : memref<80x64xf32, #tpu.memory_space<vmem>>, vector<16xf32>,
        %mul3A_1021 = arith.mulf %get3A_1020, %broadcast_in_dim3A_1003 : vector<16xf32>
        %swap3A_1022 = arith.index_cast %add3A_1000 : i32 to index
        %swap3A_1023 = arith.constant 32 : index
        %swap3A_1024 = tpu.vector_load %arg20[%swap3A_1022, %swap3A_1023] {strides = array<i32>} : memref<80x80xf32, #tpu.memory_space<vmem>>, vector<16xf32>,
        tpu.vector_store %arg20[%swap3A_1022, %swap3A_1023], %mul3A_1021 {strides = array<i32>} : memref<80x80xf32, #tpu.memory_space<vmem>>, vector<16xf32>,
        %get3A_1025 = arith.index_cast %add3A_1000 : i32 to index
        %get3A_1026 = arith.constant 48 : index
        %get3A_1027 = tpu.vector_load %arg19[%get3A_1025, %get3A_1026] {strides = array<i32>} : memref<80x64xf32, #tpu.memory_space<vmem>>, vector<16xf32>,
        %mul3A_1028 = arith.mulf %get3A_1027, %broadcast_in_dim3A_1003 : vector<16xf32>
        %swap3A_1029 = arith.index_cast %add3A_1000 : i32 to index
        %swap3A_1030 = arith.constant 48 : index
        %swap3A_1031 = tpu.vector_load %arg20[%swap3A_1029, %swap3A_1030] {strides = array<i32>} : memref<80x80xf32, #tpu.memory_space<vmem>>, vector<16xf32>,
        tpu.vector_store %arg20[%swap3A_1029, %swap3A_1030], %mul3A_1028 {strides = array<i32>} : memref<80x80xf32, #tpu.memory_space<vmem>>, vector<16xf32>,
        %jit3A_1032 = arith.constant 0.000000e+00 : f32
        %broadcast_in_dim3A_1033 = vector.broadcast %jit3A_1032 : f32 to vector<16xf32>
        %select_n3A_1034 = arith.select %eq3A_34, %broadcast_in_dim3A_1003, %broadcast_in_dim3A_1033 : vector<16xi1>, vector<16xf32>
        %swap3A_1035 = arith.index_cast %add3A_1000 : i32 to index
        %swap3A_1036 = arith.constant 64 : index
        %swap3A_1037 = tpu.vector_load %arg20[%swap3A_1035, %swap3A_1036] {strides = array<i32>} : memref<80x80xf32, #tpu.memory_space<vmem>>, vector<16xf32>,
        tpu.vector_store %arg20[%swap3A_1035, %swap3A_1036], %select_n3A_1034 {strides = array<i32>} : memref<80x80xf32, #tpu.memory_space<vmem>>, vector<16xf32>,
        %mul3A_1038 = arith.constant 16 : i32
        %mul3A_1039 = arith.muli %scan3A_624, %mul3A_1038 : i32
        %add3A_1040 = arith.constant 10 : i32
        %add3A_1041 = arith.addi %mul3A_1039, %add3A_1040 : i32
        %slice3A_1042 = vector.extract_strided_slice %get3A_629 {offsets = [10], sizes = [1], strides = [1]} : vector<16xf32> to vector<1xf32>
        %squeeze3A_1043 = vector.extract %slice3A_1042[0] : f32 from vector<1xf32>
        %broadcast_in_dim3A_1044 = vector.broadcast %squeeze3A_1043 : f32 to vector<16xf32>
        %get3A_1045 = arith.index_cast %add3A_1041 : i32 to index
        %get3A_1046 = arith.constant 0 : index
        %get3A_1047 = tpu.vector_load %arg19[%get3A_1045, %get3A_1046] {strides = array<i32>} : memref<80x64xf32, #tpu.memory_space<vmem>>, vector<16xf32>,
        %mul3A_1048 = arith.mulf %get3A_1047, %broadcast_in_dim3A_1044 : vector<16xf32>
        %swap3A_1049 = arith.index_cast %add3A_1041 : i32 to index
        %swap3A_1050 = arith.constant 0 : index
        %swap3A_1051 = tpu.vector_load %arg20[%swap3A_1049, %swap3A_1050] {strides = array<i32>} : memref<80x80xf32, #tpu.memory_space<vmem>>, vector<16xf32>,
        tpu.vector_store %arg20[%swap3A_1049, %swap3A_1050], %mul3A_1048 {strides = array<i32>} : memref<80x80xf32, #tpu.memory_space<vmem>>, vector<16xf32>,
        %get3A_1052 = arith.index_cast %add3A_1041 : i32 to index
        %get3A_1053 = arith.constant 16 : index
        %get3A_1054 = tpu.vector_load %arg19[%get3A_1052, %get3A_1053] {strides = array<i32>} : memref<80x64xf32, #tpu.memory_space<vmem>>, vector<16xf32>,
        %mul3A_1055 = arith.mulf %get3A_1054, %broadcast_in_dim3A_1044 : vector<16xf32>
        %swap3A_1056 = arith.index_cast %add3A_1041 : i32 to index
        %swap3A_1057 = arith.constant 16 : index
        %swap3A_1058 = tpu.vector_load %arg20[%swap3A_1056, %swap3A_1057] {strides = array<i32>} : memref<80x80xf32, #tpu.memory_space<vmem>>, vector<16xf32>,
        tpu.vector_store %arg20[%swap3A_1056, %swap3A_1057], %mul3A_1055 {strides = array<i32>} : memref<80x80xf32, #tpu.memory_space<vmem>>, vector<16xf32>,
        %get3A_1059 = arith.index_cast %add3A_1041 : i32 to index
        %get3A_1060 = arith.constant 32 : index
        %get3A_1061 = tpu.vector_load %arg19[%get3A_1059, %get3A_1060] {strides = array<i32>} : memref<80x64xf32, #tpu.memory_space<vmem>>, vector<16xf32>,
        %mul3A_1062 = arith.mulf %get3A_1061, %broadcast_in_dim3A_1044 : vector<16xf32>
        %swap3A_1063 = arith.index_cast %add3A_1041 : i32 to index
        %swap3A_1064 = arith.constant 32 : index
        %swap3A_1065 = tpu.vector_load %arg20[%swap3A_1063, %swap3A_1064] {strides = array<i32>} : memref<80x80xf32, #tpu.memory_space<vmem>>, vector<16xf32>,
        tpu.vector_store %arg20[%swap3A_1063, %swap3A_1064], %mul3A_1062 {strides = array<i32>} : memref<80x80xf32, #tpu.memory_space<vmem>>, vector<16xf32>,
        %get3A_1066 = arith.index_cast %add3A_1041 : i32 to index
        %get3A_1067 = arith.constant 48 : index
        %get3A_1068 = tpu.vector_load %arg19[%get3A_1066, %get3A_1067] {strides = array<i32>} : memref<80x64xf32, #tpu.memory_space<vmem>>, vector<16xf32>,
        %mul3A_1069 = arith.mulf %get3A_1068, %broadcast_in_dim3A_1044 : vector<16xf32>
        %swap3A_1070 = arith.index_cast %add3A_1041 : i32 to index
        %swap3A_1071 = arith.constant 48 : index
        %swap3A_1072 = tpu.vector_load %arg20[%swap3A_1070, %swap3A_1071] {strides = array<i32>} : memref<80x80xf32, #tpu.memory_space<vmem>>, vector<16xf32>,
        tpu.vector_store %arg20[%swap3A_1070, %swap3A_1071], %mul3A_1069 {strides = array<i32>} : memref<80x80xf32, #tpu.memory_space<vmem>>, vector<16xf32>,
        %jit3A_1073 = arith.constant 0.000000e+00 : f32
        %broadcast_in_dim3A_1074 = vector.broadcast %jit3A_1073 : f32 to vector<16xf32>
        %select_n3A_1075 = arith.select %eq3A_34, %broadcast_in_dim3A_1044, %broadcast_in_dim3A_1074 : vector<16xi1>, vector<16xf32>
        %swap3A_1076 = arith.index_cast %add3A_1041 : i32 to index
        %swap3A_1077 = arith.constant 64 : index
        %swap3A_1078 = tpu.vector_load %arg20[%swap3A_1076, %swap3A_1077] {strides = array<i32>} : memref<80x80xf32, #tpu.memory_space<vmem>>, vector<16xf32>,
        tpu.vector_store %arg20[%swap3A_1076, %swap3A_1077], %select_n3A_1075 {strides = array<i32>} : memref<80x80xf32, #tpu.memory_space<vmem>>, vector<16xf32>,
        %mul3A_1079 = arith.constant 16 : i32
        %mul3A_1080 = arith.muli %scan3A_624, %mul3A_1079 : i32
        %add3A_1081 = arith.constant 11 : i32
        %add3A_1082 = arith.addi %mul3A_1080, %add3A_1081 : i32
        %slice3A_1083 = vector.extract_strided_slice %get3A_629 {offsets = [11], sizes = [1], strides = [1]} : vector<16xf32> to vector<1xf32>
        %squeeze3A_1084 = vector.extract %slice3A_1083[0] : f32 from vector<1xf32>
        %broadcast_in_dim3A_1085 = vector.broadcast %squeeze3A_1084 : f32 to vector<16xf32>
        %get3A_1086 = arith.index_cast %add3A_1082 : i32 to index
        %get3A_1087 = arith.constant 0 : index
        %get3A_1088 = tpu.vector_load %arg19[%get3A_1086, %get3A_1087] {strides = array<i32>} : memref<80x64xf32, #tpu.memory_space<vmem>>, vector<16xf32>,
        %mul3A_1089 = arith.mulf %get3A_1088, %broadcast_in_dim3A_1085 : vector<16xf32>
        %swap3A_1090 = arith.index_cast %add3A_1082 : i32 to index
        %swap3A_1091 = arith.constant 0 : index
        %swap3A_1092 = tpu.vector_load %arg20[%swap3A_1090, %swap3A_1091] {strides = array<i32>} : memref<80x80xf32, #tpu.memory_space<vmem>>, vector<16xf32>,
        tpu.vector_store %arg20[%swap3A_1090, %swap3A_1091], %mul3A_1089 {strides = array<i32>} : memref<80x80xf32, #tpu.memory_space<vmem>>, vector<16xf32>,
        %get3A_1093 = arith.index_cast %add3A_1082 : i32 to index
        %get3A_1094 = arith.constant 16 : index
        %get3A_1095 = tpu.vector_load %arg19[%get3A_1093, %get3A_1094] {strides = array<i32>} : memref<80x64xf32, #tpu.memory_space<vmem>>, vector<16xf32>,
        %mul3A_1096 = arith.mulf %get3A_1095, %broadcast_in_dim3A_1085 : vector<16xf32>
        %swap3A_1097 = arith.index_cast %add3A_1082 : i32 to index
        %swap3A_1098 = arith.constant 16 : index
        %swap3A_1099 = tpu.vector_load %arg20[%swap3A_1097, %swap3A_1098] {strides = array<i32>} : memref<80x80xf32, #tpu.memory_space<vmem>>, vector<16xf32>,
        tpu.vector_store %arg20[%swap3A_1097, %swap3A_1098], %mul3A_1096 {strides = array<i32>} : memref<80x80xf32, #tpu.memory_space<vmem>>, vector<16xf32>,
        %get3A_1100 = arith.index_cast %add3A_1082 : i32 to index
        %get3A_1101 = arith.constant 32 : index
        %get3A_1102 = tpu.vector_load %arg19[%get3A_1100, %get3A_1101] {strides = array<i32>} : memref<80x64xf32, #tpu.memory_space<vmem>>, vector<16xf32>,
        %mul3A_1103 = arith.mulf %get3A_1102, %broadcast_in_dim3A_1085 : vector<16xf32>
        %swap3A_1104 = arith.index_cast %add3A_1082 : i32 to index
        %swap3A_1105 = arith.constant 32 : index
        %swap3A_1106 = tpu.vector_load %arg20[%swap3A_1104, %swap3A_1105] {strides = array<i32>} : memref<80x80xf32, #tpu.memory_space<vmem>>, vector<16xf32>,
        tpu.vector_store %arg20[%swap3A_1104, %swap3A_1105], %mul3A_1103 {strides = array<i32>} : memref<80x80xf32, #tpu.memory_space<vmem>>, vector<16xf32>,
        %get3A_1107 = arith.index_cast %add3A_1082 : i32 to index
        %get3A_1108 = arith.constant 48 : index
        %get3A_1109 = tpu.vector_load %arg19[%get3A_1107, %get3A_1108] {strides = array<i32>} : memref<80x64xf32, #tpu.memory_space<vmem>>, vector<16xf32>,
        %mul3A_1110 = arith.mulf %get3A_1109, %broadcast_in_dim3A_1085 : vector<16xf32>
        %swap3A_1111 = arith.index_cast %add3A_1082 : i32 to index
        %swap3A_1112 = arith.constant 48 : index
        %swap3A_1113 = tpu.vector_load %arg20[%swap3A_1111, %swap3A_1112] {strides = array<i32>} : memref<80x80xf32, #tpu.memory_space<vmem>>, vector<16xf32>,
        tpu.vector_store %arg20[%swap3A_1111, %swap3A_1112], %mul3A_1110 {strides = array<i32>} : memref<80x80xf32, #tpu.memory_space<vmem>>, vector<16xf32>,
        %jit3A_1114 = arith.constant 0.000000e+00 : f32
        %broadcast_in_dim3A_1115 = vector.broadcast %jit3A_1114 : f32 to vector<16xf32>
        %select_n3A_1116 = arith.select %eq3A_34, %broadcast_in_dim3A_1085, %broadcast_in_dim3A_1115 : vector<16xi1>, vector<16xf32>
        %swap3A_1117 = arith.index_cast %add3A_1082 : i32 to index
        %swap3A_1118 = arith.constant 64 : index
        %swap3A_1119 = tpu.vector_load %arg20[%swap3A_1117, %swap3A_1118] {strides = array<i32>} : memref<80x80xf32, #tpu.memory_space<vmem>>, vector<16xf32>,
        tpu.vector_store %arg20[%swap3A_1117, %swap3A_1118], %select_n3A_1116 {strides = array<i32>} : memref<80x80xf32, #tpu.memory_space<vmem>>, vector<16xf32>,
        %mul3A_1120 = arith.constant 16 : i32
        %mul3A_1121 = arith.muli %scan3A_624, %mul3A_1120 : i32
        %add3A_1122 = arith.constant 12 : i32
        %add3A_1123 = arith.addi %mul3A_1121, %add3A_1122 : i32
        %slice3A_1124 = vector.extract_strided_slice %get3A_629 {offsets = [12], sizes = [1], strides = [1]} : vector<16xf32> to vector<1xf32>
        %squeeze3A_1125 = vector.extract %slice3A_1124[0] : f32 from vector<1xf32>
        %broadcast_in_dim3A_1126 = vector.broadcast %squeeze3A_1125 : f32 to vector<16xf32>
        %get3A_1127 = arith.index_cast %add3A_1123 : i32 to index
        %get3A_1128 = arith.constant 0 : index
        %get3A_1129 = tpu.vector_load %arg19[%get3A_1127, %get3A_1128] {strides = array<i32>} : memref<80x64xf32, #tpu.memory_space<vmem>>, vector<16xf32>,
        %mul3A_1130 = arith.mulf %get3A_1129, %broadcast_in_dim3A_1126 : vector<16xf32>
        %swap3A_1131 = arith.index_cast %add3A_1123 : i32 to index
        %swap3A_1132 = arith.constant 0 : index
        %swap3A_1133 = tpu.vector_load %arg20[%swap3A_1131, %swap3A_1132] {strides = array<i32>} : memref<80x80xf32, #tpu.memory_space<vmem>>, vector<16xf32>,
        tpu.vector_store %arg20[%swap3A_1131, %swap3A_1132], %mul3A_1130 {strides = array<i32>} : memref<80x80xf32, #tpu.memory_space<vmem>>, vector<16xf32>,
        %get3A_1134 = arith.index_cast %add3A_1123 : i32 to index
        %get3A_1135 = arith.constant 16 : index
        %get3A_1136 = tpu.vector_load %arg19[%get3A_1134, %get3A_1135] {strides = array<i32>} : memref<80x64xf32, #tpu.memory_space<vmem>>, vector<16xf32>,
        %mul3A_1137 = arith.mulf %get3A_1136, %broadcast_in_dim3A_1126 : vector<16xf32>
        %swap3A_1138 = arith.index_cast %add3A_1123 : i32 to index
        %swap3A_1139 = arith.constant 16 : index
        %swap3A_1140 = tpu.vector_load %arg20[%swap3A_1138, %swap3A_1139] {strides = array<i32>} : memref<80x80xf32, #tpu.memory_space<vmem>>, vector<16xf32>,
        tpu.vector_store %arg20[%swap3A_1138, %swap3A_1139], %mul3A_1137 {strides = array<i32>} : memref<80x80xf32, #tpu.memory_space<vmem>>, vector<16xf32>,
        %get3A_1141 = arith.index_cast %add3A_1123 : i32 to index
        %get3A_1142 = arith.constant 32 : index
        %get3A_1143 = tpu.vector_load %arg19[%get3A_1141, %get3A_1142] {strides = array<i32>} : memref<80x64xf32, #tpu.memory_space<vmem>>, vector<16xf32>,
        %mul3A_1144 = arith.mulf %get3A_1143, %broadcast_in_dim3A_1126 : vector<16xf32>
        %swap3A_1145 = arith.index_cast %add3A_1123 : i32 to index
        %swap3A_1146 = arith.constant 32 : index
        %swap3A_1147 = tpu.vector_load %arg20[%swap3A_1145, %swap3A_1146] {strides = array<i32>} : memref<80x80xf32, #tpu.memory_space<vmem>>, vector<16xf32>,
        tpu.vector_store %arg20[%swap3A_1145, %swap3A_1146], %mul3A_1144 {strides = array<i32>} : memref<80x80xf32, #tpu.memory_space<vmem>>, vector<16xf32>,
        %get3A_1148 = arith.index_cast %add3A_1123 : i32 to index
        %get3A_1149 = arith.constant 48 : index
        %get3A_1150 = tpu.vector_load %arg19[%get3A_1148, %get3A_1149] {strides = array<i32>} : memref<80x64xf32, #tpu.memory_space<vmem>>, vector<16xf32>,
        %mul3A_1151 = arith.mulf %get3A_1150, %broadcast_in_dim3A_1126 : vector<16xf32>
        %swap3A_1152 = arith.index_cast %add3A_1123 : i32 to index
        %swap3A_1153 = arith.constant 48 : index
        %swap3A_1154 = tpu.vector_load %arg20[%swap3A_1152, %swap3A_1153] {strides = array<i32>} : memref<80x80xf32, #tpu.memory_space<vmem>>, vector<16xf32>,
        tpu.vector_store %arg20[%swap3A_1152, %swap3A_1153], %mul3A_1151 {strides = array<i32>} : memref<80x80xf32, #tpu.memory_space<vmem>>, vector<16xf32>,
        %jit3A_1155 = arith.constant 0.000000e+00 : f32
        %broadcast_in_dim3A_1156 = vector.broadcast %jit3A_1155 : f32 to vector<16xf32>
        %select_n3A_1157 = arith.select %eq3A_34, %broadcast_in_dim3A_1126, %broadcast_in_dim3A_1156 : vector<16xi1>, vector<16xf32>
        %swap3A_1158 = arith.index_cast %add3A_1123 : i32 to index
        %swap3A_1159 = arith.constant 64 : index
        %swap3A_1160 = tpu.vector_load %arg20[%swap3A_1158, %swap3A_1159] {strides = array<i32>} : memref<80x80xf32, #tpu.memory_space<vmem>>, vector<16xf32>,
        tpu.vector_store %arg20[%swap3A_1158, %swap3A_1159], %select_n3A_1157 {strides = array<i32>} : memref<80x80xf32, #tpu.memory_space<vmem>>, vector<16xf32>,
        %mul3A_1161 = arith.constant 16 : i32
        %mul3A_1162 = arith.muli %scan3A_624, %mul3A_1161 : i32
        %add3A_1163 = arith.constant 13 : i32
        %add3A_1164 = arith.addi %mul3A_1162, %add3A_1163 : i32
        %slice3A_1165 = vector.extract_strided_slice %get3A_629 {offsets = [13], sizes = [1], strides = [1]} : vector<16xf32> to vector<1xf32>
        %squeeze3A_1166 = vector.extract %slice3A_1165[0] : f32 from vector<1xf32>
        %broadcast_in_dim3A_1167 = vector.broadcast %squeeze3A_1166 : f32 to vector<16xf32>
        %get3A_1168 = arith.index_cast %add3A_1164 : i32 to index
        %get3A_1169 = arith.constant 0 : index
        %get3A_1170 = tpu.vector_load %arg19[%get3A_1168, %get3A_1169] {strides = array<i32>} : memref<80x64xf32, #tpu.memory_space<vmem>>, vector<16xf32>,
        %mul3A_1171 = arith.mulf %get3A_1170, %broadcast_in_dim3A_1167 : vector<16xf32>
        %swap3A_1172 = arith.index_cast %add3A_1164 : i32 to index
        %swap3A_1173 = arith.constant 0 : index
        %swap3A_1174 = tpu.vector_load %arg20[%swap3A_1172, %swap3A_1173] {strides = array<i32>} : memref<80x80xf32, #tpu.memory_space<vmem>>, vector<16xf32>,
        tpu.vector_store %arg20[%swap3A_1172, %swap3A_1173], %mul3A_1171 {strides = array<i32>} : memref<80x80xf32, #tpu.memory_space<vmem>>, vector<16xf32>,
        %get3A_1175 = arith.index_cast %add3A_1164 : i32 to index
        %get3A_1176 = arith.constant 16 : index
        %get3A_1177 = tpu.vector_load %arg19[%get3A_1175, %get3A_1176] {strides = array<i32>} : memref<80x64xf32, #tpu.memory_space<vmem>>, vector<16xf32>,
        %mul3A_1178 = arith.mulf %get3A_1177, %broadcast_in_dim3A_1167 : vector<16xf32>
        %swap3A_1179 = arith.index_cast %add3A_1164 : i32 to index
        %swap3A_1180 = arith.constant 16 : index
        %swap3A_1181 = tpu.vector_load %arg20[%swap3A_1179, %swap3A_1180] {strides = array<i32>} : memref<80x80xf32, #tpu.memory_space<vmem>>, vector<16xf32>,
        tpu.vector_store %arg20[%swap3A_1179, %swap3A_1180], %mul3A_1178 {strides = array<i32>} : memref<80x80xf32, #tpu.memory_space<vmem>>, vector<16xf32>,
        %get3A_1182 = arith.index_cast %add3A_1164 : i32 to index
        %get3A_1183 = arith.constant 32 : index
        %get3A_1184 = tpu.vector_load %arg19[%get3A_1182, %get3A_1183] {strides = array<i32>} : memref<80x64xf32, #tpu.memory_space<vmem>>, vector<16xf32>,
        %mul3A_1185 = arith.mulf %get3A_1184, %broadcast_in_dim3A_1167 : vector<16xf32>
        %swap3A_1186 = arith.index_cast %add3A_1164 : i32 to index
        %swap3A_1187 = arith.constant 32 : index
        %swap3A_1188 = tpu.vector_load %arg20[%swap3A_1186, %swap3A_1187] {strides = array<i32>} : memref<80x80xf32, #tpu.memory_space<vmem>>, vector<16xf32>,
        tpu.vector_store %arg20[%swap3A_1186, %swap3A_1187], %mul3A_1185 {strides = array<i32>} : memref<80x80xf32, #tpu.memory_space<vmem>>, vector<16xf32>,
        %get3A_1189 = arith.index_cast %add3A_1164 : i32 to index
        %get3A_1190 = arith.constant 48 : index
        %get3A_1191 = tpu.vector_load %arg19[%get3A_1189, %get3A_1190] {strides = array<i32>} : memref<80x64xf32, #tpu.memory_space<vmem>>, vector<16xf32>,
        %mul3A_1192 = arith.mulf %get3A_1191, %broadcast_in_dim3A_1167 : vector<16xf32>
        %swap3A_1193 = arith.index_cast %add3A_1164 : i32 to index
        %swap3A_1194 = arith.constant 48 : index
        %swap3A_1195 = tpu.vector_load %arg20[%swap3A_1193, %swap3A_1194] {strides = array<i32>} : memref<80x80xf32, #tpu.memory_space<vmem>>, vector<16xf32>,
        tpu.vector_store %arg20[%swap3A_1193, %swap3A_1194], %mul3A_1192 {strides = array<i32>} : memref<80x80xf32, #tpu.memory_space<vmem>>, vector<16xf32>,
        %jit3A_1196 = arith.constant 0.000000e+00 : f32
        %broadcast_in_dim3A_1197 = vector.broadcast %jit3A_1196 : f32 to vector<16xf32>
        %select_n3A_1198 = arith.select %eq3A_34, %broadcast_in_dim3A_1167, %broadcast_in_dim3A_1197 : vector<16xi1>, vector<16xf32>
        %swap3A_1199 = arith.index_cast %add3A_1164 : i32 to index
        %swap3A_1200 = arith.constant 64 : index
        %swap3A_1201 = tpu.vector_load %arg20[%swap3A_1199, %swap3A_1200] {strides = array<i32>} : memref<80x80xf32, #tpu.memory_space<vmem>>, vector<16xf32>,
        tpu.vector_store %arg20[%swap3A_1199, %swap3A_1200], %select_n3A_1198 {strides = array<i32>} : memref<80x80xf32, #tpu.memory_space<vmem>>, vector<16xf32>,
        %mul3A_1202 = arith.constant 16 : i32
        %mul3A_1203 = arith.muli %scan3A_624, %mul3A_1202 : i32
        %add3A_1204 = arith.constant 14 : i32
        %add3A_1205 = arith.addi %mul3A_1203, %add3A_1204 : i32
        %slice3A_1206 = vector.extract_strided_slice %get3A_629 {offsets = [14], sizes = [1], strides = [1]} : vector<16xf32> to vector<1xf32>
        %squeeze3A_1207 = vector.extract %slice3A_1206[0] : f32 from vector<1xf32>
        %broadcast_in_dim3A_1208 = vector.broadcast %squeeze3A_1207 : f32 to vector<16xf32>
        %get3A_1209 = arith.index_cast %add3A_1205 : i32 to index
        %get3A_1210 = arith.constant 0 : index
        %get3A_1211 = tpu.vector_load %arg19[%get3A_1209, %get3A_1210] {strides = array<i32>} : memref<80x64xf32, #tpu.memory_space<vmem>>, vector<16xf32>,
        %mul3A_1212 = arith.mulf %get3A_1211, %broadcast_in_dim3A_1208 : vector<16xf32>
        %swap3A_1213 = arith.index_cast %add3A_1205 : i32 to index
        %swap3A_1214 = arith.constant 0 : index
        %swap3A_1215 = tpu.vector_load %arg20[%swap3A_1213, %swap3A_1214] {strides = array<i32>} : memref<80x80xf32, #tpu.memory_space<vmem>>, vector<16xf32>,
        tpu.vector_store %arg20[%swap3A_1213, %swap3A_1214], %mul3A_1212 {strides = array<i32>} : memref<80x80xf32, #tpu.memory_space<vmem>>, vector<16xf32>,
        %get3A_1216 = arith.index_cast %add3A_1205 : i32 to index
        %get3A_1217 = arith.constant 16 : index
        %get3A_1218 = tpu.vector_load %arg19[%get3A_1216, %get3A_1217] {strides = array<i32>} : memref<80x64xf32, #tpu.memory_space<vmem>>, vector<16xf32>,
        %mul3A_1219 = arith.mulf %get3A_1218, %broadcast_in_dim3A_1208 : vector<16xf32>
        %swap3A_1220 = arith.index_cast %add3A_1205 : i32 to index
        %swap3A_1221 = arith.constant 16 : index
        %swap3A_1222 = tpu.vector_load %arg20[%swap3A_1220, %swap3A_1221] {strides = array<i32>} : memref<80x80xf32, #tpu.memory_space<vmem>>, vector<16xf32>,
        tpu.vector_store %arg20[%swap3A_1220, %swap3A_1221], %mul3A_1219 {strides = array<i32>} : memref<80x80xf32, #tpu.memory_space<vmem>>, vector<16xf32>,
        %get3A_1223 = arith.index_cast %add3A_1205 : i32 to index
        %get3A_1224 = arith.constant 32 : index
        %get3A_1225 = tpu.vector_load %arg19[%get3A_1223, %get3A_1224] {strides = array<i32>} : memref<80x64xf32, #tpu.memory_space<vmem>>, vector<16xf32>,
        %mul3A_1226 = arith.mulf %get3A_1225, %broadcast_in_dim3A_1208 : vector<16xf32>
        %swap3A_1227 = arith.index_cast %add3A_1205 : i32 to index
        %swap3A_1228 = arith.constant 32 : index
        %swap3A_1229 = tpu.vector_load %arg20[%swap3A_1227, %swap3A_1228] {strides = array<i32>} : memref<80x80xf32, #tpu.memory_space<vmem>>, vector<16xf32>,
        tpu.vector_store %arg20[%swap3A_1227, %swap3A_1228], %mul3A_1226 {strides = array<i32>} : memref<80x80xf32, #tpu.memory_space<vmem>>, vector<16xf32>,
        %get3A_1230 = arith.index_cast %add3A_1205 : i32 to index
        %get3A_1231 = arith.constant 48 : index
        %get3A_1232 = tpu.vector_load %arg19[%get3A_1230, %get3A_1231] {strides = array<i32>} : memref<80x64xf32, #tpu.memory_space<vmem>>, vector<16xf32>,
        %mul3A_1233 = arith.mulf %get3A_1232, %broadcast_in_dim3A_1208 : vector<16xf32>
        %swap3A_1234 = arith.index_cast %add3A_1205 : i32 to index
        %swap3A_1235 = arith.constant 48 : index
        %swap3A_1236 = tpu.vector_load %arg20[%swap3A_1234, %swap3A_1235] {strides = array<i32>} : memref<80x80xf32, #tpu.memory_space<vmem>>, vector<16xf32>,
        tpu.vector_store %arg20[%swap3A_1234, %swap3A_1235], %mul3A_1233 {strides = array<i32>} : memref<80x80xf32, #tpu.memory_space<vmem>>, vector<16xf32>,
        %jit3A_1237 = arith.constant 0.000000e+00 : f32
        %broadcast_in_dim3A_1238 = vector.broadcast %jit3A_1237 : f32 to vector<16xf32>
        %select_n3A_1239 = arith.select %eq3A_34, %broadcast_in_dim3A_1208, %broadcast_in_dim3A_1238 : vector<16xi1>, vector<16xf32>
        %swap3A_1240 = arith.index_cast %add3A_1205 : i32 to index
        %swap3A_1241 = arith.constant 64 : index
        %swap3A_1242 = tpu.vector_load %arg20[%swap3A_1240, %swap3A_1241] {strides = array<i32>} : memref<80x80xf32, #tpu.memory_space<vmem>>, vector<16xf32>,
        tpu.vector_store %arg20[%swap3A_1240, %swap3A_1241], %select_n3A_1239 {strides = array<i32>} : memref<80x80xf32, #tpu.memory_space<vmem>>, vector<16xf32>,
        %mul3A_1243 = arith.constant 16 : i32
        %mul3A_1244 = arith.muli %scan3A_624, %mul3A_1243 : i32
        %add3A_1245 = arith.constant 15 : i32
        %add3A_1246 = arith.addi %mul3A_1244, %add3A_1245 : i32
        %slice3A_1247 = vector.extract_strided_slice %get3A_629 {offsets = [15], sizes = [1], strides = [1]} : vector<16xf32> to vector<1xf32>
        %squeeze3A_1248 = vector.extract %slice3A_1247[0] : f32 from vector<1xf32>
        %broadcast_in_dim3A_1249 = vector.broadcast %squeeze3A_1248 : f32 to vector<16xf32>
        %get3A_1250 = arith.index_cast %add3A_1246 : i32 to index
        %get3A_1251 = arith.constant 0 : index
        %get3A_1252 = tpu.vector_load %arg19[%get3A_1250, %get3A_1251] {strides = array<i32>} : memref<80x64xf32, #tpu.memory_space<vmem>>, vector<16xf32>,
        %mul3A_1253 = arith.mulf %get3A_1252, %broadcast_in_dim3A_1249 : vector<16xf32>
        %swap3A_1254 = arith.index_cast %add3A_1246 : i32 to index
        %swap3A_1255 = arith.constant 0 : index
        %swap3A_1256 = tpu.vector_load %arg20[%swap3A_1254, %swap3A_1255] {strides = array<i32>} : memref<80x80xf32, #tpu.memory_space<vmem>>, vector<16xf32>,
        tpu.vector_store %arg20[%swap3A_1254, %swap3A_1255], %mul3A_1253 {strides = array<i32>} : memref<80x80xf32, #tpu.memory_space<vmem>>, vector<16xf32>,
        %get3A_1257 = arith.index_cast %add3A_1246 : i32 to index
        %get3A_1258 = arith.constant 16 : index
        %get3A_1259 = tpu.vector_load %arg19[%get3A_1257, %get3A_1258] {strides = array<i32>} : memref<80x64xf32, #tpu.memory_space<vmem>>, vector<16xf32>,
        %mul3A_1260 = arith.mulf %get3A_1259, %broadcast_in_dim3A_1249 : vector<16xf32>
        %swap3A_1261 = arith.index_cast %add3A_1246 : i32 to index
        %swap3A_1262 = arith.constant 16 : index
        %swap3A_1263 = tpu.vector_load %arg20[%swap3A_1261, %swap3A_1262] {strides = array<i32>} : memref<80x80xf32, #tpu.memory_space<vmem>>, vector<16xf32>,
        tpu.vector_store %arg20[%swap3A_1261, %swap3A_1262], %mul3A_1260 {strides = array<i32>} : memref<80x80xf32, #tpu.memory_space<vmem>>, vector<16xf32>,
        %get3A_1264 = arith.index_cast %add3A_1246 : i32 to index
        %get3A_1265 = arith.constant 32 : index
        %get3A_1266 = tpu.vector_load %arg19[%get3A_1264, %get3A_1265] {strides = array<i32>} : memref<80x64xf32, #tpu.memory_space<vmem>>, vector<16xf32>,
        %mul3A_1267 = arith.mulf %get3A_1266, %broadcast_in_dim3A_1249 : vector<16xf32>
        %swap3A_1268 = arith.index_cast %add3A_1246 : i32 to index
        %swap3A_1269 = arith.constant 32 : index
        %swap3A_1270 = tpu.vector_load %arg20[%swap3A_1268, %swap3A_1269] {strides = array<i32>} : memref<80x80xf32, #tpu.memory_space<vmem>>, vector<16xf32>,
        tpu.vector_store %arg20[%swap3A_1268, %swap3A_1269], %mul3A_1267 {strides = array<i32>} : memref<80x80xf32, #tpu.memory_space<vmem>>, vector<16xf32>,
        %get3A_1271 = arith.index_cast %add3A_1246 : i32 to index
        %get3A_1272 = arith.constant 48 : index
        %get3A_1273 = tpu.vector_load %arg19[%get3A_1271, %get3A_1272] {strides = array<i32>} : memref<80x64xf32, #tpu.memory_space<vmem>>, vector<16xf32>,
        %mul3A_1274 = arith.mulf %get3A_1273, %broadcast_in_dim3A_1249 : vector<16xf32>
        %swap3A_1275 = arith.index_cast %add3A_1246 : i32 to index
        %swap3A_1276 = arith.constant 48 : index
        %swap3A_1277 = tpu.vector_load %arg20[%swap3A_1275, %swap3A_1276] {strides = array<i32>} : memref<80x80xf32, #tpu.memory_space<vmem>>, vector<16xf32>,
        tpu.vector_store %arg20[%swap3A_1275, %swap3A_1276], %mul3A_1274 {strides = array<i32>} : memref<80x80xf32, #tpu.memory_space<vmem>>, vector<16xf32>,
        %jit3A_1278 = arith.constant 0.000000e+00 : f32
        %broadcast_in_dim3A_1279 = vector.broadcast %jit3A_1278 : f32 to vector<16xf32>
        %select_n3A_1280 = arith.select %eq3A_34, %broadcast_in_dim3A_1249, %broadcast_in_dim3A_1279 : vector<16xi1>, vector<16xf32>
        %swap3A_1281 = arith.index_cast %add3A_1246 : i32 to index
        %swap3A_1282 = arith.constant 64 : index
        %swap3A_1283 = tpu.vector_load %arg20[%swap3A_1281, %swap3A_1282] {strides = array<i32>} : memref<80x80xf32, #tpu.memory_space<vmem>>, vector<16xf32>,
        tpu.vector_store %arg20[%swap3A_1281, %swap3A_1282], %select_n3A_1280 {strides = array<i32>} : memref<80x80xf32, #tpu.memory_space<vmem>>, vector<16xf32>,
        %scan3A_1284 = arith.constant 0 : i32
        scf.yield %scan3A_1284 : i32
      }
      %scan3A_443 = arith.constant 5 : i32
      %dma_start3A_444 = arith.constant 0 : i32
      %dma_start3A_445 = tpu.memref_slice %arg14[%mul3A_280, %dma_start3A_444] : memref<125x80xi32, #tpu.memory_space<vmem>> -> memref<1x80xi32, #tpu.memory_space<vmem>>
      %dma_start3A_446 = tpu.memref_squeeze %dma_start3A_445 : memref<1x80xi32, #tpu.memory_space<vmem>> -> memref<80xi32, #tpu.memory_space<vmem>>
      %dma_start3A_447 = arith.constant 0 : i32
      %dma_start3A_448 = arith.constant 0 : i32
      %dma_start3A_449 = tpu.memref_slice %arg36[%dma_start3A_447, %dma_start3A_448] : memref<10000x80xf32, #tpu.memory_space<vmem_shared>> -> memref<10000x80xf32, #tpu.memory_space<vmem_shared>>
      tpu.enqueue_indirect_dma source(%arg20 : memref<80x80xf32, #tpu.memory_space<vmem>>) target(%dma_start3A_449 : memref<10000x80xf32, #tpu.memory_space<vmem_shared>>) offsets(%dma_start3A_446 : memref<80xi32, #tpu.memory_space<vmem>>) semaphore(%arg34 : memref<!tpu.dma_semaphore, #tpu.memory_space<semaphore_mem>>) {add = true}
      %mul3A_450 = arith.constant 2 : i32
      %mul3A_451 = arith.muli %mul3A_450, %scan3A_277 : i32
      %add3A_452 = arith.constant 1 : i32
      %add3A_453 = arith.addi %mul3A_451, %add3A_452 : i32
      %mul3A_454 = arith.constant 80 : i32
      %mul3A_455 = arith.muli %add3A_453, %mul3A_454 : i32
      %add3A_456 = arith.addi %mul3A_4, %mul3A_455 : i32
      %gt3A_457 = arith.constant 0 : i32
      %gt3A_458 = arith.cmpi sgt, %add3A_453, %gt3A_457 : i32
      %convert_element_type3A_459 = arith.extui %gt3A_458 : i1 to i32
      %cond3A_460 = arith.constant 0 : i32
      %cond3A_461 = arith.cmpi ne, %convert_element_type3A_459, %cond3A_460 : i32
      scf.if %cond3A_461 {
        %dma_wait3A_624 = arith.constant 0 : i32
        %dma_wait3A_625 = arith.constant 0 : i32
        %dma_wait3A_626 = tpu.memref_slice %arg11[%dma_wait3A_624, %dma_wait3A_625] : memref<160000x128xf32, #tpu.memory_space<hbm>> -> memref<80x64xf32, #tpu.memory_space<hbm>>
        %dma_wait3A_627 = arith.constant 0 : i32
        %dma_wait3A_628 = arith.constant 0 : i32
        %dma_wait3A_629 = tpu.memref_slice %arg11[%dma_wait3A_627, %dma_wait3A_628] : memref<160000x128xf32, #tpu.memory_space<hbm>> -> memref<80x64xf32, #tpu.memory_space<hbm>>
        tpu.wait_dma2 semaphore(%arg34 : memref<!tpu.dma_semaphore, #tpu.memory_space<semaphore_mem>>) src(%arg18 : memref<80x64xf32, #tpu.memory_space<vmem>>) dst(%dma_wait3A_629 : memref<80x64xf32, #tpu.memory_space<hbm>>)
        %dma_wait3A_630 = arith.constant 0 : i32
        %dma_wait3A_631 = arith.constant 0 : i32
        %dma_wait3A_632 = tpu.memref_slice %arg36[%dma_wait3A_630, %dma_wait3A_631] : memref<10000x80xf32, #tpu.memory_space<vmem_shared>> -> memref<80x80xf32, #tpu.memory_space<vmem_shared>>
        %dma_wait3A_633 = arith.constant 0 : i32
        %dma_wait3A_634 = arith.constant 0 : i32
        %dma_wait3A_635 = tpu.memref_slice %arg36[%dma_wait3A_633, %dma_wait3A_634] : memref<10000x80xf32, #tpu.memory_space<vmem_shared>> -> memref<80x80xf32, #tpu.memory_space<vmem_shared>>
        tpu.wait_dma2 semaphore(%arg34 : memref<!tpu.dma_semaphore, #tpu.memory_space<semaphore_mem>>) src(%arg20 : memref<80x80xf32, #tpu.memory_space<vmem>>) dst(%dma_wait3A_635 : memref<80x80xf32, #tpu.memory_space<vmem_shared>>)
      } else {
      }
      %add3A_462 = arith.constant 1 : i32
      %add3A_463 = arith.addi %add3A_453, %add3A_462 : i32
      %lt3A_464 = arith.constant 125 : i32
      %lt3A_465 = arith.cmpi slt, %add3A_463, %lt3A_464 : i32
      %convert_element_type3A_466 = arith.extui %lt3A_465 : i1 to i32
      %cond3A_467 = arith.constant 0 : i32
      %cond3A_468 = arith.cmpi ne, %convert_element_type3A_466, %cond3A_467 : i32
      scf.if %cond3A_468 {
        %add3A_624 = arith.constant 1 : i32
        %add3A_625 = arith.addi %add3A_453, %add3A_624 : i32
        %mul3A_626 = arith.constant 80 : i32
        %mul3A_627 = arith.muli %add3A_625, %mul3A_626 : i32
        %add3A_628 = arith.addi %mul3A_4, %mul3A_627 : i32
        %mul3A_629 = arith.constant 125 : i32
        %mul3A_630 = arith.muli %add3A, %mul3A_629 : i32
        %add3A_631 = arith.addi %mul3A_630, %add3A_625 : i32
        %dma_start3A_632 = arith.constant 0 : i32
        %dma_start3A_633 = tpu.memref_slice %arg13[%add3A_625, %dma_start3A_632] : memref<125x80xi32, #tpu.memory_space<vmem>> -> memref<1x80xi32, #tpu.memory_space<vmem>>
        %dma_start3A_634 = tpu.memref_squeeze %dma_start3A_633 : memref<1x80xi32, #tpu.memory_space<vmem>> -> memref<80xi32, #tpu.memory_space<vmem>>
        %dma_start3A_635 = arith.constant 0 : i32
        %dma_start3A_636 = arith.constant 0 : i32
        %dma_start3A_637 = tpu.memref_slice %arg2[%dma_start3A_635, %dma_start3A_636] : memref<10000x64xf32, #tpu.memory_space<hbm>> -> memref<10000x64xf32, #tpu.memory_space<hbm>>
        tpu.enqueue_indirect_dma source(%dma_start3A_637 : memref<10000x64xf32, #tpu.memory_space<hbm>>) target(%arg16 : memref<80x64xf32, #tpu.memory_space<vmem>>) offsets(%dma_start3A_634 : memref<80xi32, #tpu.memory_space<vmem>>) semaphore(%arg32 : memref<!tpu.dma_semaphore, #tpu.memory_space<semaphore_mem>>)
        %dma_start3A_638 = arith.constant 0 : i32
        %dma_start3A_639 = tpu.memref_slice %arg14[%add3A_625, %dma_start3A_638] : memref<125x80xi32, #tpu.memory_space<vmem>> -> memref<1x80xi32, #tpu.memory_space<vmem>>
        %dma_start3A_640 = tpu.memref_squeeze %dma_start3A_639 : memref<1x80xi32, #tpu.memory_space<vmem>> -> memref<80xi32, #tpu.memory_space<vmem>>
        %dma_start3A_641 = arith.constant 0 : i32
        %dma_start3A_642 = arith.constant 0 : i32
        %dma_start3A_643 = tpu.memref_slice %arg3[%dma_start3A_641, %dma_start3A_642] : memref<10000x64xf32, #tpu.memory_space<hbm>> -> memref<10000x64xf32, #tpu.memory_space<hbm>>
        tpu.enqueue_indirect_dma source(%dma_start3A_643 : memref<10000x64xf32, #tpu.memory_space<hbm>>) target(%arg17 : memref<80x64xf32, #tpu.memory_space<vmem>>) offsets(%dma_start3A_640 : memref<80xi32, #tpu.memory_space<vmem>>) semaphore(%arg32 : memref<!tpu.dma_semaphore, #tpu.memory_space<semaphore_mem>>)
        %dma_start3A_644 = arith.constant 0 : i32
        %dma_start3A_645 = tpu.memref_slice %arg13[%add3A_625, %dma_start3A_644] : memref<125x80xi32, #tpu.memory_space<vmem>> -> memref<1x80xi32, #tpu.memory_space<vmem>>
        %dma_start3A_646 = tpu.memref_squeeze %dma_start3A_645 : memref<1x80xi32, #tpu.memory_space<vmem>> -> memref<80xi32, #tpu.memory_space<vmem>>
        %dma_start3A_647 = arith.constant 0 : i32
        %dma_start3A_648 = arith.constant 0 : i32
        %dma_start3A_649 = tpu.memref_slice %arg4[%dma_start3A_647, %dma_start3A_648] : memref<10000x64xf32, #tpu.memory_space<hbm>> -> memref<10000x64xf32, #tpu.memory_space<hbm>>
        tpu.enqueue_indirect_dma source(%dma_start3A_649 : memref<10000x64xf32, #tpu.memory_space<hbm>>) target(%arg19 : memref<80x64xf32, #tpu.memory_space<vmem>>) offsets(%dma_start3A_646 : memref<80xi32, #tpu.memory_space<vmem>>) semaphore(%arg32 : memref<!tpu.dma_semaphore, #tpu.memory_space<semaphore_mem>>)
        %dma_start3A_650 = arith.constant 0 : i32
        %dma_start3A_651 = tpu.memref_slice %arg13[%add3A_625, %dma_start3A_650] : memref<125x80xi32, #tpu.memory_space<vmem>> -> memref<1x80xi32, #tpu.memory_space<vmem>>
        %dma_start3A_652 = tpu.memref_squeeze %dma_start3A_651 : memref<1x80xi32, #tpu.memory_space<vmem>> -> memref<80xi32, #tpu.memory_space<vmem>>
        %dma_start3A_653 = arith.constant 0 : i32
        %dma_start3A_654 = tpu.memref_slice %arg6[%dma_start3A_653] : memref<10000xf32, #tpu.memory_space<hbm>> -> memref<10000xf32, #tpu.memory_space<hbm>>
        tpu.enqueue_indirect_dma source(%dma_start3A_654 : memref<10000xf32, #tpu.memory_space<hbm>>) target(%arg21 : memref<80xf32, #tpu.memory_space<vmem>>) offsets(%dma_start3A_652 : memref<80xi32, #tpu.memory_space<vmem>>) semaphore(%arg32 : memref<!tpu.dma_semaphore, #tpu.memory_space<semaphore_mem>>)
        %dma_start3A_655 = arith.constant 0 : i32
        %dma_start3A_656 = tpu.memref_slice %arg14[%add3A_625, %dma_start3A_655] : memref<125x80xi32, #tpu.memory_space<vmem>> -> memref<1x80xi32, #tpu.memory_space<vmem>>
        %dma_start3A_657 = tpu.memref_squeeze %dma_start3A_656 : memref<1x80xi32, #tpu.memory_space<vmem>> -> memref<80xi32, #tpu.memory_space<vmem>>
        %dma_start3A_658 = arith.constant 0 : i32
        %dma_start3A_659 = tpu.memref_slice %arg7[%dma_start3A_658] : memref<10000xf32, #tpu.memory_space<hbm>> -> memref<10000xf32, #tpu.memory_space<hbm>>
        tpu.enqueue_indirect_dma source(%dma_start3A_659 : memref<10000xf32, #tpu.memory_space<hbm>>) target(%arg22 : memref<80xf32, #tpu.memory_space<vmem>>) offsets(%dma_start3A_657 : memref<80xi32, #tpu.memory_space<vmem>>) semaphore(%arg32 : memref<!tpu.dma_semaphore, #tpu.memory_space<semaphore_mem>>)
        %mul3A_660 = arith.constant 80 : i32
        %mul3A_661 = arith.muli %add3A_631, %mul3A_660 : i32
        %dma_start3A_662 = tpu.memref_slice %arg8[%mul3A_661] : memref<320000xf32, #tpu.memory_space<hbm>> -> memref<80xf32, #tpu.memory_space<hbm>>
        %dma_start3A_663 = tpu.memref_slice %arg8[%mul3A_661] : memref<320000xf32, #tpu.memory_space<hbm>> -> memref<80xf32, #tpu.memory_space<hbm>>
        tpu.enqueue_dma source(%dma_start3A_663 : memref<80xf32, #tpu.memory_space<hbm>>) target(%arg23 : memref<80xf32, #tpu.memory_space<vmem>>) target_semaphore(%arg32 : memref<!tpu.dma_semaphore, #tpu.memory_space<semaphore_mem>>)
        %not3A_664 = arith.constant true
        %not3A_665 = arith.xori %ge3A_1, %not3A_664 : i1
        %convert_element_type3A_666 = arith.extui %not3A_665 : i1 to i32
        %cond3A_667 = arith.constant 0 : i32
        %cond3A_668 = arith.cmpi ne, %convert_element_type3A_666, %cond3A_667 : i32
        scf.if %cond3A_668 {
          %dma_start3A_672 = arith.constant 0 : i32
          %dma_start3A_673 = tpu.memref_slice %arg5[%add3A_628, %dma_start3A_672] : memref<160000x128xf32, #tpu.memory_space<hbm>> -> memref<80x64xf32, #tpu.memory_space<hbm>>
          %dma_start3A_674 = arith.constant 0 : i32
          %dma_start3A_675 = tpu.memref_slice %arg5[%add3A_628, %dma_start3A_674] : memref<160000x128xf32, #tpu.memory_space<hbm>> -> memref<80x64xf32, #tpu.memory_space<hbm>>
          tpu.enqueue_dma source(%dma_start3A_675 : memref<80x64xf32, #tpu.memory_space<hbm>>) target(%arg18 : memref<80x64xf32, #tpu.memory_space<vmem>>) target_semaphore(%arg32 : memref<!tpu.dma_semaphore, #tpu.memory_space<semaphore_mem>>)
        } else {
        }
        %convert_element_type3A_669 = arith.extui %ge3A_1 : i1 to i32
        %cond3A_670 = arith.constant 0 : i32
        %cond3A_671 = arith.cmpi ne, %convert_element_type3A_669, %cond3A_670 : i32
        scf.if %cond3A_671 {
          %dma_start3A_672 = arith.constant 64 : i32
          %dma_start3A_673 = tpu.memref_slice %arg5[%add3A_628, %dma_start3A_672] : memref<160000x128xf32, #tpu.memory_space<hbm>> -> memref<80x64xf32, #tpu.memory_space<hbm>>
          %dma_start3A_674 = arith.constant 64 : i32
          %dma_start3A_675 = tpu.memref_slice %arg5[%add3A_628, %dma_start3A_674] : memref<160000x128xf32, #tpu.memory_space<hbm>> -> memref<80x64xf32, #tpu.memory_space<hbm>>
          tpu.enqueue_dma source(%dma_start3A_675 : memref<80x64xf32, #tpu.memory_space<hbm>>) target(%arg18 : memref<80x64xf32, #tpu.memory_space<vmem>>) target_semaphore(%arg32 : memref<!tpu.dma_semaphore, #tpu.memory_space<semaphore_mem>>)
        } else {
        }
      } else {
      }
      %dma_wait3A_469 = arith.constant 0 : i32
      %dma_wait3A_470 = arith.constant 0 : i32
      %dma_wait3A_471 = tpu.memref_slice %arg4[%dma_wait3A_469, %dma_wait3A_470] : memref<10000x64xf32, #tpu.memory_space<hbm>> -> memref<80x64xf32, #tpu.memory_space<hbm>>
      %dma_wait3A_472 = arith.constant 0 : i32
      %dma_wait3A_473 = arith.constant 0 : i32
      %dma_wait3A_474 = tpu.memref_slice %arg4[%dma_wait3A_472, %dma_wait3A_473] : memref<10000x64xf32, #tpu.memory_space<hbm>> -> memref<80x64xf32, #tpu.memory_space<hbm>>
      tpu.wait_dma2 semaphore(%arg33 : memref<!tpu.dma_semaphore, #tpu.memory_space<semaphore_mem>>) src(%dma_wait3A_474 : memref<80x64xf32, #tpu.memory_space<hbm>>) dst(%arg24 : memref<80x64xf32, #tpu.memory_space<vmem>>)
      %dma_wait3A_475 = arith.constant 0 : i32
      %dma_wait3A_476 = arith.constant 0 : i32
      %dma_wait3A_477 = tpu.memref_slice %arg4[%dma_wait3A_475, %dma_wait3A_476] : memref<10000x64xf32, #tpu.memory_space<hbm>> -> memref<80x64xf32, #tpu.memory_space<hbm>>
      %dma_wait3A_478 = arith.constant 0 : i32
      %dma_wait3A_479 = arith.constant 0 : i32
      %dma_wait3A_480 = tpu.memref_slice %arg4[%dma_wait3A_478, %dma_wait3A_479] : memref<10000x64xf32, #tpu.memory_space<hbm>> -> memref<80x64xf32, #tpu.memory_space<hbm>>
      tpu.wait_dma2 semaphore(%arg33 : memref<!tpu.dma_semaphore, #tpu.memory_space<semaphore_mem>>) src(%dma_wait3A_480 : memref<80x64xf32, #tpu.memory_space<hbm>>) dst(%arg24 : memref<80x64xf32, #tpu.memory_space<vmem>>)
      %dma_wait3A_481 = arith.constant 0 : i32
      %dma_wait3A_482 = arith.constant 0 : i32
      %dma_wait3A_483 = tpu.memref_slice %arg4[%dma_wait3A_481, %dma_wait3A_482] : memref<10000x64xf32, #tpu.memory_space<hbm>> -> memref<80x64xf32, #tpu.memory_space<hbm>>
      %dma_wait3A_484 = arith.constant 0 : i32
      %dma_wait3A_485 = arith.constant 0 : i32
      %dma_wait3A_486 = tpu.memref_slice %arg4[%dma_wait3A_484, %dma_wait3A_485] : memref<10000x64xf32, #tpu.memory_space<hbm>> -> memref<80x64xf32, #tpu.memory_space<hbm>>
      tpu.wait_dma2 semaphore(%arg33 : memref<!tpu.dma_semaphore, #tpu.memory_space<semaphore_mem>>) src(%dma_wait3A_486 : memref<80x64xf32, #tpu.memory_space<hbm>>) dst(%arg24 : memref<80x64xf32, #tpu.memory_space<vmem>>)
      %dma_wait3A_487 = arith.constant 0 : i32
      %dma_wait3A_488 = arith.constant 0 : i32
      %dma_wait3A_489 = tpu.memref_slice %arg4[%dma_wait3A_487, %dma_wait3A_488] : memref<10000x64xf32, #tpu.memory_space<hbm>> -> memref<80x64xf32, #tpu.memory_space<hbm>>
      %dma_wait3A_490 = arith.constant 0 : i32
      %dma_wait3A_491 = arith.constant 0 : i32
      %dma_wait3A_492 = tpu.memref_slice %arg4[%dma_wait3A_490, %dma_wait3A_491] : memref<10000x64xf32, #tpu.memory_space<hbm>> -> memref<80x64xf32, #tpu.memory_space<hbm>>
      tpu.wait_dma2 semaphore(%arg33 : memref<!tpu.dma_semaphore, #tpu.memory_space<semaphore_mem>>) src(%dma_wait3A_492 : memref<80x64xf32, #tpu.memory_space<hbm>>) dst(%arg24 : memref<80x64xf32, #tpu.memory_space<vmem>>)
      %dma_wait3A_493 = arith.constant 0 : i32
      %dma_wait3A_494 = tpu.memref_slice %arg8[%dma_wait3A_493] : memref<320000xf32, #tpu.memory_space<hbm>> -> memref<80xf32, #tpu.memory_space<hbm>>
      %dma_wait3A_495 = arith.constant 0 : i32
      %dma_wait3A_496 = tpu.memref_slice %arg8[%dma_wait3A_495] : memref<320000xf32, #tpu.memory_space<hbm>> -> memref<80xf32, #tpu.memory_space<hbm>>
      tpu.wait_dma2 semaphore(%arg33 : memref<!tpu.dma_semaphore, #tpu.memory_space<semaphore_mem>>) src(%dma_wait3A_496 : memref<80xf32, #tpu.memory_space<hbm>>) dst(%arg31 : memref<80xf32, #tpu.memory_space<vmem>>)
      %dma_wait3A_497 = arith.constant 0 : i32
      %dma_wait3A_498 = tpu.memref_slice %arg8[%dma_wait3A_497] : memref<320000xf32, #tpu.memory_space<hbm>> -> memref<80xf32, #tpu.memory_space<hbm>>
      %dma_wait3A_499 = arith.constant 0 : i32
      %dma_wait3A_500 = tpu.memref_slice %arg8[%dma_wait3A_499] : memref<320000xf32, #tpu.memory_space<hbm>> -> memref<80xf32, #tpu.memory_space<hbm>>
      tpu.wait_dma2 semaphore(%arg33 : memref<!tpu.dma_semaphore, #tpu.memory_space<semaphore_mem>>) src(%dma_wait3A_500 : memref<80xf32, #tpu.memory_space<hbm>>) dst(%arg31 : memref<80xf32, #tpu.memory_space<vmem>>)
      %dma_wait3A_501 = arith.constant 0 : i32
      %dma_wait3A_502 = tpu.memref_slice %arg8[%dma_wait3A_501] : memref<320000xf32, #tpu.memory_space<hbm>> -> memref<80xf32, #tpu.memory_space<hbm>>
      %dma_wait3A_503 = arith.constant 0 : i32
      %dma_wait3A_504 = tpu.memref_slice %arg8[%dma_wait3A_503] : memref<320000xf32, #tpu.memory_space<hbm>> -> memref<80xf32, #tpu.memory_space<hbm>>
      tpu.wait_dma2 semaphore(%arg33 : memref<!tpu.dma_semaphore, #tpu.memory_space<semaphore_mem>>) src(%dma_wait3A_504 : memref<80xf32, #tpu.memory_space<hbm>>) dst(%arg31 : memref<80xf32, #tpu.memory_space<vmem>>)
      %scan3A_505 = arith.constant 0 : i32
      %scan3A_506 = arith.constant 0 : i32
      %scan3A_507 = arith.constant 80 : i32
      %scan3A_508 = arith.addi %scan3A_506, %scan3A_507 : i32
      %scan3A_509 = arith.constant 1 : i32
      %scan3A_510 = scf.for %scan3A_624 = %scan3A_506 to %scan3A_508 step %scan3A_509 iter_args(%scan3A_625 = %scan3A_505) -> (i32)  : i32 {
        %get3A_626 = arith.index_cast %scan3A_624 : i32 to index
        %get3A_627 = arith.constant 0 : index
        %get3A_628 = tpu.vector_load %arg24[%get3A_626, %get3A_627] {strides = array<i32>} : memref<80x64xf32, #tpu.memory_space<vmem>>, vector<16xf32>,
        %get3A_629 = arith.index_cast %scan3A_624 : i32 to index
        %get3A_630 = arith.constant 0 : index
        %get3A_631 = tpu.vector_load %arg25[%get3A_629, %get3A_630] {strides = array<i32>} : memref<80x64xf32, #tpu.memory_space<vmem>>, vector<16xf32>,
        %add3A_632 = arith.addf %get3A_628, %get3A_631 : vector<16xf32>
        %get3A_633 = arith.index_cast %scan3A_624 : i32 to index
        %get3A_634 = arith.constant 0 : index
        %get3A_635 = tpu.vector_load %arg26[%get3A_633, %get3A_634] {strides = array<i32>} : memref<80x64xf32, #tpu.memory_space<vmem>>, vector<16xf32>,
        %add3A_636 = arith.addf %add3A_632, %get3A_635 : vector<16xf32>
        %swap3A_637 = arith.index_cast %scan3A_624 : i32 to index
        %swap3A_638 = arith.constant 0 : index
        %swap3A_639 = tpu.vector_load %arg26[%swap3A_637, %swap3A_638] {strides = array<i32>} : memref<80x64xf32, #tpu.memory_space<vmem>>, vector<16xf32>,
        tpu.vector_store %arg26[%swap3A_637, %swap3A_638], %add3A_636 {strides = array<i32>} : memref<80x64xf32, #tpu.memory_space<vmem>>, vector<16xf32>,
        %get3A_640 = arith.index_cast %scan3A_624 : i32 to index
        %get3A_641 = arith.constant 16 : index
        %get3A_642 = tpu.vector_load %arg24[%get3A_640, %get3A_641] {strides = array<i32>} : memref<80x64xf32, #tpu.memory_space<vmem>>, vector<16xf32>,
        %get3A_643 = arith.index_cast %scan3A_624 : i32 to index
        %get3A_644 = arith.constant 16 : index
        %get3A_645 = tpu.vector_load %arg25[%get3A_643, %get3A_644] {strides = array<i32>} : memref<80x64xf32, #tpu.memory_space<vmem>>, vector<16xf32>,
        %add3A_646 = arith.addf %get3A_642, %get3A_645 : vector<16xf32>
        %get3A_647 = arith.index_cast %scan3A_624 : i32 to index
        %get3A_648 = arith.constant 16 : index
        %get3A_649 = tpu.vector_load %arg26[%get3A_647, %get3A_648] {strides = array<i32>} : memref<80x64xf32, #tpu.memory_space<vmem>>, vector<16xf32>,
        %add3A_650 = arith.addf %add3A_646, %get3A_649 : vector<16xf32>
        %swap3A_651 = arith.index_cast %scan3A_624 : i32 to index
        %swap3A_652 = arith.constant 16 : index
        %swap3A_653 = tpu.vector_load %arg26[%swap3A_651, %swap3A_652] {strides = array<i32>} : memref<80x64xf32, #tpu.memory_space<vmem>>, vector<16xf32>,
        tpu.vector_store %arg26[%swap3A_651, %swap3A_652], %add3A_650 {strides = array<i32>} : memref<80x64xf32, #tpu.memory_space<vmem>>, vector<16xf32>,
        %get3A_654 = arith.index_cast %scan3A_624 : i32 to index
        %get3A_655 = arith.constant 32 : index
        %get3A_656 = tpu.vector_load %arg24[%get3A_654, %get3A_655] {strides = array<i32>} : memref<80x64xf32, #tpu.memory_space<vmem>>, vector<16xf32>,
        %get3A_657 = arith.index_cast %scan3A_624 : i32 to index
        %get3A_658 = arith.constant 32 : index
        %get3A_659 = tpu.vector_load %arg25[%get3A_657, %get3A_658] {strides = array<i32>} : memref<80x64xf32, #tpu.memory_space<vmem>>, vector<16xf32>,
        %add3A_660 = arith.addf %get3A_656, %get3A_659 : vector<16xf32>
        %get3A_661 = arith.index_cast %scan3A_624 : i32 to index
        %get3A_662 = arith.constant 32 : index
        %get3A_663 = tpu.vector_load %arg26[%get3A_661, %get3A_662] {strides = array<i32>} : memref<80x64xf32, #tpu.memory_space<vmem>>, vector<16xf32>,
        %add3A_664 = arith.addf %add3A_660, %get3A_663 : vector<16xf32>
        %swap3A_665 = arith.index_cast %scan3A_624 : i32 to index
        %swap3A_666 = arith.constant 32 : index
        %swap3A_667 = tpu.vector_load %arg26[%swap3A_665, %swap3A_666] {strides = array<i32>} : memref<80x64xf32, #tpu.memory_space<vmem>>, vector<16xf32>,
        tpu.vector_store %arg26[%swap3A_665, %swap3A_666], %add3A_664 {strides = array<i32>} : memref<80x64xf32, #tpu.memory_space<vmem>>, vector<16xf32>,
        %get3A_668 = arith.index_cast %scan3A_624 : i32 to index
        %get3A_669 = arith.constant 48 : index
        %get3A_670 = tpu.vector_load %arg24[%get3A_668, %get3A_669] {strides = array<i32>} : memref<80x64xf32, #tpu.memory_space<vmem>>, vector<16xf32>,
        %get3A_671 = arith.index_cast %scan3A_624 : i32 to index
        %get3A_672 = arith.constant 48 : index
        %get3A_673 = tpu.vector_load %arg25[%get3A_671, %get3A_672] {strides = array<i32>} : memref<80x64xf32, #tpu.memory_space<vmem>>, vector<16xf32>,
        %add3A_674 = arith.addf %get3A_670, %get3A_673 : vector<16xf32>
        %get3A_675 = arith.index_cast %scan3A_624 : i32 to index
        %get3A_676 = arith.constant 48 : index
        %get3A_677 = tpu.vector_load %arg26[%get3A_675, %get3A_676] {strides = array<i32>} : memref<80x64xf32, #tpu.memory_space<vmem>>, vector<16xf32>,
        %add3A_678 = arith.addf %add3A_674, %get3A_677 : vector<16xf32>
        %swap3A_679 = arith.index_cast %scan3A_624 : i32 to index
        %swap3A_680 = arith.constant 48 : index
        %swap3A_681 = tpu.vector_load %arg26[%swap3A_679, %swap3A_680] {strides = array<i32>} : memref<80x64xf32, #tpu.memory_space<vmem>>, vector<16xf32>,
        tpu.vector_store %arg26[%swap3A_679, %swap3A_680], %add3A_678 {strides = array<i32>} : memref<80x64xf32, #tpu.memory_space<vmem>>, vector<16xf32>,
        %scan3A_682 = arith.constant 0 : i32
        scf.yield %scan3A_682 : i32
      }
      %scan3A_511 = arith.constant 80 : i32
      %not3A_512 = arith.constant true
      %not3A_513 = arith.xori %ge3A_1, %not3A_512 : i1
      %convert_element_type3A_514 = arith.extui %not3A_513 : i1 to i32
      %cond3A_515 = arith.constant 0 : i32
      %cond3A_516 = arith.cmpi ne, %convert_element_type3A_514, %cond3A_515 : i32
      scf.if %cond3A_516 {
        %dma_start3A_624 = arith.constant 0 : i32
        %dma_start3A_625 = tpu.memref_slice %arg11[%add3A_456, %dma_start3A_624] : memref<160000x128xf32, #tpu.memory_space<hbm>> -> memref<80x64xf32, #tpu.memory_space<hbm>>
        %dma_start3A_626 = arith.constant 0 : i32
        %dma_start3A_627 = tpu.memref_slice %arg11[%add3A_456, %dma_start3A_626] : memref<160000x128xf32, #tpu.memory_space<hbm>> -> memref<80x64xf32, #tpu.memory_space<hbm>>
        tpu.enqueue_dma source(%arg26 : memref<80x64xf32, #tpu.memory_space<vmem>>) target(%dma_start3A_627 : memref<80x64xf32, #tpu.memory_space<hbm>>) target_semaphore(%arg35 : memref<!tpu.dma_semaphore, #tpu.memory_space<semaphore_mem>>)
      } else {
      }
      %convert_element_type3A_517 = arith.extui %ge3A_1 : i1 to i32
      %cond3A_518 = arith.constant 0 : i32
      %cond3A_519 = arith.cmpi ne, %convert_element_type3A_517, %cond3A_518 : i32
      scf.if %cond3A_519 {
        %dma_start3A_624 = arith.constant 64 : i32
        %dma_start3A_625 = tpu.memref_slice %arg11[%add3A_456, %dma_start3A_624] : memref<160000x128xf32, #tpu.memory_space<hbm>> -> memref<80x64xf32, #tpu.memory_space<hbm>>
        %dma_start3A_626 = arith.constant 64 : i32
        %dma_start3A_627 = tpu.memref_slice %arg11[%add3A_456, %dma_start3A_626] : memref<160000x128xf32, #tpu.memory_space<hbm>> -> memref<80x64xf32, #tpu.memory_space<hbm>>
        tpu.enqueue_dma source(%arg26 : memref<80x64xf32, #tpu.memory_space<vmem>>) target(%dma_start3A_627 : memref<80x64xf32, #tpu.memory_space<hbm>>) target_semaphore(%arg35 : memref<!tpu.dma_semaphore, #tpu.memory_space<semaphore_mem>>)
      } else {
      }
      %get3A_520 = arith.constant 0 : index
      %get3A_521 = tpu.vector_load %arg29[%get3A_520] {strides = array<i32>} : memref<80xf32, #tpu.memory_space<vmem>>, vector<16xf32>,
      %get3A_522 = arith.constant 0 : index
      %get3A_523 = tpu.vector_load %arg30[%get3A_522] {strides = array<i32>} : memref<80xf32, #tpu.memory_space<vmem>>, vector<16xf32>,
      %add3A_524 = arith.addf %get3A_521, %get3A_523 : vector<16xf32>
      %get3A_525 = arith.constant 0 : index
      %get3A_526 = tpu.vector_load %arg31[%get3A_525] {strides = array<i32>} : memref<80xf32, #tpu.memory_space<vmem>>, vector<16xf32>,
      %add3A_527 = arith.addf %add3A_524, %get3A_526 : vector<16xf32>
      %ge3A_528 = arith.constant 0.000000e+00 : f32
      %ge3A_529 = vector.broadcast %ge3A_528 : f32 to vector<16xf32>
      %ge3A_530 = arith.cmpf oge, %add3A_527, %ge3A_529 : vector<16xf32>
      %mul3A_531 = arith.constant 0.00999999977 : f32
      %mul3A_532 = vector.broadcast %mul3A_531 : f32 to vector<16xf32>
      %mul3A_533 = arith.mulf %mul3A_532, %add3A_527 : vector<16xf32>
      %select_n3A_534 = arith.select %ge3A_530, %add3A_527, %mul3A_533 : vector<16xi1>, vector<16xf32>
      %exp3A_535 = math.exp %select_n3A_534 : vector<16xf32>
      %swap3A_536 = arith.constant 0 : index
      %swap3A_537 = tpu.vector_load %arg15[%swap3A_536] {strides = array<i32>} : memref<80xf32, #tpu.memory_space<vmem>>, vector<16xf32>,
      tpu.vector_store %arg15[%swap3A_536], %exp3A_535 {strides = array<i32>} : memref<80xf32, #tpu.memory_space<vmem>>, vector<16xf32>,
      %get3A_538 = arith.constant 16 : index
      %get3A_539 = tpu.vector_load %arg29[%get3A_538] {strides = array<i32>} : memref<80xf32, #tpu.memory_space<vmem>>, vector<16xf32>,
      %get3A_540 = arith.constant 16 : index
      %get3A_541 = tpu.vector_load %arg30[%get3A_540] {strides = array<i32>} : memref<80xf32, #tpu.memory_space<vmem>>, vector<16xf32>,
      %add3A_542 = arith.addf %get3A_539, %get3A_541 : vector<16xf32>
      %get3A_543 = arith.constant 16 : index
      %get3A_544 = tpu.vector_load %arg31[%get3A_543] {strides = array<i32>} : memref<80xf32, #tpu.memory_space<vmem>>, vector<16xf32>,
      %add3A_545 = arith.addf %add3A_542, %get3A_544 : vector<16xf32>
      %ge3A_546 = arith.constant 0.000000e+00 : f32
      %ge3A_547 = vector.broadcast %ge3A_546 : f32 to vector<16xf32>
      %ge3A_548 = arith.cmpf oge, %add3A_545, %ge3A_547 : vector<16xf32>
      %mul3A_549 = arith.constant 0.00999999977 : f32
      %mul3A_550 = vector.broadcast %mul3A_549 : f32 to vector<16xf32>
      %mul3A_551 = arith.mulf %mul3A_550, %add3A_545 : vector<16xf32>
      %select_n3A_552 = arith.select %ge3A_548, %add3A_545, %mul3A_551 : vector<16xi1>, vector<16xf32>
      %exp3A_553 = math.exp %select_n3A_552 : vector<16xf32>
      %swap3A_554 = arith.constant 16 : index
      %swap3A_555 = tpu.vector_load %arg15[%swap3A_554] {strides = array<i32>} : memref<80xf32, #tpu.memory_space<vmem>>, vector<16xf32>,
      tpu.vector_store %arg15[%swap3A_554], %exp3A_553 {strides = array<i32>} : memref<80xf32, #tpu.memory_space<vmem>>, vector<16xf32>,
      %get3A_556 = arith.constant 32 : index
      %get3A_557 = tpu.vector_load %arg29[%get3A_556] {strides = array<i32>} : memref<80xf32, #tpu.memory_space<vmem>>, vector<16xf32>,
      %get3A_558 = arith.constant 32 : index
      %get3A_559 = tpu.vector_load %arg30[%get3A_558] {strides = array<i32>} : memref<80xf32, #tpu.memory_space<vmem>>, vector<16xf32>,
      %add3A_560 = arith.addf %get3A_557, %get3A_559 : vector<16xf32>
      %get3A_561 = arith.constant 32 : index
      %get3A_562 = tpu.vector_load %arg31[%get3A_561] {strides = array<i32>} : memref<80xf32, #tpu.memory_space<vmem>>, vector<16xf32>,
      %add3A_563 = arith.addf %add3A_560, %get3A_562 : vector<16xf32>
      %ge3A_564 = arith.constant 0.000000e+00 : f32
      %ge3A_565 = vector.broadcast %ge3A_564 : f32 to vector<16xf32>
      %ge3A_566 = arith.cmpf oge, %add3A_563, %ge3A_565 : vector<16xf32>
      %mul3A_567 = arith.constant 0.00999999977 : f32
      %mul3A_568 = vector.broadcast %mul3A_567 : f32 to vector<16xf32>
      %mul3A_569 = arith.mulf %mul3A_568, %add3A_563 : vector<16xf32>
      %select_n3A_570 = arith.select %ge3A_566, %add3A_563, %mul3A_569 : vector<16xi1>, vector<16xf32>
      %exp3A_571 = math.exp %select_n3A_570 : vector<16xf32>
      %swap3A_572 = arith.constant 32 : index
      %swap3A_573 = tpu.vector_load %arg15[%swap3A_572] {strides = array<i32>} : memref<80xf32, #tpu.memory_space<vmem>>, vector<16xf32>,
      tpu.vector_store %arg15[%swap3A_572], %exp3A_571 {strides = array<i32>} : memref<80xf32, #tpu.memory_space<vmem>>, vector<16xf32>,
      %get3A_574 = arith.constant 48 : index
      %get3A_575 = tpu.vector_load %arg29[%get3A_574] {strides = array<i32>} : memref<80xf32, #tpu.memory_space<vmem>>, vector<16xf32>,
      %get3A_576 = arith.constant 48 : index
      %get3A_577 = tpu.vector_load %arg30[%get3A_576] {strides = array<i32>} : memref<80xf32, #tpu.memory_space<vmem>>, vector<16xf32>,
      %add3A_578 = arith.addf %get3A_575, %get3A_577 : vector<16xf32>
      %get3A_579 = arith.constant 48 : index
      %get3A_580 = tpu.vector_load %arg31[%get3A_579] {strides = array<i32>} : memref<80xf32, #tpu.memory_space<vmem>>, vector<16xf32>,
      %add3A_581 = arith.addf %add3A_578, %get3A_580 : vector<16xf32>
      %ge3A_582 = arith.constant 0.000000e+00 : f32
      %ge3A_583 = vector.broadcast %ge3A_582 : f32 to vector<16xf32>
      %ge3A_584 = arith.cmpf oge, %add3A_581, %ge3A_583 : vector<16xf32>
      %mul3A_585 = arith.constant 0.00999999977 : f32
      %mul3A_586 = vector.broadcast %mul3A_585 : f32 to vector<16xf32>
      %mul3A_587 = arith.mulf %mul3A_586, %add3A_581 : vector<16xf32>
      %select_n3A_588 = arith.select %ge3A_584, %add3A_581, %mul3A_587 : vector<16xi1>, vector<16xf32>
      %exp3A_589 = math.exp %select_n3A_588 : vector<16xf32>
      %swap3A_590 = arith.constant 48 : index
      %swap3A_591 = tpu.vector_load %arg15[%swap3A_590] {strides = array<i32>} : memref<80xf32, #tpu.memory_space<vmem>>, vector<16xf32>,
      tpu.vector_store %arg15[%swap3A_590], %exp3A_589 {strides = array<i32>} : memref<80xf32, #tpu.memory_space<vmem>>, vector<16xf32>,
      %get3A_592 = arith.constant 64 : index
      %get3A_593 = tpu.vector_load %arg29[%get3A_592] {strides = array<i32>} : memref<80xf32, #tpu.memory_space<vmem>>, vector<16xf32>,
      %get3A_594 = arith.constant 64 : index
      %get3A_595 = tpu.vector_load %arg30[%get3A_594] {strides = array<i32>} : memref<80xf32, #tpu.memory_space<vmem>>, vector<16xf32>,
      %add3A_596 = arith.addf %get3A_593, %get3A_595 : vector<16xf32>
      %get3A_597 = arith.constant 64 : index
      %get3A_598 = tpu.vector_load %arg31[%get3A_597] {strides = array<i32>} : memref<80xf32, #tpu.memory_space<vmem>>, vector<16xf32>,
      %add3A_599 = arith.addf %add3A_596, %get3A_598 : vector<16xf32>
      %ge3A_600 = arith.constant 0.000000e+00 : f32
      %ge3A_601 = vector.broadcast %ge3A_600 : f32 to vector<16xf32>
      %ge3A_602 = arith.cmpf oge, %add3A_599, %ge3A_601 : vector<16xf32>
      %mul3A_603 = arith.constant 0.00999999977 : f32
      %mul3A_604 = vector.broadcast %mul3A_603 : f32 to vector<16xf32>
      %mul3A_605 = arith.mulf %mul3A_604, %add3A_599 : vector<16xf32>
      %select_n3A_606 = arith.select %ge3A_602, %add3A_599, %mul3A_605 : vector<16xi1>, vector<16xf32>
      %exp3A_607 = math.exp %select_n3A_606 : vector<16xf32>
      %swap3A_608 = arith.constant 64 : index
      %swap3A_609 = tpu.vector_load %arg15[%swap3A_608] {strides = array<i32>} : memref<80xf32, #tpu.memory_space<vmem>>, vector<16xf32>,
      tpu.vector_store %arg15[%swap3A_608], %exp3A_607 {strides = array<i32>} : memref<80xf32, #tpu.memory_space<vmem>>, vector<16xf32>,
      %scan3A_610 = arith.constant 0 : i32
      %scan3A_611 = arith.constant 0 : i32
      %scan3A_612 = arith.constant 5 : i32
      %scan3A_613 = arith.addi %scan3A_611, %scan3A_612 : i32
      %scan3A_614 = arith.constant 1 : i32
      %scan3A_615 = scf.for %scan3A_624 = %scan3A_611 to %scan3A_613 step %scan3A_614 iter_args(%scan3A_625 = %scan3A_610) -> (i32)  : i32 {
        %mul3A_626 = arith.constant 16 : i32
        %mul3A_627 = arith.muli %scan3A_624, %mul3A_626 : i32
        %get3A_628 = arith.index_cast %mul3A_627 : i32 to index
        %get3A_629 = tpu.vector_load %arg15[%get3A_628] {strides = array<i32>} : memref<80xf32, #tpu.memory_space<vmem>>, vector<16xf32>,
        %mul3A_630 = arith.constant 16 : i32
        %mul3A_631 = arith.muli %scan3A_624, %mul3A_630 : i32
        %add3A_632 = arith.constant 0 : i32
        %add3A_633 = arith.addi %mul3A_631, %add3A_632 : i32
        %slice3A = vector.extract_strided_slice %get3A_629 {offsets = [0], sizes = [1], strides = [1]} : vector<16xf32> to vector<1xf32>
        %squeeze3A = vector.extract %slice3A[0] : f32 from vector<1xf32>
        %broadcast_in_dim3A_634 = vector.broadcast %squeeze3A : f32 to vector<16xf32>
        %get3A_635 = arith.index_cast %add3A_633 : i32 to index
        %get3A_636 = arith.constant 0 : index
        %get3A_637 = tpu.vector_load %arg27[%get3A_635, %get3A_636] {strides = array<i32>} : memref<80x64xf32, #tpu.memory_space<vmem>>, vector<16xf32>,
        %mul3A_638 = arith.mulf %get3A_637, %broadcast_in_dim3A_634 : vector<16xf32>
        %swap3A_639 = arith.index_cast %add3A_633 : i32 to index
        %swap3A_640 = arith.constant 0 : index
        %swap3A_641 = tpu.vector_load %arg28[%swap3A_639, %swap3A_640] {strides = array<i32>} : memref<80x80xf32, #tpu.memory_space<vmem>>, vector<16xf32>,
        tpu.vector_store %arg28[%swap3A_639, %swap3A_640], %mul3A_638 {strides = array<i32>} : memref<80x80xf32, #tpu.memory_space<vmem>>, vector<16xf32>,
        %get3A_642 = arith.index_cast %add3A_633 : i32 to index
        %get3A_643 = arith.constant 16 : index
        %get3A_644 = tpu.vector_load %arg27[%get3A_642, %get3A_643] {strides = array<i32>} : memref<80x64xf32, #tpu.memory_space<vmem>>, vector<16xf32>,
        %mul3A_645 = arith.mulf %get3A_644, %broadcast_in_dim3A_634 : vector<16xf32>
        %swap3A_646 = arith.index_cast %add3A_633 : i32 to index
        %swap3A_647 = arith.constant 16 : index
        %swap3A_648 = tpu.vector_load %arg28[%swap3A_646, %swap3A_647] {strides = array<i32>} : memref<80x80xf32, #tpu.memory_space<vmem>>, vector<16xf32>,
        tpu.vector_store %arg28[%swap3A_646, %swap3A_647], %mul3A_645 {strides = array<i32>} : memref<80x80xf32, #tpu.memory_space<vmem>>, vector<16xf32>,
        %get3A_649 = arith.index_cast %add3A_633 : i32 to index
        %get3A_650 = arith.constant 32 : index
        %get3A_651 = tpu.vector_load %arg27[%get3A_649, %get3A_650] {strides = array<i32>} : memref<80x64xf32, #tpu.memory_space<vmem>>, vector<16xf32>,
        %mul3A_652 = arith.mulf %get3A_651, %broadcast_in_dim3A_634 : vector<16xf32>
        %swap3A_653 = arith.index_cast %add3A_633 : i32 to index
        %swap3A_654 = arith.constant 32 : index
        %swap3A_655 = tpu.vector_load %arg28[%swap3A_653, %swap3A_654] {strides = array<i32>} : memref<80x80xf32, #tpu.memory_space<vmem>>, vector<16xf32>,
        tpu.vector_store %arg28[%swap3A_653, %swap3A_654], %mul3A_652 {strides = array<i32>} : memref<80x80xf32, #tpu.memory_space<vmem>>, vector<16xf32>,
        %get3A_656 = arith.index_cast %add3A_633 : i32 to index
        %get3A_657 = arith.constant 48 : index
        %get3A_658 = tpu.vector_load %arg27[%get3A_656, %get3A_657] {strides = array<i32>} : memref<80x64xf32, #tpu.memory_space<vmem>>, vector<16xf32>,
        %mul3A_659 = arith.mulf %get3A_658, %broadcast_in_dim3A_634 : vector<16xf32>
        %swap3A_660 = arith.index_cast %add3A_633 : i32 to index
        %swap3A_661 = arith.constant 48 : index
        %swap3A_662 = tpu.vector_load %arg28[%swap3A_660, %swap3A_661] {strides = array<i32>} : memref<80x80xf32, #tpu.memory_space<vmem>>, vector<16xf32>,
        tpu.vector_store %arg28[%swap3A_660, %swap3A_661], %mul3A_659 {strides = array<i32>} : memref<80x80xf32, #tpu.memory_space<vmem>>, vector<16xf32>,
        %jit3A_663 = arith.constant 0.000000e+00 : f32
        %broadcast_in_dim3A_664 = vector.broadcast %jit3A_663 : f32 to vector<16xf32>
        %select_n3A_665 = arith.select %eq3A_34, %broadcast_in_dim3A_634, %broadcast_in_dim3A_664 : vector<16xi1>, vector<16xf32>
        %swap3A_666 = arith.index_cast %add3A_633 : i32 to index
        %swap3A_667 = arith.constant 64 : index
        %swap3A_668 = tpu.vector_load %arg28[%swap3A_666, %swap3A_667] {strides = array<i32>} : memref<80x80xf32, #tpu.memory_space<vmem>>, vector<16xf32>,
        tpu.vector_store %arg28[%swap3A_666, %swap3A_667], %select_n3A_665 {strides = array<i32>} : memref<80x80xf32, #tpu.memory_space<vmem>>, vector<16xf32>,
        %mul3A_669 = arith.constant 16 : i32
        %mul3A_670 = arith.muli %scan3A_624, %mul3A_669 : i32
        %add3A_671 = arith.constant 1 : i32
        %add3A_672 = arith.addi %mul3A_670, %add3A_671 : i32
        %slice3A_673 = vector.extract_strided_slice %get3A_629 {offsets = [1], sizes = [1], strides = [1]} : vector<16xf32> to vector<1xf32>
        %squeeze3A_674 = vector.extract %slice3A_673[0] : f32 from vector<1xf32>
        %broadcast_in_dim3A_675 = vector.broadcast %squeeze3A_674 : f32 to vector<16xf32>
        %get3A_676 = arith.index_cast %add3A_672 : i32 to index
        %get3A_677 = arith.constant 0 : index
        %get3A_678 = tpu.vector_load %arg27[%get3A_676, %get3A_677] {strides = array<i32>} : memref<80x64xf32, #tpu.memory_space<vmem>>, vector<16xf32>,
        %mul3A_679 = arith.mulf %get3A_678, %broadcast_in_dim3A_675 : vector<16xf32>
        %swap3A_680 = arith.index_cast %add3A_672 : i32 to index
        %swap3A_681 = arith.constant 0 : index
        %swap3A_682 = tpu.vector_load %arg28[%swap3A_680, %swap3A_681] {strides = array<i32>} : memref<80x80xf32, #tpu.memory_space<vmem>>, vector<16xf32>,
        tpu.vector_store %arg28[%swap3A_680, %swap3A_681], %mul3A_679 {strides = array<i32>} : memref<80x80xf32, #tpu.memory_space<vmem>>, vector<16xf32>,
        %get3A_683 = arith.index_cast %add3A_672 : i32 to index
        %get3A_684 = arith.constant 16 : index
        %get3A_685 = tpu.vector_load %arg27[%get3A_683, %get3A_684] {strides = array<i32>} : memref<80x64xf32, #tpu.memory_space<vmem>>, vector<16xf32>,
        %mul3A_686 = arith.mulf %get3A_685, %broadcast_in_dim3A_675 : vector<16xf32>
        %swap3A_687 = arith.index_cast %add3A_672 : i32 to index
        %swap3A_688 = arith.constant 16 : index
        %swap3A_689 = tpu.vector_load %arg28[%swap3A_687, %swap3A_688] {strides = array<i32>} : memref<80x80xf32, #tpu.memory_space<vmem>>, vector<16xf32>,
        tpu.vector_store %arg28[%swap3A_687, %swap3A_688], %mul3A_686 {strides = array<i32>} : memref<80x80xf32, #tpu.memory_space<vmem>>, vector<16xf32>,
        %get3A_690 = arith.index_cast %add3A_672 : i32 to index
        %get3A_691 = arith.constant 32 : index
        %get3A_692 = tpu.vector_load %arg27[%get3A_690, %get3A_691] {strides = array<i32>} : memref<80x64xf32, #tpu.memory_space<vmem>>, vector<16xf32>,
        %mul3A_693 = arith.mulf %get3A_692, %broadcast_in_dim3A_675 : vector<16xf32>
        %swap3A_694 = arith.index_cast %add3A_672 : i32 to index
        %swap3A_695 = arith.constant 32 : index
        %swap3A_696 = tpu.vector_load %arg28[%swap3A_694, %swap3A_695] {strides = array<i32>} : memref<80x80xf32, #tpu.memory_space<vmem>>, vector<16xf32>,
        tpu.vector_store %arg28[%swap3A_694, %swap3A_695], %mul3A_693 {strides = array<i32>} : memref<80x80xf32, #tpu.memory_space<vmem>>, vector<16xf32>,
        %get3A_697 = arith.index_cast %add3A_672 : i32 to index
        %get3A_698 = arith.constant 48 : index
        %get3A_699 = tpu.vector_load %arg27[%get3A_697, %get3A_698] {strides = array<i32>} : memref<80x64xf32, #tpu.memory_space<vmem>>, vector<16xf32>,
        %mul3A_700 = arith.mulf %get3A_699, %broadcast_in_dim3A_675 : vector<16xf32>
        %swap3A_701 = arith.index_cast %add3A_672 : i32 to index
        %swap3A_702 = arith.constant 48 : index
        %swap3A_703 = tpu.vector_load %arg28[%swap3A_701, %swap3A_702] {strides = array<i32>} : memref<80x80xf32, #tpu.memory_space<vmem>>, vector<16xf32>,
        tpu.vector_store %arg28[%swap3A_701, %swap3A_702], %mul3A_700 {strides = array<i32>} : memref<80x80xf32, #tpu.memory_space<vmem>>, vector<16xf32>,
        %jit3A_704 = arith.constant 0.000000e+00 : f32
        %broadcast_in_dim3A_705 = vector.broadcast %jit3A_704 : f32 to vector<16xf32>
        %select_n3A_706 = arith.select %eq3A_34, %broadcast_in_dim3A_675, %broadcast_in_dim3A_705 : vector<16xi1>, vector<16xf32>
        %swap3A_707 = arith.index_cast %add3A_672 : i32 to index
        %swap3A_708 = arith.constant 64 : index
        %swap3A_709 = tpu.vector_load %arg28[%swap3A_707, %swap3A_708] {strides = array<i32>} : memref<80x80xf32, #tpu.memory_space<vmem>>, vector<16xf32>,
        tpu.vector_store %arg28[%swap3A_707, %swap3A_708], %select_n3A_706 {strides = array<i32>} : memref<80x80xf32, #tpu.memory_space<vmem>>, vector<16xf32>,
        %mul3A_710 = arith.constant 16 : i32
        %mul3A_711 = arith.muli %scan3A_624, %mul3A_710 : i32
        %add3A_712 = arith.constant 2 : i32
        %add3A_713 = arith.addi %mul3A_711, %add3A_712 : i32
        %slice3A_714 = vector.extract_strided_slice %get3A_629 {offsets = [2], sizes = [1], strides = [1]} : vector<16xf32> to vector<1xf32>
        %squeeze3A_715 = vector.extract %slice3A_714[0] : f32 from vector<1xf32>
        %broadcast_in_dim3A_716 = vector.broadcast %squeeze3A_715 : f32 to vector<16xf32>
        %get3A_717 = arith.index_cast %add3A_713 : i32 to index
        %get3A_718 = arith.constant 0 : index
        %get3A_719 = tpu.vector_load %arg27[%get3A_717, %get3A_718] {strides = array<i32>} : memref<80x64xf32, #tpu.memory_space<vmem>>, vector<16xf32>,
        %mul3A_720 = arith.mulf %get3A_719, %broadcast_in_dim3A_716 : vector<16xf32>
        %swap3A_721 = arith.index_cast %add3A_713 : i32 to index
        %swap3A_722 = arith.constant 0 : index
        %swap3A_723 = tpu.vector_load %arg28[%swap3A_721, %swap3A_722] {strides = array<i32>} : memref<80x80xf32, #tpu.memory_space<vmem>>, vector<16xf32>,
        tpu.vector_store %arg28[%swap3A_721, %swap3A_722], %mul3A_720 {strides = array<i32>} : memref<80x80xf32, #tpu.memory_space<vmem>>, vector<16xf32>,
        %get3A_724 = arith.index_cast %add3A_713 : i32 to index
        %get3A_725 = arith.constant 16 : index
        %get3A_726 = tpu.vector_load %arg27[%get3A_724, %get3A_725] {strides = array<i32>} : memref<80x64xf32, #tpu.memory_space<vmem>>, vector<16xf32>,
        %mul3A_727 = arith.mulf %get3A_726, %broadcast_in_dim3A_716 : vector<16xf32>
        %swap3A_728 = arith.index_cast %add3A_713 : i32 to index
        %swap3A_729 = arith.constant 16 : index
        %swap3A_730 = tpu.vector_load %arg28[%swap3A_728, %swap3A_729] {strides = array<i32>} : memref<80x80xf32, #tpu.memory_space<vmem>>, vector<16xf32>,
        tpu.vector_store %arg28[%swap3A_728, %swap3A_729], %mul3A_727 {strides = array<i32>} : memref<80x80xf32, #tpu.memory_space<vmem>>, vector<16xf32>,
        %get3A_731 = arith.index_cast %add3A_713 : i32 to index
        %get3A_732 = arith.constant 32 : index
        %get3A_733 = tpu.vector_load %arg27[%get3A_731, %get3A_732] {strides = array<i32>} : memref<80x64xf32, #tpu.memory_space<vmem>>, vector<16xf32>,
        %mul3A_734 = arith.mulf %get3A_733, %broadcast_in_dim3A_716 : vector<16xf32>
        %swap3A_735 = arith.index_cast %add3A_713 : i32 to index
        %swap3A_736 = arith.constant 32 : index
        %swap3A_737 = tpu.vector_load %arg28[%swap3A_735, %swap3A_736] {strides = array<i32>} : memref<80x80xf32, #tpu.memory_space<vmem>>, vector<16xf32>,
        tpu.vector_store %arg28[%swap3A_735, %swap3A_736], %mul3A_734 {strides = array<i32>} : memref<80x80xf32, #tpu.memory_space<vmem>>, vector<16xf32>,
        %get3A_738 = arith.index_cast %add3A_713 : i32 to index
        %get3A_739 = arith.constant 48 : index
        %get3A_740 = tpu.vector_load %arg27[%get3A_738, %get3A_739] {strides = array<i32>} : memref<80x64xf32, #tpu.memory_space<vmem>>, vector<16xf32>,
        %mul3A_741 = arith.mulf %get3A_740, %broadcast_in_dim3A_716 : vector<16xf32>
        %swap3A_742 = arith.index_cast %add3A_713 : i32 to index
        %swap3A_743 = arith.constant 48 : index
        %swap3A_744 = tpu.vector_load %arg28[%swap3A_742, %swap3A_743] {strides = array<i32>} : memref<80x80xf32, #tpu.memory_space<vmem>>, vector<16xf32>,
        tpu.vector_store %arg28[%swap3A_742, %swap3A_743], %mul3A_741 {strides = array<i32>} : memref<80x80xf32, #tpu.memory_space<vmem>>, vector<16xf32>,
        %jit3A_745 = arith.constant 0.000000e+00 : f32
        %broadcast_in_dim3A_746 = vector.broadcast %jit3A_745 : f32 to vector<16xf32>
        %select_n3A_747 = arith.select %eq3A_34, %broadcast_in_dim3A_716, %broadcast_in_dim3A_746 : vector<16xi1>, vector<16xf32>
        %swap3A_748 = arith.index_cast %add3A_713 : i32 to index
        %swap3A_749 = arith.constant 64 : index
        %swap3A_750 = tpu.vector_load %arg28[%swap3A_748, %swap3A_749] {strides = array<i32>} : memref<80x80xf32, #tpu.memory_space<vmem>>, vector<16xf32>,
        tpu.vector_store %arg28[%swap3A_748, %swap3A_749], %select_n3A_747 {strides = array<i32>} : memref<80x80xf32, #tpu.memory_space<vmem>>, vector<16xf32>,
        %mul3A_751 = arith.constant 16 : i32
        %mul3A_752 = arith.muli %scan3A_624, %mul3A_751 : i32
        %add3A_753 = arith.constant 3 : i32
        %add3A_754 = arith.addi %mul3A_752, %add3A_753 : i32
        %slice3A_755 = vector.extract_strided_slice %get3A_629 {offsets = [3], sizes = [1], strides = [1]} : vector<16xf32> to vector<1xf32>
        %squeeze3A_756 = vector.extract %slice3A_755[0] : f32 from vector<1xf32>
        %broadcast_in_dim3A_757 = vector.broadcast %squeeze3A_756 : f32 to vector<16xf32>
        %get3A_758 = arith.index_cast %add3A_754 : i32 to index
        %get3A_759 = arith.constant 0 : index
        %get3A_760 = tpu.vector_load %arg27[%get3A_758, %get3A_759] {strides = array<i32>} : memref<80x64xf32, #tpu.memory_space<vmem>>, vector<16xf32>,
        %mul3A_761 = arith.mulf %get3A_760, %broadcast_in_dim3A_757 : vector<16xf32>
        %swap3A_762 = arith.index_cast %add3A_754 : i32 to index
        %swap3A_763 = arith.constant 0 : index
        %swap3A_764 = tpu.vector_load %arg28[%swap3A_762, %swap3A_763] {strides = array<i32>} : memref<80x80xf32, #tpu.memory_space<vmem>>, vector<16xf32>,
        tpu.vector_store %arg28[%swap3A_762, %swap3A_763], %mul3A_761 {strides = array<i32>} : memref<80x80xf32, #tpu.memory_space<vmem>>, vector<16xf32>,
        %get3A_765 = arith.index_cast %add3A_754 : i32 to index
        %get3A_766 = arith.constant 16 : index
        %get3A_767 = tpu.vector_load %arg27[%get3A_765, %get3A_766] {strides = array<i32>} : memref<80x64xf32, #tpu.memory_space<vmem>>, vector<16xf32>,
        %mul3A_768 = arith.mulf %get3A_767, %broadcast_in_dim3A_757 : vector<16xf32>
        %swap3A_769 = arith.index_cast %add3A_754 : i32 to index
        %swap3A_770 = arith.constant 16 : index
        %swap3A_771 = tpu.vector_load %arg28[%swap3A_769, %swap3A_770] {strides = array<i32>} : memref<80x80xf32, #tpu.memory_space<vmem>>, vector<16xf32>,
        tpu.vector_store %arg28[%swap3A_769, %swap3A_770], %mul3A_768 {strides = array<i32>} : memref<80x80xf32, #tpu.memory_space<vmem>>, vector<16xf32>,
        %get3A_772 = arith.index_cast %add3A_754 : i32 to index
        %get3A_773 = arith.constant 32 : index
        %get3A_774 = tpu.vector_load %arg27[%get3A_772, %get3A_773] {strides = array<i32>} : memref<80x64xf32, #tpu.memory_space<vmem>>, vector<16xf32>,
        %mul3A_775 = arith.mulf %get3A_774, %broadcast_in_dim3A_757 : vector<16xf32>
        %swap3A_776 = arith.index_cast %add3A_754 : i32 to index
        %swap3A_777 = arith.constant 32 : index
        %swap3A_778 = tpu.vector_load %arg28[%swap3A_776, %swap3A_777] {strides = array<i32>} : memref<80x80xf32, #tpu.memory_space<vmem>>, vector<16xf32>,
        tpu.vector_store %arg28[%swap3A_776, %swap3A_777], %mul3A_775 {strides = array<i32>} : memref<80x80xf32, #tpu.memory_space<vmem>>, vector<16xf32>,
        %get3A_779 = arith.index_cast %add3A_754 : i32 to index
        %get3A_780 = arith.constant 48 : index
        %get3A_781 = tpu.vector_load %arg27[%get3A_779, %get3A_780] {strides = array<i32>} : memref<80x64xf32, #tpu.memory_space<vmem>>, vector<16xf32>,
        %mul3A_782 = arith.mulf %get3A_781, %broadcast_in_dim3A_757 : vector<16xf32>
        %swap3A_783 = arith.index_cast %add3A_754 : i32 to index
        %swap3A_784 = arith.constant 48 : index
        %swap3A_785 = tpu.vector_load %arg28[%swap3A_783, %swap3A_784] {strides = array<i32>} : memref<80x80xf32, #tpu.memory_space<vmem>>, vector<16xf32>,
        tpu.vector_store %arg28[%swap3A_783, %swap3A_784], %mul3A_782 {strides = array<i32>} : memref<80x80xf32, #tpu.memory_space<vmem>>, vector<16xf32>,
        %jit3A_786 = arith.constant 0.000000e+00 : f32
        %broadcast_in_dim3A_787 = vector.broadcast %jit3A_786 : f32 to vector<16xf32>
        %select_n3A_788 = arith.select %eq3A_34, %broadcast_in_dim3A_757, %broadcast_in_dim3A_787 : vector<16xi1>, vector<16xf32>
        %swap3A_789 = arith.index_cast %add3A_754 : i32 to index
        %swap3A_790 = arith.constant 64 : index
        %swap3A_791 = tpu.vector_load %arg28[%swap3A_789, %swap3A_790] {strides = array<i32>} : memref<80x80xf32, #tpu.memory_space<vmem>>, vector<16xf32>,
        tpu.vector_store %arg28[%swap3A_789, %swap3A_790], %select_n3A_788 {strides = array<i32>} : memref<80x80xf32, #tpu.memory_space<vmem>>, vector<16xf32>,
        %mul3A_792 = arith.constant 16 : i32
        %mul3A_793 = arith.muli %scan3A_624, %mul3A_792 : i32
        %add3A_794 = arith.constant 4 : i32
        %add3A_795 = arith.addi %mul3A_793, %add3A_794 : i32
        %slice3A_796 = vector.extract_strided_slice %get3A_629 {offsets = [4], sizes = [1], strides = [1]} : vector<16xf32> to vector<1xf32>
        %squeeze3A_797 = vector.extract %slice3A_796[0] : f32 from vector<1xf32>
        %broadcast_in_dim3A_798 = vector.broadcast %squeeze3A_797 : f32 to vector<16xf32>
        %get3A_799 = arith.index_cast %add3A_795 : i32 to index
        %get3A_800 = arith.constant 0 : index
        %get3A_801 = tpu.vector_load %arg27[%get3A_799, %get3A_800] {strides = array<i32>} : memref<80x64xf32, #tpu.memory_space<vmem>>, vector<16xf32>,
        %mul3A_802 = arith.mulf %get3A_801, %broadcast_in_dim3A_798 : vector<16xf32>
        %swap3A_803 = arith.index_cast %add3A_795 : i32 to index
        %swap3A_804 = arith.constant 0 : index
        %swap3A_805 = tpu.vector_load %arg28[%swap3A_803, %swap3A_804] {strides = array<i32>} : memref<80x80xf32, #tpu.memory_space<vmem>>, vector<16xf32>,
        tpu.vector_store %arg28[%swap3A_803, %swap3A_804], %mul3A_802 {strides = array<i32>} : memref<80x80xf32, #tpu.memory_space<vmem>>, vector<16xf32>,
        %get3A_806 = arith.index_cast %add3A_795 : i32 to index
        %get3A_807 = arith.constant 16 : index
        %get3A_808 = tpu.vector_load %arg27[%get3A_806, %get3A_807] {strides = array<i32>} : memref<80x64xf32, #tpu.memory_space<vmem>>, vector<16xf32>,
        %mul3A_809 = arith.mulf %get3A_808, %broadcast_in_dim3A_798 : vector<16xf32>
        %swap3A_810 = arith.index_cast %add3A_795 : i32 to index
        %swap3A_811 = arith.constant 16 : index
        %swap3A_812 = tpu.vector_load %arg28[%swap3A_810, %swap3A_811] {strides = array<i32>} : memref<80x80xf32, #tpu.memory_space<vmem>>, vector<16xf32>,
        tpu.vector_store %arg28[%swap3A_810, %swap3A_811], %mul3A_809 {strides = array<i32>} : memref<80x80xf32, #tpu.memory_space<vmem>>, vector<16xf32>,
        %get3A_813 = arith.index_cast %add3A_795 : i32 to index
        %get3A_814 = arith.constant 32 : index
        %get3A_815 = tpu.vector_load %arg27[%get3A_813, %get3A_814] {strides = array<i32>} : memref<80x64xf32, #tpu.memory_space<vmem>>, vector<16xf32>,
        %mul3A_816 = arith.mulf %get3A_815, %broadcast_in_dim3A_798 : vector<16xf32>
        %swap3A_817 = arith.index_cast %add3A_795 : i32 to index
        %swap3A_818 = arith.constant 32 : index
        %swap3A_819 = tpu.vector_load %arg28[%swap3A_817, %swap3A_818] {strides = array<i32>} : memref<80x80xf32, #tpu.memory_space<vmem>>, vector<16xf32>,
        tpu.vector_store %arg28[%swap3A_817, %swap3A_818], %mul3A_816 {strides = array<i32>} : memref<80x80xf32, #tpu.memory_space<vmem>>, vector<16xf32>,
        %get3A_820 = arith.index_cast %add3A_795 : i32 to index
        %get3A_821 = arith.constant 48 : index
        %get3A_822 = tpu.vector_load %arg27[%get3A_820, %get3A_821] {strides = array<i32>} : memref<80x64xf32, #tpu.memory_space<vmem>>, vector<16xf32>,
        %mul3A_823 = arith.mulf %get3A_822, %broadcast_in_dim3A_798 : vector<16xf32>
        %swap3A_824 = arith.index_cast %add3A_795 : i32 to index
        %swap3A_825 = arith.constant 48 : index
        %swap3A_826 = tpu.vector_load %arg28[%swap3A_824, %swap3A_825] {strides = array<i32>} : memref<80x80xf32, #tpu.memory_space<vmem>>, vector<16xf32>,
        tpu.vector_store %arg28[%swap3A_824, %swap3A_825], %mul3A_823 {strides = array<i32>} : memref<80x80xf32, #tpu.memory_space<vmem>>, vector<16xf32>,
        %jit3A_827 = arith.constant 0.000000e+00 : f32
        %broadcast_in_dim3A_828 = vector.broadcast %jit3A_827 : f32 to vector<16xf32>
        %select_n3A_829 = arith.select %eq3A_34, %broadcast_in_dim3A_798, %broadcast_in_dim3A_828 : vector<16xi1>, vector<16xf32>
        %swap3A_830 = arith.index_cast %add3A_795 : i32 to index
        %swap3A_831 = arith.constant 64 : index
        %swap3A_832 = tpu.vector_load %arg28[%swap3A_830, %swap3A_831] {strides = array<i32>} : memref<80x80xf32, #tpu.memory_space<vmem>>, vector<16xf32>,
        tpu.vector_store %arg28[%swap3A_830, %swap3A_831], %select_n3A_829 {strides = array<i32>} : memref<80x80xf32, #tpu.memory_space<vmem>>, vector<16xf32>,
        %mul3A_833 = arith.constant 16 : i32
        %mul3A_834 = arith.muli %scan3A_624, %mul3A_833 : i32
        %add3A_835 = arith.constant 5 : i32
        %add3A_836 = arith.addi %mul3A_834, %add3A_835 : i32
        %slice3A_837 = vector.extract_strided_slice %get3A_629 {offsets = [5], sizes = [1], strides = [1]} : vector<16xf32> to vector<1xf32>
        %squeeze3A_838 = vector.extract %slice3A_837[0] : f32 from vector<1xf32>
        %broadcast_in_dim3A_839 = vector.broadcast %squeeze3A_838 : f32 to vector<16xf32>
        %get3A_840 = arith.index_cast %add3A_836 : i32 to index
        %get3A_841 = arith.constant 0 : index
        %get3A_842 = tpu.vector_load %arg27[%get3A_840, %get3A_841] {strides = array<i32>} : memref<80x64xf32, #tpu.memory_space<vmem>>, vector<16xf32>,
        %mul3A_843 = arith.mulf %get3A_842, %broadcast_in_dim3A_839 : vector<16xf32>
        %swap3A_844 = arith.index_cast %add3A_836 : i32 to index
        %swap3A_845 = arith.constant 0 : index
        %swap3A_846 = tpu.vector_load %arg28[%swap3A_844, %swap3A_845] {strides = array<i32>} : memref<80x80xf32, #tpu.memory_space<vmem>>, vector<16xf32>,
        tpu.vector_store %arg28[%swap3A_844, %swap3A_845], %mul3A_843 {strides = array<i32>} : memref<80x80xf32, #tpu.memory_space<vmem>>, vector<16xf32>,
        %get3A_847 = arith.index_cast %add3A_836 : i32 to index
        %get3A_848 = arith.constant 16 : index
        %get3A_849 = tpu.vector_load %arg27[%get3A_847, %get3A_848] {strides = array<i32>} : memref<80x64xf32, #tpu.memory_space<vmem>>, vector<16xf32>,
        %mul3A_850 = arith.mulf %get3A_849, %broadcast_in_dim3A_839 : vector<16xf32>
        %swap3A_851 = arith.index_cast %add3A_836 : i32 to index
        %swap3A_852 = arith.constant 16 : index
        %swap3A_853 = tpu.vector_load %arg28[%swap3A_851, %swap3A_852] {strides = array<i32>} : memref<80x80xf32, #tpu.memory_space<vmem>>, vector<16xf32>,
        tpu.vector_store %arg28[%swap3A_851, %swap3A_852], %mul3A_850 {strides = array<i32>} : memref<80x80xf32, #tpu.memory_space<vmem>>, vector<16xf32>,
        %get3A_854 = arith.index_cast %add3A_836 : i32 to index
        %get3A_855 = arith.constant 32 : index
        %get3A_856 = tpu.vector_load %arg27[%get3A_854, %get3A_855] {strides = array<i32>} : memref<80x64xf32, #tpu.memory_space<vmem>>, vector<16xf32>,
        %mul3A_857 = arith.mulf %get3A_856, %broadcast_in_dim3A_839 : vector<16xf32>
        %swap3A_858 = arith.index_cast %add3A_836 : i32 to index
        %swap3A_859 = arith.constant 32 : index
        %swap3A_860 = tpu.vector_load %arg28[%swap3A_858, %swap3A_859] {strides = array<i32>} : memref<80x80xf32, #tpu.memory_space<vmem>>, vector<16xf32>,
        tpu.vector_store %arg28[%swap3A_858, %swap3A_859], %mul3A_857 {strides = array<i32>} : memref<80x80xf32, #tpu.memory_space<vmem>>, vector<16xf32>,
        %get3A_861 = arith.index_cast %add3A_836 : i32 to index
        %get3A_862 = arith.constant 48 : index
        %get3A_863 = tpu.vector_load %arg27[%get3A_861, %get3A_862] {strides = array<i32>} : memref<80x64xf32, #tpu.memory_space<vmem>>, vector<16xf32>,
        %mul3A_864 = arith.mulf %get3A_863, %broadcast_in_dim3A_839 : vector<16xf32>
        %swap3A_865 = arith.index_cast %add3A_836 : i32 to index
        %swap3A_866 = arith.constant 48 : index
        %swap3A_867 = tpu.vector_load %arg28[%swap3A_865, %swap3A_866] {strides = array<i32>} : memref<80x80xf32, #tpu.memory_space<vmem>>, vector<16xf32>,
        tpu.vector_store %arg28[%swap3A_865, %swap3A_866], %mul3A_864 {strides = array<i32>} : memref<80x80xf32, #tpu.memory_space<vmem>>, vector<16xf32>,
        %jit3A_868 = arith.constant 0.000000e+00 : f32
        %broadcast_in_dim3A_869 = vector.broadcast %jit3A_868 : f32 to vector<16xf32>
        %select_n3A_870 = arith.select %eq3A_34, %broadcast_in_dim3A_839, %broadcast_in_dim3A_869 : vector<16xi1>, vector<16xf32>
        %swap3A_871 = arith.index_cast %add3A_836 : i32 to index
        %swap3A_872 = arith.constant 64 : index
        %swap3A_873 = tpu.vector_load %arg28[%swap3A_871, %swap3A_872] {strides = array<i32>} : memref<80x80xf32, #tpu.memory_space<vmem>>, vector<16xf32>,
        tpu.vector_store %arg28[%swap3A_871, %swap3A_872], %select_n3A_870 {strides = array<i32>} : memref<80x80xf32, #tpu.memory_space<vmem>>, vector<16xf32>,
        %mul3A_874 = arith.constant 16 : i32
        %mul3A_875 = arith.muli %scan3A_624, %mul3A_874 : i32
        %add3A_876 = arith.constant 6 : i32
        %add3A_877 = arith.addi %mul3A_875, %add3A_876 : i32
        %slice3A_878 = vector.extract_strided_slice %get3A_629 {offsets = [6], sizes = [1], strides = [1]} : vector<16xf32> to vector<1xf32>
        %squeeze3A_879 = vector.extract %slice3A_878[0] : f32 from vector<1xf32>
        %broadcast_in_dim3A_880 = vector.broadcast %squeeze3A_879 : f32 to vector<16xf32>
        %get3A_881 = arith.index_cast %add3A_877 : i32 to index
        %get3A_882 = arith.constant 0 : index
        %get3A_883 = tpu.vector_load %arg27[%get3A_881, %get3A_882] {strides = array<i32>} : memref<80x64xf32, #tpu.memory_space<vmem>>, vector<16xf32>,
        %mul3A_884 = arith.mulf %get3A_883, %broadcast_in_dim3A_880 : vector<16xf32>
        %swap3A_885 = arith.index_cast %add3A_877 : i32 to index
        %swap3A_886 = arith.constant 0 : index
        %swap3A_887 = tpu.vector_load %arg28[%swap3A_885, %swap3A_886] {strides = array<i32>} : memref<80x80xf32, #tpu.memory_space<vmem>>, vector<16xf32>,
        tpu.vector_store %arg28[%swap3A_885, %swap3A_886], %mul3A_884 {strides = array<i32>} : memref<80x80xf32, #tpu.memory_space<vmem>>, vector<16xf32>,
        %get3A_888 = arith.index_cast %add3A_877 : i32 to index
        %get3A_889 = arith.constant 16 : index
        %get3A_890 = tpu.vector_load %arg27[%get3A_888, %get3A_889] {strides = array<i32>} : memref<80x64xf32, #tpu.memory_space<vmem>>, vector<16xf32>,
        %mul3A_891 = arith.mulf %get3A_890, %broadcast_in_dim3A_880 : vector<16xf32>
        %swap3A_892 = arith.index_cast %add3A_877 : i32 to index
        %swap3A_893 = arith.constant 16 : index
        %swap3A_894 = tpu.vector_load %arg28[%swap3A_892, %swap3A_893] {strides = array<i32>} : memref<80x80xf32, #tpu.memory_space<vmem>>, vector<16xf32>,
        tpu.vector_store %arg28[%swap3A_892, %swap3A_893], %mul3A_891 {strides = array<i32>} : memref<80x80xf32, #tpu.memory_space<vmem>>, vector<16xf32>,
        %get3A_895 = arith.index_cast %add3A_877 : i32 to index
        %get3A_896 = arith.constant 32 : index
        %get3A_897 = tpu.vector_load %arg27[%get3A_895, %get3A_896] {strides = array<i32>} : memref<80x64xf32, #tpu.memory_space<vmem>>, vector<16xf32>,
        %mul3A_898 = arith.mulf %get3A_897, %broadcast_in_dim3A_880 : vector<16xf32>
        %swap3A_899 = arith.index_cast %add3A_877 : i32 to index
        %swap3A_900 = arith.constant 32 : index
        %swap3A_901 = tpu.vector_load %arg28[%swap3A_899, %swap3A_900] {strides = array<i32>} : memref<80x80xf32, #tpu.memory_space<vmem>>, vector<16xf32>,
        tpu.vector_store %arg28[%swap3A_899, %swap3A_900], %mul3A_898 {strides = array<i32>} : memref<80x80xf32, #tpu.memory_space<vmem>>, vector<16xf32>,
        %get3A_902 = arith.index_cast %add3A_877 : i32 to index
        %get3A_903 = arith.constant 48 : index
        %get3A_904 = tpu.vector_load %arg27[%get3A_902, %get3A_903] {strides = array<i32>} : memref<80x64xf32, #tpu.memory_space<vmem>>, vector<16xf32>,
        %mul3A_905 = arith.mulf %get3A_904, %broadcast_in_dim3A_880 : vector<16xf32>
        %swap3A_906 = arith.index_cast %add3A_877 : i32 to index
        %swap3A_907 = arith.constant 48 : index
        %swap3A_908 = tpu.vector_load %arg28[%swap3A_906, %swap3A_907] {strides = array<i32>} : memref<80x80xf32, #tpu.memory_space<vmem>>, vector<16xf32>,
        tpu.vector_store %arg28[%swap3A_906, %swap3A_907], %mul3A_905 {strides = array<i32>} : memref<80x80xf32, #tpu.memory_space<vmem>>, vector<16xf32>,
        %jit3A_909 = arith.constant 0.000000e+00 : f32
        %broadcast_in_dim3A_910 = vector.broadcast %jit3A_909 : f32 to vector<16xf32>
        %select_n3A_911 = arith.select %eq3A_34, %broadcast_in_dim3A_880, %broadcast_in_dim3A_910 : vector<16xi1>, vector<16xf32>
        %swap3A_912 = arith.index_cast %add3A_877 : i32 to index
        %swap3A_913 = arith.constant 64 : index
        %swap3A_914 = tpu.vector_load %arg28[%swap3A_912, %swap3A_913] {strides = array<i32>} : memref<80x80xf32, #tpu.memory_space<vmem>>, vector<16xf32>,
        tpu.vector_store %arg28[%swap3A_912, %swap3A_913], %select_n3A_911 {strides = array<i32>} : memref<80x80xf32, #tpu.memory_space<vmem>>, vector<16xf32>,
        %mul3A_915 = arith.constant 16 : i32
        %mul3A_916 = arith.muli %scan3A_624, %mul3A_915 : i32
        %add3A_917 = arith.constant 7 : i32
        %add3A_918 = arith.addi %mul3A_916, %add3A_917 : i32
        %slice3A_919 = vector.extract_strided_slice %get3A_629 {offsets = [7], sizes = [1], strides = [1]} : vector<16xf32> to vector<1xf32>
        %squeeze3A_920 = vector.extract %slice3A_919[0] : f32 from vector<1xf32>
        %broadcast_in_dim3A_921 = vector.broadcast %squeeze3A_920 : f32 to vector<16xf32>
        %get3A_922 = arith.index_cast %add3A_918 : i32 to index
        %get3A_923 = arith.constant 0 : index
        %get3A_924 = tpu.vector_load %arg27[%get3A_922, %get3A_923] {strides = array<i32>} : memref<80x64xf32, #tpu.memory_space<vmem>>, vector<16xf32>,
        %mul3A_925 = arith.mulf %get3A_924, %broadcast_in_dim3A_921 : vector<16xf32>
        %swap3A_926 = arith.index_cast %add3A_918 : i32 to index
        %swap3A_927 = arith.constant 0 : index
        %swap3A_928 = tpu.vector_load %arg28[%swap3A_926, %swap3A_927] {strides = array<i32>} : memref<80x80xf32, #tpu.memory_space<vmem>>, vector<16xf32>,
        tpu.vector_store %arg28[%swap3A_926, %swap3A_927], %mul3A_925 {strides = array<i32>} : memref<80x80xf32, #tpu.memory_space<vmem>>, vector<16xf32>,
        %get3A_929 = arith.index_cast %add3A_918 : i32 to index
        %get3A_930 = arith.constant 16 : index
        %get3A_931 = tpu.vector_load %arg27[%get3A_929, %get3A_930] {strides = array<i32>} : memref<80x64xf32, #tpu.memory_space<vmem>>, vector<16xf32>,
        %mul3A_932 = arith.mulf %get3A_931, %broadcast_in_dim3A_921 : vector<16xf32>
        %swap3A_933 = arith.index_cast %add3A_918 : i32 to index
        %swap3A_934 = arith.constant 16 : index
        %swap3A_935 = tpu.vector_load %arg28[%swap3A_933, %swap3A_934] {strides = array<i32>} : memref<80x80xf32, #tpu.memory_space<vmem>>, vector<16xf32>,
        tpu.vector_store %arg28[%swap3A_933, %swap3A_934], %mul3A_932 {strides = array<i32>} : memref<80x80xf32, #tpu.memory_space<vmem>>, vector<16xf32>,
        %get3A_936 = arith.index_cast %add3A_918 : i32 to index
        %get3A_937 = arith.constant 32 : index
        %get3A_938 = tpu.vector_load %arg27[%get3A_936, %get3A_937] {strides = array<i32>} : memref<80x64xf32, #tpu.memory_space<vmem>>, vector<16xf32>,
        %mul3A_939 = arith.mulf %get3A_938, %broadcast_in_dim3A_921 : vector<16xf32>
        %swap3A_940 = arith.index_cast %add3A_918 : i32 to index
        %swap3A_941 = arith.constant 32 : index
        %swap3A_942 = tpu.vector_load %arg28[%swap3A_940, %swap3A_941] {strides = array<i32>} : memref<80x80xf32, #tpu.memory_space<vmem>>, vector<16xf32>,
        tpu.vector_store %arg28[%swap3A_940, %swap3A_941], %mul3A_939 {strides = array<i32>} : memref<80x80xf32, #tpu.memory_space<vmem>>, vector<16xf32>,
        %get3A_943 = arith.index_cast %add3A_918 : i32 to index
        %get3A_944 = arith.constant 48 : index
        %get3A_945 = tpu.vector_load %arg27[%get3A_943, %get3A_944] {strides = array<i32>} : memref<80x64xf32, #tpu.memory_space<vmem>>, vector<16xf32>,
        %mul3A_946 = arith.mulf %get3A_945, %broadcast_in_dim3A_921 : vector<16xf32>
        %swap3A_947 = arith.index_cast %add3A_918 : i32 to index
        %swap3A_948 = arith.constant 48 : index
        %swap3A_949 = tpu.vector_load %arg28[%swap3A_947, %swap3A_948] {strides = array<i32>} : memref<80x80xf32, #tpu.memory_space<vmem>>, vector<16xf32>,
        tpu.vector_store %arg28[%swap3A_947, %swap3A_948], %mul3A_946 {strides = array<i32>} : memref<80x80xf32, #tpu.memory_space<vmem>>, vector<16xf32>,
        %jit3A_950 = arith.constant 0.000000e+00 : f32
        %broadcast_in_dim3A_951 = vector.broadcast %jit3A_950 : f32 to vector<16xf32>
        %select_n3A_952 = arith.select %eq3A_34, %broadcast_in_dim3A_921, %broadcast_in_dim3A_951 : vector<16xi1>, vector<16xf32>
        %swap3A_953 = arith.index_cast %add3A_918 : i32 to index
        %swap3A_954 = arith.constant 64 : index
        %swap3A_955 = tpu.vector_load %arg28[%swap3A_953, %swap3A_954] {strides = array<i32>} : memref<80x80xf32, #tpu.memory_space<vmem>>, vector<16xf32>,
        tpu.vector_store %arg28[%swap3A_953, %swap3A_954], %select_n3A_952 {strides = array<i32>} : memref<80x80xf32, #tpu.memory_space<vmem>>, vector<16xf32>,
        %mul3A_956 = arith.constant 16 : i32
        %mul3A_957 = arith.muli %scan3A_624, %mul3A_956 : i32
        %add3A_958 = arith.constant 8 : i32
        %add3A_959 = arith.addi %mul3A_957, %add3A_958 : i32
        %slice3A_960 = vector.extract_strided_slice %get3A_629 {offsets = [8], sizes = [1], strides = [1]} : vector<16xf32> to vector<1xf32>
        %squeeze3A_961 = vector.extract %slice3A_960[0] : f32 from vector<1xf32>
        %broadcast_in_dim3A_962 = vector.broadcast %squeeze3A_961 : f32 to vector<16xf32>
        %get3A_963 = arith.index_cast %add3A_959 : i32 to index
        %get3A_964 = arith.constant 0 : index
        %get3A_965 = tpu.vector_load %arg27[%get3A_963, %get3A_964] {strides = array<i32>} : memref<80x64xf32, #tpu.memory_space<vmem>>, vector<16xf32>,
        %mul3A_966 = arith.mulf %get3A_965, %broadcast_in_dim3A_962 : vector<16xf32>
        %swap3A_967 = arith.index_cast %add3A_959 : i32 to index
        %swap3A_968 = arith.constant 0 : index
        %swap3A_969 = tpu.vector_load %arg28[%swap3A_967, %swap3A_968] {strides = array<i32>} : memref<80x80xf32, #tpu.memory_space<vmem>>, vector<16xf32>,
        tpu.vector_store %arg28[%swap3A_967, %swap3A_968], %mul3A_966 {strides = array<i32>} : memref<80x80xf32, #tpu.memory_space<vmem>>, vector<16xf32>,
        %get3A_970 = arith.index_cast %add3A_959 : i32 to index
        %get3A_971 = arith.constant 16 : index
        %get3A_972 = tpu.vector_load %arg27[%get3A_970, %get3A_971] {strides = array<i32>} : memref<80x64xf32, #tpu.memory_space<vmem>>, vector<16xf32>,
        %mul3A_973 = arith.mulf %get3A_972, %broadcast_in_dim3A_962 : vector<16xf32>
        %swap3A_974 = arith.index_cast %add3A_959 : i32 to index
        %swap3A_975 = arith.constant 16 : index
        %swap3A_976 = tpu.vector_load %arg28[%swap3A_974, %swap3A_975] {strides = array<i32>} : memref<80x80xf32, #tpu.memory_space<vmem>>, vector<16xf32>,
        tpu.vector_store %arg28[%swap3A_974, %swap3A_975], %mul3A_973 {strides = array<i32>} : memref<80x80xf32, #tpu.memory_space<vmem>>, vector<16xf32>,
        %get3A_977 = arith.index_cast %add3A_959 : i32 to index
        %get3A_978 = arith.constant 32 : index
        %get3A_979 = tpu.vector_load %arg27[%get3A_977, %get3A_978] {strides = array<i32>} : memref<80x64xf32, #tpu.memory_space<vmem>>, vector<16xf32>,
        %mul3A_980 = arith.mulf %get3A_979, %broadcast_in_dim3A_962 : vector<16xf32>
        %swap3A_981 = arith.index_cast %add3A_959 : i32 to index
        %swap3A_982 = arith.constant 32 : index
        %swap3A_983 = tpu.vector_load %arg28[%swap3A_981, %swap3A_982] {strides = array<i32>} : memref<80x80xf32, #tpu.memory_space<vmem>>, vector<16xf32>,
        tpu.vector_store %arg28[%swap3A_981, %swap3A_982], %mul3A_980 {strides = array<i32>} : memref<80x80xf32, #tpu.memory_space<vmem>>, vector<16xf32>,
        %get3A_984 = arith.index_cast %add3A_959 : i32 to index
        %get3A_985 = arith.constant 48 : index
        %get3A_986 = tpu.vector_load %arg27[%get3A_984, %get3A_985] {strides = array<i32>} : memref<80x64xf32, #tpu.memory_space<vmem>>, vector<16xf32>,
        %mul3A_987 = arith.mulf %get3A_986, %broadcast_in_dim3A_962 : vector<16xf32>
        %swap3A_988 = arith.index_cast %add3A_959 : i32 to index
        %swap3A_989 = arith.constant 48 : index
        %swap3A_990 = tpu.vector_load %arg28[%swap3A_988, %swap3A_989] {strides = array<i32>} : memref<80x80xf32, #tpu.memory_space<vmem>>, vector<16xf32>,
        tpu.vector_store %arg28[%swap3A_988, %swap3A_989], %mul3A_987 {strides = array<i32>} : memref<80x80xf32, #tpu.memory_space<vmem>>, vector<16xf32>,
        %jit3A_991 = arith.constant 0.000000e+00 : f32
        %broadcast_in_dim3A_992 = vector.broadcast %jit3A_991 : f32 to vector<16xf32>
        %select_n3A_993 = arith.select %eq3A_34, %broadcast_in_dim3A_962, %broadcast_in_dim3A_992 : vector<16xi1>, vector<16xf32>
        %swap3A_994 = arith.index_cast %add3A_959 : i32 to index
        %swap3A_995 = arith.constant 64 : index
        %swap3A_996 = tpu.vector_load %arg28[%swap3A_994, %swap3A_995] {strides = array<i32>} : memref<80x80xf32, #tpu.memory_space<vmem>>, vector<16xf32>,
        tpu.vector_store %arg28[%swap3A_994, %swap3A_995], %select_n3A_993 {strides = array<i32>} : memref<80x80xf32, #tpu.memory_space<vmem>>, vector<16xf32>,
        %mul3A_997 = arith.constant 16 : i32
        %mul3A_998 = arith.muli %scan3A_624, %mul3A_997 : i32
        %add3A_999 = arith.constant 9 : i32
        %add3A_1000 = arith.addi %mul3A_998, %add3A_999 : i32
        %slice3A_1001 = vector.extract_strided_slice %get3A_629 {offsets = [9], sizes = [1], strides = [1]} : vector<16xf32> to vector<1xf32>
        %squeeze3A_1002 = vector.extract %slice3A_1001[0] : f32 from vector<1xf32>
        %broadcast_in_dim3A_1003 = vector.broadcast %squeeze3A_1002 : f32 to vector<16xf32>
        %get3A_1004 = arith.index_cast %add3A_1000 : i32 to index
        %get3A_1005 = arith.constant 0 : index
        %get3A_1006 = tpu.vector_load %arg27[%get3A_1004, %get3A_1005] {strides = array<i32>} : memref<80x64xf32, #tpu.memory_space<vmem>>, vector<16xf32>,
        %mul3A_1007 = arith.mulf %get3A_1006, %broadcast_in_dim3A_1003 : vector<16xf32>
        %swap3A_1008 = arith.index_cast %add3A_1000 : i32 to index
        %swap3A_1009 = arith.constant 0 : index
        %swap3A_1010 = tpu.vector_load %arg28[%swap3A_1008, %swap3A_1009] {strides = array<i32>} : memref<80x80xf32, #tpu.memory_space<vmem>>, vector<16xf32>,
        tpu.vector_store %arg28[%swap3A_1008, %swap3A_1009], %mul3A_1007 {strides = array<i32>} : memref<80x80xf32, #tpu.memory_space<vmem>>, vector<16xf32>,
        %get3A_1011 = arith.index_cast %add3A_1000 : i32 to index
        %get3A_1012 = arith.constant 16 : index
        %get3A_1013 = tpu.vector_load %arg27[%get3A_1011, %get3A_1012] {strides = array<i32>} : memref<80x64xf32, #tpu.memory_space<vmem>>, vector<16xf32>,
        %mul3A_1014 = arith.mulf %get3A_1013, %broadcast_in_dim3A_1003 : vector<16xf32>
        %swap3A_1015 = arith.index_cast %add3A_1000 : i32 to index
        %swap3A_1016 = arith.constant 16 : index
        %swap3A_1017 = tpu.vector_load %arg28[%swap3A_1015, %swap3A_1016] {strides = array<i32>} : memref<80x80xf32, #tpu.memory_space<vmem>>, vector<16xf32>,
        tpu.vector_store %arg28[%swap3A_1015, %swap3A_1016], %mul3A_1014 {strides = array<i32>} : memref<80x80xf32, #tpu.memory_space<vmem>>, vector<16xf32>,
        %get3A_1018 = arith.index_cast %add3A_1000 : i32 to index
        %get3A_1019 = arith.constant 32 : index
        %get3A_1020 = tpu.vector_load %arg27[%get3A_1018, %get3A_1019] {strides = array<i32>} : memref<80x64xf32, #tpu.memory_space<vmem>>, vector<16xf32>,
        %mul3A_1021 = arith.mulf %get3A_1020, %broadcast_in_dim3A_1003 : vector<16xf32>
        %swap3A_1022 = arith.index_cast %add3A_1000 : i32 to index
        %swap3A_1023 = arith.constant 32 : index
        %swap3A_1024 = tpu.vector_load %arg28[%swap3A_1022, %swap3A_1023] {strides = array<i32>} : memref<80x80xf32, #tpu.memory_space<vmem>>, vector<16xf32>,
        tpu.vector_store %arg28[%swap3A_1022, %swap3A_1023], %mul3A_1021 {strides = array<i32>} : memref<80x80xf32, #tpu.memory_space<vmem>>, vector<16xf32>,
        %get3A_1025 = arith.index_cast %add3A_1000 : i32 to index
        %get3A_1026 = arith.constant 48 : index
        %get3A_1027 = tpu.vector_load %arg27[%get3A_1025, %get3A_1026] {strides = array<i32>} : memref<80x64xf32, #tpu.memory_space<vmem>>, vector<16xf32>,
        %mul3A_1028 = arith.mulf %get3A_1027, %broadcast_in_dim3A_1003 : vector<16xf32>
        %swap3A_1029 = arith.index_cast %add3A_1000 : i32 to index
        %swap3A_1030 = arith.constant 48 : index
        %swap3A_1031 = tpu.vector_load %arg28[%swap3A_1029, %swap3A_1030] {strides = array<i32>} : memref<80x80xf32, #tpu.memory_space<vmem>>, vector<16xf32>,
        tpu.vector_store %arg28[%swap3A_1029, %swap3A_1030], %mul3A_1028 {strides = array<i32>} : memref<80x80xf32, #tpu.memory_space<vmem>>, vector<16xf32>,
        %jit3A_1032 = arith.constant 0.000000e+00 : f32
        %broadcast_in_dim3A_1033 = vector.broadcast %jit3A_1032 : f32 to vector<16xf32>
        %select_n3A_1034 = arith.select %eq3A_34, %broadcast_in_dim3A_1003, %broadcast_in_dim3A_1033 : vector<16xi1>, vector<16xf32>
        %swap3A_1035 = arith.index_cast %add3A_1000 : i32 to index
        %swap3A_1036 = arith.constant 64 : index
        %swap3A_1037 = tpu.vector_load %arg28[%swap3A_1035, %swap3A_1036] {strides = array<i32>} : memref<80x80xf32, #tpu.memory_space<vmem>>, vector<16xf32>,
        tpu.vector_store %arg28[%swap3A_1035, %swap3A_1036], %select_n3A_1034 {strides = array<i32>} : memref<80x80xf32, #tpu.memory_space<vmem>>, vector<16xf32>,
        %mul3A_1038 = arith.constant 16 : i32
        %mul3A_1039 = arith.muli %scan3A_624, %mul3A_1038 : i32
        %add3A_1040 = arith.constant 10 : i32
        %add3A_1041 = arith.addi %mul3A_1039, %add3A_1040 : i32
        %slice3A_1042 = vector.extract_strided_slice %get3A_629 {offsets = [10], sizes = [1], strides = [1]} : vector<16xf32> to vector<1xf32>
        %squeeze3A_1043 = vector.extract %slice3A_1042[0] : f32 from vector<1xf32>
        %broadcast_in_dim3A_1044 = vector.broadcast %squeeze3A_1043 : f32 to vector<16xf32>
        %get3A_1045 = arith.index_cast %add3A_1041 : i32 to index
        %get3A_1046 = arith.constant 0 : index
        %get3A_1047 = tpu.vector_load %arg27[%get3A_1045, %get3A_1046] {strides = array<i32>} : memref<80x64xf32, #tpu.memory_space<vmem>>, vector<16xf32>,
        %mul3A_1048 = arith.mulf %get3A_1047, %broadcast_in_dim3A_1044 : vector<16xf32>
        %swap3A_1049 = arith.index_cast %add3A_1041 : i32 to index
        %swap3A_1050 = arith.constant 0 : index
        %swap3A_1051 = tpu.vector_load %arg28[%swap3A_1049, %swap3A_1050] {strides = array<i32>} : memref<80x80xf32, #tpu.memory_space<vmem>>, vector<16xf32>,
        tpu.vector_store %arg28[%swap3A_1049, %swap3A_1050], %mul3A_1048 {strides = array<i32>} : memref<80x80xf32, #tpu.memory_space<vmem>>, vector<16xf32>,
        %get3A_1052 = arith.index_cast %add3A_1041 : i32 to index
        %get3A_1053 = arith.constant 16 : index
        %get3A_1054 = tpu.vector_load %arg27[%get3A_1052, %get3A_1053] {strides = array<i32>} : memref<80x64xf32, #tpu.memory_space<vmem>>, vector<16xf32>,
        %mul3A_1055 = arith.mulf %get3A_1054, %broadcast_in_dim3A_1044 : vector<16xf32>
        %swap3A_1056 = arith.index_cast %add3A_1041 : i32 to index
        %swap3A_1057 = arith.constant 16 : index
        %swap3A_1058 = tpu.vector_load %arg28[%swap3A_1056, %swap3A_1057] {strides = array<i32>} : memref<80x80xf32, #tpu.memory_space<vmem>>, vector<16xf32>,
        tpu.vector_store %arg28[%swap3A_1056, %swap3A_1057], %mul3A_1055 {strides = array<i32>} : memref<80x80xf32, #tpu.memory_space<vmem>>, vector<16xf32>,
        %get3A_1059 = arith.index_cast %add3A_1041 : i32 to index
        %get3A_1060 = arith.constant 32 : index
        %get3A_1061 = tpu.vector_load %arg27[%get3A_1059, %get3A_1060] {strides = array<i32>} : memref<80x64xf32, #tpu.memory_space<vmem>>, vector<16xf32>,
        %mul3A_1062 = arith.mulf %get3A_1061, %broadcast_in_dim3A_1044 : vector<16xf32>
        %swap3A_1063 = arith.index_cast %add3A_1041 : i32 to index
        %swap3A_1064 = arith.constant 32 : index
        %swap3A_1065 = tpu.vector_load %arg28[%swap3A_1063, %swap3A_1064] {strides = array<i32>} : memref<80x80xf32, #tpu.memory_space<vmem>>, vector<16xf32>,
        tpu.vector_store %arg28[%swap3A_1063, %swap3A_1064], %mul3A_1062 {strides = array<i32>} : memref<80x80xf32, #tpu.memory_space<vmem>>, vector<16xf32>,
        %get3A_1066 = arith.index_cast %add3A_1041 : i32 to index
        %get3A_1067 = arith.constant 48 : index
        %get3A_1068 = tpu.vector_load %arg27[%get3A_1066, %get3A_1067] {strides = array<i32>} : memref<80x64xf32, #tpu.memory_space<vmem>>, vector<16xf32>,
        %mul3A_1069 = arith.mulf %get3A_1068, %broadcast_in_dim3A_1044 : vector<16xf32>
        %swap3A_1070 = arith.index_cast %add3A_1041 : i32 to index
        %swap3A_1071 = arith.constant 48 : index
        %swap3A_1072 = tpu.vector_load %arg28[%swap3A_1070, %swap3A_1071] {strides = array<i32>} : memref<80x80xf32, #tpu.memory_space<vmem>>, vector<16xf32>,
        tpu.vector_store %arg28[%swap3A_1070, %swap3A_1071], %mul3A_1069 {strides = array<i32>} : memref<80x80xf32, #tpu.memory_space<vmem>>, vector<16xf32>,
        %jit3A_1073 = arith.constant 0.000000e+00 : f32
        %broadcast_in_dim3A_1074 = vector.broadcast %jit3A_1073 : f32 to vector<16xf32>
        %select_n3A_1075 = arith.select %eq3A_34, %broadcast_in_dim3A_1044, %broadcast_in_dim3A_1074 : vector<16xi1>, vector<16xf32>
        %swap3A_1076 = arith.index_cast %add3A_1041 : i32 to index
        %swap3A_1077 = arith.constant 64 : index
        %swap3A_1078 = tpu.vector_load %arg28[%swap3A_1076, %swap3A_1077] {strides = array<i32>} : memref<80x80xf32, #tpu.memory_space<vmem>>, vector<16xf32>,
        tpu.vector_store %arg28[%swap3A_1076, %swap3A_1077], %select_n3A_1075 {strides = array<i32>} : memref<80x80xf32, #tpu.memory_space<vmem>>, vector<16xf32>,
        %mul3A_1079 = arith.constant 16 : i32
        %mul3A_1080 = arith.muli %scan3A_624, %mul3A_1079 : i32
        %add3A_1081 = arith.constant 11 : i32
        %add3A_1082 = arith.addi %mul3A_1080, %add3A_1081 : i32
        %slice3A_1083 = vector.extract_strided_slice %get3A_629 {offsets = [11], sizes = [1], strides = [1]} : vector<16xf32> to vector<1xf32>
        %squeeze3A_1084 = vector.extract %slice3A_1083[0] : f32 from vector<1xf32>
        %broadcast_in_dim3A_1085 = vector.broadcast %squeeze3A_1084 : f32 to vector<16xf32>
        %get3A_1086 = arith.index_cast %add3A_1082 : i32 to index
        %get3A_1087 = arith.constant 0 : index
        %get3A_1088 = tpu.vector_load %arg27[%get3A_1086, %get3A_1087] {strides = array<i32>} : memref<80x64xf32, #tpu.memory_space<vmem>>, vector<16xf32>,
        %mul3A_1089 = arith.mulf %get3A_1088, %broadcast_in_dim3A_1085 : vector<16xf32>
        %swap3A_1090 = arith.index_cast %add3A_1082 : i32 to index
        %swap3A_1091 = arith.constant 0 : index
        %swap3A_1092 = tpu.vector_load %arg28[%swap3A_1090, %swap3A_1091] {strides = array<i32>} : memref<80x80xf32, #tpu.memory_space<vmem>>, vector<16xf32>,
        tpu.vector_store %arg28[%swap3A_1090, %swap3A_1091], %mul3A_1089 {strides = array<i32>} : memref<80x80xf32, #tpu.memory_space<vmem>>, vector<16xf32>,
        %get3A_1093 = arith.index_cast %add3A_1082 : i32 to index
        %get3A_1094 = arith.constant 16 : index
        %get3A_1095 = tpu.vector_load %arg27[%get3A_1093, %get3A_1094] {strides = array<i32>} : memref<80x64xf32, #tpu.memory_space<vmem>>, vector<16xf32>,
        %mul3A_1096 = arith.mulf %get3A_1095, %broadcast_in_dim3A_1085 : vector<16xf32>
        %swap3A_1097 = arith.index_cast %add3A_1082 : i32 to index
        %swap3A_1098 = arith.constant 16 : index
        %swap3A_1099 = tpu.vector_load %arg28[%swap3A_1097, %swap3A_1098] {strides = array<i32>} : memref<80x80xf32, #tpu.memory_space<vmem>>, vector<16xf32>,
        tpu.vector_store %arg28[%swap3A_1097, %swap3A_1098], %mul3A_1096 {strides = array<i32>} : memref<80x80xf32, #tpu.memory_space<vmem>>, vector<16xf32>,
        %get3A_1100 = arith.index_cast %add3A_1082 : i32 to index
        %get3A_1101 = arith.constant 32 : index
        %get3A_1102 = tpu.vector_load %arg27[%get3A_1100, %get3A_1101] {strides = array<i32>} : memref<80x64xf32, #tpu.memory_space<vmem>>, vector<16xf32>,
        %mul3A_1103 = arith.mulf %get3A_1102, %broadcast_in_dim3A_1085 : vector<16xf32>
        %swap3A_1104 = arith.index_cast %add3A_1082 : i32 to index
        %swap3A_1105 = arith.constant 32 : index
        %swap3A_1106 = tpu.vector_load %arg28[%swap3A_1104, %swap3A_1105] {strides = array<i32>} : memref<80x80xf32, #tpu.memory_space<vmem>>, vector<16xf32>,
        tpu.vector_store %arg28[%swap3A_1104, %swap3A_1105], %mul3A_1103 {strides = array<i32>} : memref<80x80xf32, #tpu.memory_space<vmem>>, vector<16xf32>,
        %get3A_1107 = arith.index_cast %add3A_1082 : i32 to index
        %get3A_1108 = arith.constant 48 : index
        %get3A_1109 = tpu.vector_load %arg27[%get3A_1107, %get3A_1108] {strides = array<i32>} : memref<80x64xf32, #tpu.memory_space<vmem>>, vector<16xf32>,
        %mul3A_1110 = arith.mulf %get3A_1109, %broadcast_in_dim3A_1085 : vector<16xf32>
        %swap3A_1111 = arith.index_cast %add3A_1082 : i32 to index
        %swap3A_1112 = arith.constant 48 : index
        %swap3A_1113 = tpu.vector_load %arg28[%swap3A_1111, %swap3A_1112] {strides = array<i32>} : memref<80x80xf32, #tpu.memory_space<vmem>>, vector<16xf32>,
        tpu.vector_store %arg28[%swap3A_1111, %swap3A_1112], %mul3A_1110 {strides = array<i32>} : memref<80x80xf32, #tpu.memory_space<vmem>>, vector<16xf32>,
        %jit3A_1114 = arith.constant 0.000000e+00 : f32
        %broadcast_in_dim3A_1115 = vector.broadcast %jit3A_1114 : f32 to vector<16xf32>
        %select_n3A_1116 = arith.select %eq3A_34, %broadcast_in_dim3A_1085, %broadcast_in_dim3A_1115 : vector<16xi1>, vector<16xf32>
        %swap3A_1117 = arith.index_cast %add3A_1082 : i32 to index
        %swap3A_1118 = arith.constant 64 : index
        %swap3A_1119 = tpu.vector_load %arg28[%swap3A_1117, %swap3A_1118] {strides = array<i32>} : memref<80x80xf32, #tpu.memory_space<vmem>>, vector<16xf32>,
        tpu.vector_store %arg28[%swap3A_1117, %swap3A_1118], %select_n3A_1116 {strides = array<i32>} : memref<80x80xf32, #tpu.memory_space<vmem>>, vector<16xf32>,
        %mul3A_1120 = arith.constant 16 : i32
        %mul3A_1121 = arith.muli %scan3A_624, %mul3A_1120 : i32
        %add3A_1122 = arith.constant 12 : i32
        %add3A_1123 = arith.addi %mul3A_1121, %add3A_1122 : i32
        %slice3A_1124 = vector.extract_strided_slice %get3A_629 {offsets = [12], sizes = [1], strides = [1]} : vector<16xf32> to vector<1xf32>
        %squeeze3A_1125 = vector.extract %slice3A_1124[0] : f32 from vector<1xf32>
        %broadcast_in_dim3A_1126 = vector.broadcast %squeeze3A_1125 : f32 to vector<16xf32>
        %get3A_1127 = arith.index_cast %add3A_1123 : i32 to index
        %get3A_1128 = arith.constant 0 : index
        %get3A_1129 = tpu.vector_load %arg27[%get3A_1127, %get3A_1128] {strides = array<i32>} : memref<80x64xf32, #tpu.memory_space<vmem>>, vector<16xf32>,
        %mul3A_1130 = arith.mulf %get3A_1129, %broadcast_in_dim3A_1126 : vector<16xf32>
        %swap3A_1131 = arith.index_cast %add3A_1123 : i32 to index
        %swap3A_1132 = arith.constant 0 : index
        %swap3A_1133 = tpu.vector_load %arg28[%swap3A_1131, %swap3A_1132] {strides = array<i32>} : memref<80x80xf32, #tpu.memory_space<vmem>>, vector<16xf32>,
        tpu.vector_store %arg28[%swap3A_1131, %swap3A_1132], %mul3A_1130 {strides = array<i32>} : memref<80x80xf32, #tpu.memory_space<vmem>>, vector<16xf32>,
        %get3A_1134 = arith.index_cast %add3A_1123 : i32 to index
        %get3A_1135 = arith.constant 16 : index
        %get3A_1136 = tpu.vector_load %arg27[%get3A_1134, %get3A_1135] {strides = array<i32>} : memref<80x64xf32, #tpu.memory_space<vmem>>, vector<16xf32>,
        %mul3A_1137 = arith.mulf %get3A_1136, %broadcast_in_dim3A_1126 : vector<16xf32>
        %swap3A_1138 = arith.index_cast %add3A_1123 : i32 to index
        %swap3A_1139 = arith.constant 16 : index
        %swap3A_1140 = tpu.vector_load %arg28[%swap3A_1138, %swap3A_1139] {strides = array<i32>} : memref<80x80xf32, #tpu.memory_space<vmem>>, vector<16xf32>,
        tpu.vector_store %arg28[%swap3A_1138, %swap3A_1139], %mul3A_1137 {strides = array<i32>} : memref<80x80xf32, #tpu.memory_space<vmem>>, vector<16xf32>,
        %get3A_1141 = arith.index_cast %add3A_1123 : i32 to index
        %get3A_1142 = arith.constant 32 : index
        %get3A_1143 = tpu.vector_load %arg27[%get3A_1141, %get3A_1142] {strides = array<i32>} : memref<80x64xf32, #tpu.memory_space<vmem>>, vector<16xf32>,
        %mul3A_1144 = arith.mulf %get3A_1143, %broadcast_in_dim3A_1126 : vector<16xf32>
        %swap3A_1145 = arith.index_cast %add3A_1123 : i32 to index
        %swap3A_1146 = arith.constant 32 : index
        %swap3A_1147 = tpu.vector_load %arg28[%swap3A_1145, %swap3A_1146] {strides = array<i32>} : memref<80x80xf32, #tpu.memory_space<vmem>>, vector<16xf32>,
        tpu.vector_store %arg28[%swap3A_1145, %swap3A_1146], %mul3A_1144 {strides = array<i32>} : memref<80x80xf32, #tpu.memory_space<vmem>>, vector<16xf32>,
        %get3A_1148 = arith.index_cast %add3A_1123 : i32 to index
        %get3A_1149 = arith.constant 48 : index
        %get3A_1150 = tpu.vector_load %arg27[%get3A_1148, %get3A_1149] {strides = array<i32>} : memref<80x64xf32, #tpu.memory_space<vmem>>, vector<16xf32>,
        %mul3A_1151 = arith.mulf %get3A_1150, %broadcast_in_dim3A_1126 : vector<16xf32>
        %swap3A_1152 = arith.index_cast %add3A_1123 : i32 to index
        %swap3A_1153 = arith.constant 48 : index
        %swap3A_1154 = tpu.vector_load %arg28[%swap3A_1152, %swap3A_1153] {strides = array<i32>} : memref<80x80xf32, #tpu.memory_space<vmem>>, vector<16xf32>,
        tpu.vector_store %arg28[%swap3A_1152, %swap3A_1153], %mul3A_1151 {strides = array<i32>} : memref<80x80xf32, #tpu.memory_space<vmem>>, vector<16xf32>,
        %jit3A_1155 = arith.constant 0.000000e+00 : f32
        %broadcast_in_dim3A_1156 = vector.broadcast %jit3A_1155 : f32 to vector<16xf32>
        %select_n3A_1157 = arith.select %eq3A_34, %broadcast_in_dim3A_1126, %broadcast_in_dim3A_1156 : vector<16xi1>, vector<16xf32>
        %swap3A_1158 = arith.index_cast %add3A_1123 : i32 to index
        %swap3A_1159 = arith.constant 64 : index
        %swap3A_1160 = tpu.vector_load %arg28[%swap3A_1158, %swap3A_1159] {strides = array<i32>} : memref<80x80xf32, #tpu.memory_space<vmem>>, vector<16xf32>,
        tpu.vector_store %arg28[%swap3A_1158, %swap3A_1159], %select_n3A_1157 {strides = array<i32>} : memref<80x80xf32, #tpu.memory_space<vmem>>, vector<16xf32>,
        %mul3A_1161 = arith.constant 16 : i32
        %mul3A_1162 = arith.muli %scan3A_624, %mul3A_1161 : i32
        %add3A_1163 = arith.constant 13 : i32
        %add3A_1164 = arith.addi %mul3A_1162, %add3A_1163 : i32
        %slice3A_1165 = vector.extract_strided_slice %get3A_629 {offsets = [13], sizes = [1], strides = [1]} : vector<16xf32> to vector<1xf32>
        %squeeze3A_1166 = vector.extract %slice3A_1165[0] : f32 from vector<1xf32>
        %broadcast_in_dim3A_1167 = vector.broadcast %squeeze3A_1166 : f32 to vector<16xf32>
        %get3A_1168 = arith.index_cast %add3A_1164 : i32 to index
        %get3A_1169 = arith.constant 0 : index
        %get3A_1170 = tpu.vector_load %arg27[%get3A_1168, %get3A_1169] {strides = array<i32>} : memref<80x64xf32, #tpu.memory_space<vmem>>, vector<16xf32>,
        %mul3A_1171 = arith.mulf %get3A_1170, %broadcast_in_dim3A_1167 : vector<16xf32>
        %swap3A_1172 = arith.index_cast %add3A_1164 : i32 to index
        %swap3A_1173 = arith.constant 0 : index
        %swap3A_1174 = tpu.vector_load %arg28[%swap3A_1172, %swap3A_1173] {strides = array<i32>} : memref<80x80xf32, #tpu.memory_space<vmem>>, vector<16xf32>,
        tpu.vector_store %arg28[%swap3A_1172, %swap3A_1173], %mul3A_1171 {strides = array<i32>} : memref<80x80xf32, #tpu.memory_space<vmem>>, vector<16xf32>,
        %get3A_1175 = arith.index_cast %add3A_1164 : i32 to index
        %get3A_1176 = arith.constant 16 : index
        %get3A_1177 = tpu.vector_load %arg27[%get3A_1175, %get3A_1176] {strides = array<i32>} : memref<80x64xf32, #tpu.memory_space<vmem>>, vector<16xf32>,
        %mul3A_1178 = arith.mulf %get3A_1177, %broadcast_in_dim3A_1167 : vector<16xf32>
        %swap3A_1179 = arith.index_cast %add3A_1164 : i32 to index
        %swap3A_1180 = arith.constant 16 : index
        %swap3A_1181 = tpu.vector_load %arg28[%swap3A_1179, %swap3A_1180] {strides = array<i32>} : memref<80x80xf32, #tpu.memory_space<vmem>>, vector<16xf32>,
        tpu.vector_store %arg28[%swap3A_1179, %swap3A_1180], %mul3A_1178 {strides = array<i32>} : memref<80x80xf32, #tpu.memory_space<vmem>>, vector<16xf32>,
        %get3A_1182 = arith.index_cast %add3A_1164 : i32 to index
        %get3A_1183 = arith.constant 32 : index
        %get3A_1184 = tpu.vector_load %arg27[%get3A_1182, %get3A_1183] {strides = array<i32>} : memref<80x64xf32, #tpu.memory_space<vmem>>, vector<16xf32>,
        %mul3A_1185 = arith.mulf %get3A_1184, %broadcast_in_dim3A_1167 : vector<16xf32>
        %swap3A_1186 = arith.index_cast %add3A_1164 : i32 to index
        %swap3A_1187 = arith.constant 32 : index
        %swap3A_1188 = tpu.vector_load %arg28[%swap3A_1186, %swap3A_1187] {strides = array<i32>} : memref<80x80xf32, #tpu.memory_space<vmem>>, vector<16xf32>,
        tpu.vector_store %arg28[%swap3A_1186, %swap3A_1187], %mul3A_1185 {strides = array<i32>} : memref<80x80xf32, #tpu.memory_space<vmem>>, vector<16xf32>,
        %get3A_1189 = arith.index_cast %add3A_1164 : i32 to index
        %get3A_1190 = arith.constant 48 : index
        %get3A_1191 = tpu.vector_load %arg27[%get3A_1189, %get3A_1190] {strides = array<i32>} : memref<80x64xf32, #tpu.memory_space<vmem>>, vector<16xf32>,
        %mul3A_1192 = arith.mulf %get3A_1191, %broadcast_in_dim3A_1167 : vector<16xf32>
        %swap3A_1193 = arith.index_cast %add3A_1164 : i32 to index
        %swap3A_1194 = arith.constant 48 : index
        %swap3A_1195 = tpu.vector_load %arg28[%swap3A_1193, %swap3A_1194] {strides = array<i32>} : memref<80x80xf32, #tpu.memory_space<vmem>>, vector<16xf32>,
        tpu.vector_store %arg28[%swap3A_1193, %swap3A_1194], %mul3A_1192 {strides = array<i32>} : memref<80x80xf32, #tpu.memory_space<vmem>>, vector<16xf32>,
        %jit3A_1196 = arith.constant 0.000000e+00 : f32
        %broadcast_in_dim3A_1197 = vector.broadcast %jit3A_1196 : f32 to vector<16xf32>
        %select_n3A_1198 = arith.select %eq3A_34, %broadcast_in_dim3A_1167, %broadcast_in_dim3A_1197 : vector<16xi1>, vector<16xf32>
        %swap3A_1199 = arith.index_cast %add3A_1164 : i32 to index
        %swap3A_1200 = arith.constant 64 : index
        %swap3A_1201 = tpu.vector_load %arg28[%swap3A_1199, %swap3A_1200] {strides = array<i32>} : memref<80x80xf32, #tpu.memory_space<vmem>>, vector<16xf32>,
        tpu.vector_store %arg28[%swap3A_1199, %swap3A_1200], %select_n3A_1198 {strides = array<i32>} : memref<80x80xf32, #tpu.memory_space<vmem>>, vector<16xf32>,
        %mul3A_1202 = arith.constant 16 : i32
        %mul3A_1203 = arith.muli %scan3A_624, %mul3A_1202 : i32
        %add3A_1204 = arith.constant 14 : i32
        %add3A_1205 = arith.addi %mul3A_1203, %add3A_1204 : i32
        %slice3A_1206 = vector.extract_strided_slice %get3A_629 {offsets = [14], sizes = [1], strides = [1]} : vector<16xf32> to vector<1xf32>
        %squeeze3A_1207 = vector.extract %slice3A_1206[0] : f32 from vector<1xf32>
        %broadcast_in_dim3A_1208 = vector.broadcast %squeeze3A_1207 : f32 to vector<16xf32>
        %get3A_1209 = arith.index_cast %add3A_1205 : i32 to index
        %get3A_1210 = arith.constant 0 : index
        %get3A_1211 = tpu.vector_load %arg27[%get3A_1209, %get3A_1210] {strides = array<i32>} : memref<80x64xf32, #tpu.memory_space<vmem>>, vector<16xf32>,
        %mul3A_1212 = arith.mulf %get3A_1211, %broadcast_in_dim3A_1208 : vector<16xf32>
        %swap3A_1213 = arith.index_cast %add3A_1205 : i32 to index
        %swap3A_1214 = arith.constant 0 : index
        %swap3A_1215 = tpu.vector_load %arg28[%swap3A_1213, %swap3A_1214] {strides = array<i32>} : memref<80x80xf32, #tpu.memory_space<vmem>>, vector<16xf32>,
        tpu.vector_store %arg28[%swap3A_1213, %swap3A_1214], %mul3A_1212 {strides = array<i32>} : memref<80x80xf32, #tpu.memory_space<vmem>>, vector<16xf32>,
        %get3A_1216 = arith.index_cast %add3A_1205 : i32 to index
        %get3A_1217 = arith.constant 16 : index
        %get3A_1218 = tpu.vector_load %arg27[%get3A_1216, %get3A_1217] {strides = array<i32>} : memref<80x64xf32, #tpu.memory_space<vmem>>, vector<16xf32>,
        %mul3A_1219 = arith.mulf %get3A_1218, %broadcast_in_dim3A_1208 : vector<16xf32>
        %swap3A_1220 = arith.index_cast %add3A_1205 : i32 to index
        %swap3A_1221 = arith.constant 16 : index
        %swap3A_1222 = tpu.vector_load %arg28[%swap3A_1220, %swap3A_1221] {strides = array<i32>} : memref<80x80xf32, #tpu.memory_space<vmem>>, vector<16xf32>,
        tpu.vector_store %arg28[%swap3A_1220, %swap3A_1221], %mul3A_1219 {strides = array<i32>} : memref<80x80xf32, #tpu.memory_space<vmem>>, vector<16xf32>,
        %get3A_1223 = arith.index_cast %add3A_1205 : i32 to index
        %get3A_1224 = arith.constant 32 : index
        %get3A_1225 = tpu.vector_load %arg27[%get3A_1223, %get3A_1224] {strides = array<i32>} : memref<80x64xf32, #tpu.memory_space<vmem>>, vector<16xf32>,
        %mul3A_1226 = arith.mulf %get3A_1225, %broadcast_in_dim3A_1208 : vector<16xf32>
        %swap3A_1227 = arith.index_cast %add3A_1205 : i32 to index
        %swap3A_1228 = arith.constant 32 : index
        %swap3A_1229 = tpu.vector_load %arg28[%swap3A_1227, %swap3A_1228] {strides = array<i32>} : memref<80x80xf32, #tpu.memory_space<vmem>>, vector<16xf32>,
        tpu.vector_store %arg28[%swap3A_1227, %swap3A_1228], %mul3A_1226 {strides = array<i32>} : memref<80x80xf32, #tpu.memory_space<vmem>>, vector<16xf32>,
        %get3A_1230 = arith.index_cast %add3A_1205 : i32 to index
        %get3A_1231 = arith.constant 48 : index
        %get3A_1232 = tpu.vector_load %arg27[%get3A_1230, %get3A_1231] {strides = array<i32>} : memref<80x64xf32, #tpu.memory_space<vmem>>, vector<16xf32>,
        %mul3A_1233 = arith.mulf %get3A_1232, %broadcast_in_dim3A_1208 : vector<16xf32>
        %swap3A_1234 = arith.index_cast %add3A_1205 : i32 to index
        %swap3A_1235 = arith.constant 48 : index
        %swap3A_1236 = tpu.vector_load %arg28[%swap3A_1234, %swap3A_1235] {strides = array<i32>} : memref<80x80xf32, #tpu.memory_space<vmem>>, vector<16xf32>,
        tpu.vector_store %arg28[%swap3A_1234, %swap3A_1235], %mul3A_1233 {strides = array<i32>} : memref<80x80xf32, #tpu.memory_space<vmem>>, vector<16xf32>,
        %jit3A_1237 = arith.constant 0.000000e+00 : f32
        %broadcast_in_dim3A_1238 = vector.broadcast %jit3A_1237 : f32 to vector<16xf32>
        %select_n3A_1239 = arith.select %eq3A_34, %broadcast_in_dim3A_1208, %broadcast_in_dim3A_1238 : vector<16xi1>, vector<16xf32>
        %swap3A_1240 = arith.index_cast %add3A_1205 : i32 to index
        %swap3A_1241 = arith.constant 64 : index
        %swap3A_1242 = tpu.vector_load %arg28[%swap3A_1240, %swap3A_1241] {strides = array<i32>} : memref<80x80xf32, #tpu.memory_space<vmem>>, vector<16xf32>,
        tpu.vector_store %arg28[%swap3A_1240, %swap3A_1241], %select_n3A_1239 {strides = array<i32>} : memref<80x80xf32, #tpu.memory_space<vmem>>, vector<16xf32>,
        %mul3A_1243 = arith.constant 16 : i32
        %mul3A_1244 = arith.muli %scan3A_624, %mul3A_1243 : i32
        %add3A_1245 = arith.constant 15 : i32
        %add3A_1246 = arith.addi %mul3A_1244, %add3A_1245 : i32
        %slice3A_1247 = vector.extract_strided_slice %get3A_629 {offsets = [15], sizes = [1], strides = [1]} : vector<16xf32> to vector<1xf32>
        %squeeze3A_1248 = vector.extract %slice3A_1247[0] : f32 from vector<1xf32>
        %broadcast_in_dim3A_1249 = vector.broadcast %squeeze3A_1248 : f32 to vector<16xf32>
        %get3A_1250 = arith.index_cast %add3A_1246 : i32 to index
        %get3A_1251 = arith.constant 0 : index
        %get3A_1252 = tpu.vector_load %arg27[%get3A_1250, %get3A_1251] {strides = array<i32>} : memref<80x64xf32, #tpu.memory_space<vmem>>, vector<16xf32>,
        %mul3A_1253 = arith.mulf %get3A_1252, %broadcast_in_dim3A_1249 : vector<16xf32>
        %swap3A_1254 = arith.index_cast %add3A_1246 : i32 to index
        %swap3A_1255 = arith.constant 0 : index
        %swap3A_1256 = tpu.vector_load %arg28[%swap3A_1254, %swap3A_1255] {strides = array<i32>} : memref<80x80xf32, #tpu.memory_space<vmem>>, vector<16xf32>,
        tpu.vector_store %arg28[%swap3A_1254, %swap3A_1255], %mul3A_1253 {strides = array<i32>} : memref<80x80xf32, #tpu.memory_space<vmem>>, vector<16xf32>,
        %get3A_1257 = arith.index_cast %add3A_1246 : i32 to index
        %get3A_1258 = arith.constant 16 : index
        %get3A_1259 = tpu.vector_load %arg27[%get3A_1257, %get3A_1258] {strides = array<i32>} : memref<80x64xf32, #tpu.memory_space<vmem>>, vector<16xf32>,
        %mul3A_1260 = arith.mulf %get3A_1259, %broadcast_in_dim3A_1249 : vector<16xf32>
        %swap3A_1261 = arith.index_cast %add3A_1246 : i32 to index
        %swap3A_1262 = arith.constant 16 : index
        %swap3A_1263 = tpu.vector_load %arg28[%swap3A_1261, %swap3A_1262] {strides = array<i32>} : memref<80x80xf32, #tpu.memory_space<vmem>>, vector<16xf32>,
        tpu.vector_store %arg28[%swap3A_1261, %swap3A_1262], %mul3A_1260 {strides = array<i32>} : memref<80x80xf32, #tpu.memory_space<vmem>>, vector<16xf32>,
        %get3A_1264 = arith.index_cast %add3A_1246 : i32 to index
        %get3A_1265 = arith.constant 32 : index
        %get3A_1266 = tpu.vector_load %arg27[%get3A_1264, %get3A_1265] {strides = array<i32>} : memref<80x64xf32, #tpu.memory_space<vmem>>, vector<16xf32>,
        %mul3A_1267 = arith.mulf %get3A_1266, %broadcast_in_dim3A_1249 : vector<16xf32>
        %swap3A_1268 = arith.index_cast %add3A_1246 : i32 to index
        %swap3A_1269 = arith.constant 32 : index
        %swap3A_1270 = tpu.vector_load %arg28[%swap3A_1268, %swap3A_1269] {strides = array<i32>} : memref<80x80xf32, #tpu.memory_space<vmem>>, vector<16xf32>,
        tpu.vector_store %arg28[%swap3A_1268, %swap3A_1269], %mul3A_1267 {strides = array<i32>} : memref<80x80xf32, #tpu.memory_space<vmem>>, vector<16xf32>,
        %get3A_1271 = arith.index_cast %add3A_1246 : i32 to index
        %get3A_1272 = arith.constant 48 : index
        %get3A_1273 = tpu.vector_load %arg27[%get3A_1271, %get3A_1272] {strides = array<i32>} : memref<80x64xf32, #tpu.memory_space<vmem>>, vector<16xf32>,
        %mul3A_1274 = arith.mulf %get3A_1273, %broadcast_in_dim3A_1249 : vector<16xf32>
        %swap3A_1275 = arith.index_cast %add3A_1246 : i32 to index
        %swap3A_1276 = arith.constant 48 : index
        %swap3A_1277 = tpu.vector_load %arg28[%swap3A_1275, %swap3A_1276] {strides = array<i32>} : memref<80x80xf32, #tpu.memory_space<vmem>>, vector<16xf32>,
        tpu.vector_store %arg28[%swap3A_1275, %swap3A_1276], %mul3A_1274 {strides = array<i32>} : memref<80x80xf32, #tpu.memory_space<vmem>>, vector<16xf32>,
        %jit3A_1278 = arith.constant 0.000000e+00 : f32
        %broadcast_in_dim3A_1279 = vector.broadcast %jit3A_1278 : f32 to vector<16xf32>
        %select_n3A_1280 = arith.select %eq3A_34, %broadcast_in_dim3A_1249, %broadcast_in_dim3A_1279 : vector<16xi1>, vector<16xf32>
        %swap3A_1281 = arith.index_cast %add3A_1246 : i32 to index
        %swap3A_1282 = arith.constant 64 : index
        %swap3A_1283 = tpu.vector_load %arg28[%swap3A_1281, %swap3A_1282] {strides = array<i32>} : memref<80x80xf32, #tpu.memory_space<vmem>>, vector<16xf32>,
        tpu.vector_store %arg28[%swap3A_1281, %swap3A_1282], %select_n3A_1280 {strides = array<i32>} : memref<80x80xf32, #tpu.memory_space<vmem>>, vector<16xf32>,
        %scan3A_1284 = arith.constant 0 : i32
        scf.yield %scan3A_1284 : i32
      }
      %scan3A_616 = arith.constant 5 : i32
      %dma_start3A_617 = arith.constant 0 : i32
      %dma_start3A_618 = tpu.memref_slice %arg14[%add3A_453, %dma_start3A_617] : memref<125x80xi32, #tpu.memory_space<vmem>> -> memref<1x80xi32, #tpu.memory_space<vmem>>
      %dma_start3A_619 = tpu.memref_squeeze %dma_start3A_618 : memref<1x80xi32, #tpu.memory_space<vmem>> -> memref<80xi32, #tpu.memory_space<vmem>>
      %dma_start3A_620 = arith.constant 0 : i32
      %dma_start3A_621 = arith.constant 0 : i32
      %dma_start3A_622 = tpu.memref_slice %arg36[%dma_start3A_620, %dma_start3A_621] : memref<10000x80xf32, #tpu.memory_space<vmem_shared>> -> memref<10000x80xf32, #tpu.memory_space<vmem_shared>>
      tpu.enqueue_indirect_dma source(%arg28 : memref<80x80xf32, #tpu.memory_space<vmem>>) target(%dma_start3A_622 : memref<10000x80xf32, #tpu.memory_space<vmem_shared>>) offsets(%dma_start3A_619 : memref<80xi32, #tpu.memory_space<vmem>>) semaphore(%arg35 : memref<!tpu.dma_semaphore, #tpu.memory_space<semaphore_mem>>) {add = true}
      %scan3A_623 = arith.constant 0 : i32
      scf.yield %scan3A_623 : i32
    }
    %scan3A_90 = arith.constant 62 : i32
    %mul3A_91 = arith.constant 124 : i32
    %mul3A_92 = arith.constant 80 : i32
    %mul3A_93 = arith.muli %mul3A_91, %mul3A_92 : i32
    %add3A_94 = arith.addi %mul3A_4, %mul3A_93 : i32
    %gt3A = arith.constant 124 : i32
    %gt3A_95 = arith.constant 0 : i32
    %gt3A_96 = arith.cmpi sgt, %gt3A, %gt3A_95 : i32
    %convert_element_type3A_97 = arith.extui %gt3A_96 : i1 to i32
    %cond3A_98 = arith.constant 0 : i32
    %cond3A_99 = arith.cmpi ne, %convert_element_type3A_97, %cond3A_98 : i32
    scf.if %cond3A_99 {
      %dma_wait3A_277 = arith.constant 0 : i32
      %dma_wait3A_278 = arith.constant 0 : i32
      %dma_wait3A_279 = tpu.memref_slice %arg11[%dma_wait3A_277, %dma_wait3A_278] : memref<160000x128xf32, #tpu.memory_space<hbm>> -> memref<80x64xf32, #tpu.memory_space<hbm>>
      %dma_wait3A_280 = arith.constant 0 : i32
      %dma_wait3A_281 = arith.constant 0 : i32
      %dma_wait3A_282 = tpu.memref_slice %arg11[%dma_wait3A_280, %dma_wait3A_281] : memref<160000x128xf32, #tpu.memory_space<hbm>> -> memref<80x64xf32, #tpu.memory_space<hbm>>
      tpu.wait_dma2 semaphore(%arg35 : memref<!tpu.dma_semaphore, #tpu.memory_space<semaphore_mem>>) src(%arg26 : memref<80x64xf32, #tpu.memory_space<vmem>>) dst(%dma_wait3A_282 : memref<80x64xf32, #tpu.memory_space<hbm>>)
      %dma_wait3A_283 = arith.constant 0 : i32
      %dma_wait3A_284 = arith.constant 0 : i32
      %dma_wait3A_285 = tpu.memref_slice %arg36[%dma_wait3A_283, %dma_wait3A_284] : memref<10000x80xf32, #tpu.memory_space<vmem_shared>> -> memref<80x80xf32, #tpu.memory_space<vmem_shared>>
      %dma_wait3A_286 = arith.constant 0 : i32
      %dma_wait3A_287 = arith.constant 0 : i32
      %dma_wait3A_288 = tpu.memref_slice %arg36[%dma_wait3A_286, %dma_wait3A_287] : memref<10000x80xf32, #tpu.memory_space<vmem_shared>> -> memref<80x80xf32, #tpu.memory_space<vmem_shared>>
      tpu.wait_dma2 semaphore(%arg35 : memref<!tpu.dma_semaphore, #tpu.memory_space<semaphore_mem>>) src(%arg28 : memref<80x80xf32, #tpu.memory_space<vmem>>) dst(%dma_wait3A_288 : memref<80x80xf32, #tpu.memory_space<vmem_shared>>)
    } else {
    }
    %add3A_100 = arith.constant 124 : i32
    %add3A_101 = arith.constant 1 : i32
    %add3A_102 = arith.addi %add3A_100, %add3A_101 : i32
    %lt3A = arith.constant 125 : i32
    %lt3A_103 = arith.cmpi slt, %add3A_102, %lt3A : i32
    %convert_element_type3A_104 = arith.extui %lt3A_103 : i1 to i32
    %cond3A_105 = arith.constant 124 : i32
    %cond3A_106 = arith.constant 0 : i32
    %cond3A_107 = arith.cmpi ne, %convert_element_type3A_104, %cond3A_106 : i32
    scf.if %cond3A_107 {
      %add3A_277 = arith.constant 1 : i32
      %add3A_278 = arith.addi %cond3A_105, %add3A_277 : i32
      %mul3A_279 = arith.constant 80 : i32
      %mul3A_280 = arith.muli %add3A_278, %mul3A_279 : i32
      %add3A_281 = arith.addi %mul3A_4, %mul3A_280 : i32
      %mul3A_282 = arith.constant 125 : i32
      %mul3A_283 = arith.muli %add3A, %mul3A_282 : i32
      %add3A_284 = arith.addi %mul3A_283, %add3A_278 : i32
      %dma_start3A_285 = arith.constant 0 : i32
      %dma_start3A_286 = tpu.memref_slice %arg13[%add3A_278, %dma_start3A_285] : memref<125x80xi32, #tpu.memory_space<vmem>> -> memref<1x80xi32, #tpu.memory_space<vmem>>
      %dma_start3A_287 = tpu.memref_squeeze %dma_start3A_286 : memref<1x80xi32, #tpu.memory_space<vmem>> -> memref<80xi32, #tpu.memory_space<vmem>>
      %dma_start3A_288 = arith.constant 0 : i32
      %dma_start3A_289 = arith.constant 0 : i32
      %dma_start3A_290 = tpu.memref_slice %arg2[%dma_start3A_288, %dma_start3A_289] : memref<10000x64xf32, #tpu.memory_space<hbm>> -> memref<10000x64xf32, #tpu.memory_space<hbm>>
      tpu.enqueue_indirect_dma source(%dma_start3A_290 : memref<10000x64xf32, #tpu.memory_space<hbm>>) target(%arg24 : memref<80x64xf32, #tpu.memory_space<vmem>>) offsets(%dma_start3A_287 : memref<80xi32, #tpu.memory_space<vmem>>) semaphore(%arg33 : memref<!tpu.dma_semaphore, #tpu.memory_space<semaphore_mem>>)
      %dma_start3A_291 = arith.constant 0 : i32
      %dma_start3A_292 = tpu.memref_slice %arg14[%add3A_278, %dma_start3A_291] : memref<125x80xi32, #tpu.memory_space<vmem>> -> memref<1x80xi32, #tpu.memory_space<vmem>>
      %dma_start3A_293 = tpu.memref_squeeze %dma_start3A_292 : memref<1x80xi32, #tpu.memory_space<vmem>> -> memref<80xi32, #tpu.memory_space<vmem>>
      %dma_start3A_294 = arith.constant 0 : i32
      %dma_start3A_295 = arith.constant 0 : i32
      %dma_start3A_296 = tpu.memref_slice %arg3[%dma_start3A_294, %dma_start3A_295] : memref<10000x64xf32, #tpu.memory_space<hbm>> -> memref<10000x64xf32, #tpu.memory_space<hbm>>
      tpu.enqueue_indirect_dma source(%dma_start3A_296 : memref<10000x64xf32, #tpu.memory_space<hbm>>) target(%arg25 : memref<80x64xf32, #tpu.memory_space<vmem>>) offsets(%dma_start3A_293 : memref<80xi32, #tpu.memory_space<vmem>>) semaphore(%arg33 : memref<!tpu.dma_semaphore, #tpu.memory_space<semaphore_mem>>)
      %dma_start3A_297 = arith.constant 0 : i32
      %dma_start3A_298 = tpu.memref_slice %arg13[%add3A_278, %dma_start3A_297] : memref<125x80xi32, #tpu.memory_space<vmem>> -> memref<1x80xi32, #tpu.memory_space<vmem>>
      %dma_start3A_299 = tpu.memref_squeeze %dma_start3A_298 : memref<1x80xi32, #tpu.memory_space<vmem>> -> memref<80xi32, #tpu.memory_space<vmem>>
      %dma_start3A_300 = arith.constant 0 : i32
      %dma_start3A_301 = arith.constant 0 : i32
      %dma_start3A_302 = tpu.memref_slice %arg4[%dma_start3A_300, %dma_start3A_301] : memref<10000x64xf32, #tpu.memory_space<hbm>> -> memref<10000x64xf32, #tpu.memory_space<hbm>>
      tpu.enqueue_indirect_dma source(%dma_start3A_302 : memref<10000x64xf32, #tpu.memory_space<hbm>>) target(%arg27 : memref<80x64xf32, #tpu.memory_space<vmem>>) offsets(%dma_start3A_299 : memref<80xi32, #tpu.memory_space<vmem>>) semaphore(%arg33 : memref<!tpu.dma_semaphore, #tpu.memory_space<semaphore_mem>>)
      %dma_start3A_303 = arith.constant 0 : i32
      %dma_start3A_304 = tpu.memref_slice %arg13[%add3A_278, %dma_start3A_303] : memref<125x80xi32, #tpu.memory_space<vmem>> -> memref<1x80xi32, #tpu.memory_space<vmem>>
      %dma_start3A_305 = tpu.memref_squeeze %dma_start3A_304 : memref<1x80xi32, #tpu.memory_space<vmem>> -> memref<80xi32, #tpu.memory_space<vmem>>
      %dma_start3A_306 = arith.constant 0 : i32
      %dma_start3A_307 = tpu.memref_slice %arg6[%dma_start3A_306] : memref<10000xf32, #tpu.memory_space<hbm>> -> memref<10000xf32, #tpu.memory_space<hbm>>
      tpu.enqueue_indirect_dma source(%dma_start3A_307 : memref<10000xf32, #tpu.memory_space<hbm>>) target(%arg29 : memref<80xf32, #tpu.memory_space<vmem>>) offsets(%dma_start3A_305 : memref<80xi32, #tpu.memory_space<vmem>>) semaphore(%arg33 : memref<!tpu.dma_semaphore, #tpu.memory_space<semaphore_mem>>)
      %dma_start3A_308 = arith.constant 0 : i32
      %dma_start3A_309 = tpu.memref_slice %arg14[%add3A_278, %dma_start3A_308] : memref<125x80xi32, #tpu.memory_space<vmem>> -> memref<1x80xi32, #tpu.memory_space<vmem>>
      %dma_start3A_310 = tpu.memref_squeeze %dma_start3A_309 : memref<1x80xi32, #tpu.memory_space<vmem>> -> memref<80xi32, #tpu.memory_space<vmem>>
      %dma_start3A_311 = arith.constant 0 : i32
      %dma_start3A_312 = tpu.memref_slice %arg7[%dma_start3A_311] : memref<10000xf32, #tpu.memory_space<hbm>> -> memref<10000xf32, #tpu.memory_space<hbm>>
      tpu.enqueue_indirect_dma source(%dma_start3A_312 : memref<10000xf32, #tpu.memory_space<hbm>>) target(%arg30 : memref<80xf32, #tpu.memory_space<vmem>>) offsets(%dma_start3A_310 : memref<80xi32, #tpu.memory_space<vmem>>) semaphore(%arg33 : memref<!tpu.dma_semaphore, #tpu.memory_space<semaphore_mem>>)
      %mul3A_313 = arith.constant 80 : i32
      %mul3A_314 = arith.muli %add3A_284, %mul3A_313 : i32
      %dma_start3A_315 = tpu.memref_slice %arg8[%mul3A_314] : memref<320000xf32, #tpu.memory_space<hbm>> -> memref<80xf32, #tpu.memory_space<hbm>>
      %dma_start3A_316 = tpu.memref_slice %arg8[%mul3A_314] : memref<320000xf32, #tpu.memory_space<hbm>> -> memref<80xf32, #tpu.memory_space<hbm>>
      tpu.enqueue_dma source(%dma_start3A_316 : memref<80xf32, #tpu.memory_space<hbm>>) target(%arg31 : memref<80xf32, #tpu.memory_space<vmem>>) target_semaphore(%arg33 : memref<!tpu.dma_semaphore, #tpu.memory_space<semaphore_mem>>)
      %not3A_317 = arith.constant true
      %not3A_318 = arith.xori %ge3A_1, %not3A_317 : i1
      %convert_element_type3A_319 = arith.extui %not3A_318 : i1 to i32
      %cond3A_320 = arith.constant 0 : i32
      %cond3A_321 = arith.cmpi ne, %convert_element_type3A_319, %cond3A_320 : i32
      scf.if %cond3A_321 {
        %dma_start3A_325 = arith.constant 0 : i32
        %dma_start3A_326 = tpu.memref_slice %arg5[%add3A_281, %dma_start3A_325] : memref<160000x128xf32, #tpu.memory_space<hbm>> -> memref<80x64xf32, #tpu.memory_space<hbm>>
        %dma_start3A_327 = arith.constant 0 : i32
        %dma_start3A_328 = tpu.memref_slice %arg5[%add3A_281, %dma_start3A_327] : memref<160000x128xf32, #tpu.memory_space<hbm>> -> memref<80x64xf32, #tpu.memory_space<hbm>>
        tpu.enqueue_dma source(%dma_start3A_328 : memref<80x64xf32, #tpu.memory_space<hbm>>) target(%arg26 : memref<80x64xf32, #tpu.memory_space<vmem>>) target_semaphore(%arg33 : memref<!tpu.dma_semaphore, #tpu.memory_space<semaphore_mem>>)
      } else {
      }
      %convert_element_type3A_322 = arith.extui %ge3A_1 : i1 to i32
      %cond3A_323 = arith.constant 0 : i32
      %cond3A_324 = arith.cmpi ne, %convert_element_type3A_322, %cond3A_323 : i32
      scf.if %cond3A_324 {
        %dma_start3A_325 = arith.constant 64 : i32
        %dma_start3A_326 = tpu.memref_slice %arg5[%add3A_281, %dma_start3A_325] : memref<160000x128xf32, #tpu.memory_space<hbm>> -> memref<80x64xf32, #tpu.memory_space<hbm>>
        %dma_start3A_327 = arith.constant 64 : i32
        %dma_start3A_328 = tpu.memref_slice %arg5[%add3A_281, %dma_start3A_327] : memref<160000x128xf32, #tpu.memory_space<hbm>> -> memref<80x64xf32, #tpu.memory_space<hbm>>
        tpu.enqueue_dma source(%dma_start3A_328 : memref<80x64xf32, #tpu.memory_space<hbm>>) target(%arg26 : memref<80x64xf32, #tpu.memory_space<vmem>>) target_semaphore(%arg33 : memref<!tpu.dma_semaphore, #tpu.memory_space<semaphore_mem>>)
      } else {
      }
    } else {
    }
    %dma_wait3A = arith.constant 0 : i32
    %dma_wait3A_108 = arith.constant 0 : i32
    %dma_wait3A_109 = tpu.memref_slice %arg4[%dma_wait3A, %dma_wait3A_108] : memref<10000x64xf32, #tpu.memory_space<hbm>> -> memref<80x64xf32, #tpu.memory_space<hbm>>
    %dma_wait3A_110 = arith.constant 0 : i32
    %dma_wait3A_111 = arith.constant 0 : i32
    %dma_wait3A_112 = tpu.memref_slice %arg4[%dma_wait3A_110, %dma_wait3A_111] : memref<10000x64xf32, #tpu.memory_space<hbm>> -> memref<80x64xf32, #tpu.memory_space<hbm>>
    tpu.wait_dma2 semaphore(%arg32 : memref<!tpu.dma_semaphore, #tpu.memory_space<semaphore_mem>>) src(%dma_wait3A_112 : memref<80x64xf32, #tpu.memory_space<hbm>>) dst(%arg16 : memref<80x64xf32, #tpu.memory_space<vmem>>)
    %dma_wait3A_113 = arith.constant 0 : i32
    %dma_wait3A_114 = arith.constant 0 : i32
    %dma_wait3A_115 = tpu.memref_slice %arg4[%dma_wait3A_113, %dma_wait3A_114] : memref<10000x64xf32, #tpu.memory_space<hbm>> -> memref<80x64xf32, #tpu.memory_space<hbm>>
    %dma_wait3A_116 = arith.constant 0 : i32
    %dma_wait3A_117 = arith.constant 0 : i32
    %dma_wait3A_118 = tpu.memref_slice %arg4[%dma_wait3A_116, %dma_wait3A_117] : memref<10000x64xf32, #tpu.memory_space<hbm>> -> memref<80x64xf32, #tpu.memory_space<hbm>>
    tpu.wait_dma2 semaphore(%arg32 : memref<!tpu.dma_semaphore, #tpu.memory_space<semaphore_mem>>) src(%dma_wait3A_118 : memref<80x64xf32, #tpu.memory_space<hbm>>) dst(%arg16 : memref<80x64xf32, #tpu.memory_space<vmem>>)
    %dma_wait3A_119 = arith.constant 0 : i32
    %dma_wait3A_120 = arith.constant 0 : i32
    %dma_wait3A_121 = tpu.memref_slice %arg4[%dma_wait3A_119, %dma_wait3A_120] : memref<10000x64xf32, #tpu.memory_space<hbm>> -> memref<80x64xf32, #tpu.memory_space<hbm>>
    %dma_wait3A_122 = arith.constant 0 : i32
    %dma_wait3A_123 = arith.constant 0 : i32
    %dma_wait3A_124 = tpu.memref_slice %arg4[%dma_wait3A_122, %dma_wait3A_123] : memref<10000x64xf32, #tpu.memory_space<hbm>> -> memref<80x64xf32, #tpu.memory_space<hbm>>
    tpu.wait_dma2 semaphore(%arg32 : memref<!tpu.dma_semaphore, #tpu.memory_space<semaphore_mem>>) src(%dma_wait3A_124 : memref<80x64xf32, #tpu.memory_space<hbm>>) dst(%arg16 : memref<80x64xf32, #tpu.memory_space<vmem>>)
    %dma_wait3A_125 = arith.constant 0 : i32
    %dma_wait3A_126 = arith.constant 0 : i32
    %dma_wait3A_127 = tpu.memref_slice %arg4[%dma_wait3A_125, %dma_wait3A_126] : memref<10000x64xf32, #tpu.memory_space<hbm>> -> memref<80x64xf32, #tpu.memory_space<hbm>>
    %dma_wait3A_128 = arith.constant 0 : i32
    %dma_wait3A_129 = arith.constant 0 : i32
    %dma_wait3A_130 = tpu.memref_slice %arg4[%dma_wait3A_128, %dma_wait3A_129] : memref<10000x64xf32, #tpu.memory_space<hbm>> -> memref<80x64xf32, #tpu.memory_space<hbm>>
    tpu.wait_dma2 semaphore(%arg32 : memref<!tpu.dma_semaphore, #tpu.memory_space<semaphore_mem>>) src(%dma_wait3A_130 : memref<80x64xf32, #tpu.memory_space<hbm>>) dst(%arg16 : memref<80x64xf32, #tpu.memory_space<vmem>>)
    %dma_wait3A_131 = arith.constant 0 : i32
    %dma_wait3A_132 = tpu.memref_slice %arg8[%dma_wait3A_131] : memref<320000xf32, #tpu.memory_space<hbm>> -> memref<80xf32, #tpu.memory_space<hbm>>
    %dma_wait3A_133 = arith.constant 0 : i32
    %dma_wait3A_134 = tpu.memref_slice %arg8[%dma_wait3A_133] : memref<320000xf32, #tpu.memory_space<hbm>> -> memref<80xf32, #tpu.memory_space<hbm>>
    tpu.wait_dma2 semaphore(%arg32 : memref<!tpu.dma_semaphore, #tpu.memory_space<semaphore_mem>>) src(%dma_wait3A_134 : memref<80xf32, #tpu.memory_space<hbm>>) dst(%arg23 : memref<80xf32, #tpu.memory_space<vmem>>)
    %dma_wait3A_135 = arith.constant 0 : i32
    %dma_wait3A_136 = tpu.memref_slice %arg8[%dma_wait3A_135] : memref<320000xf32, #tpu.memory_space<hbm>> -> memref<80xf32, #tpu.memory_space<hbm>>
    %dma_wait3A_137 = arith.constant 0 : i32
    %dma_wait3A_138 = tpu.memref_slice %arg8[%dma_wait3A_137] : memref<320000xf32, #tpu.memory_space<hbm>> -> memref<80xf32, #tpu.memory_space<hbm>>
    tpu.wait_dma2 semaphore(%arg32 : memref<!tpu.dma_semaphore, #tpu.memory_space<semaphore_mem>>) src(%dma_wait3A_138 : memref<80xf32, #tpu.memory_space<hbm>>) dst(%arg23 : memref<80xf32, #tpu.memory_space<vmem>>)
    %dma_wait3A_139 = arith.constant 0 : i32
    %dma_wait3A_140 = tpu.memref_slice %arg8[%dma_wait3A_139] : memref<320000xf32, #tpu.memory_space<hbm>> -> memref<80xf32, #tpu.memory_space<hbm>>
    %dma_wait3A_141 = arith.constant 0 : i32
    %dma_wait3A_142 = tpu.memref_slice %arg8[%dma_wait3A_141] : memref<320000xf32, #tpu.memory_space<hbm>> -> memref<80xf32, #tpu.memory_space<hbm>>
    tpu.wait_dma2 semaphore(%arg32 : memref<!tpu.dma_semaphore, #tpu.memory_space<semaphore_mem>>) src(%dma_wait3A_142 : memref<80xf32, #tpu.memory_space<hbm>>) dst(%arg23 : memref<80xf32, #tpu.memory_space<vmem>>)
    %scan3A_143 = arith.constant 0 : i32
    %scan3A_144 = arith.constant 0 : i32
    %scan3A_145 = arith.constant 80 : i32
    %scan3A_146 = arith.addi %scan3A_144, %scan3A_145 : i32
    %scan3A_147 = arith.constant 1 : i32
    %scan3A_148 = scf.for %scan3A_277 = %scan3A_144 to %scan3A_146 step %scan3A_147 iter_args(%scan3A_278 = %scan3A_143) -> (i32)  : i32 {
      %get3A_279 = arith.index_cast %scan3A_277 : i32 to index
      %get3A_280 = arith.constant 0 : index
      %get3A_281 = tpu.vector_load %arg16[%get3A_279, %get3A_280] {strides = array<i32>} : memref<80x64xf32, #tpu.memory_space<vmem>>, vector<16xf32>,
      %get3A_282 = arith.index_cast %scan3A_277 : i32 to index
      %get3A_283 = arith.constant 0 : index
      %get3A_284 = tpu.vector_load %arg17[%get3A_282, %get3A_283] {strides = array<i32>} : memref<80x64xf32, #tpu.memory_space<vmem>>, vector<16xf32>,
      %add3A_285 = arith.addf %get3A_281, %get3A_284 : vector<16xf32>
      %get3A_286 = arith.index_cast %scan3A_277 : i32 to index
      %get3A_287 = arith.constant 0 : index
      %get3A_288 = tpu.vector_load %arg18[%get3A_286, %get3A_287] {strides = array<i32>} : memref<80x64xf32, #tpu.memory_space<vmem>>, vector<16xf32>,
      %add3A_289 = arith.addf %add3A_285, %get3A_288 : vector<16xf32>
      %swap3A_290 = arith.index_cast %scan3A_277 : i32 to index
      %swap3A_291 = arith.constant 0 : index
      %swap3A_292 = tpu.vector_load %arg18[%swap3A_290, %swap3A_291] {strides = array<i32>} : memref<80x64xf32, #tpu.memory_space<vmem>>, vector<16xf32>,
      tpu.vector_store %arg18[%swap3A_290, %swap3A_291], %add3A_289 {strides = array<i32>} : memref<80x64xf32, #tpu.memory_space<vmem>>, vector<16xf32>,
      %get3A_293 = arith.index_cast %scan3A_277 : i32 to index
      %get3A_294 = arith.constant 16 : index
      %get3A_295 = tpu.vector_load %arg16[%get3A_293, %get3A_294] {strides = array<i32>} : memref<80x64xf32, #tpu.memory_space<vmem>>, vector<16xf32>,
      %get3A_296 = arith.index_cast %scan3A_277 : i32 to index
      %get3A_297 = arith.constant 16 : index
      %get3A_298 = tpu.vector_load %arg17[%get3A_296, %get3A_297] {strides = array<i32>} : memref<80x64xf32, #tpu.memory_space<vmem>>, vector<16xf32>,
      %add3A_299 = arith.addf %get3A_295, %get3A_298 : vector<16xf32>
      %get3A_300 = arith.index_cast %scan3A_277 : i32 to index
      %get3A_301 = arith.constant 16 : index
      %get3A_302 = tpu.vector_load %arg18[%get3A_300, %get3A_301] {strides = array<i32>} : memref<80x64xf32, #tpu.memory_space<vmem>>, vector<16xf32>,
      %add3A_303 = arith.addf %add3A_299, %get3A_302 : vector<16xf32>
      %swap3A_304 = arith.index_cast %scan3A_277 : i32 to index
      %swap3A_305 = arith.constant 16 : index
      %swap3A_306 = tpu.vector_load %arg18[%swap3A_304, %swap3A_305] {strides = array<i32>} : memref<80x64xf32, #tpu.memory_space<vmem>>, vector<16xf32>,
      tpu.vector_store %arg18[%swap3A_304, %swap3A_305], %add3A_303 {strides = array<i32>} : memref<80x64xf32, #tpu.memory_space<vmem>>, vector<16xf32>,
      %get3A_307 = arith.index_cast %scan3A_277 : i32 to index
      %get3A_308 = arith.constant 32 : index
      %get3A_309 = tpu.vector_load %arg16[%get3A_307, %get3A_308] {strides = array<i32>} : memref<80x64xf32, #tpu.memory_space<vmem>>, vector<16xf32>,
      %get3A_310 = arith.index_cast %scan3A_277 : i32 to index
      %get3A_311 = arith.constant 32 : index
      %get3A_312 = tpu.vector_load %arg17[%get3A_310, %get3A_311] {strides = array<i32>} : memref<80x64xf32, #tpu.memory_space<vmem>>, vector<16xf32>,
      %add3A_313 = arith.addf %get3A_309, %get3A_312 : vector<16xf32>
      %get3A_314 = arith.index_cast %scan3A_277 : i32 to index
      %get3A_315 = arith.constant 32 : index
      %get3A_316 = tpu.vector_load %arg18[%get3A_314, %get3A_315] {strides = array<i32>} : memref<80x64xf32, #tpu.memory_space<vmem>>, vector<16xf32>,
      %add3A_317 = arith.addf %add3A_313, %get3A_316 : vector<16xf32>
      %swap3A_318 = arith.index_cast %scan3A_277 : i32 to index
      %swap3A_319 = arith.constant 32 : index
      %swap3A_320 = tpu.vector_load %arg18[%swap3A_318, %swap3A_319] {strides = array<i32>} : memref<80x64xf32, #tpu.memory_space<vmem>>, vector<16xf32>,
      tpu.vector_store %arg18[%swap3A_318, %swap3A_319], %add3A_317 {strides = array<i32>} : memref<80x64xf32, #tpu.memory_space<vmem>>, vector<16xf32>,
      %get3A_321 = arith.index_cast %scan3A_277 : i32 to index
      %get3A_322 = arith.constant 48 : index
      %get3A_323 = tpu.vector_load %arg16[%get3A_321, %get3A_322] {strides = array<i32>} : memref<80x64xf32, #tpu.memory_space<vmem>>, vector<16xf32>,
      %get3A_324 = arith.index_cast %scan3A_277 : i32 to index
      %get3A_325 = arith.constant 48 : index
      %get3A_326 = tpu.vector_load %arg17[%get3A_324, %get3A_325] {strides = array<i32>} : memref<80x64xf32, #tpu.memory_space<vmem>>, vector<16xf32>,
      %add3A_327 = arith.addf %get3A_323, %get3A_326 : vector<16xf32>
      %get3A_328 = arith.index_cast %scan3A_277 : i32 to index
      %get3A_329 = arith.constant 48 : index
      %get3A_330 = tpu.vector_load %arg18[%get3A_328, %get3A_329] {strides = array<i32>} : memref<80x64xf32, #tpu.memory_space<vmem>>, vector<16xf32>,
      %add3A_331 = arith.addf %add3A_327, %get3A_330 : vector<16xf32>
      %swap3A_332 = arith.index_cast %scan3A_277 : i32 to index
      %swap3A_333 = arith.constant 48 : index
      %swap3A_334 = tpu.vector_load %arg18[%swap3A_332, %swap3A_333] {strides = array<i32>} : memref<80x64xf32, #tpu.memory_space<vmem>>, vector<16xf32>,
      tpu.vector_store %arg18[%swap3A_332, %swap3A_333], %add3A_331 {strides = array<i32>} : memref<80x64xf32, #tpu.memory_space<vmem>>, vector<16xf32>,
      %scan3A_335 = arith.constant 0 : i32
      scf.yield %scan3A_335 : i32
    }
    %scan3A_149 = arith.constant 80 : i32
    %not3A_150 = arith.constant true
    %not3A_151 = arith.xori %ge3A_1, %not3A_150 : i1
    %convert_element_type3A_152 = arith.extui %not3A_151 : i1 to i32
    %cond3A_153 = arith.constant 0 : i32
    %cond3A_154 = arith.cmpi ne, %convert_element_type3A_152, %cond3A_153 : i32
    scf.if %cond3A_154 {
      %dma_start3A_277 = arith.constant 0 : i32
      %dma_start3A_278 = tpu.memref_slice %arg11[%add3A_94, %dma_start3A_277] : memref<160000x128xf32, #tpu.memory_space<hbm>> -> memref<80x64xf32, #tpu.memory_space<hbm>>
      %dma_start3A_279 = arith.constant 0 : i32
      %dma_start3A_280 = tpu.memref_slice %arg11[%add3A_94, %dma_start3A_279] : memref<160000x128xf32, #tpu.memory_space<hbm>> -> memref<80x64xf32, #tpu.memory_space<hbm>>
      tpu.enqueue_dma source(%arg18 : memref<80x64xf32, #tpu.memory_space<vmem>>) target(%dma_start3A_280 : memref<80x64xf32, #tpu.memory_space<hbm>>) target_semaphore(%arg34 : memref<!tpu.dma_semaphore, #tpu.memory_space<semaphore_mem>>)
    } else {
    }
    %convert_element_type3A_155 = arith.extui %ge3A_1 : i1 to i32
    %cond3A_156 = arith.constant 0 : i32
    %cond3A_157 = arith.cmpi ne, %convert_element_type3A_155, %cond3A_156 : i32
    scf.if %cond3A_157 {
      %dma_start3A_277 = arith.constant 64 : i32
      %dma_start3A_278 = tpu.memref_slice %arg11[%add3A_94, %dma_start3A_277] : memref<160000x128xf32, #tpu.memory_space<hbm>> -> memref<80x64xf32, #tpu.memory_space<hbm>>
      %dma_start3A_279 = arith.constant 64 : i32
      %dma_start3A_280 = tpu.memref_slice %arg11[%add3A_94, %dma_start3A_279] : memref<160000x128xf32, #tpu.memory_space<hbm>> -> memref<80x64xf32, #tpu.memory_space<hbm>>
      tpu.enqueue_dma source(%arg18 : memref<80x64xf32, #tpu.memory_space<vmem>>) target(%dma_start3A_280 : memref<80x64xf32, #tpu.memory_space<hbm>>) target_semaphore(%arg34 : memref<!tpu.dma_semaphore, #tpu.memory_space<semaphore_mem>>)
    } else {
    }
    %get3A = arith.constant 0 : index
    %get3A_158 = tpu.vector_load %arg21[%get3A] {strides = array<i32>} : memref<80xf32, #tpu.memory_space<vmem>>, vector<16xf32>,
    %get3A_159 = arith.constant 0 : index
    %get3A_160 = tpu.vector_load %arg22[%get3A_159] {strides = array<i32>} : memref<80xf32, #tpu.memory_space<vmem>>, vector<16xf32>,
    %add3A_161 = arith.addf %get3A_158, %get3A_160 : vector<16xf32>
    %get3A_162 = arith.constant 0 : index
    %get3A_163 = tpu.vector_load %arg23[%get3A_162] {strides = array<i32>} : memref<80xf32, #tpu.memory_space<vmem>>, vector<16xf32>,
    %add3A_164 = arith.addf %add3A_161, %get3A_163 : vector<16xf32>
    %ge3A_165 = arith.constant 0.000000e+00 : f32
    %ge3A_166 = vector.broadcast %ge3A_165 : f32 to vector<16xf32>
    %ge3A_167 = arith.cmpf oge, %add3A_164, %ge3A_166 : vector<16xf32>
    %mul3A_168 = arith.constant 0.00999999977 : f32
    %mul3A_169 = vector.broadcast %mul3A_168 : f32 to vector<16xf32>
    %mul3A_170 = arith.mulf %mul3A_169, %add3A_164 : vector<16xf32>
    %select_n3A_171 = arith.select %ge3A_167, %add3A_164, %mul3A_170 : vector<16xi1>, vector<16xf32>
    %exp3A = math.exp %select_n3A_171 : vector<16xf32>
    %swap3A = arith.constant 0 : index
    %swap3A_172 = tpu.vector_load %arg15[%swap3A] {strides = array<i32>} : memref<80xf32, #tpu.memory_space<vmem>>, vector<16xf32>,
    tpu.vector_store %arg15[%swap3A], %exp3A {strides = array<i32>} : memref<80xf32, #tpu.memory_space<vmem>>, vector<16xf32>,
    %get3A_173 = arith.constant 16 : index
    %get3A_174 = tpu.vector_load %arg21[%get3A_173] {strides = array<i32>} : memref<80xf32, #tpu.memory_space<vmem>>, vector<16xf32>,
    %get3A_175 = arith.constant 16 : index
    %get3A_176 = tpu.vector_load %arg22[%get3A_175] {strides = array<i32>} : memref<80xf32, #tpu.memory_space<vmem>>, vector<16xf32>,
    %add3A_177 = arith.addf %get3A_174, %get3A_176 : vector<16xf32>
    %get3A_178 = arith.constant 16 : index
    %get3A_179 = tpu.vector_load %arg23[%get3A_178] {strides = array<i32>} : memref<80xf32, #tpu.memory_space<vmem>>, vector<16xf32>,
    %add3A_180 = arith.addf %add3A_177, %get3A_179 : vector<16xf32>
    %ge3A_181 = arith.constant 0.000000e+00 : f32
    %ge3A_182 = vector.broadcast %ge3A_181 : f32 to vector<16xf32>
    %ge3A_183 = arith.cmpf oge, %add3A_180, %ge3A_182 : vector<16xf32>
    %mul3A_184 = arith.constant 0.00999999977 : f32
    %mul3A_185 = vector.broadcast %mul3A_184 : f32 to vector<16xf32>
    %mul3A_186 = arith.mulf %mul3A_185, %add3A_180 : vector<16xf32>
    %select_n3A_187 = arith.select %ge3A_183, %add3A_180, %mul3A_186 : vector<16xi1>, vector<16xf32>
    %exp3A_188 = math.exp %select_n3A_187 : vector<16xf32>
    %swap3A_189 = arith.constant 16 : index
    %swap3A_190 = tpu.vector_load %arg15[%swap3A_189] {strides = array<i32>} : memref<80xf32, #tpu.memory_space<vmem>>, vector<16xf32>,
    tpu.vector_store %arg15[%swap3A_189], %exp3A_188 {strides = array<i32>} : memref<80xf32, #tpu.memory_space<vmem>>, vector<16xf32>,
    %get3A_191 = arith.constant 32 : index
    %get3A_192 = tpu.vector_load %arg21[%get3A_191] {strides = array<i32>} : memref<80xf32, #tpu.memory_space<vmem>>, vector<16xf32>,
    %get3A_193 = arith.constant 32 : index
    %get3A_194 = tpu.vector_load %arg22[%get3A_193] {strides = array<i32>} : memref<80xf32, #tpu.memory_space<vmem>>, vector<16xf32>,
    %add3A_195 = arith.addf %get3A_192, %get3A_194 : vector<16xf32>
    %get3A_196 = arith.constant 32 : index
    %get3A_197 = tpu.vector_load %arg23[%get3A_196] {strides = array<i32>} : memref<80xf32, #tpu.memory_space<vmem>>, vector<16xf32>,
    %add3A_198 = arith.addf %add3A_195, %get3A_197 : vector<16xf32>
    %ge3A_199 = arith.constant 0.000000e+00 : f32
    %ge3A_200 = vector.broadcast %ge3A_199 : f32 to vector<16xf32>
    %ge3A_201 = arith.cmpf oge, %add3A_198, %ge3A_200 : vector<16xf32>
    %mul3A_202 = arith.constant 0.00999999977 : f32
    %mul3A_203 = vector.broadcast %mul3A_202 : f32 to vector<16xf32>
    %mul3A_204 = arith.mulf %mul3A_203, %add3A_198 : vector<16xf32>
    %select_n3A_205 = arith.select %ge3A_201, %add3A_198, %mul3A_204 : vector<16xi1>, vector<16xf32>
    %exp3A_206 = math.exp %select_n3A_205 : vector<16xf32>
    %swap3A_207 = arith.constant 32 : index
    %swap3A_208 = tpu.vector_load %arg15[%swap3A_207] {strides = array<i32>} : memref<80xf32, #tpu.memory_space<vmem>>, vector<16xf32>,
    tpu.vector_store %arg15[%swap3A_207], %exp3A_206 {strides = array<i32>} : memref<80xf32, #tpu.memory_space<vmem>>, vector<16xf32>,
    %get3A_209 = arith.constant 48 : index
    %get3A_210 = tpu.vector_load %arg21[%get3A_209] {strides = array<i32>} : memref<80xf32, #tpu.memory_space<vmem>>, vector<16xf32>,
    %get3A_211 = arith.constant 48 : index
    %get3A_212 = tpu.vector_load %arg22[%get3A_211] {strides = array<i32>} : memref<80xf32, #tpu.memory_space<vmem>>, vector<16xf32>,
    %add3A_213 = arith.addf %get3A_210, %get3A_212 : vector<16xf32>
    %get3A_214 = arith.constant 48 : index
    %get3A_215 = tpu.vector_load %arg23[%get3A_214] {strides = array<i32>} : memref<80xf32, #tpu.memory_space<vmem>>, vector<16xf32>,
    %add3A_216 = arith.addf %add3A_213, %get3A_215 : vector<16xf32>
    %ge3A_217 = arith.constant 0.000000e+00 : f32
    %ge3A_218 = vector.broadcast %ge3A_217 : f32 to vector<16xf32>
    %ge3A_219 = arith.cmpf oge, %add3A_216, %ge3A_218 : vector<16xf32>
    %mul3A_220 = arith.constant 0.00999999977 : f32
    %mul3A_221 = vector.broadcast %mul3A_220 : f32 to vector<16xf32>
    %mul3A_222 = arith.mulf %mul3A_221, %add3A_216 : vector<16xf32>
    %select_n3A_223 = arith.select %ge3A_219, %add3A_216, %mul3A_222 : vector<16xi1>, vector<16xf32>
    %exp3A_224 = math.exp %select_n3A_223 : vector<16xf32>
    %swap3A_225 = arith.constant 48 : index
    %swap3A_226 = tpu.vector_load %arg15[%swap3A_225] {strides = array<i32>} : memref<80xf32, #tpu.memory_space<vmem>>, vector<16xf32>,
    tpu.vector_store %arg15[%swap3A_225], %exp3A_224 {strides = array<i32>} : memref<80xf32, #tpu.memory_space<vmem>>, vector<16xf32>,
    %get3A_227 = arith.constant 64 : index
    %get3A_228 = tpu.vector_load %arg21[%get3A_227] {strides = array<i32>} : memref<80xf32, #tpu.memory_space<vmem>>, vector<16xf32>,
    %get3A_229 = arith.constant 64 : index
    %get3A_230 = tpu.vector_load %arg22[%get3A_229] {strides = array<i32>} : memref<80xf32, #tpu.memory_space<vmem>>, vector<16xf32>,
    %add3A_231 = arith.addf %get3A_228, %get3A_230 : vector<16xf32>
    %get3A_232 = arith.constant 64 : index
    %get3A_233 = tpu.vector_load %arg23[%get3A_232] {strides = array<i32>} : memref<80xf32, #tpu.memory_space<vmem>>, vector<16xf32>,
    %add3A_234 = arith.addf %add3A_231, %get3A_233 : vector<16xf32>
    %ge3A_235 = arith.constant 0.000000e+00 : f32
    %ge3A_236 = vector.broadcast %ge3A_235 : f32 to vector<16xf32>
    %ge3A_237 = arith.cmpf oge, %add3A_234, %ge3A_236 : vector<16xf32>
    %mul3A_238 = arith.constant 0.00999999977 : f32
    %mul3A_239 = vector.broadcast %mul3A_238 : f32 to vector<16xf32>
    %mul3A_240 = arith.mulf %mul3A_239, %add3A_234 : vector<16xf32>
    %select_n3A_241 = arith.select %ge3A_237, %add3A_234, %mul3A_240 : vector<16xi1>, vector<16xf32>
    %exp3A_242 = math.exp %select_n3A_241 : vector<16xf32>
    %swap3A_243 = arith.constant 64 : index
    %swap3A_244 = tpu.vector_load %arg15[%swap3A_243] {strides = array<i32>} : memref<80xf32, #tpu.memory_space<vmem>>, vector<16xf32>,
    tpu.vector_store %arg15[%swap3A_243], %exp3A_242 {strides = array<i32>} : memref<80xf32, #tpu.memory_space<vmem>>, vector<16xf32>,
    %scan3A_245 = arith.constant 0 : i32
    %scan3A_246 = arith.constant 0 : i32
    %scan3A_247 = arith.constant 5 : i32
    %scan3A_248 = arith.addi %scan3A_246, %scan3A_247 : i32
    %scan3A_249 = arith.constant 1 : i32
    %scan3A_250 = scf.for %scan3A_277 = %scan3A_246 to %scan3A_248 step %scan3A_249 iter_args(%scan3A_278 = %scan3A_245) -> (i32)  : i32 {
      %mul3A_279 = arith.constant 16 : i32
      %mul3A_280 = arith.muli %scan3A_277, %mul3A_279 : i32
      %get3A_281 = arith.index_cast %mul3A_280 : i32 to index
      %get3A_282 = tpu.vector_load %arg15[%get3A_281] {strides = array<i32>} : memref<80xf32, #tpu.memory_space<vmem>>, vector<16xf32>,
      %mul3A_283 = arith.constant 16 : i32
      %mul3A_284 = arith.muli %scan3A_277, %mul3A_283 : i32
      %add3A_285 = arith.constant 0 : i32
      %add3A_286 = arith.addi %mul3A_284, %add3A_285 : i32
      %slice3A = vector.extract_strided_slice %get3A_282 {offsets = [0], sizes = [1], strides = [1]} : vector<16xf32> to vector<1xf32>
      %squeeze3A = vector.extract %slice3A[0] : f32 from vector<1xf32>
      %broadcast_in_dim3A_287 = vector.broadcast %squeeze3A : f32 to vector<16xf32>
      %get3A_288 = arith.index_cast %add3A_286 : i32 to index
      %get3A_289 = arith.constant 0 : index
      %get3A_290 = tpu.vector_load %arg19[%get3A_288, %get3A_289] {strides = array<i32>} : memref<80x64xf32, #tpu.memory_space<vmem>>, vector<16xf32>,
      %mul3A_291 = arith.mulf %get3A_290, %broadcast_in_dim3A_287 : vector<16xf32>
      %swap3A_292 = arith.index_cast %add3A_286 : i32 to index
      %swap3A_293 = arith.constant 0 : index
      %swap3A_294 = tpu.vector_load %arg20[%swap3A_292, %swap3A_293] {strides = array<i32>} : memref<80x80xf32, #tpu.memory_space<vmem>>, vector<16xf32>,
      tpu.vector_store %arg20[%swap3A_292, %swap3A_293], %mul3A_291 {strides = array<i32>} : memref<80x80xf32, #tpu.memory_space<vmem>>, vector<16xf32>,
      %get3A_295 = arith.index_cast %add3A_286 : i32 to index
      %get3A_296 = arith.constant 16 : index
      %get3A_297 = tpu.vector_load %arg19[%get3A_295, %get3A_296] {strides = array<i32>} : memref<80x64xf32, #tpu.memory_space<vmem>>, vector<16xf32>,
      %mul3A_298 = arith.mulf %get3A_297, %broadcast_in_dim3A_287 : vector<16xf32>
      %swap3A_299 = arith.index_cast %add3A_286 : i32 to index
      %swap3A_300 = arith.constant 16 : index
      %swap3A_301 = tpu.vector_load %arg20[%swap3A_299, %swap3A_300] {strides = array<i32>} : memref<80x80xf32, #tpu.memory_space<vmem>>, vector<16xf32>,
      tpu.vector_store %arg20[%swap3A_299, %swap3A_300], %mul3A_298 {strides = array<i32>} : memref<80x80xf32, #tpu.memory_space<vmem>>, vector<16xf32>,
      %get3A_302 = arith.index_cast %add3A_286 : i32 to index
      %get3A_303 = arith.constant 32 : index
      %get3A_304 = tpu.vector_load %arg19[%get3A_302, %get3A_303] {strides = array<i32>} : memref<80x64xf32, #tpu.memory_space<vmem>>, vector<16xf32>,
      %mul3A_305 = arith.mulf %get3A_304, %broadcast_in_dim3A_287 : vector<16xf32>
      %swap3A_306 = arith.index_cast %add3A_286 : i32 to index
      %swap3A_307 = arith.constant 32 : index
      %swap3A_308 = tpu.vector_load %arg20[%swap3A_306, %swap3A_307] {strides = array<i32>} : memref<80x80xf32, #tpu.memory_space<vmem>>, vector<16xf32>,
      tpu.vector_store %arg20[%swap3A_306, %swap3A_307], %mul3A_305 {strides = array<i32>} : memref<80x80xf32, #tpu.memory_space<vmem>>, vector<16xf32>,
      %get3A_309 = arith.index_cast %add3A_286 : i32 to index
      %get3A_310 = arith.constant 48 : index
      %get3A_311 = tpu.vector_load %arg19[%get3A_309, %get3A_310] {strides = array<i32>} : memref<80x64xf32, #tpu.memory_space<vmem>>, vector<16xf32>,
      %mul3A_312 = arith.mulf %get3A_311, %broadcast_in_dim3A_287 : vector<16xf32>
      %swap3A_313 = arith.index_cast %add3A_286 : i32 to index
      %swap3A_314 = arith.constant 48 : index
      %swap3A_315 = tpu.vector_load %arg20[%swap3A_313, %swap3A_314] {strides = array<i32>} : memref<80x80xf32, #tpu.memory_space<vmem>>, vector<16xf32>,
      tpu.vector_store %arg20[%swap3A_313, %swap3A_314], %mul3A_312 {strides = array<i32>} : memref<80x80xf32, #tpu.memory_space<vmem>>, vector<16xf32>,
      %jit3A_316 = arith.constant 0.000000e+00 : f32
      %broadcast_in_dim3A_317 = vector.broadcast %jit3A_316 : f32 to vector<16xf32>
      %select_n3A_318 = arith.select %eq3A_34, %broadcast_in_dim3A_287, %broadcast_in_dim3A_317 : vector<16xi1>, vector<16xf32>
      %swap3A_319 = arith.index_cast %add3A_286 : i32 to index
      %swap3A_320 = arith.constant 64 : index
      %swap3A_321 = tpu.vector_load %arg20[%swap3A_319, %swap3A_320] {strides = array<i32>} : memref<80x80xf32, #tpu.memory_space<vmem>>, vector<16xf32>,
      tpu.vector_store %arg20[%swap3A_319, %swap3A_320], %select_n3A_318 {strides = array<i32>} : memref<80x80xf32, #tpu.memory_space<vmem>>, vector<16xf32>,
      %mul3A_322 = arith.constant 16 : i32
      %mul3A_323 = arith.muli %scan3A_277, %mul3A_322 : i32
      %add3A_324 = arith.constant 1 : i32
      %add3A_325 = arith.addi %mul3A_323, %add3A_324 : i32
      %slice3A_326 = vector.extract_strided_slice %get3A_282 {offsets = [1], sizes = [1], strides = [1]} : vector<16xf32> to vector<1xf32>
      %squeeze3A_327 = vector.extract %slice3A_326[0] : f32 from vector<1xf32>
      %broadcast_in_dim3A_328 = vector.broadcast %squeeze3A_327 : f32 to vector<16xf32>
      %get3A_329 = arith.index_cast %add3A_325 : i32 to index
      %get3A_330 = arith.constant 0 : index
      %get3A_331 = tpu.vector_load %arg19[%get3A_329, %get3A_330] {strides = array<i32>} : memref<80x64xf32, #tpu.memory_space<vmem>>, vector<16xf32>,
      %mul3A_332 = arith.mulf %get3A_331, %broadcast_in_dim3A_328 : vector<16xf32>
      %swap3A_333 = arith.index_cast %add3A_325 : i32 to index
      %swap3A_334 = arith.constant 0 : index
      %swap3A_335 = tpu.vector_load %arg20[%swap3A_333, %swap3A_334] {strides = array<i32>} : memref<80x80xf32, #tpu.memory_space<vmem>>, vector<16xf32>,
      tpu.vector_store %arg20[%swap3A_333, %swap3A_334], %mul3A_332 {strides = array<i32>} : memref<80x80xf32, #tpu.memory_space<vmem>>, vector<16xf32>,
      %get3A_336 = arith.index_cast %add3A_325 : i32 to index
      %get3A_337 = arith.constant 16 : index
      %get3A_338 = tpu.vector_load %arg19[%get3A_336, %get3A_337] {strides = array<i32>} : memref<80x64xf32, #tpu.memory_space<vmem>>, vector<16xf32>,
      %mul3A_339 = arith.mulf %get3A_338, %broadcast_in_dim3A_328 : vector<16xf32>
      %swap3A_340 = arith.index_cast %add3A_325 : i32 to index
      %swap3A_341 = arith.constant 16 : index
      %swap3A_342 = tpu.vector_load %arg20[%swap3A_340, %swap3A_341] {strides = array<i32>} : memref<80x80xf32, #tpu.memory_space<vmem>>, vector<16xf32>,
      tpu.vector_store %arg20[%swap3A_340, %swap3A_341], %mul3A_339 {strides = array<i32>} : memref<80x80xf32, #tpu.memory_space<vmem>>, vector<16xf32>,
      %get3A_343 = arith.index_cast %add3A_325 : i32 to index
      %get3A_344 = arith.constant 32 : index
      %get3A_345 = tpu.vector_load %arg19[%get3A_343, %get3A_344] {strides = array<i32>} : memref<80x64xf32, #tpu.memory_space<vmem>>, vector<16xf32>,
      %mul3A_346 = arith.mulf %get3A_345, %broadcast_in_dim3A_328 : vector<16xf32>
      %swap3A_347 = arith.index_cast %add3A_325 : i32 to index
      %swap3A_348 = arith.constant 32 : index
      %swap3A_349 = tpu.vector_load %arg20[%swap3A_347, %swap3A_348] {strides = array<i32>} : memref<80x80xf32, #tpu.memory_space<vmem>>, vector<16xf32>,
      tpu.vector_store %arg20[%swap3A_347, %swap3A_348], %mul3A_346 {strides = array<i32>} : memref<80x80xf32, #tpu.memory_space<vmem>>, vector<16xf32>,
      %get3A_350 = arith.index_cast %add3A_325 : i32 to index
      %get3A_351 = arith.constant 48 : index
      %get3A_352 = tpu.vector_load %arg19[%get3A_350, %get3A_351] {strides = array<i32>} : memref<80x64xf32, #tpu.memory_space<vmem>>, vector<16xf32>,
      %mul3A_353 = arith.mulf %get3A_352, %broadcast_in_dim3A_328 : vector<16xf32>
      %swap3A_354 = arith.index_cast %add3A_325 : i32 to index
      %swap3A_355 = arith.constant 48 : index
      %swap3A_356 = tpu.vector_load %arg20[%swap3A_354, %swap3A_355] {strides = array<i32>} : memref<80x80xf32, #tpu.memory_space<vmem>>, vector<16xf32>,
      tpu.vector_store %arg20[%swap3A_354, %swap3A_355], %mul3A_353 {strides = array<i32>} : memref<80x80xf32, #tpu.memory_space<vmem>>, vector<16xf32>,
      %jit3A_357 = arith.constant 0.000000e+00 : f32
      %broadcast_in_dim3A_358 = vector.broadcast %jit3A_357 : f32 to vector<16xf32>
      %select_n3A_359 = arith.select %eq3A_34, %broadcast_in_dim3A_328, %broadcast_in_dim3A_358 : vector<16xi1>, vector<16xf32>
      %swap3A_360 = arith.index_cast %add3A_325 : i32 to index
      %swap3A_361 = arith.constant 64 : index
      %swap3A_362 = tpu.vector_load %arg20[%swap3A_360, %swap3A_361] {strides = array<i32>} : memref<80x80xf32, #tpu.memory_space<vmem>>, vector<16xf32>,
      tpu.vector_store %arg20[%swap3A_360, %swap3A_361], %select_n3A_359 {strides = array<i32>} : memref<80x80xf32, #tpu.memory_space<vmem>>, vector<16xf32>,
      %mul3A_363 = arith.constant 16 : i32
      %mul3A_364 = arith.muli %scan3A_277, %mul3A_363 : i32
      %add3A_365 = arith.constant 2 : i32
      %add3A_366 = arith.addi %mul3A_364, %add3A_365 : i32
      %slice3A_367 = vector.extract_strided_slice %get3A_282 {offsets = [2], sizes = [1], strides = [1]} : vector<16xf32> to vector<1xf32>
      %squeeze3A_368 = vector.extract %slice3A_367[0] : f32 from vector<1xf32>
      %broadcast_in_dim3A_369 = vector.broadcast %squeeze3A_368 : f32 to vector<16xf32>
      %get3A_370 = arith.index_cast %add3A_366 : i32 to index
      %get3A_371 = arith.constant 0 : index
      %get3A_372 = tpu.vector_load %arg19[%get3A_370, %get3A_371] {strides = array<i32>} : memref<80x64xf32, #tpu.memory_space<vmem>>, vector<16xf32>,
      %mul3A_373 = arith.mulf %get3A_372, %broadcast_in_dim3A_369 : vector<16xf32>
      %swap3A_374 = arith.index_cast %add3A_366 : i32 to index
      %swap3A_375 = arith.constant 0 : index
      %swap3A_376 = tpu.vector_load %arg20[%swap3A_374, %swap3A_375] {strides = array<i32>} : memref<80x80xf32, #tpu.memory_space<vmem>>, vector<16xf32>,
      tpu.vector_store %arg20[%swap3A_374, %swap3A_375], %mul3A_373 {strides = array<i32>} : memref<80x80xf32, #tpu.memory_space<vmem>>, vector<16xf32>,
      %get3A_377 = arith.index_cast %add3A_366 : i32 to index
      %get3A_378 = arith.constant 16 : index
      %get3A_379 = tpu.vector_load %arg19[%get3A_377, %get3A_378] {strides = array<i32>} : memref<80x64xf32, #tpu.memory_space<vmem>>, vector<16xf32>,
      %mul3A_380 = arith.mulf %get3A_379, %broadcast_in_dim3A_369 : vector<16xf32>
      %swap3A_381 = arith.index_cast %add3A_366 : i32 to index
      %swap3A_382 = arith.constant 16 : index
      %swap3A_383 = tpu.vector_load %arg20[%swap3A_381, %swap3A_382] {strides = array<i32>} : memref<80x80xf32, #tpu.memory_space<vmem>>, vector<16xf32>,
      tpu.vector_store %arg20[%swap3A_381, %swap3A_382], %mul3A_380 {strides = array<i32>} : memref<80x80xf32, #tpu.memory_space<vmem>>, vector<16xf32>,
      %get3A_384 = arith.index_cast %add3A_366 : i32 to index
      %get3A_385 = arith.constant 32 : index
      %get3A_386 = tpu.vector_load %arg19[%get3A_384, %get3A_385] {strides = array<i32>} : memref<80x64xf32, #tpu.memory_space<vmem>>, vector<16xf32>,
      %mul3A_387 = arith.mulf %get3A_386, %broadcast_in_dim3A_369 : vector<16xf32>
      %swap3A_388 = arith.index_cast %add3A_366 : i32 to index
      %swap3A_389 = arith.constant 32 : index
      %swap3A_390 = tpu.vector_load %arg20[%swap3A_388, %swap3A_389] {strides = array<i32>} : memref<80x80xf32, #tpu.memory_space<vmem>>, vector<16xf32>,
      tpu.vector_store %arg20[%swap3A_388, %swap3A_389], %mul3A_387 {strides = array<i32>} : memref<80x80xf32, #tpu.memory_space<vmem>>, vector<16xf32>,
      %get3A_391 = arith.index_cast %add3A_366 : i32 to index
      %get3A_392 = arith.constant 48 : index
      %get3A_393 = tpu.vector_load %arg19[%get3A_391, %get3A_392] {strides = array<i32>} : memref<80x64xf32, #tpu.memory_space<vmem>>, vector<16xf32>,
      %mul3A_394 = arith.mulf %get3A_393, %broadcast_in_dim3A_369 : vector<16xf32>
      %swap3A_395 = arith.index_cast %add3A_366 : i32 to index
      %swap3A_396 = arith.constant 48 : index
      %swap3A_397 = tpu.vector_load %arg20[%swap3A_395, %swap3A_396] {strides = array<i32>} : memref<80x80xf32, #tpu.memory_space<vmem>>, vector<16xf32>,
      tpu.vector_store %arg20[%swap3A_395, %swap3A_396], %mul3A_394 {strides = array<i32>} : memref<80x80xf32, #tpu.memory_space<vmem>>, vector<16xf32>,
      %jit3A_398 = arith.constant 0.000000e+00 : f32
      %broadcast_in_dim3A_399 = vector.broadcast %jit3A_398 : f32 to vector<16xf32>
      %select_n3A_400 = arith.select %eq3A_34, %broadcast_in_dim3A_369, %broadcast_in_dim3A_399 : vector<16xi1>, vector<16xf32>
      %swap3A_401 = arith.index_cast %add3A_366 : i32 to index
      %swap3A_402 = arith.constant 64 : index
      %swap3A_403 = tpu.vector_load %arg20[%swap3A_401, %swap3A_402] {strides = array<i32>} : memref<80x80xf32, #tpu.memory_space<vmem>>, vector<16xf32>,
      tpu.vector_store %arg20[%swap3A_401, %swap3A_402], %select_n3A_400 {strides = array<i32>} : memref<80x80xf32, #tpu.memory_space<vmem>>, vector<16xf32>,
      %mul3A_404 = arith.constant 16 : i32
      %mul3A_405 = arith.muli %scan3A_277, %mul3A_404 : i32
      %add3A_406 = arith.constant 3 : i32
      %add3A_407 = arith.addi %mul3A_405, %add3A_406 : i32
      %slice3A_408 = vector.extract_strided_slice %get3A_282 {offsets = [3], sizes = [1], strides = [1]} : vector<16xf32> to vector<1xf32>
      %squeeze3A_409 = vector.extract %slice3A_408[0] : f32 from vector<1xf32>
      %broadcast_in_dim3A_410 = vector.broadcast %squeeze3A_409 : f32 to vector<16xf32>
      %get3A_411 = arith.index_cast %add3A_407 : i32 to index
      %get3A_412 = arith.constant 0 : index
      %get3A_413 = tpu.vector_load %arg19[%get3A_411, %get3A_412] {strides = array<i32>} : memref<80x64xf32, #tpu.memory_space<vmem>>, vector<16xf32>,
      %mul3A_414 = arith.mulf %get3A_413, %broadcast_in_dim3A_410 : vector<16xf32>
      %swap3A_415 = arith.index_cast %add3A_407 : i32 to index
      %swap3A_416 = arith.constant 0 : index
      %swap3A_417 = tpu.vector_load %arg20[%swap3A_415, %swap3A_416] {strides = array<i32>} : memref<80x80xf32, #tpu.memory_space<vmem>>, vector<16xf32>,
      tpu.vector_store %arg20[%swap3A_415, %swap3A_416], %mul3A_414 {strides = array<i32>} : memref<80x80xf32, #tpu.memory_space<vmem>>, vector<16xf32>,
      %get3A_418 = arith.index_cast %add3A_407 : i32 to index
      %get3A_419 = arith.constant 16 : index
      %get3A_420 = tpu.vector_load %arg19[%get3A_418, %get3A_419] {strides = array<i32>} : memref<80x64xf32, #tpu.memory_space<vmem>>, vector<16xf32>,
      %mul3A_421 = arith.mulf %get3A_420, %broadcast_in_dim3A_410 : vector<16xf32>
      %swap3A_422 = arith.index_cast %add3A_407 : i32 to index
      %swap3A_423 = arith.constant 16 : index
      %swap3A_424 = tpu.vector_load %arg20[%swap3A_422, %swap3A_423] {strides = array<i32>} : memref<80x80xf32, #tpu.memory_space<vmem>>, vector<16xf32>,
      tpu.vector_store %arg20[%swap3A_422, %swap3A_423], %mul3A_421 {strides = array<i32>} : memref<80x80xf32, #tpu.memory_space<vmem>>, vector<16xf32>,
      %get3A_425 = arith.index_cast %add3A_407 : i32 to index
      %get3A_426 = arith.constant 32 : index
      %get3A_427 = tpu.vector_load %arg19[%get3A_425, %get3A_426] {strides = array<i32>} : memref<80x64xf32, #tpu.memory_space<vmem>>, vector<16xf32>,
      %mul3A_428 = arith.mulf %get3A_427, %broadcast_in_dim3A_410 : vector<16xf32>
      %swap3A_429 = arith.index_cast %add3A_407 : i32 to index
      %swap3A_430 = arith.constant 32 : index
      %swap3A_431 = tpu.vector_load %arg20[%swap3A_429, %swap3A_430] {strides = array<i32>} : memref<80x80xf32, #tpu.memory_space<vmem>>, vector<16xf32>,
      tpu.vector_store %arg20[%swap3A_429, %swap3A_430], %mul3A_428 {strides = array<i32>} : memref<80x80xf32, #tpu.memory_space<vmem>>, vector<16xf32>,
      %get3A_432 = arith.index_cast %add3A_407 : i32 to index
      %get3A_433 = arith.constant 48 : index
      %get3A_434 = tpu.vector_load %arg19[%get3A_432, %get3A_433] {strides = array<i32>} : memref<80x64xf32, #tpu.memory_space<vmem>>, vector<16xf32>,
      %mul3A_435 = arith.mulf %get3A_434, %broadcast_in_dim3A_410 : vector<16xf32>
      %swap3A_436 = arith.index_cast %add3A_407 : i32 to index
      %swap3A_437 = arith.constant 48 : index
      %swap3A_438 = tpu.vector_load %arg20[%swap3A_436, %swap3A_437] {strides = array<i32>} : memref<80x80xf32, #tpu.memory_space<vmem>>, vector<16xf32>,
      tpu.vector_store %arg20[%swap3A_436, %swap3A_437], %mul3A_435 {strides = array<i32>} : memref<80x80xf32, #tpu.memory_space<vmem>>, vector<16xf32>,
      %jit3A_439 = arith.constant 0.000000e+00 : f32
      %broadcast_in_dim3A_440 = vector.broadcast %jit3A_439 : f32 to vector<16xf32>
      %select_n3A_441 = arith.select %eq3A_34, %broadcast_in_dim3A_410, %broadcast_in_dim3A_440 : vector<16xi1>, vector<16xf32>
      %swap3A_442 = arith.index_cast %add3A_407 : i32 to index
      %swap3A_443 = arith.constant 64 : index
      %swap3A_444 = tpu.vector_load %arg20[%swap3A_442, %swap3A_443] {strides = array<i32>} : memref<80x80xf32, #tpu.memory_space<vmem>>, vector<16xf32>,
      tpu.vector_store %arg20[%swap3A_442, %swap3A_443], %select_n3A_441 {strides = array<i32>} : memref<80x80xf32, #tpu.memory_space<vmem>>, vector<16xf32>,
      %mul3A_445 = arith.constant 16 : i32
      %mul3A_446 = arith.muli %scan3A_277, %mul3A_445 : i32
      %add3A_447 = arith.constant 4 : i32
      %add3A_448 = arith.addi %mul3A_446, %add3A_447 : i32
      %slice3A_449 = vector.extract_strided_slice %get3A_282 {offsets = [4], sizes = [1], strides = [1]} : vector<16xf32> to vector<1xf32>
      %squeeze3A_450 = vector.extract %slice3A_449[0] : f32 from vector<1xf32>
      %broadcast_in_dim3A_451 = vector.broadcast %squeeze3A_450 : f32 to vector<16xf32>
      %get3A_452 = arith.index_cast %add3A_448 : i32 to index
      %get3A_453 = arith.constant 0 : index
      %get3A_454 = tpu.vector_load %arg19[%get3A_452, %get3A_453] {strides = array<i32>} : memref<80x64xf32, #tpu.memory_space<vmem>>, vector<16xf32>,
      %mul3A_455 = arith.mulf %get3A_454, %broadcast_in_dim3A_451 : vector<16xf32>
      %swap3A_456 = arith.index_cast %add3A_448 : i32 to index
      %swap3A_457 = arith.constant 0 : index
      %swap3A_458 = tpu.vector_load %arg20[%swap3A_456, %swap3A_457] {strides = array<i32>} : memref<80x80xf32, #tpu.memory_space<vmem>>, vector<16xf32>,
      tpu.vector_store %arg20[%swap3A_456, %swap3A_457], %mul3A_455 {strides = array<i32>} : memref<80x80xf32, #tpu.memory_space<vmem>>, vector<16xf32>,
      %get3A_459 = arith.index_cast %add3A_448 : i32 to index
      %get3A_460 = arith.constant 16 : index
      %get3A_461 = tpu.vector_load %arg19[%get3A_459, %get3A_460] {strides = array<i32>} : memref<80x64xf32, #tpu.memory_space<vmem>>, vector<16xf32>,
      %mul3A_462 = arith.mulf %get3A_461, %broadcast_in_dim3A_451 : vector<16xf32>
      %swap3A_463 = arith.index_cast %add3A_448 : i32 to index
      %swap3A_464 = arith.constant 16 : index
      %swap3A_465 = tpu.vector_load %arg20[%swap3A_463, %swap3A_464] {strides = array<i32>} : memref<80x80xf32, #tpu.memory_space<vmem>>, vector<16xf32>,
      tpu.vector_store %arg20[%swap3A_463, %swap3A_464], %mul3A_462 {strides = array<i32>} : memref<80x80xf32, #tpu.memory_space<vmem>>, vector<16xf32>,
      %get3A_466 = arith.index_cast %add3A_448 : i32 to index
      %get3A_467 = arith.constant 32 : index
      %get3A_468 = tpu.vector_load %arg19[%get3A_466, %get3A_467] {strides = array<i32>} : memref<80x64xf32, #tpu.memory_space<vmem>>, vector<16xf32>,
      %mul3A_469 = arith.mulf %get3A_468, %broadcast_in_dim3A_451 : vector<16xf32>
      %swap3A_470 = arith.index_cast %add3A_448 : i32 to index
      %swap3A_471 = arith.constant 32 : index
      %swap3A_472 = tpu.vector_load %arg20[%swap3A_470, %swap3A_471] {strides = array<i32>} : memref<80x80xf32, #tpu.memory_space<vmem>>, vector<16xf32>,
      tpu.vector_store %arg20[%swap3A_470, %swap3A_471], %mul3A_469 {strides = array<i32>} : memref<80x80xf32, #tpu.memory_space<vmem>>, vector<16xf32>,
      %get3A_473 = arith.index_cast %add3A_448 : i32 to index
      %get3A_474 = arith.constant 48 : index
      %get3A_475 = tpu.vector_load %arg19[%get3A_473, %get3A_474] {strides = array<i32>} : memref<80x64xf32, #tpu.memory_space<vmem>>, vector<16xf32>,
      %mul3A_476 = arith.mulf %get3A_475, %broadcast_in_dim3A_451 : vector<16xf32>
      %swap3A_477 = arith.index_cast %add3A_448 : i32 to index
      %swap3A_478 = arith.constant 48 : index
      %swap3A_479 = tpu.vector_load %arg20[%swap3A_477, %swap3A_478] {strides = array<i32>} : memref<80x80xf32, #tpu.memory_space<vmem>>, vector<16xf32>,
      tpu.vector_store %arg20[%swap3A_477, %swap3A_478], %mul3A_476 {strides = array<i32>} : memref<80x80xf32, #tpu.memory_space<vmem>>, vector<16xf32>,
      %jit3A_480 = arith.constant 0.000000e+00 : f32
      %broadcast_in_dim3A_481 = vector.broadcast %jit3A_480 : f32 to vector<16xf32>
      %select_n3A_482 = arith.select %eq3A_34, %broadcast_in_dim3A_451, %broadcast_in_dim3A_481 : vector<16xi1>, vector<16xf32>
      %swap3A_483 = arith.index_cast %add3A_448 : i32 to index
      %swap3A_484 = arith.constant 64 : index
      %swap3A_485 = tpu.vector_load %arg20[%swap3A_483, %swap3A_484] {strides = array<i32>} : memref<80x80xf32, #tpu.memory_space<vmem>>, vector<16xf32>,
      tpu.vector_store %arg20[%swap3A_483, %swap3A_484], %select_n3A_482 {strides = array<i32>} : memref<80x80xf32, #tpu.memory_space<vmem>>, vector<16xf32>,
      %mul3A_486 = arith.constant 16 : i32
      %mul3A_487 = arith.muli %scan3A_277, %mul3A_486 : i32
      %add3A_488 = arith.constant 5 : i32
      %add3A_489 = arith.addi %mul3A_487, %add3A_488 : i32
      %slice3A_490 = vector.extract_strided_slice %get3A_282 {offsets = [5], sizes = [1], strides = [1]} : vector<16xf32> to vector<1xf32>
      %squeeze3A_491 = vector.extract %slice3A_490[0] : f32 from vector<1xf32>
      %broadcast_in_dim3A_492 = vector.broadcast %squeeze3A_491 : f32 to vector<16xf32>
      %get3A_493 = arith.index_cast %add3A_489 : i32 to index
      %get3A_494 = arith.constant 0 : index
      %get3A_495 = tpu.vector_load %arg19[%get3A_493, %get3A_494] {strides = array<i32>} : memref<80x64xf32, #tpu.memory_space<vmem>>, vector<16xf32>,
      %mul3A_496 = arith.mulf %get3A_495, %broadcast_in_dim3A_492 : vector<16xf32>
      %swap3A_497 = arith.index_cast %add3A_489 : i32 to index
      %swap3A_498 = arith.constant 0 : index
      %swap3A_499 = tpu.vector_load %arg20[%swap3A_497, %swap3A_498] {strides = array<i32>} : memref<80x80xf32, #tpu.memory_space<vmem>>, vector<16xf32>,
      tpu.vector_store %arg20[%swap3A_497, %swap3A_498], %mul3A_496 {strides = array<i32>} : memref<80x80xf32, #tpu.memory_space<vmem>>, vector<16xf32>,
      %get3A_500 = arith.index_cast %add3A_489 : i32 to index
      %get3A_501 = arith.constant 16 : index
      %get3A_502 = tpu.vector_load %arg19[%get3A_500, %get3A_501] {strides = array<i32>} : memref<80x64xf32, #tpu.memory_space<vmem>>, vector<16xf32>,
      %mul3A_503 = arith.mulf %get3A_502, %broadcast_in_dim3A_492 : vector<16xf32>
      %swap3A_504 = arith.index_cast %add3A_489 : i32 to index
      %swap3A_505 = arith.constant 16 : index
      %swap3A_506 = tpu.vector_load %arg20[%swap3A_504, %swap3A_505] {strides = array<i32>} : memref<80x80xf32, #tpu.memory_space<vmem>>, vector<16xf32>,
      tpu.vector_store %arg20[%swap3A_504, %swap3A_505], %mul3A_503 {strides = array<i32>} : memref<80x80xf32, #tpu.memory_space<vmem>>, vector<16xf32>,
      %get3A_507 = arith.index_cast %add3A_489 : i32 to index
      %get3A_508 = arith.constant 32 : index
      %get3A_509 = tpu.vector_load %arg19[%get3A_507, %get3A_508] {strides = array<i32>} : memref<80x64xf32, #tpu.memory_space<vmem>>, vector<16xf32>,
      %mul3A_510 = arith.mulf %get3A_509, %broadcast_in_dim3A_492 : vector<16xf32>
      %swap3A_511 = arith.index_cast %add3A_489 : i32 to index
      %swap3A_512 = arith.constant 32 : index
      %swap3A_513 = tpu.vector_load %arg20[%swap3A_511, %swap3A_512] {strides = array<i32>} : memref<80x80xf32, #tpu.memory_space<vmem>>, vector<16xf32>,
      tpu.vector_store %arg20[%swap3A_511, %swap3A_512], %mul3A_510 {strides = array<i32>} : memref<80x80xf32, #tpu.memory_space<vmem>>, vector<16xf32>,
      %get3A_514 = arith.index_cast %add3A_489 : i32 to index
      %get3A_515 = arith.constant 48 : index
      %get3A_516 = tpu.vector_load %arg19[%get3A_514, %get3A_515] {strides = array<i32>} : memref<80x64xf32, #tpu.memory_space<vmem>>, vector<16xf32>,
      %mul3A_517 = arith.mulf %get3A_516, %broadcast_in_dim3A_492 : vector<16xf32>
      %swap3A_518 = arith.index_cast %add3A_489 : i32 to index
      %swap3A_519 = arith.constant 48 : index
      %swap3A_520 = tpu.vector_load %arg20[%swap3A_518, %swap3A_519] {strides = array<i32>} : memref<80x80xf32, #tpu.memory_space<vmem>>, vector<16xf32>,
      tpu.vector_store %arg20[%swap3A_518, %swap3A_519], %mul3A_517 {strides = array<i32>} : memref<80x80xf32, #tpu.memory_space<vmem>>, vector<16xf32>,
      %jit3A_521 = arith.constant 0.000000e+00 : f32
      %broadcast_in_dim3A_522 = vector.broadcast %jit3A_521 : f32 to vector<16xf32>
      %select_n3A_523 = arith.select %eq3A_34, %broadcast_in_dim3A_492, %broadcast_in_dim3A_522 : vector<16xi1>, vector<16xf32>
      %swap3A_524 = arith.index_cast %add3A_489 : i32 to index
      %swap3A_525 = arith.constant 64 : index
      %swap3A_526 = tpu.vector_load %arg20[%swap3A_524, %swap3A_525] {strides = array<i32>} : memref<80x80xf32, #tpu.memory_space<vmem>>, vector<16xf32>,
      tpu.vector_store %arg20[%swap3A_524, %swap3A_525], %select_n3A_523 {strides = array<i32>} : memref<80x80xf32, #tpu.memory_space<vmem>>, vector<16xf32>,
      %mul3A_527 = arith.constant 16 : i32
      %mul3A_528 = arith.muli %scan3A_277, %mul3A_527 : i32
      %add3A_529 = arith.constant 6 : i32
      %add3A_530 = arith.addi %mul3A_528, %add3A_529 : i32
      %slice3A_531 = vector.extract_strided_slice %get3A_282 {offsets = [6], sizes = [1], strides = [1]} : vector<16xf32> to vector<1xf32>
      %squeeze3A_532 = vector.extract %slice3A_531[0] : f32 from vector<1xf32>
      %broadcast_in_dim3A_533 = vector.broadcast %squeeze3A_532 : f32 to vector<16xf32>
      %get3A_534 = arith.index_cast %add3A_530 : i32 to index
      %get3A_535 = arith.constant 0 : index
      %get3A_536 = tpu.vector_load %arg19[%get3A_534, %get3A_535] {strides = array<i32>} : memref<80x64xf32, #tpu.memory_space<vmem>>, vector<16xf32>,
      %mul3A_537 = arith.mulf %get3A_536, %broadcast_in_dim3A_533 : vector<16xf32>
      %swap3A_538 = arith.index_cast %add3A_530 : i32 to index
      %swap3A_539 = arith.constant 0 : index
      %swap3A_540 = tpu.vector_load %arg20[%swap3A_538, %swap3A_539] {strides = array<i32>} : memref<80x80xf32, #tpu.memory_space<vmem>>, vector<16xf32>,
      tpu.vector_store %arg20[%swap3A_538, %swap3A_539], %mul3A_537 {strides = array<i32>} : memref<80x80xf32, #tpu.memory_space<vmem>>, vector<16xf32>,
      %get3A_541 = arith.index_cast %add3A_530 : i32 to index
      %get3A_542 = arith.constant 16 : index
      %get3A_543 = tpu.vector_load %arg19[%get3A_541, %get3A_542] {strides = array<i32>} : memref<80x64xf32, #tpu.memory_space<vmem>>, vector<16xf32>,
      %mul3A_544 = arith.mulf %get3A_543, %broadcast_in_dim3A_533 : vector<16xf32>
      %swap3A_545 = arith.index_cast %add3A_530 : i32 to index
      %swap3A_546 = arith.constant 16 : index
      %swap3A_547 = tpu.vector_load %arg20[%swap3A_545, %swap3A_546] {strides = array<i32>} : memref<80x80xf32, #tpu.memory_space<vmem>>, vector<16xf32>,
      tpu.vector_store %arg20[%swap3A_545, %swap3A_546], %mul3A_544 {strides = array<i32>} : memref<80x80xf32, #tpu.memory_space<vmem>>, vector<16xf32>,
      %get3A_548 = arith.index_cast %add3A_530 : i32 to index
      %get3A_549 = arith.constant 32 : index
      %get3A_550 = tpu.vector_load %arg19[%get3A_548, %get3A_549] {strides = array<i32>} : memref<80x64xf32, #tpu.memory_space<vmem>>, vector<16xf32>,
      %mul3A_551 = arith.mulf %get3A_550, %broadcast_in_dim3A_533 : vector<16xf32>
      %swap3A_552 = arith.index_cast %add3A_530 : i32 to index
      %swap3A_553 = arith.constant 32 : index
      %swap3A_554 = tpu.vector_load %arg20[%swap3A_552, %swap3A_553] {strides = array<i32>} : memref<80x80xf32, #tpu.memory_space<vmem>>, vector<16xf32>,
      tpu.vector_store %arg20[%swap3A_552, %swap3A_553], %mul3A_551 {strides = array<i32>} : memref<80x80xf32, #tpu.memory_space<vmem>>, vector<16xf32>,
      %get3A_555 = arith.index_cast %add3A_530 : i32 to index
      %get3A_556 = arith.constant 48 : index
      %get3A_557 = tpu.vector_load %arg19[%get3A_555, %get3A_556] {strides = array<i32>} : memref<80x64xf32, #tpu.memory_space<vmem>>, vector<16xf32>,
      %mul3A_558 = arith.mulf %get3A_557, %broadcast_in_dim3A_533 : vector<16xf32>
      %swap3A_559 = arith.index_cast %add3A_530 : i32 to index
      %swap3A_560 = arith.constant 48 : index
      %swap3A_561 = tpu.vector_load %arg20[%swap3A_559, %swap3A_560] {strides = array<i32>} : memref<80x80xf32, #tpu.memory_space<vmem>>, vector<16xf32>,
      tpu.vector_store %arg20[%swap3A_559, %swap3A_560], %mul3A_558 {strides = array<i32>} : memref<80x80xf32, #tpu.memory_space<vmem>>, vector<16xf32>,
      %jit3A_562 = arith.constant 0.000000e+00 : f32
      %broadcast_in_dim3A_563 = vector.broadcast %jit3A_562 : f32 to vector<16xf32>
      %select_n3A_564 = arith.select %eq3A_34, %broadcast_in_dim3A_533, %broadcast_in_dim3A_563 : vector<16xi1>, vector<16xf32>
      %swap3A_565 = arith.index_cast %add3A_530 : i32 to index
      %swap3A_566 = arith.constant 64 : index
      %swap3A_567 = tpu.vector_load %arg20[%swap3A_565, %swap3A_566] {strides = array<i32>} : memref<80x80xf32, #tpu.memory_space<vmem>>, vector<16xf32>,
      tpu.vector_store %arg20[%swap3A_565, %swap3A_566], %select_n3A_564 {strides = array<i32>} : memref<80x80xf32, #tpu.memory_space<vmem>>, vector<16xf32>,
      %mul3A_568 = arith.constant 16 : i32
      %mul3A_569 = arith.muli %scan3A_277, %mul3A_568 : i32
      %add3A_570 = arith.constant 7 : i32
      %add3A_571 = arith.addi %mul3A_569, %add3A_570 : i32
      %slice3A_572 = vector.extract_strided_slice %get3A_282 {offsets = [7], sizes = [1], strides = [1]} : vector<16xf32> to vector<1xf32>
      %squeeze3A_573 = vector.extract %slice3A_572[0] : f32 from vector<1xf32>
      %broadcast_in_dim3A_574 = vector.broadcast %squeeze3A_573 : f32 to vector<16xf32>
      %get3A_575 = arith.index_cast %add3A_571 : i32 to index
      %get3A_576 = arith.constant 0 : index
      %get3A_577 = tpu.vector_load %arg19[%get3A_575, %get3A_576] {strides = array<i32>} : memref<80x64xf32, #tpu.memory_space<vmem>>, vector<16xf32>,
      %mul3A_578 = arith.mulf %get3A_577, %broadcast_in_dim3A_574 : vector<16xf32>
      %swap3A_579 = arith.index_cast %add3A_571 : i32 to index
      %swap3A_580 = arith.constant 0 : index
      %swap3A_581 = tpu.vector_load %arg20[%swap3A_579, %swap3A_580] {strides = array<i32>} : memref<80x80xf32, #tpu.memory_space<vmem>>, vector<16xf32>,
      tpu.vector_store %arg20[%swap3A_579, %swap3A_580], %mul3A_578 {strides = array<i32>} : memref<80x80xf32, #tpu.memory_space<vmem>>, vector<16xf32>,
      %get3A_582 = arith.index_cast %add3A_571 : i32 to index
      %get3A_583 = arith.constant 16 : index
      %get3A_584 = tpu.vector_load %arg19[%get3A_582, %get3A_583] {strides = array<i32>} : memref<80x64xf32, #tpu.memory_space<vmem>>, vector<16xf32>,
      %mul3A_585 = arith.mulf %get3A_584, %broadcast_in_dim3A_574 : vector<16xf32>
      %swap3A_586 = arith.index_cast %add3A_571 : i32 to index
      %swap3A_587 = arith.constant 16 : index
      %swap3A_588 = tpu.vector_load %arg20[%swap3A_586, %swap3A_587] {strides = array<i32>} : memref<80x80xf32, #tpu.memory_space<vmem>>, vector<16xf32>,
      tpu.vector_store %arg20[%swap3A_586, %swap3A_587], %mul3A_585 {strides = array<i32>} : memref<80x80xf32, #tpu.memory_space<vmem>>, vector<16xf32>,
      %get3A_589 = arith.index_cast %add3A_571 : i32 to index
      %get3A_590 = arith.constant 32 : index
      %get3A_591 = tpu.vector_load %arg19[%get3A_589, %get3A_590] {strides = array<i32>} : memref<80x64xf32, #tpu.memory_space<vmem>>, vector<16xf32>,
      %mul3A_592 = arith.mulf %get3A_591, %broadcast_in_dim3A_574 : vector<16xf32>
      %swap3A_593 = arith.index_cast %add3A_571 : i32 to index
      %swap3A_594 = arith.constant 32 : index
      %swap3A_595 = tpu.vector_load %arg20[%swap3A_593, %swap3A_594] {strides = array<i32>} : memref<80x80xf32, #tpu.memory_space<vmem>>, vector<16xf32>,
      tpu.vector_store %arg20[%swap3A_593, %swap3A_594], %mul3A_592 {strides = array<i32>} : memref<80x80xf32, #tpu.memory_space<vmem>>, vector<16xf32>,
      %get3A_596 = arith.index_cast %add3A_571 : i32 to index
      %get3A_597 = arith.constant 48 : index
      %get3A_598 = tpu.vector_load %arg19[%get3A_596, %get3A_597] {strides = array<i32>} : memref<80x64xf32, #tpu.memory_space<vmem>>, vector<16xf32>,
      %mul3A_599 = arith.mulf %get3A_598, %broadcast_in_dim3A_574 : vector<16xf32>
      %swap3A_600 = arith.index_cast %add3A_571 : i32 to index
      %swap3A_601 = arith.constant 48 : index
      %swap3A_602 = tpu.vector_load %arg20[%swap3A_600, %swap3A_601] {strides = array<i32>} : memref<80x80xf32, #tpu.memory_space<vmem>>, vector<16xf32>,
      tpu.vector_store %arg20[%swap3A_600, %swap3A_601], %mul3A_599 {strides = array<i32>} : memref<80x80xf32, #tpu.memory_space<vmem>>, vector<16xf32>,
      %jit3A_603 = arith.constant 0.000000e+00 : f32
      %broadcast_in_dim3A_604 = vector.broadcast %jit3A_603 : f32 to vector<16xf32>
      %select_n3A_605 = arith.select %eq3A_34, %broadcast_in_dim3A_574, %broadcast_in_dim3A_604 : vector<16xi1>, vector<16xf32>
      %swap3A_606 = arith.index_cast %add3A_571 : i32 to index
      %swap3A_607 = arith.constant 64 : index
      %swap3A_608 = tpu.vector_load %arg20[%swap3A_606, %swap3A_607] {strides = array<i32>} : memref<80x80xf32, #tpu.memory_space<vmem>>, vector<16xf32>,
      tpu.vector_store %arg20[%swap3A_606, %swap3A_607], %select_n3A_605 {strides = array<i32>} : memref<80x80xf32, #tpu.memory_space<vmem>>, vector<16xf32>,
      %mul3A_609 = arith.constant 16 : i32
      %mul3A_610 = arith.muli %scan3A_277, %mul3A_609 : i32
      %add3A_611 = arith.constant 8 : i32
      %add3A_612 = arith.addi %mul3A_610, %add3A_611 : i32
      %slice3A_613 = vector.extract_strided_slice %get3A_282 {offsets = [8], sizes = [1], strides = [1]} : vector<16xf32> to vector<1xf32>
      %squeeze3A_614 = vector.extract %slice3A_613[0] : f32 from vector<1xf32>
      %broadcast_in_dim3A_615 = vector.broadcast %squeeze3A_614 : f32 to vector<16xf32>
      %get3A_616 = arith.index_cast %add3A_612 : i32 to index
      %get3A_617 = arith.constant 0 : index
      %get3A_618 = tpu.vector_load %arg19[%get3A_616, %get3A_617] {strides = array<i32>} : memref<80x64xf32, #tpu.memory_space<vmem>>, vector<16xf32>,
      %mul3A_619 = arith.mulf %get3A_618, %broadcast_in_dim3A_615 : vector<16xf32>
      %swap3A_620 = arith.index_cast %add3A_612 : i32 to index
      %swap3A_621 = arith.constant 0 : index
      %swap3A_622 = tpu.vector_load %arg20[%swap3A_620, %swap3A_621] {strides = array<i32>} : memref<80x80xf32, #tpu.memory_space<vmem>>, vector<16xf32>,
      tpu.vector_store %arg20[%swap3A_620, %swap3A_621], %mul3A_619 {strides = array<i32>} : memref<80x80xf32, #tpu.memory_space<vmem>>, vector<16xf32>,
      %get3A_623 = arith.index_cast %add3A_612 : i32 to index
      %get3A_624 = arith.constant 16 : index
      %get3A_625 = tpu.vector_load %arg19[%get3A_623, %get3A_624] {strides = array<i32>} : memref<80x64xf32, #tpu.memory_space<vmem>>, vector<16xf32>,
      %mul3A_626 = arith.mulf %get3A_625, %broadcast_in_dim3A_615 : vector<16xf32>
      %swap3A_627 = arith.index_cast %add3A_612 : i32 to index
      %swap3A_628 = arith.constant 16 : index
      %swap3A_629 = tpu.vector_load %arg20[%swap3A_627, %swap3A_628] {strides = array<i32>} : memref<80x80xf32, #tpu.memory_space<vmem>>, vector<16xf32>,
      tpu.vector_store %arg20[%swap3A_627, %swap3A_628], %mul3A_626 {strides = array<i32>} : memref<80x80xf32, #tpu.memory_space<vmem>>, vector<16xf32>,
      %get3A_630 = arith.index_cast %add3A_612 : i32 to index
      %get3A_631 = arith.constant 32 : index
      %get3A_632 = tpu.vector_load %arg19[%get3A_630, %get3A_631] {strides = array<i32>} : memref<80x64xf32, #tpu.memory_space<vmem>>, vector<16xf32>,
      %mul3A_633 = arith.mulf %get3A_632, %broadcast_in_dim3A_615 : vector<16xf32>
      %swap3A_634 = arith.index_cast %add3A_612 : i32 to index
      %swap3A_635 = arith.constant 32 : index
      %swap3A_636 = tpu.vector_load %arg20[%swap3A_634, %swap3A_635] {strides = array<i32>} : memref<80x80xf32, #tpu.memory_space<vmem>>, vector<16xf32>,
      tpu.vector_store %arg20[%swap3A_634, %swap3A_635], %mul3A_633 {strides = array<i32>} : memref<80x80xf32, #tpu.memory_space<vmem>>, vector<16xf32>,
      %get3A_637 = arith.index_cast %add3A_612 : i32 to index
      %get3A_638 = arith.constant 48 : index
      %get3A_639 = tpu.vector_load %arg19[%get3A_637, %get3A_638] {strides = array<i32>} : memref<80x64xf32, #tpu.memory_space<vmem>>, vector<16xf32>,
      %mul3A_640 = arith.mulf %get3A_639, %broadcast_in_dim3A_615 : vector<16xf32>
      %swap3A_641 = arith.index_cast %add3A_612 : i32 to index
      %swap3A_642 = arith.constant 48 : index
      %swap3A_643 = tpu.vector_load %arg20[%swap3A_641, %swap3A_642] {strides = array<i32>} : memref<80x80xf32, #tpu.memory_space<vmem>>, vector<16xf32>,
      tpu.vector_store %arg20[%swap3A_641, %swap3A_642], %mul3A_640 {strides = array<i32>} : memref<80x80xf32, #tpu.memory_space<vmem>>, vector<16xf32>,
      %jit3A_644 = arith.constant 0.000000e+00 : f32
      %broadcast_in_dim3A_645 = vector.broadcast %jit3A_644 : f32 to vector<16xf32>
      %select_n3A_646 = arith.select %eq3A_34, %broadcast_in_dim3A_615, %broadcast_in_dim3A_645 : vector<16xi1>, vector<16xf32>
      %swap3A_647 = arith.index_cast %add3A_612 : i32 to index
      %swap3A_648 = arith.constant 64 : index
      %swap3A_649 = tpu.vector_load %arg20[%swap3A_647, %swap3A_648] {strides = array<i32>} : memref<80x80xf32, #tpu.memory_space<vmem>>, vector<16xf32>,
      tpu.vector_store %arg20[%swap3A_647, %swap3A_648], %select_n3A_646 {strides = array<i32>} : memref<80x80xf32, #tpu.memory_space<vmem>>, vector<16xf32>,
      %mul3A_650 = arith.constant 16 : i32
      %mul3A_651 = arith.muli %scan3A_277, %mul3A_650 : i32
      %add3A_652 = arith.constant 9 : i32
      %add3A_653 = arith.addi %mul3A_651, %add3A_652 : i32
      %slice3A_654 = vector.extract_strided_slice %get3A_282 {offsets = [9], sizes = [1], strides = [1]} : vector<16xf32> to vector<1xf32>
      %squeeze3A_655 = vector.extract %slice3A_654[0] : f32 from vector<1xf32>
      %broadcast_in_dim3A_656 = vector.broadcast %squeeze3A_655 : f32 to vector<16xf32>
      %get3A_657 = arith.index_cast %add3A_653 : i32 to index
      %get3A_658 = arith.constant 0 : index
      %get3A_659 = tpu.vector_load %arg19[%get3A_657, %get3A_658] {strides = array<i32>} : memref<80x64xf32, #tpu.memory_space<vmem>>, vector<16xf32>,
      %mul3A_660 = arith.mulf %get3A_659, %broadcast_in_dim3A_656 : vector<16xf32>
      %swap3A_661 = arith.index_cast %add3A_653 : i32 to index
      %swap3A_662 = arith.constant 0 : index
      %swap3A_663 = tpu.vector_load %arg20[%swap3A_661, %swap3A_662] {strides = array<i32>} : memref<80x80xf32, #tpu.memory_space<vmem>>, vector<16xf32>,
      tpu.vector_store %arg20[%swap3A_661, %swap3A_662], %mul3A_660 {strides = array<i32>} : memref<80x80xf32, #tpu.memory_space<vmem>>, vector<16xf32>,
      %get3A_664 = arith.index_cast %add3A_653 : i32 to index
      %get3A_665 = arith.constant 16 : index
      %get3A_666 = tpu.vector_load %arg19[%get3A_664, %get3A_665] {strides = array<i32>} : memref<80x64xf32, #tpu.memory_space<vmem>>, vector<16xf32>,
      %mul3A_667 = arith.mulf %get3A_666, %broadcast_in_dim3A_656 : vector<16xf32>
      %swap3A_668 = arith.index_cast %add3A_653 : i32 to index
      %swap3A_669 = arith.constant 16 : index
      %swap3A_670 = tpu.vector_load %arg20[%swap3A_668, %swap3A_669] {strides = array<i32>} : memref<80x80xf32, #tpu.memory_space<vmem>>, vector<16xf32>,
      tpu.vector_store %arg20[%swap3A_668, %swap3A_669], %mul3A_667 {strides = array<i32>} : memref<80x80xf32, #tpu.memory_space<vmem>>, vector<16xf32>,
      %get3A_671 = arith.index_cast %add3A_653 : i32 to index
      %get3A_672 = arith.constant 32 : index
      %get3A_673 = tpu.vector_load %arg19[%get3A_671, %get3A_672] {strides = array<i32>} : memref<80x64xf32, #tpu.memory_space<vmem>>, vector<16xf32>,
      %mul3A_674 = arith.mulf %get3A_673, %broadcast_in_dim3A_656 : vector<16xf32>
      %swap3A_675 = arith.index_cast %add3A_653 : i32 to index
      %swap3A_676 = arith.constant 32 : index
      %swap3A_677 = tpu.vector_load %arg20[%swap3A_675, %swap3A_676] {strides = array<i32>} : memref<80x80xf32, #tpu.memory_space<vmem>>, vector<16xf32>,
      tpu.vector_store %arg20[%swap3A_675, %swap3A_676], %mul3A_674 {strides = array<i32>} : memref<80x80xf32, #tpu.memory_space<vmem>>, vector<16xf32>,
      %get3A_678 = arith.index_cast %add3A_653 : i32 to index
      %get3A_679 = arith.constant 48 : index
      %get3A_680 = tpu.vector_load %arg19[%get3A_678, %get3A_679] {strides = array<i32>} : memref<80x64xf32, #tpu.memory_space<vmem>>, vector<16xf32>,
      %mul3A_681 = arith.mulf %get3A_680, %broadcast_in_dim3A_656 : vector<16xf32>
      %swap3A_682 = arith.index_cast %add3A_653 : i32 to index
      %swap3A_683 = arith.constant 48 : index
      %swap3A_684 = tpu.vector_load %arg20[%swap3A_682, %swap3A_683] {strides = array<i32>} : memref<80x80xf32, #tpu.memory_space<vmem>>, vector<16xf32>,
      tpu.vector_store %arg20[%swap3A_682, %swap3A_683], %mul3A_681 {strides = array<i32>} : memref<80x80xf32, #tpu.memory_space<vmem>>, vector<16xf32>,
      %jit3A_685 = arith.constant 0.000000e+00 : f32
      %broadcast_in_dim3A_686 = vector.broadcast %jit3A_685 : f32 to vector<16xf32>
      %select_n3A_687 = arith.select %eq3A_34, %broadcast_in_dim3A_656, %broadcast_in_dim3A_686 : vector<16xi1>, vector<16xf32>
      %swap3A_688 = arith.index_cast %add3A_653 : i32 to index
      %swap3A_689 = arith.constant 64 : index
      %swap3A_690 = tpu.vector_load %arg20[%swap3A_688, %swap3A_689] {strides = array<i32>} : memref<80x80xf32, #tpu.memory_space<vmem>>, vector<16xf32>,
      tpu.vector_store %arg20[%swap3A_688, %swap3A_689], %select_n3A_687 {strides = array<i32>} : memref<80x80xf32, #tpu.memory_space<vmem>>, vector<16xf32>,
      %mul3A_691 = arith.constant 16 : i32
      %mul3A_692 = arith.muli %scan3A_277, %mul3A_691 : i32
      %add3A_693 = arith.constant 10 : i32
      %add3A_694 = arith.addi %mul3A_692, %add3A_693 : i32
      %slice3A_695 = vector.extract_strided_slice %get3A_282 {offsets = [10], sizes = [1], strides = [1]} : vector<16xf32> to vector<1xf32>
      %squeeze3A_696 = vector.extract %slice3A_695[0] : f32 from vector<1xf32>
      %broadcast_in_dim3A_697 = vector.broadcast %squeeze3A_696 : f32 to vector<16xf32>
      %get3A_698 = arith.index_cast %add3A_694 : i32 to index
      %get3A_699 = arith.constant 0 : index
      %get3A_700 = tpu.vector_load %arg19[%get3A_698, %get3A_699] {strides = array<i32>} : memref<80x64xf32, #tpu.memory_space<vmem>>, vector<16xf32>,
      %mul3A_701 = arith.mulf %get3A_700, %broadcast_in_dim3A_697 : vector<16xf32>
      %swap3A_702 = arith.index_cast %add3A_694 : i32 to index
      %swap3A_703 = arith.constant 0 : index
      %swap3A_704 = tpu.vector_load %arg20[%swap3A_702, %swap3A_703] {strides = array<i32>} : memref<80x80xf32, #tpu.memory_space<vmem>>, vector<16xf32>,
      tpu.vector_store %arg20[%swap3A_702, %swap3A_703], %mul3A_701 {strides = array<i32>} : memref<80x80xf32, #tpu.memory_space<vmem>>, vector<16xf32>,
      %get3A_705 = arith.index_cast %add3A_694 : i32 to index
      %get3A_706 = arith.constant 16 : index
      %get3A_707 = tpu.vector_load %arg19[%get3A_705, %get3A_706] {strides = array<i32>} : memref<80x64xf32, #tpu.memory_space<vmem>>, vector<16xf32>,
      %mul3A_708 = arith.mulf %get3A_707, %broadcast_in_dim3A_697 : vector<16xf32>
      %swap3A_709 = arith.index_cast %add3A_694 : i32 to index
      %swap3A_710 = arith.constant 16 : index
      %swap3A_711 = tpu.vector_load %arg20[%swap3A_709, %swap3A_710] {strides = array<i32>} : memref<80x80xf32, #tpu.memory_space<vmem>>, vector<16xf32>,
      tpu.vector_store %arg20[%swap3A_709, %swap3A_710], %mul3A_708 {strides = array<i32>} : memref<80x80xf32, #tpu.memory_space<vmem>>, vector<16xf32>,
      %get3A_712 = arith.index_cast %add3A_694 : i32 to index
      %get3A_713 = arith.constant 32 : index
      %get3A_714 = tpu.vector_load %arg19[%get3A_712, %get3A_713] {strides = array<i32>} : memref<80x64xf32, #tpu.memory_space<vmem>>, vector<16xf32>,
      %mul3A_715 = arith.mulf %get3A_714, %broadcast_in_dim3A_697 : vector<16xf32>
      %swap3A_716 = arith.index_cast %add3A_694 : i32 to index
      %swap3A_717 = arith.constant 32 : index
      %swap3A_718 = tpu.vector_load %arg20[%swap3A_716, %swap3A_717] {strides = array<i32>} : memref<80x80xf32, #tpu.memory_space<vmem>>, vector<16xf32>,
      tpu.vector_store %arg20[%swap3A_716, %swap3A_717], %mul3A_715 {strides = array<i32>} : memref<80x80xf32, #tpu.memory_space<vmem>>, vector<16xf32>,
      %get3A_719 = arith.index_cast %add3A_694 : i32 to index
      %get3A_720 = arith.constant 48 : index
      %get3A_721 = tpu.vector_load %arg19[%get3A_719, %get3A_720] {strides = array<i32>} : memref<80x64xf32, #tpu.memory_space<vmem>>, vector<16xf32>,
      %mul3A_722 = arith.mulf %get3A_721, %broadcast_in_dim3A_697 : vector<16xf32>
      %swap3A_723 = arith.index_cast %add3A_694 : i32 to index
      %swap3A_724 = arith.constant 48 : index
      %swap3A_725 = tpu.vector_load %arg20[%swap3A_723, %swap3A_724] {strides = array<i32>} : memref<80x80xf32, #tpu.memory_space<vmem>>, vector<16xf32>,
      tpu.vector_store %arg20[%swap3A_723, %swap3A_724], %mul3A_722 {strides = array<i32>} : memref<80x80xf32, #tpu.memory_space<vmem>>, vector<16xf32>,
      %jit3A_726 = arith.constant 0.000000e+00 : f32
      %broadcast_in_dim3A_727 = vector.broadcast %jit3A_726 : f32 to vector<16xf32>
      %select_n3A_728 = arith.select %eq3A_34, %broadcast_in_dim3A_697, %broadcast_in_dim3A_727 : vector<16xi1>, vector<16xf32>
      %swap3A_729 = arith.index_cast %add3A_694 : i32 to index
      %swap3A_730 = arith.constant 64 : index
      %swap3A_731 = tpu.vector_load %arg20[%swap3A_729, %swap3A_730] {strides = array<i32>} : memref<80x80xf32, #tpu.memory_space<vmem>>, vector<16xf32>,
      tpu.vector_store %arg20[%swap3A_729, %swap3A_730], %select_n3A_728 {strides = array<i32>} : memref<80x80xf32, #tpu.memory_space<vmem>>, vector<16xf32>,
      %mul3A_732 = arith.constant 16 : i32
      %mul3A_733 = arith.muli %scan3A_277, %mul3A_732 : i32
      %add3A_734 = arith.constant 11 : i32
      %add3A_735 = arith.addi %mul3A_733, %add3A_734 : i32
      %slice3A_736 = vector.extract_strided_slice %get3A_282 {offsets = [11], sizes = [1], strides = [1]} : vector<16xf32> to vector<1xf32>
      %squeeze3A_737 = vector.extract %slice3A_736[0] : f32 from vector<1xf32>
      %broadcast_in_dim3A_738 = vector.broadcast %squeeze3A_737 : f32 to vector<16xf32>
      %get3A_739 = arith.index_cast %add3A_735 : i32 to index
      %get3A_740 = arith.constant 0 : index
      %get3A_741 = tpu.vector_load %arg19[%get3A_739, %get3A_740] {strides = array<i32>} : memref<80x64xf32, #tpu.memory_space<vmem>>, vector<16xf32>,
      %mul3A_742 = arith.mulf %get3A_741, %broadcast_in_dim3A_738 : vector<16xf32>
      %swap3A_743 = arith.index_cast %add3A_735 : i32 to index
      %swap3A_744 = arith.constant 0 : index
      %swap3A_745 = tpu.vector_load %arg20[%swap3A_743, %swap3A_744] {strides = array<i32>} : memref<80x80xf32, #tpu.memory_space<vmem>>, vector<16xf32>,
      tpu.vector_store %arg20[%swap3A_743, %swap3A_744], %mul3A_742 {strides = array<i32>} : memref<80x80xf32, #tpu.memory_space<vmem>>, vector<16xf32>,
      %get3A_746 = arith.index_cast %add3A_735 : i32 to index
      %get3A_747 = arith.constant 16 : index
      %get3A_748 = tpu.vector_load %arg19[%get3A_746, %get3A_747] {strides = array<i32>} : memref<80x64xf32, #tpu.memory_space<vmem>>, vector<16xf32>,
      %mul3A_749 = arith.mulf %get3A_748, %broadcast_in_dim3A_738 : vector<16xf32>
      %swap3A_750 = arith.index_cast %add3A_735 : i32 to index
      %swap3A_751 = arith.constant 16 : index
      %swap3A_752 = tpu.vector_load %arg20[%swap3A_750, %swap3A_751] {strides = array<i32>} : memref<80x80xf32, #tpu.memory_space<vmem>>, vector<16xf32>,
      tpu.vector_store %arg20[%swap3A_750, %swap3A_751], %mul3A_749 {strides = array<i32>} : memref<80x80xf32, #tpu.memory_space<vmem>>, vector<16xf32>,
      %get3A_753 = arith.index_cast %add3A_735 : i32 to index
      %get3A_754 = arith.constant 32 : index
      %get3A_755 = tpu.vector_load %arg19[%get3A_753, %get3A_754] {strides = array<i32>} : memref<80x64xf32, #tpu.memory_space<vmem>>, vector<16xf32>,
      %mul3A_756 = arith.mulf %get3A_755, %broadcast_in_dim3A_738 : vector<16xf32>
      %swap3A_757 = arith.index_cast %add3A_735 : i32 to index
      %swap3A_758 = arith.constant 32 : index
      %swap3A_759 = tpu.vector_load %arg20[%swap3A_757, %swap3A_758] {strides = array<i32>} : memref<80x80xf32, #tpu.memory_space<vmem>>, vector<16xf32>,
      tpu.vector_store %arg20[%swap3A_757, %swap3A_758], %mul3A_756 {strides = array<i32>} : memref<80x80xf32, #tpu.memory_space<vmem>>, vector<16xf32>,
      %get3A_760 = arith.index_cast %add3A_735 : i32 to index
      %get3A_761 = arith.constant 48 : index
      %get3A_762 = tpu.vector_load %arg19[%get3A_760, %get3A_761] {strides = array<i32>} : memref<80x64xf32, #tpu.memory_space<vmem>>, vector<16xf32>,
      %mul3A_763 = arith.mulf %get3A_762, %broadcast_in_dim3A_738 : vector<16xf32>
      %swap3A_764 = arith.index_cast %add3A_735 : i32 to index
      %swap3A_765 = arith.constant 48 : index
      %swap3A_766 = tpu.vector_load %arg20[%swap3A_764, %swap3A_765] {strides = array<i32>} : memref<80x80xf32, #tpu.memory_space<vmem>>, vector<16xf32>,
      tpu.vector_store %arg20[%swap3A_764, %swap3A_765], %mul3A_763 {strides = array<i32>} : memref<80x80xf32, #tpu.memory_space<vmem>>, vector<16xf32>,
      %jit3A_767 = arith.constant 0.000000e+00 : f32
      %broadcast_in_dim3A_768 = vector.broadcast %jit3A_767 : f32 to vector<16xf32>
      %select_n3A_769 = arith.select %eq3A_34, %broadcast_in_dim3A_738, %broadcast_in_dim3A_768 : vector<16xi1>, vector<16xf32>
      %swap3A_770 = arith.index_cast %add3A_735 : i32 to index
      %swap3A_771 = arith.constant 64 : index
      %swap3A_772 = tpu.vector_load %arg20[%swap3A_770, %swap3A_771] {strides = array<i32>} : memref<80x80xf32, #tpu.memory_space<vmem>>, vector<16xf32>,
      tpu.vector_store %arg20[%swap3A_770, %swap3A_771], %select_n3A_769 {strides = array<i32>} : memref<80x80xf32, #tpu.memory_space<vmem>>, vector<16xf32>,
      %mul3A_773 = arith.constant 16 : i32
      %mul3A_774 = arith.muli %scan3A_277, %mul3A_773 : i32
      %add3A_775 = arith.constant 12 : i32
      %add3A_776 = arith.addi %mul3A_774, %add3A_775 : i32
      %slice3A_777 = vector.extract_strided_slice %get3A_282 {offsets = [12], sizes = [1], strides = [1]} : vector<16xf32> to vector<1xf32>
      %squeeze3A_778 = vector.extract %slice3A_777[0] : f32 from vector<1xf32>
      %broadcast_in_dim3A_779 = vector.broadcast %squeeze3A_778 : f32 to vector<16xf32>
      %get3A_780 = arith.index_cast %add3A_776 : i32 to index
      %get3A_781 = arith.constant 0 : index
      %get3A_782 = tpu.vector_load %arg19[%get3A_780, %get3A_781] {strides = array<i32>} : memref<80x64xf32, #tpu.memory_space<vmem>>, vector<16xf32>,
      %mul3A_783 = arith.mulf %get3A_782, %broadcast_in_dim3A_779 : vector<16xf32>
      %swap3A_784 = arith.index_cast %add3A_776 : i32 to index
      %swap3A_785 = arith.constant 0 : index
      %swap3A_786 = tpu.vector_load %arg20[%swap3A_784, %swap3A_785] {strides = array<i32>} : memref<80x80xf32, #tpu.memory_space<vmem>>, vector<16xf32>,
      tpu.vector_store %arg20[%swap3A_784, %swap3A_785], %mul3A_783 {strides = array<i32>} : memref<80x80xf32, #tpu.memory_space<vmem>>, vector<16xf32>,
      %get3A_787 = arith.index_cast %add3A_776 : i32 to index
      %get3A_788 = arith.constant 16 : index
      %get3A_789 = tpu.vector_load %arg19[%get3A_787, %get3A_788] {strides = array<i32>} : memref<80x64xf32, #tpu.memory_space<vmem>>, vector<16xf32>,
      %mul3A_790 = arith.mulf %get3A_789, %broadcast_in_dim3A_779 : vector<16xf32>
      %swap3A_791 = arith.index_cast %add3A_776 : i32 to index
      %swap3A_792 = arith.constant 16 : index
      %swap3A_793 = tpu.vector_load %arg20[%swap3A_791, %swap3A_792] {strides = array<i32>} : memref<80x80xf32, #tpu.memory_space<vmem>>, vector<16xf32>,
      tpu.vector_store %arg20[%swap3A_791, %swap3A_792], %mul3A_790 {strides = array<i32>} : memref<80x80xf32, #tpu.memory_space<vmem>>, vector<16xf32>,
      %get3A_794 = arith.index_cast %add3A_776 : i32 to index
      %get3A_795 = arith.constant 32 : index
      %get3A_796 = tpu.vector_load %arg19[%get3A_794, %get3A_795] {strides = array<i32>} : memref<80x64xf32, #tpu.memory_space<vmem>>, vector<16xf32>,
      %mul3A_797 = arith.mulf %get3A_796, %broadcast_in_dim3A_779 : vector<16xf32>
      %swap3A_798 = arith.index_cast %add3A_776 : i32 to index
      %swap3A_799 = arith.constant 32 : index
      %swap3A_800 = tpu.vector_load %arg20[%swap3A_798, %swap3A_799] {strides = array<i32>} : memref<80x80xf32, #tpu.memory_space<vmem>>, vector<16xf32>,
      tpu.vector_store %arg20[%swap3A_798, %swap3A_799], %mul3A_797 {strides = array<i32>} : memref<80x80xf32, #tpu.memory_space<vmem>>, vector<16xf32>,
      %get3A_801 = arith.index_cast %add3A_776 : i32 to index
      %get3A_802 = arith.constant 48 : index
      %get3A_803 = tpu.vector_load %arg19[%get3A_801, %get3A_802] {strides = array<i32>} : memref<80x64xf32, #tpu.memory_space<vmem>>, vector<16xf32>,
      %mul3A_804 = arith.mulf %get3A_803, %broadcast_in_dim3A_779 : vector<16xf32>
      %swap3A_805 = arith.index_cast %add3A_776 : i32 to index
      %swap3A_806 = arith.constant 48 : index
      %swap3A_807 = tpu.vector_load %arg20[%swap3A_805, %swap3A_806] {strides = array<i32>} : memref<80x80xf32, #tpu.memory_space<vmem>>, vector<16xf32>,
      tpu.vector_store %arg20[%swap3A_805, %swap3A_806], %mul3A_804 {strides = array<i32>} : memref<80x80xf32, #tpu.memory_space<vmem>>, vector<16xf32>,
      %jit3A_808 = arith.constant 0.000000e+00 : f32
      %broadcast_in_dim3A_809 = vector.broadcast %jit3A_808 : f32 to vector<16xf32>
      %select_n3A_810 = arith.select %eq3A_34, %broadcast_in_dim3A_779, %broadcast_in_dim3A_809 : vector<16xi1>, vector<16xf32>
      %swap3A_811 = arith.index_cast %add3A_776 : i32 to index
      %swap3A_812 = arith.constant 64 : index
      %swap3A_813 = tpu.vector_load %arg20[%swap3A_811, %swap3A_812] {strides = array<i32>} : memref<80x80xf32, #tpu.memory_space<vmem>>, vector<16xf32>,
      tpu.vector_store %arg20[%swap3A_811, %swap3A_812], %select_n3A_810 {strides = array<i32>} : memref<80x80xf32, #tpu.memory_space<vmem>>, vector<16xf32>,
      %mul3A_814 = arith.constant 16 : i32
      %mul3A_815 = arith.muli %scan3A_277, %mul3A_814 : i32
      %add3A_816 = arith.constant 13 : i32
      %add3A_817 = arith.addi %mul3A_815, %add3A_816 : i32
      %slice3A_818 = vector.extract_strided_slice %get3A_282 {offsets = [13], sizes = [1], strides = [1]} : vector<16xf32> to vector<1xf32>
      %squeeze3A_819 = vector.extract %slice3A_818[0] : f32 from vector<1xf32>
      %broadcast_in_dim3A_820 = vector.broadcast %squeeze3A_819 : f32 to vector<16xf32>
      %get3A_821 = arith.index_cast %add3A_817 : i32 to index
      %get3A_822 = arith.constant 0 : index
      %get3A_823 = tpu.vector_load %arg19[%get3A_821, %get3A_822] {strides = array<i32>} : memref<80x64xf32, #tpu.memory_space<vmem>>, vector<16xf32>,
      %mul3A_824 = arith.mulf %get3A_823, %broadcast_in_dim3A_820 : vector<16xf32>
      %swap3A_825 = arith.index_cast %add3A_817 : i32 to index
      %swap3A_826 = arith.constant 0 : index
      %swap3A_827 = tpu.vector_load %arg20[%swap3A_825, %swap3A_826] {strides = array<i32>} : memref<80x80xf32, #tpu.memory_space<vmem>>, vector<16xf32>,
      tpu.vector_store %arg20[%swap3A_825, %swap3A_826], %mul3A_824 {strides = array<i32>} : memref<80x80xf32, #tpu.memory_space<vmem>>, vector<16xf32>,
      %get3A_828 = arith.index_cast %add3A_817 : i32 to index
      %get3A_829 = arith.constant 16 : index
      %get3A_830 = tpu.vector_load %arg19[%get3A_828, %get3A_829] {strides = array<i32>} : memref<80x64xf32, #tpu.memory_space<vmem>>, vector<16xf32>,
      %mul3A_831 = arith.mulf %get3A_830, %broadcast_in_dim3A_820 : vector<16xf32>
      %swap3A_832 = arith.index_cast %add3A_817 : i32 to index
      %swap3A_833 = arith.constant 16 : index
      %swap3A_834 = tpu.vector_load %arg20[%swap3A_832, %swap3A_833] {strides = array<i32>} : memref<80x80xf32, #tpu.memory_space<vmem>>, vector<16xf32>,
      tpu.vector_store %arg20[%swap3A_832, %swap3A_833], %mul3A_831 {strides = array<i32>} : memref<80x80xf32, #tpu.memory_space<vmem>>, vector<16xf32>,
      %get3A_835 = arith.index_cast %add3A_817 : i32 to index
      %get3A_836 = arith.constant 32 : index
      %get3A_837 = tpu.vector_load %arg19[%get3A_835, %get3A_836] {strides = array<i32>} : memref<80x64xf32, #tpu.memory_space<vmem>>, vector<16xf32>,
      %mul3A_838 = arith.mulf %get3A_837, %broadcast_in_dim3A_820 : vector<16xf32>
      %swap3A_839 = arith.index_cast %add3A_817 : i32 to index
      %swap3A_840 = arith.constant 32 : index
      %swap3A_841 = tpu.vector_load %arg20[%swap3A_839, %swap3A_840] {strides = array<i32>} : memref<80x80xf32, #tpu.memory_space<vmem>>, vector<16xf32>,
      tpu.vector_store %arg20[%swap3A_839, %swap3A_840], %mul3A_838 {strides = array<i32>} : memref<80x80xf32, #tpu.memory_space<vmem>>, vector<16xf32>,
      %get3A_842 = arith.index_cast %add3A_817 : i32 to index
      %get3A_843 = arith.constant 48 : index
      %get3A_844 = tpu.vector_load %arg19[%get3A_842, %get3A_843] {strides = array<i32>} : memref<80x64xf32, #tpu.memory_space<vmem>>, vector<16xf32>,
      %mul3A_845 = arith.mulf %get3A_844, %broadcast_in_dim3A_820 : vector<16xf32>
      %swap3A_846 = arith.index_cast %add3A_817 : i32 to index
      %swap3A_847 = arith.constant 48 : index
      %swap3A_848 = tpu.vector_load %arg20[%swap3A_846, %swap3A_847] {strides = array<i32>} : memref<80x80xf32, #tpu.memory_space<vmem>>, vector<16xf32>,
      tpu.vector_store %arg20[%swap3A_846, %swap3A_847], %mul3A_845 {strides = array<i32>} : memref<80x80xf32, #tpu.memory_space<vmem>>, vector<16xf32>,
      %jit3A_849 = arith.constant 0.000000e+00 : f32
      %broadcast_in_dim3A_850 = vector.broadcast %jit3A_849 : f32 to vector<16xf32>
      %select_n3A_851 = arith.select %eq3A_34, %broadcast_in_dim3A_820, %broadcast_in_dim3A_850 : vector<16xi1>, vector<16xf32>
      %swap3A_852 = arith.index_cast %add3A_817 : i32 to index
      %swap3A_853 = arith.constant 64 : index
      %swap3A_854 = tpu.vector_load %arg20[%swap3A_852, %swap3A_853] {strides = array<i32>} : memref<80x80xf32, #tpu.memory_space<vmem>>, vector<16xf32>,
      tpu.vector_store %arg20[%swap3A_852, %swap3A_853], %select_n3A_851 {strides = array<i32>} : memref<80x80xf32, #tpu.memory_space<vmem>>, vector<16xf32>,
      %mul3A_855 = arith.constant 16 : i32
      %mul3A_856 = arith.muli %scan3A_277, %mul3A_855 : i32
      %add3A_857 = arith.constant 14 : i32
      %add3A_858 = arith.addi %mul3A_856, %add3A_857 : i32
      %slice3A_859 = vector.extract_strided_slice %get3A_282 {offsets = [14], sizes = [1], strides = [1]} : vector<16xf32> to vector<1xf32>
      %squeeze3A_860 = vector.extract %slice3A_859[0] : f32 from vector<1xf32>
      %broadcast_in_dim3A_861 = vector.broadcast %squeeze3A_860 : f32 to vector<16xf32>
      %get3A_862 = arith.index_cast %add3A_858 : i32 to index
      %get3A_863 = arith.constant 0 : index
      %get3A_864 = tpu.vector_load %arg19[%get3A_862, %get3A_863] {strides = array<i32>} : memref<80x64xf32, #tpu.memory_space<vmem>>, vector<16xf32>,
      %mul3A_865 = arith.mulf %get3A_864, %broadcast_in_dim3A_861 : vector<16xf32>
      %swap3A_866 = arith.index_cast %add3A_858 : i32 to index
      %swap3A_867 = arith.constant 0 : index
      %swap3A_868 = tpu.vector_load %arg20[%swap3A_866, %swap3A_867] {strides = array<i32>} : memref<80x80xf32, #tpu.memory_space<vmem>>, vector<16xf32>,
      tpu.vector_store %arg20[%swap3A_866, %swap3A_867], %mul3A_865 {strides = array<i32>} : memref<80x80xf32, #tpu.memory_space<vmem>>, vector<16xf32>,
      %get3A_869 = arith.index_cast %add3A_858 : i32 to index
      %get3A_870 = arith.constant 16 : index
      %get3A_871 = tpu.vector_load %arg19[%get3A_869, %get3A_870] {strides = array<i32>} : memref<80x64xf32, #tpu.memory_space<vmem>>, vector<16xf32>,
      %mul3A_872 = arith.mulf %get3A_871, %broadcast_in_dim3A_861 : vector<16xf32>
      %swap3A_873 = arith.index_cast %add3A_858 : i32 to index
      %swap3A_874 = arith.constant 16 : index
      %swap3A_875 = tpu.vector_load %arg20[%swap3A_873, %swap3A_874] {strides = array<i32>} : memref<80x80xf32, #tpu.memory_space<vmem>>, vector<16xf32>,
      tpu.vector_store %arg20[%swap3A_873, %swap3A_874], %mul3A_872 {strides = array<i32>} : memref<80x80xf32, #tpu.memory_space<vmem>>, vector<16xf32>,
      %get3A_876 = arith.index_cast %add3A_858 : i32 to index
      %get3A_877 = arith.constant 32 : index
      %get3A_878 = tpu.vector_load %arg19[%get3A_876, %get3A_877] {strides = array<i32>} : memref<80x64xf32, #tpu.memory_space<vmem>>, vector<16xf32>,
      %mul3A_879 = arith.mulf %get3A_878, %broadcast_in_dim3A_861 : vector<16xf32>
      %swap3A_880 = arith.index_cast %add3A_858 : i32 to index
      %swap3A_881 = arith.constant 32 : index
      %swap3A_882 = tpu.vector_load %arg20[%swap3A_880, %swap3A_881] {strides = array<i32>} : memref<80x80xf32, #tpu.memory_space<vmem>>, vector<16xf32>,
      tpu.vector_store %arg20[%swap3A_880, %swap3A_881], %mul3A_879 {strides = array<i32>} : memref<80x80xf32, #tpu.memory_space<vmem>>, vector<16xf32>,
      %get3A_883 = arith.index_cast %add3A_858 : i32 to index
      %get3A_884 = arith.constant 48 : index
      %get3A_885 = tpu.vector_load %arg19[%get3A_883, %get3A_884] {strides = array<i32>} : memref<80x64xf32, #tpu.memory_space<vmem>>, vector<16xf32>,
      %mul3A_886 = arith.mulf %get3A_885, %broadcast_in_dim3A_861 : vector<16xf32>
      %swap3A_887 = arith.index_cast %add3A_858 : i32 to index
      %swap3A_888 = arith.constant 48 : index
      %swap3A_889 = tpu.vector_load %arg20[%swap3A_887, %swap3A_888] {strides = array<i32>} : memref<80x80xf32, #tpu.memory_space<vmem>>, vector<16xf32>,
      tpu.vector_store %arg20[%swap3A_887, %swap3A_888], %mul3A_886 {strides = array<i32>} : memref<80x80xf32, #tpu.memory_space<vmem>>, vector<16xf32>,
      %jit3A_890 = arith.constant 0.000000e+00 : f32
      %broadcast_in_dim3A_891 = vector.broadcast %jit3A_890 : f32 to vector<16xf32>
      %select_n3A_892 = arith.select %eq3A_34, %broadcast_in_dim3A_861, %broadcast_in_dim3A_891 : vector<16xi1>, vector<16xf32>
      %swap3A_893 = arith.index_cast %add3A_858 : i32 to index
      %swap3A_894 = arith.constant 64 : index
      %swap3A_895 = tpu.vector_load %arg20[%swap3A_893, %swap3A_894] {strides = array<i32>} : memref<80x80xf32, #tpu.memory_space<vmem>>, vector<16xf32>,
      tpu.vector_store %arg20[%swap3A_893, %swap3A_894], %select_n3A_892 {strides = array<i32>} : memref<80x80xf32, #tpu.memory_space<vmem>>, vector<16xf32>,
      %mul3A_896 = arith.constant 16 : i32
      %mul3A_897 = arith.muli %scan3A_277, %mul3A_896 : i32
      %add3A_898 = arith.constant 15 : i32
      %add3A_899 = arith.addi %mul3A_897, %add3A_898 : i32
      %slice3A_900 = vector.extract_strided_slice %get3A_282 {offsets = [15], sizes = [1], strides = [1]} : vector<16xf32> to vector<1xf32>
      %squeeze3A_901 = vector.extract %slice3A_900[0] : f32 from vector<1xf32>
      %broadcast_in_dim3A_902 = vector.broadcast %squeeze3A_901 : f32 to vector<16xf32>
      %get3A_903 = arith.index_cast %add3A_899 : i32 to index
      %get3A_904 = arith.constant 0 : index
      %get3A_905 = tpu.vector_load %arg19[%get3A_903, %get3A_904] {strides = array<i32>} : memref<80x64xf32, #tpu.memory_space<vmem>>, vector<16xf32>,
      %mul3A_906 = arith.mulf %get3A_905, %broadcast_in_dim3A_902 : vector<16xf32>
      %swap3A_907 = arith.index_cast %add3A_899 : i32 to index
      %swap3A_908 = arith.constant 0 : index
      %swap3A_909 = tpu.vector_load %arg20[%swap3A_907, %swap3A_908] {strides = array<i32>} : memref<80x80xf32, #tpu.memory_space<vmem>>, vector<16xf32>,
      tpu.vector_store %arg20[%swap3A_907, %swap3A_908], %mul3A_906 {strides = array<i32>} : memref<80x80xf32, #tpu.memory_space<vmem>>, vector<16xf32>,
      %get3A_910 = arith.index_cast %add3A_899 : i32 to index
      %get3A_911 = arith.constant 16 : index
      %get3A_912 = tpu.vector_load %arg19[%get3A_910, %get3A_911] {strides = array<i32>} : memref<80x64xf32, #tpu.memory_space<vmem>>, vector<16xf32>,
      %mul3A_913 = arith.mulf %get3A_912, %broadcast_in_dim3A_902 : vector<16xf32>
      %swap3A_914 = arith.index_cast %add3A_899 : i32 to index
      %swap3A_915 = arith.constant 16 : index
      %swap3A_916 = tpu.vector_load %arg20[%swap3A_914, %swap3A_915] {strides = array<i32>} : memref<80x80xf32, #tpu.memory_space<vmem>>, vector<16xf32>,
      tpu.vector_store %arg20[%swap3A_914, %swap3A_915], %mul3A_913 {strides = array<i32>} : memref<80x80xf32, #tpu.memory_space<vmem>>, vector<16xf32>,
      %get3A_917 = arith.index_cast %add3A_899 : i32 to index
      %get3A_918 = arith.constant 32 : index
      %get3A_919 = tpu.vector_load %arg19[%get3A_917, %get3A_918] {strides = array<i32>} : memref<80x64xf32, #tpu.memory_space<vmem>>, vector<16xf32>,
      %mul3A_920 = arith.mulf %get3A_919, %broadcast_in_dim3A_902 : vector<16xf32>
      %swap3A_921 = arith.index_cast %add3A_899 : i32 to index
      %swap3A_922 = arith.constant 32 : index
      %swap3A_923 = tpu.vector_load %arg20[%swap3A_921, %swap3A_922] {strides = array<i32>} : memref<80x80xf32, #tpu.memory_space<vmem>>, vector<16xf32>,
      tpu.vector_store %arg20[%swap3A_921, %swap3A_922], %mul3A_920 {strides = array<i32>} : memref<80x80xf32, #tpu.memory_space<vmem>>, vector<16xf32>,
      %get3A_924 = arith.index_cast %add3A_899 : i32 to index
      %get3A_925 = arith.constant 48 : index
      %get3A_926 = tpu.vector_load %arg19[%get3A_924, %get3A_925] {strides = array<i32>} : memref<80x64xf32, #tpu.memory_space<vmem>>, vector<16xf32>,
      %mul3A_927 = arith.mulf %get3A_926, %broadcast_in_dim3A_902 : vector<16xf32>
      %swap3A_928 = arith.index_cast %add3A_899 : i32 to index
      %swap3A_929 = arith.constant 48 : index
      %swap3A_930 = tpu.vector_load %arg20[%swap3A_928, %swap3A_929] {strides = array<i32>} : memref<80x80xf32, #tpu.memory_space<vmem>>, vector<16xf32>,
      tpu.vector_store %arg20[%swap3A_928, %swap3A_929], %mul3A_927 {strides = array<i32>} : memref<80x80xf32, #tpu.memory_space<vmem>>, vector<16xf32>,
      %jit3A_931 = arith.constant 0.000000e+00 : f32
      %broadcast_in_dim3A_932 = vector.broadcast %jit3A_931 : f32 to vector<16xf32>
      %select_n3A_933 = arith.select %eq3A_34, %broadcast_in_dim3A_902, %broadcast_in_dim3A_932 : vector<16xi1>, vector<16xf32>
      %swap3A_934 = arith.index_cast %add3A_899 : i32 to index
      %swap3A_935 = arith.constant 64 : index
      %swap3A_936 = tpu.vector_load %arg20[%swap3A_934, %swap3A_935] {strides = array<i32>} : memref<80x80xf32, #tpu.memory_space<vmem>>, vector<16xf32>,
      tpu.vector_store %arg20[%swap3A_934, %swap3A_935], %select_n3A_933 {strides = array<i32>} : memref<80x80xf32, #tpu.memory_space<vmem>>, vector<16xf32>,
      %scan3A_937 = arith.constant 0 : i32
      scf.yield %scan3A_937 : i32
    }
    %scan3A_251 = arith.constant 5 : i32
    %dma_start3A_252 = arith.constant 124 : i32
    %dma_start3A_253 = arith.constant 0 : i32
    %dma_start3A_254 = tpu.memref_slice %arg14[%dma_start3A_252, %dma_start3A_253] : memref<125x80xi32, #tpu.memory_space<vmem>> -> memref<1x80xi32, #tpu.memory_space<vmem>>
    %dma_start3A_255 = tpu.memref_squeeze %dma_start3A_254 : memref<1x80xi32, #tpu.memory_space<vmem>> -> memref<80xi32, #tpu.memory_space<vmem>>
    %dma_start3A_256 = arith.constant 0 : i32
    %dma_start3A_257 = arith.constant 0 : i32
    %dma_start3A_258 = tpu.memref_slice %arg36[%dma_start3A_256, %dma_start3A_257] : memref<10000x80xf32, #tpu.memory_space<vmem_shared>> -> memref<10000x80xf32, #tpu.memory_space<vmem_shared>>
    tpu.enqueue_indirect_dma source(%arg20 : memref<80x80xf32, #tpu.memory_space<vmem>>) target(%dma_start3A_258 : memref<10000x80xf32, #tpu.memory_space<vmem_shared>>) offsets(%dma_start3A_255 : memref<80xi32, #tpu.memory_space<vmem>>) semaphore(%arg34 : memref<!tpu.dma_semaphore, #tpu.memory_space<semaphore_mem>>) {add = true}
    %dma_wait3A_259 = arith.constant 0 : i32
    %dma_wait3A_260 = arith.constant 0 : i32
    %dma_wait3A_261 = tpu.memref_slice %arg11[%dma_wait3A_259, %dma_wait3A_260] : memref<160000x128xf32, #tpu.memory_space<hbm>> -> memref<80x64xf32, #tpu.memory_space<hbm>>
    %dma_wait3A_262 = arith.constant 0 : i32
    %dma_wait3A_263 = arith.constant 0 : i32
    %dma_wait3A_264 = tpu.memref_slice %arg11[%dma_wait3A_262, %dma_wait3A_263] : memref<160000x128xf32, #tpu.memory_space<hbm>> -> memref<80x64xf32, #tpu.memory_space<hbm>>
    tpu.wait_dma2 semaphore(%arg34 : memref<!tpu.dma_semaphore, #tpu.memory_space<semaphore_mem>>) src(%arg18 : memref<80x64xf32, #tpu.memory_space<vmem>>) dst(%dma_wait3A_264 : memref<80x64xf32, #tpu.memory_space<hbm>>)
    %dma_wait3A_265 = arith.constant 0 : i32
    %dma_wait3A_266 = arith.constant 0 : i32
    %dma_wait3A_267 = tpu.memref_slice %arg36[%dma_wait3A_265, %dma_wait3A_266] : memref<10000x80xf32, #tpu.memory_space<vmem_shared>> -> memref<80x80xf32, #tpu.memory_space<vmem_shared>>
    %dma_wait3A_268 = arith.constant 0 : i32
    %dma_wait3A_269 = arith.constant 0 : i32
    %dma_wait3A_270 = tpu.memref_slice %arg36[%dma_wait3A_268, %dma_wait3A_269] : memref<10000x80xf32, #tpu.memory_space<vmem_shared>> -> memref<80x80xf32, #tpu.memory_space<vmem_shared>>
    tpu.wait_dma2 semaphore(%arg34 : memref<!tpu.dma_semaphore, #tpu.memory_space<semaphore_mem>>) src(%arg20 : memref<80x80xf32, #tpu.memory_space<vmem>>) dst(%dma_wait3A_270 : memref<80x80xf32, #tpu.memory_space<vmem_shared>>)
    %barrier3A_271 = arith.constant 0 : index
    tpu.barrier barrier_id(%barrier3A_271)
    "tpu.region"() ({
      %run_scoped3A = tpu.sem_alloc : memref<!tpu.dma_semaphore, #tpu.memory_space<semaphore_mem>>
      %dma_start3A_277 = arith.constant 0 : i32
      %dma_start3A_278 = tpu.memref_slice %arg12[%arg0, %mul3A_13, %dma_start3A_277] : memref<2x10000x80xf32, #tpu.memory_space<hbm>> -> memref<1x624x80xf32, #tpu.memory_space<hbm>>
      %dma_start3A_279 = tpu.memref_squeeze %dma_start3A_278 : memref<1x624x80xf32, #tpu.memory_space<hbm>> -> memref<624x80xf32, #tpu.memory_space<hbm>>
      %dma_start3A_280 = arith.constant 0 : i32
      %dma_start3A_281 = tpu.memref_slice %arg36[%mul3A_13, %dma_start3A_280] : memref<10000x80xf32, #tpu.memory_space<vmem_shared>> -> memref<624x80xf32, #tpu.memory_space<vmem_shared>>
      tpu.enqueue_dma source(%dma_start3A_281 : memref<624x80xf32, #tpu.memory_space<vmem_shared>>) target(%dma_start3A_279 : memref<624x80xf32, #tpu.memory_space<hbm>>) target_semaphore(%run_scoped3A : memref<!tpu.dma_semaphore, #tpu.memory_space<semaphore_mem>>)
      %dma_wait3A_282 = arith.constant 0 : i32
      %dma_wait3A_283 = tpu.memref_slice %arg12[%arg0, %mul3A_13, %dma_wait3A_282] : memref<2x10000x80xf32, #tpu.memory_space<hbm>> -> memref<1x624x80xf32, #tpu.memory_space<hbm>>
      %dma_wait3A_284 = tpu.memref_squeeze %dma_wait3A_283 : memref<1x624x80xf32, #tpu.memory_space<hbm>> -> memref<624x80xf32, #tpu.memory_space<hbm>>
      %dma_wait3A_285 = arith.constant 0 : i32
      %dma_wait3A_286 = tpu.memref_slice %arg36[%mul3A_13, %dma_wait3A_285] : memref<10000x80xf32, #tpu.memory_space<vmem_shared>> -> memref<624x80xf32, #tpu.memory_space<vmem_shared>>
      tpu.wait_dma2 semaphore(%run_scoped3A : memref<!tpu.dma_semaphore, #tpu.memory_space<semaphore_mem>>) src(%dma_wait3A_286 : memref<624x80xf32, #tpu.memory_space<vmem_shared>>) dst(%dma_wait3A_284 : memref<624x80xf32, #tpu.memory_space<hbm>>)
      tpu.yield
    }) : () -> ()
    %eq3A_272 = arith.constant 15 : i32
    %eq3A_273 = arith.cmpi eq, %arg1, %eq3A_272 : i32
    %convert_element_type3A_274 = arith.extui %eq3A_273 : i1 to i32
    %cond3A_275 = arith.constant 0 : i32
    %cond3A_276 = arith.cmpi ne, %convert_element_type3A_274, %cond3A_275 : i32
    scf.if %cond3A_276 {
      "tpu.region"() ({
        %run_scoped3A = tpu.sem_alloc : memref<!tpu.dma_semaphore, #tpu.memory_space<semaphore_mem>>
        %dma_start3A_277 = arith.constant 9984 : i32
        %dma_start3A_278 = arith.constant 0 : i32
        %dma_start3A_279 = tpu.memref_slice %arg12[%arg0, %dma_start3A_277, %dma_start3A_278] : memref<2x10000x80xf32, #tpu.memory_space<hbm>> -> memref<1x16x80xf32, #tpu.memory_space<hbm>>
        %dma_start3A_280 = tpu.memref_squeeze %dma_start3A_279 : memref<1x16x80xf32, #tpu.memory_space<hbm>> -> memref<16x80xf32, #tpu.memory_space<hbm>>
        %dma_start3A_281 = arith.constant 9984 : i32
        %dma_start3A_282 = arith.constant 0 : i32
        %dma_start3A_283 = tpu.memref_slice %arg36[%dma_start3A_281, %dma_start3A_282] : memref<10000x80xf32, #tpu.memory_space<vmem_shared>> -> memref<16x80xf32, #tpu.memory_space<vmem_shared>>
        tpu.enqueue_dma source(%dma_start3A_283 : memref<16x80xf32, #tpu.memory_space<vmem_shared>>) target(%dma_start3A_280 : memref<16x80xf32, #tpu.memory_space<hbm>>) target_semaphore(%run_scoped3A : memref<!tpu.dma_semaphore, #tpu.memory_space<semaphore_mem>>)
        %dma_wait3A_284 = arith.constant 9984 : i32
        %dma_wait3A_285 = arith.constant 0 : i32
        %dma_wait3A_286 = tpu.memref_slice %arg12[%arg0, %dma_wait3A_284, %dma_wait3A_285] : memref<2x10000x80xf32, #tpu.memory_space<hbm>> -> memref<1x16x80xf32, #tpu.memory_space<hbm>>
        %dma_wait3A_287 = tpu.memref_squeeze %dma_wait3A_286 : memref<1x16x80xf32, #tpu.memory_space<hbm>> -> memref<16x80xf32, #tpu.memory_space<hbm>>
        %dma_wait3A_288 = arith.constant 9984 : i32
        %dma_wait3A_289 = arith.constant 0 : i32
        %dma_wait3A_290 = tpu.memref_slice %arg36[%dma_wait3A_288, %dma_wait3A_289] : memref<10000x80xf32, #tpu.memory_space<vmem_shared>> -> memref<16x80xf32, #tpu.memory_space<vmem_shared>>
        tpu.wait_dma2 semaphore(%run_scoped3A : memref<!tpu.dma_semaphore, #tpu.memory_space<semaphore_mem>>) src(%dma_wait3A_290 : memref<16x80xf32, #tpu.memory_space<vmem_shared>>) dst(%dma_wait3A_287 : memref<16x80xf32, #tpu.memory_space<hbm>>)
        tpu.yield
      }) : () -> ()
    } else {
    }
    return
  }
}

module attributes {stable_mosaic.version = 14 : i64} {
  func.func @_tc_edge_body(%arg0: i32, %arg1: memref<16x6400xf32, #tpu.memory_space<vmem>>, %arg2: memref<16x6400xf32, #tpu.memory_space<vmem>>, %arg3: memref<16x64xf32, #tpu.memory_space<vmem>>, %arg4: memref<1x64xf32, #tpu.memory_space<vmem>>, %arg5: memref<1x64xf32, #tpu.memory_space<vmem>>, %arg6: memref<1x1xf32, #tpu.memory_space<vmem>>, %arg7: memref<6400x128xf32, #tpu.memory_space<vmem>>, %arg8: memref<1x2x6400xf32, #tpu.memory_space<vmem>>) attributes {dimension_semantics = [#tpu.dimension_semantics<arbitrary>], iteration_bounds = array<i64: 25>, scalar_prefetch = 0 : i64, scratch_operands = 0 : i64, tpu.core_type = #tpu.core_type<tc>, window_params = [{transform_indices = @transform_0, window_bounds = array<i64: 16, 6400>}, {transform_indices = @transform_1, window_bounds = array<i64: 16, 6400>}, {pipeline_mode = #tpu.pipeline_mode<synchronous>, transform_indices = @transform_2, window_bounds = array<i64: 16, 64>}, {pipeline_mode = #tpu.pipeline_mode<synchronous>, transform_indices = @transform_3, window_bounds = array<i64: 1, 64>}, {pipeline_mode = #tpu.pipeline_mode<synchronous>, transform_indices = @transform_4, window_bounds = array<i64: 1, 64>}, {pipeline_mode = #tpu.pipeline_mode<synchronous>, transform_indices = @transform_5, window_bounds = array<i64: 1, 1>}, {transform_indices = @transform_6, window_bounds = array<i64: 6400, 128>}, {transform_indices = @transform_7, window_bounds = array<i64: 1, 2, 6400>}]} {
    %get3A = arith.constant 0 : index
    %get3A_0 = arith.constant 0 : index
    %get3A_1 = vector.load %arg1[%get3A, %get3A_0] : memref<16x6400xf32, #tpu.memory_space<vmem>>, vector<16x6400xf32>
    %get3A_2 = arith.constant 0 : index
    %get3A_3 = arith.constant 0 : index
    %get3A_4 = vector.load %arg3[%get3A_2, %get3A_3] : memref<16x64xf32, #tpu.memory_space<vmem>>, vector<16x64xf32>
    %dot_general3A = arith.constant dense<0.000000e+00> : vector<6400x64xf32>
    %dot_general3A_5 = tpu.matmul %get3A_1, %get3A_4, %dot_general3A {dimension_numbers = #tpu.dot_dimension_numbers<[0], [0], [1], [1], [0, 1, 1, 1], [], []>, transpose_lhs_hint = false} : vector<16x6400xf32>, vector<16x64xf32>, vector<6400x64xf32> -> vector<6400x64xf32>
    %get3A_6 = arith.constant 0 : index
    %get3A_7 = arith.constant 0 : index
    %get3A_8 = vector.load %arg4[%get3A_6, %get3A_7] : memref<1x64xf32, #tpu.memory_space<vmem>>, vector<1x64xf32>
    %add3A = vector.broadcast %get3A_8 : vector<1x64xf32> to vector<6400x64xf32>
    %add3A_9 = arith.addf %dot_general3A_5, %add3A : vector<6400x64xf32>
    %get3A_10 = arith.constant 0 : index
    %get3A_11 = arith.constant 0 : index
    %get3A_12 = vector.load %arg2[%get3A_10, %get3A_11] : memref<16x6400xf32, #tpu.memory_space<vmem>>, vector<16x6400xf32>
    %get3A_13 = arith.constant 0 : index
    %get3A_14 = arith.constant 0 : index
    %get3A_15 = vector.load %arg3[%get3A_13, %get3A_14] : memref<16x64xf32, #tpu.memory_space<vmem>>, vector<16x64xf32>
    %dot_general3A_16 = arith.constant dense<0.000000e+00> : vector<6400x64xf32>
    %dot_general3A_17 = tpu.matmul %get3A_12, %get3A_15, %dot_general3A_16 {dimension_numbers = #tpu.dot_dimension_numbers<[0], [0], [1], [1], [0, 1, 1, 1], [], []>, transpose_lhs_hint = false} : vector<16x6400xf32>, vector<16x64xf32>, vector<6400x64xf32> -> vector<6400x64xf32>
    %get3A_18 = arith.constant 0 : index
    %get3A_19 = arith.constant 0 : index
    %get3A_20 = vector.load %arg4[%get3A_18, %get3A_19] : memref<1x64xf32, #tpu.memory_space<vmem>>, vector<1x64xf32>
    %add3A_21 = vector.broadcast %get3A_20 : vector<1x64xf32> to vector<6400x64xf32>
    %add3A_22 = arith.addf %dot_general3A_17, %add3A_21 : vector<6400x64xf32>
    %concatenate3A = tpu.concatenate %add3A_9, %add3A_22 in 1 : vector<6400x64xf32>, vector<6400x64xf32> -> vector<6400x128xf32>
    %swap3A = arith.constant 0 : index
    %swap3A_23 = arith.constant 0 : index
    %swap3A_24 = vector.load %arg7[%swap3A, %swap3A_23] : memref<6400x128xf32, #tpu.memory_space<vmem>>, vector<6400x128xf32>
    tpu.vector_store %arg7[%swap3A, %swap3A_23], %concatenate3A {strides = array<i32>} : memref<6400x128xf32, #tpu.memory_space<vmem>>, vector<6400x128xf32>,
    %get3A_25 = arith.constant 0 : index
    %get3A_26 = arith.constant 0 : index
    %get3A_27 = vector.load %arg5[%get3A_25, %get3A_26] : memref<1x64xf32, #tpu.memory_space<vmem>>, vector<1x64xf32>
    %get3A_28 = arith.constant 0 : index
    %get3A_29 = arith.constant 0 : index
    %get3A_30 = vector.load %arg6[%get3A_28, %get3A_29] : memref<1x1xf32, #tpu.memory_space<vmem>>, vector<1x1xf32>
    %mul3A = vector.broadcast %get3A_27 : vector<1x64xf32> to vector<6400x64xf32>
    %mul3A_31 = arith.mulf %add3A_9, %mul3A : vector<6400x64xf32>
    %reduce_sum3A = arith.constant dense<0.000000e+00> : vector<6400xf32>
    %reduce_sum3A_32 = vector.multi_reduction <add>, %mul3A_31, %reduce_sum3A [1] : vector<6400x64xf32> to vector<6400xf32>
    %reshape3A = vector.shape_cast %reduce_sum3A_32 : vector<6400xf32> to vector<1x6400xf32>
    %add3A_33 = vector.broadcast %get3A_30 : vector<1x1xf32> to vector<1x6400xf32>
    %add3A_34 = arith.addf %reshape3A, %add3A_33 : vector<1x6400xf32>
    %mul3A_35 = vector.broadcast %get3A_27 : vector<1x64xf32> to vector<6400x64xf32>
    %mul3A_36 = arith.mulf %add3A_22, %mul3A_35 : vector<6400x64xf32>
    %reduce_sum3A_37 = arith.constant dense<0.000000e+00> : vector<6400xf32>
    %reduce_sum3A_38 = vector.multi_reduction <add>, %mul3A_36, %reduce_sum3A_37 [1] : vector<6400x64xf32> to vector<6400xf32>
    %reshape3A_39 = vector.shape_cast %reduce_sum3A_38 : vector<6400xf32> to vector<1x6400xf32>
    %add3A_40 = vector.broadcast %get3A_30 : vector<1x1xf32> to vector<1x6400xf32>
    %add3A_41 = arith.addf %reshape3A_39, %add3A_40 : vector<1x6400xf32>
    %concatenate3A_42 = tpu.concatenate %add3A_34, %add3A_41 in 0 : vector<1x6400xf32>, vector<1x6400xf32> -> vector<2x6400xf32>
    %reshape3A_43 = vector.shape_cast %concatenate3A_42 : vector<2x6400xf32> to vector<1x2x6400xf32>
    %swap3A_44 = arith.constant 0 : index
    %swap3A_45 = arith.constant 0 : index
    %swap3A_46 = arith.constant 0 : index
    %swap3A_47 = vector.load %arg8[%swap3A_44, %swap3A_45, %swap3A_46] : memref<1x2x6400xf32, #tpu.memory_space<vmem>>, vector<1x2x6400xf32>
    tpu.vector_store %arg8[%swap3A_44, %swap3A_45, %swap3A_46], %reshape3A_43 {strides = array<i32>} : memref<1x2x6400xf32, #tpu.memory_space<vmem>>, vector<1x2x6400xf32>,
    return
  }
  func.func @transform_0(%arg0: i32) -> (i32, i32) {
    %c0_i32 = arith.constant 0 : i32
    %c0_i32_0 = arith.constant 0 : i32
    return %c0_i32, %arg0 : i32, i32
  }
  func.func @transform_1(%arg0: i32) -> (i32, i32) {
    %add3A = arith.constant 25 : i32
    %add3A_0 = arith.addi %arg0, %add3A : i32
    %c0_i32 = arith.constant 0 : i32
    %c0_i32_1 = arith.constant 0 : i32
    return %c0_i32, %add3A_0 : i32, i32
  }
  func.func @transform_2(%arg0: i32) -> (i32, i32) {
    %c0_i32 = arith.constant 0 : i32
    %c0_i32_0 = arith.constant 0 : i32
    %c0_i32_1 = arith.constant 0 : i32
    return %c0_i32, %c0_i32_0 : i32, i32
  }
  func.func @transform_3(%arg0: i32) -> (i32, i32) {
    %c0_i32 = arith.constant 0 : i32
    %c0_i32_0 = arith.constant 0 : i32
    %c0_i32_1 = arith.constant 0 : i32
    return %c0_i32, %c0_i32_0 : i32, i32
  }
  func.func @transform_4(%arg0: i32) -> (i32, i32) {
    %c0_i32 = arith.constant 0 : i32
    %c0_i32_0 = arith.constant 0 : i32
    %c0_i32_1 = arith.constant 0 : i32
    return %c0_i32, %c0_i32_0 : i32, i32
  }
  func.func @transform_5(%arg0: i32) -> (i32, i32) {
    %c0_i32 = arith.constant 0 : i32
    %c0_i32_0 = arith.constant 0 : i32
    %c0_i32_1 = arith.constant 0 : i32
    return %c0_i32, %c0_i32_0 : i32, i32
  }
  func.func @transform_6(%arg0: i32) -> (i32, i32) {
    %c0_i32 = arith.constant 0 : i32
    %c0_i32_0 = arith.constant 0 : i32
    return %arg0, %c0_i32 : i32, i32
  }
  func.func @transform_7(%arg0: i32) -> (i32, i32, i32) {
    %c0_i32 = arith.constant 0 : i32
    %c0_i32_0 = arith.constant 0 : i32
    %c0_i32_1 = arith.constant 0 : i32
    return %arg0, %c0_i32, %c0_i32_0 : i32, i32, i32
  }
}

module attributes {stable_mosaic.version = 14 : i64} {
  func.func @_tc_node_body(%arg0: i32, %arg1: memref<1000x128xf32, #tpu.memory_space<vmem>>, %arg2: memref<128x64xf32, #tpu.memory_space<vmem>>, %arg3: memref<1x64xf32, #tpu.memory_space<vmem>>, %arg4: memref<128x64xf32, #tpu.memory_space<vmem>>, %arg5: memref<1x64xf32, #tpu.memory_space<vmem>>, %arg6: memref<128x64xf32, #tpu.memory_space<vmem>>, %arg7: memref<1x64xf32, #tpu.memory_space<vmem>>, %arg8: memref<1x64xf32, #tpu.memory_space<vmem>>, %arg9: memref<1000x64xf32, #tpu.memory_space<vmem>>, %arg10: memref<1000x64xf32, #tpu.memory_space<vmem>>, %arg11: memref<1000x64xf32, #tpu.memory_space<vmem>>, %arg12: memref<1x1x1000xf32, #tpu.memory_space<vmem>>, %arg13: memref<1x1x1000xf32, #tpu.memory_space<vmem>>) attributes {dimension_semantics = [#tpu.dimension_semantics<arbitrary>], iteration_bounds = array<i64: 10>, scalar_prefetch = 0 : i64, scratch_operands = 0 : i64, tpu.core_type = #tpu.core_type<tc>, window_params = [{transform_indices = @transform_0, window_bounds = array<i64: 1000, 128>}, {pipeline_mode = #tpu.pipeline_mode<synchronous>, transform_indices = @transform_1, window_bounds = array<i64: 128, 64>}, {pipeline_mode = #tpu.pipeline_mode<synchronous>, transform_indices = @transform_2, window_bounds = array<i64: 1, 64>}, {pipeline_mode = #tpu.pipeline_mode<synchronous>, transform_indices = @transform_3, window_bounds = array<i64: 128, 64>}, {pipeline_mode = #tpu.pipeline_mode<synchronous>, transform_indices = @transform_4, window_bounds = array<i64: 1, 64>}, {pipeline_mode = #tpu.pipeline_mode<synchronous>, transform_indices = @transform_5, window_bounds = array<i64: 128, 64>}, {pipeline_mode = #tpu.pipeline_mode<synchronous>, transform_indices = @transform_6, window_bounds = array<i64: 1, 64>}, {pipeline_mode = #tpu.pipeline_mode<synchronous>, transform_indices = @transform_7, window_bounds = array<i64: 1, 64>}, {transform_indices = @transform_8, window_bounds = array<i64: 1000, 64>}, {transform_indices = @transform_9, window_bounds = array<i64: 1000, 64>}, {transform_indices = @transform_10, window_bounds = array<i64: 1000, 64>}, {transform_indices = @transform_11, window_bounds = array<i64: 1, 1, 1000>}, {transform_indices = @transform_12, window_bounds = array<i64: 1, 1, 1000>}]} {
    %get3A = arith.constant 0 : index
    %get3A_0 = arith.constant 0 : index
    %get3A_1 = vector.load %arg1[%get3A, %get3A_0] : memref<1000x128xf32, #tpu.memory_space<vmem>>, vector<1000x128xf32>
    %get3A_2 = arith.constant 0 : index
    %get3A_3 = arith.constant 0 : index
    %get3A_4 = vector.load %arg2[%get3A_2, %get3A_3] : memref<128x64xf32, #tpu.memory_space<vmem>>, vector<128x64xf32>
    %dot_general3A = arith.constant dense<0.000000e+00> : vector<1000x64xf32>
    %dot_general3A_5 = tpu.matmul %get3A_1, %get3A_4, %dot_general3A {dimension_numbers = #tpu.dot_dimension_numbers<[1], [0], [0], [1], [0, 0, 1, 1], [], []>, transpose_lhs_hint = false} : vector<1000x128xf32>, vector<128x64xf32>, vector<1000x64xf32> -> vector<1000x64xf32>
    %get3A_6 = arith.constant 0 : index
    %get3A_7 = arith.constant 0 : index
    %get3A_8 = vector.load %arg3[%get3A_6, %get3A_7] : memref<1x64xf32, #tpu.memory_space<vmem>>, vector<1x64xf32>
    %add3A = vector.broadcast %get3A_8 : vector<1x64xf32> to vector<1000x64xf32>
    %add3A_9 = arith.addf %dot_general3A_5, %add3A : vector<1000x64xf32>
    %get3A_10 = arith.constant 0 : index
    %get3A_11 = arith.constant 0 : index
    %get3A_12 = vector.load %arg4[%get3A_10, %get3A_11] : memref<128x64xf32, #tpu.memory_space<vmem>>, vector<128x64xf32>
    %dot_general3A_13 = arith.constant dense<0.000000e+00> : vector<1000x64xf32>
    %dot_general3A_14 = tpu.matmul %get3A_1, %get3A_12, %dot_general3A_13 {dimension_numbers = #tpu.dot_dimension_numbers<[1], [0], [0], [1], [0, 0, 1, 1], [], []>, transpose_lhs_hint = false} : vector<1000x128xf32>, vector<128x64xf32>, vector<1000x64xf32> -> vector<1000x64xf32>
    %get3A_15 = arith.constant 0 : index
    %get3A_16 = arith.constant 0 : index
    %get3A_17 = vector.load %arg5[%get3A_15, %get3A_16] : memref<1x64xf32, #tpu.memory_space<vmem>>, vector<1x64xf32>
    %add3A_18 = vector.broadcast %get3A_17 : vector<1x64xf32> to vector<1000x64xf32>
    %add3A_19 = arith.addf %dot_general3A_14, %add3A_18 : vector<1000x64xf32>
    %swap3A = arith.constant 0 : index
    %swap3A_20 = arith.constant 0 : index
    %swap3A_21 = vector.load %arg9[%swap3A, %swap3A_20] : memref<1000x64xf32, #tpu.memory_space<vmem>>, vector<1000x64xf32>
    tpu.vector_store %arg9[%swap3A, %swap3A_20], %add3A_9 {strides = array<i32>} : memref<1000x64xf32, #tpu.memory_space<vmem>>, vector<1000x64xf32>,
    %swap3A_22 = arith.constant 0 : index
    %swap3A_23 = arith.constant 0 : index
    %swap3A_24 = vector.load %arg10[%swap3A_22, %swap3A_23] : memref<1000x64xf32, #tpu.memory_space<vmem>>, vector<1000x64xf32>
    tpu.vector_store %arg10[%swap3A_22, %swap3A_23], %add3A_19 {strides = array<i32>} : memref<1000x64xf32, #tpu.memory_space<vmem>>, vector<1000x64xf32>,
    %get3A_25 = arith.constant 0 : index
    %get3A_26 = arith.constant 0 : index
    %get3A_27 = vector.load %arg6[%get3A_25, %get3A_26] : memref<128x64xf32, #tpu.memory_space<vmem>>, vector<128x64xf32>
    %dot_general3A_28 = arith.constant dense<0.000000e+00> : vector<1000x64xf32>
    %dot_general3A_29 = tpu.matmul %get3A_1, %get3A_27, %dot_general3A_28 {dimension_numbers = #tpu.dot_dimension_numbers<[1], [0], [0], [1], [0, 0, 1, 1], [], []>, transpose_lhs_hint = false} : vector<1000x128xf32>, vector<128x64xf32>, vector<1000x64xf32> -> vector<1000x64xf32>
    %get3A_30 = arith.constant 0 : index
    %get3A_31 = arith.constant 0 : index
    %get3A_32 = vector.load %arg7[%get3A_30, %get3A_31] : memref<1x64xf32, #tpu.memory_space<vmem>>, vector<1x64xf32>
    %add3A_33 = vector.broadcast %get3A_32 : vector<1x64xf32> to vector<1000x64xf32>
    %add3A_34 = arith.addf %dot_general3A_29, %add3A_33 : vector<1000x64xf32>
    %swap3A_35 = arith.constant 0 : index
    %swap3A_36 = arith.constant 0 : index
    %swap3A_37 = vector.load %arg11[%swap3A_35, %swap3A_36] : memref<1000x64xf32, #tpu.memory_space<vmem>>, vector<1000x64xf32>
    tpu.vector_store %arg11[%swap3A_35, %swap3A_36], %add3A_34 {strides = array<i32>} : memref<1000x64xf32, #tpu.memory_space<vmem>>, vector<1000x64xf32>,
    %get3A_38 = arith.constant 0 : index
    %get3A_39 = arith.constant 0 : index
    %get3A_40 = vector.load %arg8[%get3A_38, %get3A_39] : memref<1x64xf32, #tpu.memory_space<vmem>>, vector<1x64xf32>
    %mul3A = vector.broadcast %get3A_40 : vector<1x64xf32> to vector<1000x64xf32>
    %mul3A_41 = arith.mulf %add3A_9, %mul3A : vector<1000x64xf32>
    %reduce_sum3A = arith.constant dense<0.000000e+00> : vector<1000xf32>
    %reduce_sum3A_42 = vector.multi_reduction <add>, %mul3A_41, %reduce_sum3A [1] : vector<1000x64xf32> to vector<1000xf32>
    %reshape3A = vector.shape_cast %reduce_sum3A_42 : vector<1000xf32> to vector<1x1x1000xf32>
    %swap3A_43 = arith.constant 0 : index
    %swap3A_44 = arith.constant 0 : index
    %swap3A_45 = arith.constant 0 : index
    %swap3A_46 = vector.load %arg12[%swap3A_43, %swap3A_44, %swap3A_45] : memref<1x1x1000xf32, #tpu.memory_space<vmem>>, vector<1x1x1000xf32>
    tpu.vector_store %arg12[%swap3A_43, %swap3A_44, %swap3A_45], %reshape3A {strides = array<i32>} : memref<1x1x1000xf32, #tpu.memory_space<vmem>>, vector<1x1x1000xf32>,
    %mul3A_47 = vector.broadcast %get3A_40 : vector<1x64xf32> to vector<1000x64xf32>
    %mul3A_48 = arith.mulf %add3A_19, %mul3A_47 : vector<1000x64xf32>
    %reduce_sum3A_49 = arith.constant dense<0.000000e+00> : vector<1000xf32>
    %reduce_sum3A_50 = vector.multi_reduction <add>, %mul3A_48, %reduce_sum3A_49 [1] : vector<1000x64xf32> to vector<1000xf32>
    %reshape3A_51 = vector.shape_cast %reduce_sum3A_50 : vector<1000xf32> to vector<1x1x1000xf32>
    %swap3A_52 = arith.constant 0 : index
    %swap3A_53 = arith.constant 0 : index
    %swap3A_54 = arith.constant 0 : index
    %swap3A_55 = vector.load %arg13[%swap3A_52, %swap3A_53, %swap3A_54] : memref<1x1x1000xf32, #tpu.memory_space<vmem>>, vector<1x1x1000xf32>
    tpu.vector_store %arg13[%swap3A_52, %swap3A_53, %swap3A_54], %reshape3A_51 {strides = array<i32>} : memref<1x1x1000xf32, #tpu.memory_space<vmem>>, vector<1x1x1000xf32>,
    return
  }
  func.func @transform_0(%arg0: i32) -> (i32, i32) {
    %c0_i32 = arith.constant 0 : i32
    %c0_i32_0 = arith.constant 0 : i32
    return %arg0, %c0_i32 : i32, i32
  }
  func.func @transform_1(%arg0: i32) -> (i32, i32) {
    %c0_i32 = arith.constant 0 : i32
    %c0_i32_0 = arith.constant 0 : i32
    %c0_i32_1 = arith.constant 0 : i32
    return %c0_i32, %c0_i32_0 : i32, i32
  }
  func.func @transform_2(%arg0: i32) -> (i32, i32) {
    %c0_i32 = arith.constant 0 : i32
    %c0_i32_0 = arith.constant 0 : i32
    %c0_i32_1 = arith.constant 0 : i32
    return %c0_i32, %c0_i32_0 : i32, i32
  }
  func.func @transform_3(%arg0: i32) -> (i32, i32) {
    %c0_i32 = arith.constant 0 : i32
    %c0_i32_0 = arith.constant 0 : i32
    %c0_i32_1 = arith.constant 0 : i32
    return %c0_i32, %c0_i32_0 : i32, i32
  }
  func.func @transform_4(%arg0: i32) -> (i32, i32) {
    %c0_i32 = arith.constant 0 : i32
    %c0_i32_0 = arith.constant 0 : i32
    %c0_i32_1 = arith.constant 0 : i32
    return %c0_i32, %c0_i32_0 : i32, i32
  }
  func.func @transform_5(%arg0: i32) -> (i32, i32) {
    %c0_i32 = arith.constant 0 : i32
    %c0_i32_0 = arith.constant 0 : i32
    %c0_i32_1 = arith.constant 0 : i32
    return %c0_i32, %c0_i32_0 : i32, i32
  }
  func.func @transform_6(%arg0: i32) -> (i32, i32) {
    %c0_i32 = arith.constant 0 : i32
    %c0_i32_0 = arith.constant 0 : i32
    %c0_i32_1 = arith.constant 0 : i32
    return %c0_i32, %c0_i32_0 : i32, i32
  }
  func.func @transform_7(%arg0: i32) -> (i32, i32) {
    %c0_i32 = arith.constant 0 : i32
    %c0_i32_0 = arith.constant 0 : i32
    %c0_i32_1 = arith.constant 0 : i32
    return %c0_i32, %c0_i32_0 : i32, i32
  }
  func.func @transform_8(%arg0: i32) -> (i32, i32) {
    %c0_i32 = arith.constant 0 : i32
    %c0_i32_0 = arith.constant 0 : i32
    return %arg0, %c0_i32 : i32, i32
  }
  func.func @transform_9(%arg0: i32) -> (i32, i32) {
    %c0_i32 = arith.constant 0 : i32
    %c0_i32_0 = arith.constant 0 : i32
    return %arg0, %c0_i32 : i32, i32
  }
  func.func @transform_10(%arg0: i32) -> (i32, i32) {
    %c0_i32 = arith.constant 0 : i32
    %c0_i32_0 = arith.constant 0 : i32
    return %arg0, %c0_i32 : i32, i32
  }
  func.func @transform_11(%arg0: i32) -> (i32, i32, i32) {
    %c0_i32 = arith.constant 0 : i32
    %c0_i32_0 = arith.constant 0 : i32
    %c0_i32_1 = arith.constant 0 : i32
    return %arg0, %c0_i32, %c0_i32_0 : i32, i32, i32
  }
  func.func @transform_12(%arg0: i32) -> (i32, i32, i32) {
    %c0_i32 = arith.constant 0 : i32
    %c0_i32_0 = arith.constant 0 : i32
    %c0_i32_1 = arith.constant 0 : i32
    return %arg0, %c0_i32, %c0_i32_0 : i32, i32, i32
  }
}

module attributes {stable_mosaic.version = 14 : i64} {
  func.func @_tc_eft_body(%arg0: i32, %arg1: i32, %arg2: memref<6400x128xf32, #tpu.memory_space<vmem>>, %arg3: memref<64x6400xf32, #tpu.memory_space<vmem>>) attributes {dimension_semantics = [#tpu.dimension_semantics<arbitrary>, #tpu.dimension_semantics<arbitrary>], iteration_bounds = array<i64: 25, 2>, scalar_prefetch = 0 : i64, scratch_operands = 0 : i64, tpu.core_type = #tpu.core_type<tc>, window_params = [{transform_indices = @transform_0, window_bounds = array<i64: 6400, 128>}, {transform_indices = @transform_1, window_bounds = array<i64: 64, 6400>}]} {
    %get3A = arith.constant 0 : index
    %get3A_0 = arith.constant 0 : index
    %get3A_1 = vector.load %arg2[%get3A, %get3A_0] : memref<6400x128xf32, #tpu.memory_space<vmem>>, vector<6400x128xf32>
    %transpose3A = tpu.transpose %get3A_1, [1, 0] : vector<6400x128xf32> -> vector<128x6400xf32>
    %eq3A = arith.constant 0 : i32
    %eq3A_2 = arith.cmpi eq, %arg1, %eq3A : i32
    %slice3A = vector.extract_strided_slice %transpose3A {offsets = [0, 0], sizes = [64, 6400], strides = [1, 1]} : vector<128x6400xf32> to vector<64x6400xf32>
    %slice3A_3 = vector.extract_strided_slice %transpose3A {offsets = [64, 0], sizes = [64, 6400], strides = [1, 1]} : vector<128x6400xf32> to vector<64x6400xf32>
    %select_n3A = arith.select %eq3A_2, %slice3A, %slice3A_3 : vector<64x6400xf32>
    %swap3A = arith.constant 0 : index
    %swap3A_4 = arith.constant 0 : index
    %swap3A_5 = vector.load %arg3[%swap3A, %swap3A_4] : memref<64x6400xf32, #tpu.memory_space<vmem>>, vector<64x6400xf32>
    tpu.vector_store %arg3[%swap3A, %swap3A_4], %select_n3A {strides = array<i32>} : memref<64x6400xf32, #tpu.memory_space<vmem>>, vector<64x6400xf32>,
    return
  }
  func.func @transform_0(%arg0: i32, %arg1: i32) -> (i32, i32) {
    %c0_i32 = arith.constant 0 : i32
    %c0_i32_0 = arith.constant 0 : i32
    return %arg0, %c0_i32 : i32, i32
  }
  func.func @transform_1(%arg0: i32, %arg1: i32) -> (i32, i32) {
    %mul3A = arith.constant 25 : i32
    %mul3A_0 = arith.muli %arg1, %mul3A : i32
    %add3A = arith.addi %mul3A_0, %arg0 : i32
    %c0_i32 = arith.constant 0 : i32
    %c0_i32_1 = arith.constant 0 : i32
    return %c0_i32, %add3A : i32, i32
  }
}

module attributes {stable_mosaic.version = 14 : i64} {
  func.func @_tc_final_body(%arg0: i32, %arg1: memref<10000x80xf32, #tpu.memory_space<vmem>>, %arg2: memref<10000x80xf32, #tpu.memory_space<vmem>>, %arg3: memref<10000x128xf32, #tpu.memory_space<vmem>>, %arg4: memref<128x64xf32, #tpu.memory_space<vmem>>, %arg5: memref<1x64xf32, #tpu.memory_space<vmem>>, %arg6: memref<64x10000xf32, #tpu.memory_space<vmem>>) attributes {dimension_semantics = [#tpu.dimension_semantics<arbitrary>], iteration_bounds = array<i64: 1>, scalar_prefetch = 0 : i64, scratch_operands = 0 : i64, tpu.core_type = #tpu.core_type<tc>, window_params = [{pipeline_mode = #tpu.pipeline_mode<synchronous>, transform_indices = @transform_0, window_bounds = array<i64: 10000, 80>}, {pipeline_mode = #tpu.pipeline_mode<synchronous>, transform_indices = @transform_1, window_bounds = array<i64: 10000, 80>}, {pipeline_mode = #tpu.pipeline_mode<synchronous>, transform_indices = @transform_2, window_bounds = array<i64: 10000, 128>}, {pipeline_mode = #tpu.pipeline_mode<synchronous>, transform_indices = @transform_3, window_bounds = array<i64: 128, 64>}, {pipeline_mode = #tpu.pipeline_mode<synchronous>, transform_indices = @transform_4, window_bounds = array<i64: 1, 64>}, {pipeline_mode = #tpu.pipeline_mode<synchronous>, transform_indices = @transform_5, window_bounds = array<i64: 64, 10000>}]} {
    %get3A = arith.constant 0 : index
    %get3A_0 = arith.constant 0 : index
    %get3A_1 = vector.load %arg1[%get3A, %get3A_0] : memref<10000x80xf32, #tpu.memory_space<vmem>>, vector<10000x80xf32>
    %get3A_2 = arith.constant 0 : index
    %get3A_3 = arith.constant 0 : index
    %get3A_4 = vector.load %arg2[%get3A_2, %get3A_3] : memref<10000x80xf32, #tpu.memory_space<vmem>>, vector<10000x80xf32>
    %add3A = arith.addf %get3A_1, %get3A_4 : vector<10000x80xf32>
    %slice3A = vector.extract_strided_slice %add3A {offsets = [0, 0], sizes = [10000, 64], strides = [1, 1]} : vector<10000x80xf32> to vector<10000x64xf32>
    %slice3A_5 = vector.extract_strided_slice %add3A {offsets = [0, 64], sizes = [10000, 1], strides = [1, 1]} : vector<10000x80xf32> to vector<10000x1xf32>
    %eq3A = arith.constant 0.000000e+00 : f32
    %eq3A_6 = vector.broadcast %eq3A : f32 to vector<10000x1xf32>
    %eq3A_7 = arith.cmpf oeq, %slice3A_5, %eq3A_6 : vector<10000x1xf32>
    %jit3A = arith.constant 1.000000e+00 : f32
    %broadcast_in_dim3A = vector.broadcast %jit3A : f32 to vector<10000x1xf32>
    %select_n3A = arith.select %eq3A_7, %broadcast_in_dim3A, %slice3A_5 : vector<10000x1xi1>, vector<10000x1xf32>
    %get3A_8 = arith.constant 0 : index
    %get3A_9 = arith.constant 0 : index
    %get3A_10 = vector.load %arg3[%get3A_8, %get3A_9] : memref<10000x128xf32, #tpu.memory_space<vmem>>, vector<10000x128xf32>
    %get3A_11 = arith.constant 0 : index
    %get3A_12 = arith.constant 0 : index
    %get3A_13 = vector.load %arg4[%get3A_11, %get3A_12] : memref<128x64xf32, #tpu.memory_space<vmem>>, vector<128x64xf32>
    %dot_general3A = arith.constant dense<0.000000e+00> : vector<10000x64xf32>
    %dot_general3A_14 = tpu.matmul %get3A_10, %get3A_13, %dot_general3A {dimension_numbers = #tpu.dot_dimension_numbers<[1], [0], [0], [1], [0, 0, 1, 1], [], []>, transpose_lhs_hint = false} : vector<10000x128xf32>, vector<128x64xf32>, vector<10000x64xf32> -> vector<10000x64xf32>
    %get3A_15 = arith.constant 0 : index
    %get3A_16 = arith.constant 0 : index
    %get3A_17 = vector.load %arg5[%get3A_15, %get3A_16] : memref<1x64xf32, #tpu.memory_space<vmem>>, vector<1x64xf32>
    %add3A_18 = vector.broadcast %get3A_17 : vector<1x64xf32> to vector<10000x64xf32>
    %add3A_19 = arith.addf %dot_general3A_14, %add3A_18 : vector<10000x64xf32>
    %div3A = vector.broadcast %select_n3A : vector<10000x1xf32> to vector<10000x64xf32>
    %div3A_20 = arith.divf %slice3A, %div3A : vector<10000x64xf32>
    %add3A_21 = arith.addf %div3A_20, %add3A_19 : vector<10000x64xf32>
    %transpose3A = tpu.transpose %add3A_21, [1, 0] : vector<10000x64xf32> -> vector<64x10000xf32>
    %swap3A = arith.constant 0 : index
    %swap3A_22 = arith.constant 0 : index
    %swap3A_23 = vector.load %arg6[%swap3A, %swap3A_22] : memref<64x10000xf32, #tpu.memory_space<vmem>>, vector<64x10000xf32>
    tpu.vector_store %arg6[%swap3A, %swap3A_22], %transpose3A {strides = array<i32>} : memref<64x10000xf32, #tpu.memory_space<vmem>>, vector<64x10000xf32>,
    return
  }
  func.func @transform_0(%arg0: i32) -> (i32, i32) {
    %c0_i32 = arith.constant 0 : i32
    %c0_i32_0 = arith.constant 0 : i32
    %c0_i32_1 = arith.constant 0 : i32
    return %c0_i32, %c0_i32_0 : i32, i32
  }
  func.func @transform_1(%arg0: i32) -> (i32, i32) {
    %c0_i32 = arith.constant 0 : i32
    %c0_i32_0 = arith.constant 0 : i32
    %c0_i32_1 = arith.constant 0 : i32
    return %c0_i32, %c0_i32_0 : i32, i32
  }
  func.func @transform_2(%arg0: i32) -> (i32, i32) {
    %c0_i32 = arith.constant 0 : i32
    %c0_i32_0 = arith.constant 0 : i32
    %c0_i32_1 = arith.constant 0 : i32
    return %c0_i32, %c0_i32_0 : i32, i32
  }
  func.func @transform_3(%arg0: i32) -> (i32, i32) {
    %c0_i32 = arith.constant 0 : i32
    %c0_i32_0 = arith.constant 0 : i32
    %c0_i32_1 = arith.constant 0 : i32
    return %c0_i32, %c0_i32_0 : i32, i32
  }
  func.func @transform_4(%arg0: i32) -> (i32, i32) {
    %c0_i32 = arith.constant 0 : i32
    %c0_i32_0 = arith.constant 0 : i32
    %c0_i32_1 = arith.constant 0 : i32
    return %c0_i32, %c0_i32_0 : i32, i32
  }
  func.func @transform_5(%arg0: i32) -> (i32, i32) {
    %c0_i32 = arith.constant 0 : i32
    %c0_i32_0 = arith.constant 0 : i32
    %c0_i32_1 = arith.constant 0 : i32
    return %c0_i32, %c0_i32_0 : i32, i32
  }
}

</mosaic_0001>

<sc_bundles>
// kernel: kernel.7.cloned.1.call-start
scs
__scs_entry_jumppad:
0x0: {  	(pc) =	sbr.rel $0x88, $3  }
0x1: {  	(tag) =	ssettag $0x0;
	lr =	simm.s32 $0x1  }
0x2: {  	[smem:$0x3F91] =	sst lr;
	_ =	strace $0xD0000000  }
0x3: {  	_ = 	snop  }
0x4: {  	_ = 	snop  }
0x5: {  	_ = 	snop  }
0x6: {  	_ = 	snop  }
0x7: {  	_ = 	snop  }
__scs_overlays_trampoline_lowered:
0x8: {  	[smem:$0x3FA0] =	sst s0  }
0x9: {  	[smem:$0x3FA1] =	sst s1  }
0xa: {  	[smem:$0x3FA2] =	sst s2  }
0xb: {  	[smem:$0x3FA3] =	sst s3  }
0xc: {  	[smem:$0x3FA4] =	sst s4  }
0xd: {  	[smem:$0x3FA5] =	sst s5  }
0xe: {  	[smem:$0x3FA6] =	sst s6  }
0xf: {  	[smem:$0x3FA7] =	sst s7  }
0x10: {  	[smem:$0x3FA8] =	sst s8  }
0x11: {  	[smem:$0x3FA9] =	sst s9;
	s0 =	simm.s32 @!p0 $0x0  }
0x12: {  	s1 =	sld [smem:$0x3F8F];
	s0 =	simm.s32 @p0 $0x1  }
0x13: {  	[smem:$0x3FAA] =	sst s0;
	s0 =	simm.s32 @!p1 $0x0  }
0x14: {  	s2 =	sld [smem:$0x3F8E];
	s0 =	simm.s32 @p1 $0x1  }
0x15: {  	[smem:$0x3FAB] =	sst s0;
	s0 =	simm.s32 @!p2 $0x0  }
0x16: {  	s3 =	sld [smem:$0x3FDB];
	s0 =	simm.s32 @p2 $0x1  }
0x17: {  	s4 =	simm.s32 $0x1BF5;
	[smem:$0x3FAD] =	sst s0  }
0x18: {  	s0 =	sld [smem:$0x3F90];
	_ =	swait.ge [sflag:s4], $0x0  }
0x19: {  	s7 =	sld [smem:$0x3F91]  }
0x1a: {  	s8 =	sadd.s32 $0xFFFFE003, lr  }
0x1b: {  	s9 =	sadd.s32 $0xFFFFFEF7, lr;
	s5 =	simm.s32 $0xFFFFFFFF;
	p2 =	slt.u32 s8, $0xFFFFF086  }
0x1c: {  	p1 =	slt.u32 s9, $0xF7A;
	s5 =	simm.s32 @!p2 $0x0  }
0x1d: {  	s5 =	simm.s32 @p1 $0x1;
	p0 =	seq.s32 s7, s2  }
0x1e: {  	s7 =	smul.u32 @!p0 $0xF7A, s2;
	p2 =	seq.s32 @!p0 s5, $0x0  }
0x1f: {  	s9 =	smul.u32 $0xF7A, s1;
	s8 =	simm.s32 @!p0 $0x1BF5;
	p2 =	por !p2, p0  }
0x20: {  	[sflag:s8] =	ssyncset.s32 @!p0 $0xFFFFF086;
	s6 =	sadd.s32 @!p0 s3, s7;
	s7 =	simm.s32 @!p0 $0x108  }
0x21: {  	s3 =	sadd.s32 s3, s9;
	s6 =	sadd.s32 @!p0 $0x88, s6;
	s7 =	simm.s32 @p2 $0x1082  }
0x22: {  	[simem:s7], [sflag:s8] =	dma.local @!p0 [hbm:s6], $0xF7A  }
0x23: {  	s9 =	sor.u32 $0xD0000000, s2;
	s6 =	simm.s32 $0x108;
	_ =	swait.ge @!p0 [sflag:s8], $0x0  }
0x24: {  	s3 =	sadd.s32 $0x88, s3;
	s6 =	simm.s32 @!p1 $0x1082;
	[sflag:s4] =	ssyncset.s32 $0xFFFFF086  }
0x25: {  	[simem:s6], [sflag:s4] =	dma.local [hbm:s3], $0xF7A  }
0x26: {  	[smem:$0x3F91] =	sst s1;
	(tag) =	ssettag s2;
	_ =	strace s9  }
0x27: {  	s1 =	sld [smem:$0x3FA1]  }
0x28: {  	s2 =	sld [smem:$0x3FA2]  }
0x29: {  	s4 =	sld [smem:$0x3FA4]  }
0x2a: {  	p0 =	seq.s32 s5, $0x0;
	s5 =	sld [smem:$0x3FA5]  }
0x2b: {  	s6 =	sld [smem:$0x3FA6]  }
0x2c: {  	s7 =	sld [smem:$0x3FA7]  }
0x2d: {  	s3 =	simm.s32 $0x108;
	s8 =	sld [smem:$0x3FA8]  }
0x2e: {  	s3 =	simm.s32 @!p0 $0x1082;
	s9 =	sld [smem:$0x3FA9]  }
0x2f: {  	lr =	sadd.s32 s0, s3;
	s0 =	sld [smem:$0x3FA0]  }
0x30: {  	s3 =	sld [smem:$0x3FA3]  }
0x31: {  	[smem:$0x3FAC] =	sst s10  }
0x32: {  	s10 =	sld [smem:$0x3FAA];
	_ =	sdelay $0x3  }
0x33: {  	p0 =	seq.s32 s10, $0x1;
	s10 =	sld [smem:$0x3FAC];
	_ =	sdelay $0x3  }
0x34: {  	[smem:$0x3FAC] =	sst s10  }
0x35: {  	s10 =	sld [smem:$0x3FAB];
	_ =	sdelay $0x3  }
0x36: {  	p1 =	seq.s32 s10, $0x1;
	s10 =	sld [smem:$0x3FAC];
	_ =	sdelay $0x3  }
0x37: {  	[smem:$0x3FAC] =	sst s10  }
0x38: {  	s10 =	sld [smem:$0x3FAD]  }
0x39: {  	_ = 	snop;
	(pc) =	sbr.ind lr, $3  }
0x3a: {  	_ = 	snop  }
0x3b: {  	_ = 	snop  }
0x3c: {  	p2 =	seq.s32 s10, $0x1;
	s10 =	sld [smem:$0x3FAC]  }
0x3d: {  	_ =	shalt  }
0x3e: {  	_ =	shalt  }
0x3f: {  	_ =	shalt  }
0x40: {  	_ =	shalt  }
0x41: {  	_ =	shalt  }
0x42: {  	_ =	shalt  }
0x43: {  	_ =	shalt  }
0x44: {  	_ =	shalt  }
0x45: {  	_ =	shalt  }
0x46: {  	_ =	shalt  }
0x47: {  	_ =	shalt  }
0x48: {  	_ =	shalt  }
0x49: {  	_ =	shalt  }
0x4a: {  	_ =	shalt  }
0x4b: {  	_ =	shalt  }
0x4c: {  	_ =	shalt  }
0x4d: {  	_ =	shalt  }
0x4e: {  	_ =	shalt  }
0x4f: {  	_ =	shalt  }
0x50: {  	_ =	shalt  }
0x51: {  	_ =	shalt  }
0x52: {  	_ =	shalt  }
0x53: {  	_ =	shalt  }
0x54: {  	_ =	shalt  }
0x55: {  	_ =	shalt  }
0x56: {  	_ =	shalt  }
0x57: {  	_ =	shalt  }
0x58: {  	_ =	shalt  }
0x59: {  	_ =	shalt  }
0x5a: {  	_ =	shalt  }
0x5b: {  	_ =	shalt  }
0x5c: {  	_ =	shalt  }
0x5d: {  	_ =	shalt  }
0x5e: {  	_ =	shalt  }
0x5f: {  	_ =	shalt  }
0x60: {  	_ =	shalt  }
0x61: {  	_ =	shalt  }
0x62: {  	_ =	shalt  }
0x63: {  	_ =	shalt  }
0x64: {  	_ =	shalt  }
0x65: {  	_ =	shalt  }
0x66: {  	_ =	shalt  }
0x67: {  	_ =	shalt  }
0x68: {  	_ =	shalt  }
0x69: {  	_ =	shalt  }
0x6a: {  	_ =	shalt  }
0x6b: {  	_ =	shalt  }
0x6c: {  	_ =	shalt  }
0x6d: {  	_ =	shalt  }
0x6e: {  	_ =	shalt  }
0x6f: {  	_ =	shalt  }
0x70: {  	_ =	shalt  }
0x71: {  	_ =	shalt  }
0x72: {  	_ =	shalt  }
0x73: {  	_ =	shalt  }
0x74: {  	_ =	shalt  }
0x75: {  	_ =	shalt  }
0x76: {  	_ =	shalt  }
0x77: {  	_ =	shalt  }
0x78: {  	_ =	shalt  }
0x79: {  	_ =	shalt  }
0x7a: {  	_ =	shalt  }
0x7b: {  	_ =	shalt  }
0x7c: {  	_ =	shalt  }
0x7d: {  	_ =	shalt  }
0x7e: {  	_ =	shalt  }
0x7f: {  	_ =	shalt  }
0x80: {  	_ =	shalt  }
0x81: {  	_ =	shalt  }
0x82: {  	_ =	shalt  }
0x83: {  	_ =	shalt  }
0x84: {  	_ =	shalt  }
0x85: {  	_ =	shalt  }
0x86: {  	_ =	shalt  }
0x87: {  	_ =	shalt  }
.Lfunc_end0:
.L_simem_size_0:
called_computation_lowered:
.L_overlay_start_0:
0x88: {  	s2 =	sld [smem:$0x3FD9]  }
0x89: {  	s3 =	sld [smem:$0x3FFE];
	_ =	sdelay $0x1  }
0x8a: {  	s1 =	srdreg.scid  }
0x8b: {  	s0 =	sand.u32 $0x1, s1  }
0x8c: {  	s14 =	sshll.u32 s0, $0xA;
	s2 =	sadd.s32 s3, s2  }
0x8d: {  	s2 =	sadd.s32 s2, s14  }
0x8e: {  	[smem:$0x3FB8] =	sst s2  }
0x8f: {  	_ = 	snop  }
0x90: {  	s2 =	sld [smem:$0x3FD0];
	_ =	sdelay $0x1  }
0x91: {  	s15 =	sld [smem:$0x3FC7]  }
0x92: {  	s5 =	simm.s32 $0xA;
	s6 =	simm.s32 $0x10;
	s4 =	sld [smem:$0x3FC6]  }
0x93: {  	[smem:s6], [sflag:s5] =	dma.local [hbm:s2], $0x1  }
0x94: {  	_ =	swait.eq [sflag:s5], $0x1  }
0x95: {  	[sflag:s5] =	ssyncset.done $0x0  }
0x96: {  	s16 =	sld [smem:$0x10];
	[sflag:s5] =	ssyncadd.s32 $0xFFFFFFFF  }
0x97: {  	s17 =	sld [smem:$0x11];
	(tm) =	ssettm $0x1  }
0x98: {  	s18 =	sld [smem:$0x3FFB];
	_ =	sdelay $0x3  }
0x99: {  	_ =	strace s18  }
0x9a: {  	s6 =	sld [smem:$0x3FFC];
	_ =	sdelay $0x3  }
0x9b: {  	_ =	strace s6  }
0x9c: {  	s6 =	sld [smem:$0x3FFD];
	_ =	sdelay $0x3  }
0x9d: {  	_ =	strace s6  }
0x9e: {  	_ =	strace $0x8FFFFFFF  }
0x9f: {  	s19 =	sld [smem:$0x3FDB];
	_ =	sdelay $0x1  }
0xa0: {  	s7 =	simm.s32 $_scs_section_size  }
0xa1: {  	s8 =	simm.s32 $_size__tile_overlayer_lowered;
	s9 =	simm.s32 $_tile_overlayer_lowered  }
0xa2: {  	s22 =	simm.s32 $0x1BFF;
	s21 =	sshll.u32 s9, $0x1;
	s6 =	sadd.s32 s7, s19  }
0xa3: {  	s10 =	simm.s32 $0x0;
	s20 =	sshll.u32 s8, $0x1;
	s8 =	sadd.s32 s21, s6  }
0xa4: {  	[timem:s10], [sflag:s22] =	dma.local [hbm:s8], s20  }
0xa5: {  	_ =	swait.ge [sflag:s22], s20  }
0xa6: {  	s7 =	ssub.s32 $0x0, s20;
	[sflag:s22] =	ssyncset.done $0x0  }
0xa7: {  	[sflag:s22] =	ssyncadd.s32 s7;
	_ =	sdelay $0x1  }
0xa8: {  	s23 =	simm.s32 $0x1B8B  }
0xa9: {  	_ =	swait.ge [sflag:s23], $0x1  }
0xaa: {  	[sflag:s23] =	ssyncset.done $0x0  }
0xab: {  	s25 =	simm.s32 $0x1B8E;
	s24 =	sld [smem:$0x3FFE];
	[sflag:s23] =	ssyncadd.s32 $0xFFFFFFFF  }
0xac: {  	s26 =	simm.s32 $execute0_lowered;
	[smem:$0x3FD2] =	sst s25  }
0xad: {  	s8 =	sshll.u32 s26, $0x1;
	_ =	strace $0x80000046;
	[dreg:$0x1] =	wrdreg $0xFFFFFFFF  }
0xae: {  	s28 =	simm.s32 $_size_execute0_lowered;
	s6 =	sadd.s32 s6, s8;
	[dreg:$0x0] =	wrdreg $0x0  }
0xaf: {  	s8 =	sshll.u32 s28, $0x1;
	[dreg:$0x2] =	wrdreg s6  }
0xb0: {  	[dreg:$0x3] =	wrdreg s8  }
0xb1: {  	[dreg:$0x4] =	wrdreg $0xC0  }
0xb2: {  	_ =	task [dreg:s10], $0x5FFFF  }
0xb3: {  	[dreg:$0x1] =	wrdreg $0xFFFFFFFF  }
0xb4: {  	[dreg:$0x0] =	wrdreg $0x60  }
0xb5: {  	[dreg:$0x2] =	wrdreg s16  }
0xb6: {  	[dreg:$0x3] =	wrdreg s24  }
0xb7: {  	[dreg:$0x4] =	wrdreg s17  }
0xb8: {  	[dreg:$0x5] =	wrdreg s15  }
0xb9: {  	[dreg:$0x6] =	wrdreg s4  }
0xba: {  	[dreg:$0x7] =	wrdreg $0x122500  }
0xbb: {  	[dreg:$0x8] =	wrdreg $0x9  }
0xbc: {  	_ =	task.clear_ibuf [dreg:s10], $0x9FFFF;
	_ =	strace $0x90000046  }
0xbd: {  	s29 =	simm.s32 $0x9;
	_ =	strace $0x80000048  }
0xbe: {  	_ =	swait.ge [sflag:s29], $0x1  }
0xbf: {  	[sflag:s29] =	ssyncadd.s32 $0xFFFFFFFF  }
0xc0: {  	_ =	strace $0x90000048  }
0xc1: {  	_ =	sfence  }
0xc2: {  	s30 =	sld [smem:$0x0];
	_ =	sdelay $0x2  }
0xc3: {  	s31 =	sshll.u32 s1, $0xD;
	s1 =	sshrl.u32 s1, $0x2  }
0xc4: {  	s3 =	sand.u32 $0x4000, s31;
	s1 =	sadd.s32 s1, s30  }
0xc5: {  	s0 =	sor.u32 s3, s0;
	s1 =	sshll.u32 s1, $0x11  }
0xc6: {  	s0 =	sor.u32 s1, s0  }
0xc7: {  	s0 =	sadd.s32 $0x8F2B, s0  }
0xc8: {  	[sflag:s0] =	ssyncadd.remote.s32 $0x1  }
0xc9: {  	_ =	sfence.sel $0xFFFF  }
0xca: {  	[dreg:$0x0] =	wrdreg $0xFFFFFFFF;
	(pc) =	sbr.abs _section_cstart, $3  }
0xcb: {  	[dreg:$0x1] =	wrdreg $0xFFFFFFFF  }
0xcc: {  	_ =	task.clear_ibuf [dreg:s10], $0x2FFFF;
	_ =	strace $0x9FFFFFFF  }
0xcd: {  	(tm) =	ssettm $0x7FFFFFFF  }
tec
execute0_lowered:
.L_overlay_start_1:
0x0: {  	(tag) =	ssettag $0x1  }
0x1: {  	s1 =	rddreg [dreg:$0x0]  }
0x2: {  	s0 =	rddreg [dreg:$0x1]  }
0x3: {  	s3 =	rddreg [dreg:$0x2]  }
0x4: {  	s4 =	rddreg [dreg:$0x3]  }
0x5: {  	s11 =	rddreg [dreg:$0x4]  }
0x6: {  	s2 =	rddreg [dreg:$0x5];
	s5 =	simm.s32 $0x0;
	s21 =	stileid.u32  }
0x7: {  	s9 =	srdreg.scid;
	s17 =	simm.s32 $0xFFFFFFF0;
	s31 =	simm.s32 $0xE060  }
0x8: {  	s30 =	simm.s32 $0x0;
	[smem:$0x7FF] =	sst s5;
	s5 =	sadd.s32 $0x15000, s0  }
0x9: {  	s6 =	sadd.s32 $0x1600, s0;
	s7 =	sadd.s32 $0x29000, s0;
	s8 =	sadd.s32 $0x28A00, s0  }
0xa: {  	s12 =	sand.u32 $0x8, s21;
	s10 =	sand.u32 $0x1, s9;
	s13 =	sshll.u32 s21, $0x1  }
0xb: {  	s9 =	sadd.s32 $0x29600, s0;
	p0 =	sgt.u32 s21, $0x7;
	s18 =	smul.u32 $0xC300, s21  }
0xc: {  	s20 =	smul.u32 $0x30C00, s21;
	_ =	strace $0x80000047;
	s14 =	sadd.s32 s12, s0  }
0xd: {  	s13 =	sor.u32 s10, s13;
	s0 =	sadd.s32 $0x33400, s0;
	s15 =	ssub.s32 $0x2, s10  }
0xe: {  	s17 =	simm.s32 @!p0 $0x0;
	s25 =	smul.u32 $0xC3500, s10;
	p0 =	sne.s32 s21, $0xF  }
0xf: {  	s21 =	simm.s32 $0x80;
	s16 =	smul.u32 $0x4E2, s13;
	s19 =	sshrl.u32 s15, $0x1  }
0x10: {  	s24 =	sadd.s32 s13, s17;
	s28 =	sadd.s32 s18, s2;
	s29 =	sadd.s32 $0x64200, s14  }
0x11: {  	s14 =	simm.s32 $0x5;
	s15 =	ssub.s32 s15, s19;
	s10 =	smul.u32 $0x2710, s24  }
0x12: {  	s18 =	sadd.s32 s18, s25;
	s17 =	sshrl.u32 s25, $0x3;
	[dreg:$0x9] =	wrdreg s28  }
0x13: {  	s4 =	sadd.s32 s4, s16;
	s26 =	sadd.s32 s11, s16;
	s11 =	sshrl.u32 s20, $0x2  }
0x14: {  	s23 =	smul.u32 $0x138800, s24;
	[dreg:$0x7] =	wrdreg s4;
	s4 =	sadd.s32 s11, s2  }
0x15: {  	[dreg:$0x8] =	wrdreg s26;
	s11 =	sshrl.u32 s18, $0x3;
	s20 =	sadd.s32 $0x1900, s4  }
0x16: {  	s24 =	smul.u32 $0x27100, s24;
	s11 =	sadd.s32 s0, s11;
	[dreg:$0xa] =	wrdreg s20  }
0x17: {  	s0 =	sadd.s32 s0, s17;
	s22 =	sadd.s32 $0x3200, s4;
	[dreg:$0xb] =	wrdreg s11  }
0x18: {  	s17 =	sadd.s32 s12, s3;
	s25 =	sadd.s32 $0x4B00, s4;
	[dreg:$0xc] =	wrdreg s22  }
0x19: {  	s26 =	sadd.s32 $0x6400, s4;
	s18 =	sadd.s32 $0x7D00, s4;
	[dreg:$0xd] =	wrdreg s25  }
0x1a: {  	s19 =	sadd.s32 $0x9600, s4;
	s4 =	sadd.s32 $0xAF00, s4;
	[dreg:$0xe] =	wrdreg s26  }
0x1b: {  	s3 =	sshrl.u32 s23, $0x3;
	s23 =	smax.u32 s15, $0x1;
	[dreg:$0xf] =	wrdreg s18  }
0x1c: {  	s15 =	simm.s32 $0x2710;
	s12 =	simm.s32 $0x0;
	[dreg:$0x10] =	wrdreg s19  }
0x1d: {  	[dreg:$0x11] =	wrdreg s4;
	s20 =	sadd.s32 s9, s16;
	s22 =	sadd.s32 $0x26C00, s24  }
0x1e: {  	s24 =	smul.u32 $0x7D, s13;
	s0 =	sadd.s32 $0x18600, s0;
	[dreg:$0x14] =	wrdreg s23  }
0x1f: {  	s25 =	sadd.s32 s17, s3;
	s13 =	sadd.s32 $0xC3000, s2;
	s3 =	simm.s32 $0x9E70  }
0x20: {  	s11 =	simm.s32 $0x50;
	s18 =	simm.s32 $0xB7C0;
	[dreg:$0x12] =	wrdreg s20  }
0x21: {  	s19 =	simm.s32 $0xB810;
	s23 =	simm.s32 $0x1;
	[dreg:$0x13] =	wrdreg s0  }
0x22: {  	s4 =	sand.u32 $0x1FFFFF00, s22;
	[dreg:$0x15] =	wrdreg s25;
	s20 =	simm.s32 $0x40  }
0x23: {  	s22 =	simm.s32 $0x7670;
	[dreg:$0x17] =	wrdreg s13;
	s26 =	sadd.s32 s29, s4  }
0x24: {  	v0 =	vimm.f32 $0.0e+00;
	vm0 =	vmmov $0x1;
	s25 =	simm.s32 $0x3;
	[dreg:$0x16] =	wrdreg s26;
	s26 =	simm.s32 $0x2  }
.LBB2_1:
0x25: {  	[dreg:$0x18] =	wrdreg s12  }
0x26: {  	s0 =	simm.s32 $0x0;
	s4 =	rddreg [dreg:$0x7]  }
0x27: {  	[tilespmem:s0], [sflag:$0x5] =	stream.linear.gather [hbm4b:s4+s0], $0x2710, $0x38;
	[tilespmem:$0x1E5A0] =	vst v63  }
0x28: {  	_ =	swait.ge [sflag:s14], $0x2710  }
0x29: {  	[sflag:s14] =	ssyncset.done $0x0  }
0x2a: {  	s16 =	rddreg [dreg:$0x8];
	[sflag:s14] =	ssyncadd.s32 $0xFFFFD8F0  }
0x2b: {  	[tilespmem:s15], [sflag:$0x5] =	stream.linear.gather [hbm4b:s16+s0], $0x2710, $0x38;
	[tilespmem:$0x1E5A0] =	vst v63  }
0x2c: {  	_ =	swait.ge [sflag:s14], $0x2710  }
0x2d: {  	[sflag:s14] =	ssyncset.done $0x0  }
0x2e: {  	s4 =	simm.s32 $0x140;
	s0 =	simm.s32 $0x0;
	[sflag:s14] =	ssyncadd.s32 $0xFFFFD8F0  }
.LBB2_2:
0x2f: {  	p1 =	sne.s32 s4, $0x62C0;
	[tilespmem:s0+$0x9EB0] =	vst v0;
	s12 =	smov.u32 s4;
	s4 =	sadd.s32 $0x140, s4  }
.Ltmp0:
0x30: {  	[tilespmem:s0+$0x9EA0] =	vst v0;
	(pc) =	sbr.rel @p1 .LBB2_2-.Ltmp0, $4  }
0x31: {  	[tilespmem:s0+$0x9E90] =	vst v0  }
0x32: {  	[tilespmem:s0+$0x9E70] =	vst v0  }
0x33: {  	[tilespmem:s0+$0x9E80] =	vst v0  }
0x34: {  	s0 =	sshra.s32 s12, $0x2  }
0x35: {  	[tilespmem:s0+$0x9EB0] =	vst v0  }
0x36: {  	[tilespmem:s0+$0x9EA0] =	vst v0  }
0x37: {  	[tilespmem:s0+$0x9E90] =	vst v0  }
0x38: {  	[tilespmem:s0+$0x9E70] =	vst v0  }
0x39: {  	[tilespmem:s0+$0x9E80] =	vst v0  }
0x3a: {  	[spmem:s28] =	stream.linear.scatter [tilespmem:s3], [sflag:$0x5], $0x1900, $0x38;
	[tilespmem:$0x1E5A0] =	vst v63  }
0x3b: {  	_ =	swait.ge [sflag:s14], $0x1900  }
0x3c: {  	[sflag:s14] =	ssyncset.done $0x0  }
0x3d: {  	s12 =	rddreg [dreg:$0xa];
	[sflag:s14] =	ssyncadd.s32 $0xFFFFE700  }
0x3e: {  	[spmem:s12] =	stream.linear.scatter [tilespmem:s3], [sflag:$0x5], $0x1900, $0x38;
	[tilespmem:$0x1E5A0] =	vst v63  }
0x3f: {  	_ =	swait.ge [sflag:s14], $0x1900  }
0x40: {  	[sflag:s14] =	ssyncset.done $0x0  }
0x41: {  	s16 =	rddreg [dreg:$0xc];
	[sflag:s14] =	ssyncadd.s32 $0xFFFFE700  }
0x42: {  	[spmem:s16] =	stream.linear.scatter [tilespmem:s3], [sflag:$0x5], $0x1900, $0x38;
	[tilespmem:$0x1E5A0] =	vst v63  }
0x43: {  	_ =	swait.ge [sflag:s14], $0x1900  }
0x44: {  	[sflag:s14] =	ssyncset.done $0x0  }
0x45: {  	s28 =	rddreg [dreg:$0xd];
	[sflag:s14] =	ssyncadd.s32 $0xFFFFE700  }
0x46: {  	[spmem:s28] =	stream.linear.scatter [tilespmem:s3], [sflag:$0x5], $0x1900, $0x38;
	[tilespmem:$0x1E5A0] =	vst v63  }
0x47: {  	_ =	swait.ge [sflag:s14], $0x1900  }
0x48: {  	[sflag:s14] =	ssyncset.done $0x0  }
0x49: {  	s4 =	rddreg [dreg:$0xe];
	[sflag:s14] =	ssyncadd.s32 $0xFFFFE700  }
0x4a: {  	[spmem:s4] =	stream.linear.scatter [tilespmem:s3], [sflag:$0x5], $0x1900, $0x38;
	[tilespmem:$0x1E5A0] =	vst v63  }
0x4b: {  	_ =	swait.ge [sflag:s14], $0x1900  }
0x4c: {  	[sflag:s14] =	ssyncset.done $0x0  }
0x4d: {  	s12 =	rddreg [dreg:$0xf];
	[sflag:s14] =	ssyncadd.s32 $0xFFFFE700  }
0x4e: {  	[spmem:s12] =	stream.linear.scatter [tilespmem:s3], [sflag:$0x5], $0x1900, $0x38;
	[tilespmem:$0x1E5A0] =	vst v63  }
0x4f: {  	_ =	swait.ge [sflag:s14], $0x1900  }
0x50: {  	[sflag:s14] =	ssyncset.done $0x0  }
0x51: {  	s16 =	rddreg [dreg:$0x10];
	[sflag:s14] =	ssyncadd.s32 $0xFFFFE700  }
0x52: {  	[spmem:s16] =	stream.linear.scatter [tilespmem:s3], [sflag:$0x5], $0x1900, $0x38;
	[tilespmem:$0x1E5A0] =	vst v63  }
0x53: {  	_ =	swait.ge [sflag:s14], $0x1900  }
0x54: {  	[sflag:s14] =	ssyncset.done $0x0  }
0x55: {  	s28 =	rddreg [dreg:$0x11];
	[sflag:s14] =	ssyncadd.s32 $0xFFFFE700  }
0x56: {  	[spmem:s28] =	stream.linear.scatter [tilespmem:s3], [sflag:$0x5], $0x1400, $0x38;
	[tilespmem:$0x1E5A0] =	vst v63  }
0x57: {  	_ =	swait.ge [sflag:s14], $0x1400  }
0x58: {  	[sflag:s14] =	ssyncset.done $0x0  }
0x59: {  	s0 =	simm.s32 @!p0 $0x9E70;
	[sflag:s14] =	ssyncadd.s32 $0xFFFFEC00  }
0x5a: {  	[spmem:s13] =	stream.linear.scatter @!p0 [tilespmem:s0], [sflag:$0x5], $0x500, $0x38;
	[tilespmem:$0x1E5A0] =	vst v63  }
0x5b: {  	s0 =	simm.s32 @!p0 $0x5  }
0x5c: {  	_ =	swait.ge @!p0 [sflag:s0], $0x500  }
0x5d: {  	[sflag:s0] =	ssyncset.done @!p0 $0x0  }
0x5e: {  	[sflag:s0] =	ssyncadd.s32 @!p0 $0xFFFFFB00  }
0x5f: {  	s4 =	simm.s32 $0x4E70;
	[bflag:$0x0] =	sbarrier.arrive $0xFFFF  }
0x60: {  	[tilespmem:s4], [sflag:$0x1] =	stream.indirect.gather [hbm4b:s1+s11], $0x40, s30, s11, $0xb8;
	[tilespmem:$0x1E5A0] =	vst v63  }
0x61: {  	s12 =	simm.s32 $0x6270  }
0x62: {  	[tilespmem:s12], [sflag:$0x1] =	stream.indirect.gather [hbm4b:s5+s11], $0x40, s15, s11, $0xb8;
	[tilespmem:$0x1E5A0] =	vst v63  }
0x63: {  	s13 =	simm.s32 $0x8A70  }
0x64: {  	[tilespmem:s13], [sflag:$0x1] =	stream.indirect.gather [hbm4b:s6+s11], $0x40, s30, s11, $0xb8;
	[tilespmem:$0x1E5A0] =	vst v63  }
0x65: {  	s14 =	simm.s32 $0xB770  }
0x66: {  	[tilespmem:s14], [sflag:$0x1] =	stream.indirect.gather [hbm4b:s7+s11], $0x1, s30, s11, $0xb8;
	[tilespmem:$0x1E5A0] =	vst v63  }
0x67: {  	_ = 	snop  }
0x68: {  	[tilespmem:s18], [sflag:$0x1] =	stream.indirect.gather [hbm4b:s8+s11], $0x1, s15, s11, $0xb8;
	[tilespmem:$0x1E5A0] =	vst v63  }
0x69: {  	s16 =	rddreg [dreg:$0x12]  }
0x6a: {  	[tilespmem:s19], [sflag:$0x1] =	stream.linear.gather [hbm4b:s16+s30], $0x50, $0x38;
	[tilespmem:$0x1E5A0] =	vst v63  }
0x6b: {  	s28 =	rddreg [dreg:$0x15];
	s4 =	simm.s32 $0x0  }
0x6c: {  	[tilespmem:s22], [sflag:$0x1] =	stream.strided.gather [hbm4b:s28+s20], $0x1400, s21, s20, $0x38;
	[tilespmem:$0x1E5A0] =	vst v63  }
.LBB2_4:
0x6d: {  	p1 =	seq.s32 s4, $0x0  }
0x6e: {  	s12 =	simm.s32 @!p1 $0x4  }
0x6f: {  	_ =	swait.ge @!p1 [sflag:s12], $0x1400  }
0x70: {  	s0 =	sshll.u32 s4, $0x1;
	[sflag:s12] =	ssyncset.done @!p1 $0x0  }
0x71: {  	s14 =	sor.u32 @!p1 $0x1, s0;
	[sflag:s12] =	ssyncadd.s32 @!p1 $0xFFFFEC00  }
0x72: {  	s14 =	simm.s32 @p1 $0x1;
	_ =	swait.ge @!p1 [sflag:s12], $0x1900  }
0x73: {  	s15 =	smul.u32 $0x50, s14;
	[sflag:s12] =	ssyncset.done @!p1 $0x0  }
0x74: {  	s13 =	simm.s32 $0xB860;
	[sflag:s12] =	ssyncadd.s32 @!p1 $0xFFFFE700  }
0x75: {  	[tilespmem:s13], [sflag:$0x2] =	stream.indirect.gather [hbm4b:s1+s11], $0x40, s15, s11, $0xb8;
	[tilespmem:$0x1E5A0] =	vst v63  }
0x76: {  	s16 =	simm.s32 $0xCC60;
	s13 =	sadd.s32 $0x2710, s15  }
0x77: {  	[tilespmem:s16], [sflag:$0x2] =	stream.indirect.gather [hbm4b:s5+s11], $0x40, s13, s11, $0xb8;
	[tilespmem:$0x1E5A0] =	vst v63  }
0x78: {  	s14 =	sadd.s32 s24, s14;
	s16 =	simm.s32 $0xF460  }
0x79: {  	[tilespmem:s16], [sflag:$0x2] =	stream.indirect.gather [hbm4b:s6+s11], $0x40, s15, s11, $0xb8;
	[tilespmem:$0x1E5A0] =	vst v63  }
0x7a: {  	s12 =	smul.u32 $0xA, s14;
	s14 =	sadd.s32 s10, s15;
	s16 =	simm.s32 $0x12160  }
0x7b: {  	[tilespmem:s16], [sflag:$0x2] =	stream.indirect.gather [hbm4b:s7+s11], $0x1, s15, s11, $0xb8;
	[tilespmem:$0x1E5A0] =	vst v63  }
0x7c: {  	s16 =	simm.s32 $0x121B0;
	s15 =	sshll.u32 s14, $0x4  }
0x7d: {  	[tilespmem:s16], [sflag:$0x2] =	stream.indirect.gather [hbm4b:s8+s11], $0x1, s13, s11, $0xb8;
	[tilespmem:$0x1E5A0] =	vst v63  }
0x7e: {  	s12 =	sadd.s32 s9, s12;
	s28 =	sand.u32 $0x1FFFFF00, s15;
	s16 =	simm.s32 $0x12200  }
0x7f: {  	[tilespmem:s16], [sflag:$0x2] =	stream.linear.gather [hbm4b:s12+s30], $0x50, $0x38;
	[tilespmem:$0x1E5A0] =	vst v63  }
0x80: {  	s12 =	sadd.s32 s17, s28  }
0x81: {  	[tilespmem:s31], [sflag:$0x2] =	stream.strided.gather [hbm4b:s12+s20], $0x1400, s21, s20, $0x38;
	[tilespmem:$0x1E5A0] =	vst v63  }
0x82: {  	_ =	swait.ge [sflag:s23], $0x1400  }
0x83: {  	[sflag:s23] =	ssyncset.done $0x0  }
0x84: {  	[sflag:s23] =	ssyncadd.s32 $0xFFFFEC00  }
0x85: {  	_ =	swait.ge [sflag:s23], $0x1400  }
0x86: {  	[sflag:s23] =	ssyncset.done $0x0  }
0x87: {  	[sflag:s23] =	ssyncadd.s32 $0xFFFFEC00  }
0x88: {  	_ =	swait.ge [sflag:s23], $0x1400  }
0x89: {  	[sflag:s23] =	ssyncset.done $0x0  }
0x8a: {  	[sflag:s23] =	ssyncadd.s32 $0xFFFFEC00  }
0x8b: {  	_ =	swait.ge [sflag:s23], $0x1400  }
0x8c: {  	[sflag:s23] =	ssyncset.done $0x0  }
0x8d: {  	[sflag:s23] =	ssyncadd.s32 $0xFFFFEC00  }
0x8e: {  	_ =	swait.ge [sflag:s23], $0x50  }
0x8f: {  	[sflag:s23] =	ssyncset.done $0x0  }
0x90: {  	[sflag:s23] =	ssyncadd.s32 $0xFFFFFFB0  }
0x91: {  	_ =	swait.ge [sflag:s23], $0x50  }
0x92: {  	[sflag:s23] =	ssyncset.done $0x0  }
0x93: {  	[sflag:s23] =	ssyncadd.s32 $0xFFFFFFB0  }
0x94: {  	_ =	swait.ge [sflag:s23], $0x50  }
0x95: {  	[sflag:s23] =	ssyncset.done $0x0  }
0x96: {  	s12 =	simm.s32 $0x0;
	[sflag:s23] =	ssyncadd.s32 $0xFFFFFFB0  }
0x97: {  	v1 =	vld [tilespmem:s12+$0x4E70]  }
0x98: {  	v3 =	vld [tilespmem:s12+$0x6270]  }
0x99: {  	v2 =	vld [tilespmem:s12+$0x4E80]  }
0x9a: {  	v5 =	vld [tilespmem:s12+$0x6280]  }
0x9b: {  	v4 =	vld [tilespmem:s12+$0x4E90]  }
0x9c: {  	v7 =	vld [tilespmem:s12+$0x6290]  }
0x9d: {  	s16 =	smul.u32 $0xA0, s4;
	v6 =	vld [tilespmem:s12+$0x4EA0]  }
0x9e: {  	v8 =	vld [tilespmem:s12+$0x62A0]  }
0x9f: {  	s15 =	simm.s32 $0x100;
	s14 =	sadd.s32 s10, s16;
	v9 =	vld [tilespmem:s12+$0x7670]  }
.LBB2_5:
0xa0: {  	p1 =	sne.s32 s15, $0x4F00;
	v10 =	vld [tilespmem:s12+$0x7680]  }
0xa1: {  	v11 =	vld [tilespmem:s12+$0x7690]  }
0xa2: {  	s16 =	sshra.s32 s15, $0x2;
	v12 =	vadd.f32 v3, v1;
	v13 =	vld [tilespmem:s12+$0x76A0]  }
0xa3: {  	v5 =	vadd.f32 v5, v2;
	v1 =	vld [tilespmem:s16+$0x4E70]  }
0xa4: {  	v4 =	vadd.f32 v7, v4;
	v3 =	vld [tilespmem:s16+$0x6270];
	v9 =	vadd.f32 v9, v12  }
0xa5: {  	v6 =	vadd.f32 v8, v6;
	v2 =	vld [tilespmem:s16+$0x4E80];
	v7 =	vadd.f32 v10, v5  }
0xa6: {  	v5 =	vld [tilespmem:s16+$0x6280];
	[tilespmem:s12+$0x7670] =	vst v9;
	v8 =	vadd.f32 v11, v4  }
.Ltmp1:
0xa7: {  	v4 =	vld [tilespmem:s16+$0x4E90];
	[tilespmem:s12+$0x7680] =	vst v7;
	v9 =	vadd.f32 v13, v6;
	(pc) =	sbr.rel @p1 .LBB2_5-.Ltmp1, $4  }
0xa8: {  	v7 =	vld [tilespmem:s16+$0x6290];
	[tilespmem:s12+$0x7690] =	vst v8  }
0xa9: {  	v6 =	vld [tilespmem:s16+$0x4EA0];
	[tilespmem:s12+$0x76A0] =	vst v9;
	s12 =	smov.u32 s16  }
0xaa: {  	v8 =	vld [tilespmem:s12+$0x62A0]  }
0xab: {  	s15 =	sadd.s32 $0x100, s15;
	v9 =	vld [tilespmem:s12+$0x7670]  }
0xac: {  	v10 =	vld [tilespmem:s12+$0x7680]  }
0xad: {  	v11 =	vld [tilespmem:s12+$0x7690]  }
0xae: {  	v1 =	vadd.f32 v3, v1;
	v3 =	vld [tilespmem:s12+$0x76A0]  }
0xaf: {  	v2 =	vadd.f32 v5, v2  }
0xb0: {  	v4 =	vadd.f32 v7, v4;
	v1 =	vadd.f32 v9, v1  }
0xb1: {  	v50 =	vadd.f32 v8, v6;
	v2 =	vadd.f32 v10, v2  }
0xb2: {  	[tilespmem:s12+$0x7670] =	vst v1;
	v1 =	vadd.f32 v11, v4  }
0xb3: {  	s14 =	sshll.u32 s14, $0x4;
	[tilespmem:s12+$0x7680] =	vst v2;
	v2 =	vadd.f32 v3, v50  }
0xb4: {  	s14 =	sand.u32 $0x1FFFFF00, s14;
	[tilespmem:s12+$0x7690] =	vst v1  }
0xb5: {  	s16 =	sadd.s32 s29, s14;
	[tilespmem:s12+$0x76A0] =	vst v2  }
0xb6: {  	[hbm4b:s16+s20] =	stream.strided.scatter [tilespmem:s22], [sflag:$0x3], $0x1400, s21, s20, $0x38;
	[tilespmem:$0x1E5A0] =	vst v63  }
0xb7: {  	v1 =	vld [tilespmem:$0xB770]  }
0xb8: {  	v2 =	vld [tilespmem:$0xB7C0]  }
0xb9: {  	v3 =	vld [tilespmem:$0xB810]  }
0xba: {  	v51 =	vld [tilespmem:$0xB780]  }
0xbb: {  	v52 =	vld [tilespmem:$0xB7D0]  }
0xbc: {  	v53 =	vld [tilespmem:$0xB820]  }
0xbd: {  	v54 =	vld [tilespmem:$0xB790]  }
0xbe: {  	v55 =	vld [tilespmem:$0xB7E0]  }
0xbf: {  	v56 =	vld [tilespmem:$0xB830]  }
0xc0: {  	v57 =	vld [tilespmem:$0xB7F0];
	v1 =	vadd.f32 v2, v1  }
0xc1: {  	v58 =	vld [tilespmem:$0xB800]  }
0xc2: {  	v2 =	vld [tilespmem:$0xB7A0];
	v1 =	vadd.f32 v3, v1  }
0xc3: {  	v3 =	vld [tilespmem:$0xB7B0]  }
0xc4: {  	v59 =	vld [tilespmem:$0xB840];
	v4 =	vadd.f32 v52, v51;
	v12 =	vmul.f32 $9.999999770e-03, v1  }
0xc5: {  	v13 =	vld [tilespmem:$0xB850];
	vm1 =	vge.f32 v1, $0.0e+00  }
0xc6: {  	v60 =	vadd.f32 v55, v54;
	v4 =	vadd.f32 v53, v4;
	v1 =	vsel vm1, v1, v12  }
0xc7: {  	v2 =	vadd.f32 v57, v2;
	v1 =	vmul.f32 $1.442695020e+00, v1  }
0xc8: {  	v6 =	vadd.f32 v56, v60;
	v61 =	vmul.f32 $9.999999770e-03, v4;
	v3 =	vadd.f32 v58, v3  }
0xc9: {  	vm1 =	vge.f32 v4, $0.0e+00;
	(erf) = vpow2.f32 v1;
	v1 =	vadd.f32 v59, v2  }
0xca: {  	v62 =	vmul.f32 $9.999999770e-03, v6;
	v2 =	vsel vm1, v4, v61;
	v3 =	vadd.f32 v13, v3  }
0xcb: {  	vm1 =	vge.f32 v6, $0.0e+00;
	v2 =	vmul.f32 $1.442695020e+00, v2;
	v5 =	vmul.f32 $9.999999770e-03, v1  }
0xcc: {  	v4 =	vsel vm1, v6, v62;
	vm1 =	vge.f32 v1, $0.0e+00;
	v63 =	vmul.f32 $9.999999770e-03, v3  }
0xcd: {  	v4 =	vmul.f32 $1.442695020e+00, v4;
	v1 =	vsel vm1, v1, v5;
	vm1 =	vge.f32 v3, $0.0e+00  }
0xce: {  	(erf) = vpow2.f32 v2;
	v1 =	vmul.f32 $1.442695020e+00, v1;
	v2 =	vsel vm1, v3, v63  }
0xcf: {  	(erf) = vpow2.f32 v4;
	v2 =	vmul.f32 $1.442695020e+00, v2  }
0xd0: {  	(erf) = vpow2.f32 v1  }
0xd1: {  	(erf) = vpow2.f32 v2;
	_ =	sdelay $0x4  }
0xd2: {  	v1 =	vpop (erf)  }
0xd3: {  	[tilespmem:$0x4E20] =	vst v1;
	v2 =	vpop (erf)  }
0xd4: {  	v1 =	vpop (erf);
	[tilespmem:$0x4E30] =	vst v2  }
0xd5: {  	[tilespmem:$0x4E40] =	vst v1;
	v2 =	vpop (erf)  }
0xd6: {  	[tilespmem:$0x4E50] =	vst v2;
	v1 =	vpop (erf)  }
0xd7: {  	s15 =	simm.s32 $0xA0F0;
	s14 =	simm.s32 $0x8C70;
	s12 =	simm.s32 $0x0;
	[tilespmem:$0x4E60] =	vst v1  }
.LBB2_7:
0xd8: {  	s16 =	sshra.s32 s12, $0x2  }
0xd9: {  	v1 =	vld [tilespmem:s16+$0x4E20];
	_ =	sdelay $0x1  }
0xda: {  	v2 =	vld [tilespmem:s14+$0xFFFFFE00];
	_ =	sdelay $0x2  }
0xdb: {  	v3 =	vbroadcast v1, $0x0;
	_ =	sdelay $0x1  }
0xdc: {  	v2 =	vmul.f32 v3, v2;
	_ =	sdelay $0x1  }
0xdd: {  	[tilespmem:s15+$0xFFFFFD80] =	vst v2  }
0xde: {  	v2 =	vld [tilespmem:s14+$0xFFFFFE10];
	_ =	sdelay $0x4  }
0xdf: {  	v2 =	vmul.f32 v2, v3;
	_ =	sdelay $0x1  }
0xe0: {  	[tilespmem:s15+$0xFFFFFD90] =	vst v2  }
0xe1: {  	v2 =	vld [tilespmem:s14+$0xFFFFFE20];
	_ =	sdelay $0x4  }
0xe2: {  	v2 =	vmul.f32 v2, v3;
	_ =	sdelay $0x1  }
0xe3: {  	[tilespmem:s15+$0xFFFFFDA0] =	vst v2  }
0xe4: {  	v2 =	vld [tilespmem:s14+$0xFFFFFE30];
	_ =	sdelay $0x4  }
0xe5: {  	v2 =	vmul.f32 v2, v3;
	_ =	sdelay $0x1  }
0xe6: {  	[tilespmem:s15+$0xFFFFFDB0] =	vst v2;
	v2 =	vnsel vm0, $0x0, v1  }
0xe7: {  	[tilespmem:s15+$0xFFFFFDC0] =	vst v2  }
0xe8: {  	v2 =	vld [tilespmem:s14+$0xFFFFFE40];
	_ =	sdelay $0x2  }
0xe9: {  	v3 =	vbroadcast v1, $0x1;
	_ =	sdelay $0x1  }
0xea: {  	v2 =	vmul.f32 v2, v3;
	_ =	sdelay $0x1  }
0xeb: {  	[tilespmem:s15+$0xFFFFFDD0] =	vst v2  }
0xec: {  	v2 =	vld [tilespmem:s14+$0xFFFFFE50];
	_ =	sdelay $0x4  }
0xed: {  	v2 =	vmul.f32 v2, v3;
	_ =	sdelay $0x1  }
0xee: {  	[tilespmem:s15+$0xFFFFFDE0] =	vst v2  }
0xef: {  	v2 =	vld [tilespmem:s14+$0xFFFFFE60];
	_ =	sdelay $0x4  }
0xf0: {  	v2 =	vmul.f32 v2, v3;
	_ =	sdelay $0x1  }
0xf1: {  	[tilespmem:s15+$0xFFFFFDF0] =	vst v2  }
0xf2: {  	v2 =	vld [tilespmem:s14+$0xFFFFFE70];
	_ =	sdelay $0x4  }
0xf3: {  	v2 =	vmul.f32 v2, v3;
	_ =	sdelay $0x1  }
0xf4: {  	[tilespmem:s15+$0xFFFFFE00] =	vst v2;
	v2 =	vnsel vm0, $0x0, v3  }
0xf5: {  	[tilespmem:s15+$0xFFFFFE10] =	vst v2  }
0xf6: {  	v2 =	vld [tilespmem:s14+$0xFFFFFE80];
	_ =	sdelay $0x2  }
0xf7: {  	v3 =	vbroadcast v1, $0x2;
	_ =	sdelay $0x1  }
0xf8: {  	v2 =	vmul.f32 v2, v3;
	_ =	sdelay $0x1  }
0xf9: {  	[tilespmem:s15+$0xFFFFFE20] =	vst v2  }
0xfa: {  	v2 =	vld [tilespmem:s14+$0xFFFFFE90];
	_ =	sdelay $0x4  }
0xfb: {  	v2 =	vmul.f32 v2, v3;
	_ =	sdelay $0x1  }
0xfc: {  	[tilespmem:s15+$0xFFFFFE30] =	vst v2  }
0xfd: {  	v2 =	vld [tilespmem:s14+$0xFFFFFEA0];
	_ =	sdelay $0x4  }
0xfe: {  	v2 =	vmul.f32 v2, v3;
	_ =	sdelay $0x1  }
0xff: {  	[tilespmem:s15+$0xFFFFFE40] =	vst v2  }
0x100: {  	v2 =	vld [tilespmem:s14+$0xFFFFFEB0];
	_ =	sdelay $0x4  }
0x101: {  	v2 =	vmul.f32 v2, v3;
	_ =	sdelay $0x1  }
0x102: {  	[tilespmem:s15+$0xFFFFFE50] =	vst v2;
	v2 =	vnsel vm0, $0x0, v3  }
0x103: {  	[tilespmem:s15+$0xFFFFFE60] =	vst v2  }
0x104: {  	v2 =	vld [tilespmem:s14+$0xFFFFFEC0];
	_ =	sdelay $0x2  }
0x105: {  	v3 =	vbroadcast v1, $0x3;
	_ =	sdelay $0x1  }
0x106: {  	v2 =	vmul.f32 v2, v3;
	_ =	sdelay $0x1  }
0x107: {  	[tilespmem:s15+$0xFFFFFE70] =	vst v2  }
0x108: {  	v2 =	vld [tilespmem:s14+$0xFFFFFED0];
	_ =	sdelay $0x4  }
0x109: {  	v2 =	vmul.f32 v2, v3;
	_ =	sdelay $0x1  }
0x10a: {  	[tilespmem:s15+$0xFFFFFE80] =	vst v2  }
0x10b: {  	v2 =	vld [tilespmem:s14+$0xFFFFFEE0];
	_ =	sdelay $0x4  }
0x10c: {  	v2 =	vmul.f32 v2, v3;
	_ =	sdelay $0x1  }
0x10d: {  	[tilespmem:s15+$0xFFFFFE90] =	vst v2  }
0x10e: {  	v2 =	vld [tilespmem:s14+$0xFFFFFEF0];
	_ =	sdelay $0x4  }
0x10f: {  	v2 =	vmul.f32 v2, v3;
	_ =	sdelay $0x1  }
0x110: {  	[tilespmem:s15+$0xFFFFFEA0] =	vst v2;
	v2 =	vnsel vm0, $0x0, v3  }
0x111: {  	[tilespmem:s15+$0xFFFFFEB0] =	vst v2  }
0x112: {  	v2 =	vld [tilespmem:s14+$0xFFFFFF00];
	_ =	sdelay $0x2  }
0x113: {  	v3 =	vbroadcast v1, $0x4;
	_ =	sdelay $0x1  }
0x114: {  	v2 =	vmul.f32 v2, v3;
	_ =	sdelay $0x1  }
0x115: {  	[tilespmem:s15+$0xFFFFFEC0] =	vst v2  }
0x116: {  	v2 =	vld [tilespmem:s14+$0xFFFFFF10];
	_ =	sdelay $0x4  }
0x117: {  	v2 =	vmul.f32 v2, v3;
	_ =	sdelay $0x1  }
0x118: {  	[tilespmem:s15+$0xFFFFFED0] =	vst v2  }
0x119: {  	v2 =	vld [tilespmem:s14+$0xFFFFFF20];
	_ =	sdelay $0x4  }
0x11a: {  	v2 =	vmul.f32 v2, v3;
	_ =	sdelay $0x1  }
0x11b: {  	[tilespmem:s15+$0xFFFFFEE0] =	vst v2  }
0x11c: {  	v2 =	vld [tilespmem:s14+$0xFFFFFF30];
	_ =	sdelay $0x4  }
0x11d: {  	v2 =	vmul.f32 v2, v3;
	_ =	sdelay $0x1  }
0x11e: {  	[tilespmem:s15+$0xFFFFFEF0] =	vst v2;
	v2 =	vnsel vm0, $0x0, v3  }
0x11f: {  	[tilespmem:s15+$0xFFFFFF00] =	vst v2  }
0x120: {  	v2 =	vld [tilespmem:s14+$0xFFFFFF40];
	_ =	sdelay $0x2  }
0x121: {  	v3 =	vbroadcast v1, $0x5;
	_ =	sdelay $0x1  }
0x122: {  	v2 =	vmul.f32 v2, v3;
	_ =	sdelay $0x1  }
0x123: {  	[tilespmem:s15+$0xFFFFFF10] =	vst v2  }
0x124: {  	v2 =	vld [tilespmem:s14+$0xFFFFFF50];
	_ =	sdelay $0x4  }
0x125: {  	v2 =	vmul.f32 v2, v3;
	_ =	sdelay $0x1  }
0x126: {  	[tilespmem:s15+$0xFFFFFF20] =	vst v2  }
0x127: {  	v2 =	vld [tilespmem:s14+$0xFFFFFF60];
	_ =	sdelay $0x4  }
0x128: {  	v2 =	vmul.f32 v2, v3;
	_ =	sdelay $0x1  }
0x129: {  	[tilespmem:s15+$0xFFFFFF30] =	vst v2  }
0x12a: {  	v2 =	vld [tilespmem:s14+$0xFFFFFF70];
	_ =	sdelay $0x4  }
0x12b: {  	v2 =	vmul.f32 v2, v3;
	_ =	sdelay $0x1  }
0x12c: {  	[tilespmem:s15+$0xFFFFFF40] =	vst v2;
	v2 =	vnsel vm0, $0x0, v3  }
0x12d: {  	[tilespmem:s15+$0xFFFFFF50] =	vst v2  }
0x12e: {  	v2 =	vld [tilespmem:s14+$0xFFFFFF80];
	_ =	sdelay $0x2  }
0x12f: {  	v3 =	vbroadcast v1, $0x6;
	_ =	sdelay $0x1  }
0x130: {  	v2 =	vmul.f32 v2, v3;
	_ =	sdelay $0x1  }
0x131: {  	[tilespmem:s15+$0xFFFFFF60] =	vst v2  }
0x132: {  	v2 =	vld [tilespmem:s14+$0xFFFFFF90];
	_ =	sdelay $0x4  }
0x133: {  	v2 =	vmul.f32 v2, v3;
	_ =	sdelay $0x1  }
0x134: {  	[tilespmem:s15+$0xFFFFFF70] =	vst v2  }
0x135: {  	v2 =	vld [tilespmem:s14+$0xFFFFFFA0];
	_ =	sdelay $0x4  }
0x136: {  	v2 =	vmul.f32 v2, v3;
	_ =	sdelay $0x1  }
0x137: {  	[tilespmem:s15+$0xFFFFFF80] =	vst v2  }
0x138: {  	v2 =	vld [tilespmem:s14+$0xFFFFFFB0];
	_ =	sdelay $0x4  }
0x139: {  	v2 =	vmul.f32 v2, v3;
	_ =	sdelay $0x1  }
0x13a: {  	[tilespmem:s15+$0xFFFFFF90] =	vst v2;
	v2 =	vnsel vm0, $0x0, v3  }
0x13b: {  	[tilespmem:s15+$0xFFFFFFA0] =	vst v2  }
0x13c: {  	v2 =	vld [tilespmem:s14+$0xFFFFFFC0];
	_ =	sdelay $0x2  }
0x13d: {  	v3 =	vbroadcast v1, $0x7;
	_ =	sdelay $0x1  }
0x13e: {  	v2 =	vmul.f32 v2, v3;
	_ =	sdelay $0x1  }
0x13f: {  	[tilespmem:s15+$0xFFFFFFB0] =	vst v2  }
0x140: {  	v2 =	vld [tilespmem:s14+$0xFFFFFFD0];
	_ =	sdelay $0x4  }
0x141: {  	v2 =	vmul.f32 v2, v3;
	_ =	sdelay $0x1  }
0x142: {  	[tilespmem:s15+$0xFFFFFFC0] =	vst v2  }
0x143: {  	v2 =	vld [tilespmem:s14+$0xFFFFFFE0];
	_ =	sdelay $0x4  }
0x144: {  	v2 =	vmul.f32 v2, v3;
	_ =	sdelay $0x1  }
0x145: {  	[tilespmem:s15+$0xFFFFFFD0] =	vst v2  }
0x146: {  	v2 =	vld [tilespmem:s14+$0xFFFFFFF0];
	_ =	sdelay $0x4  }
0x147: {  	v2 =	vmul.f32 v2, v3;
	_ =	sdelay $0x1  }
0x148: {  	[tilespmem:s15+$0xFFFFFFE0] =	vst v2;
	v2 =	vnsel vm0, $0x0, v3  }
0x149: {  	[tilespmem:s15+$0xFFFFFFF0] =	vst v2  }
0x14a: {  	v2 =	vld [tilespmem:s14+$0x0];
	_ =	sdelay $0x2  }
0x14b: {  	v3 =	vbroadcast v1, $0x8;
	_ =	sdelay $0x1  }
0x14c: {  	v2 =	vmul.f32 v2, v3;
	_ =	sdelay $0x1  }
0x14d: {  	[tilespmem:s15+$0x0] =	vst v2  }
0x14e: {  	v2 =	vld [tilespmem:s14+$0x10];
	_ =	sdelay $0x4  }
0x14f: {  	v2 =	vmul.f32 v2, v3;
	_ =	sdelay $0x1  }
0x150: {  	[tilespmem:s15+$0x10] =	vst v2  }
0x151: {  	v2 =	vld [tilespmem:s14+$0x20];
	_ =	sdelay $0x4  }
0x152: {  	v2 =	vmul.f32 v2, v3;
	_ =	sdelay $0x1  }
0x153: {  	[tilespmem:s15+$0x20] =	vst v2  }
0x154: {  	v2 =	vld [tilespmem:s14+$0x30];
	_ =	sdelay $0x4  }
0x155: {  	v2 =	vmul.f32 v2, v3;
	_ =	sdelay $0x1  }
0x156: {  	[tilespmem:s15+$0x30] =	vst v2;
	v2 =	vnsel vm0, $0x0, v3  }
0x157: {  	[tilespmem:s15+$0x40] =	vst v2  }
0x158: {  	v2 =	vld [tilespmem:s14+$0x40];
	_ =	sdelay $0x2  }
0x159: {  	v3 =	vbroadcast v1, $0x9;
	_ =	sdelay $0x1  }
0x15a: {  	v2 =	vmul.f32 v2, v3;
	_ =	sdelay $0x1  }
0x15b: {  	[tilespmem:s15+$0x50] =	vst v2  }
0x15c: {  	v2 =	vld [tilespmem:s14+$0x50];
	_ =	sdelay $0x4  }
0x15d: {  	v2 =	vmul.f32 v2, v3;
	_ =	sdelay $0x1  }
0x15e: {  	[tilespmem:s15+$0x60] =	vst v2  }
0x15f: {  	v2 =	vld [tilespmem:s14+$0x60];
	_ =	sdelay $0x4  }
0x160: {  	v2 =	vmul.f32 v2, v3;
	_ =	sdelay $0x1  }
0x161: {  	[tilespmem:s15+$0x70] =	vst v2  }
0x162: {  	v2 =	vld [tilespmem:s14+$0x70];
	_ =	sdelay $0x4  }
0x163: {  	v2 =	vmul.f32 v2, v3;
	_ =	sdelay $0x1  }
0x164: {  	[tilespmem:s15+$0x80] =	vst v2;
	v2 =	vnsel vm0, $0x0, v3  }
0x165: {  	[tilespmem:s15+$0x90] =	vst v2  }
0x166: {  	v2 =	vld [tilespmem:s14+$0x80];
	_ =	sdelay $0x2  }
0x167: {  	v3 =	vbroadcast v1, $0xA;
	_ =	sdelay $0x1  }
0x168: {  	v2 =	vmul.f32 v2, v3;
	_ =	sdelay $0x1  }
0x169: {  	[tilespmem:s15+$0xA0] =	vst v2  }
0x16a: {  	v2 =	vld [tilespmem:s14+$0x90];
	_ =	sdelay $0x4  }
0x16b: {  	v2 =	vmul.f32 v2, v3;
	_ =	sdelay $0x1  }
0x16c: {  	[tilespmem:s15+$0xB0] =	vst v2  }
0x16d: {  	v2 =	vld [tilespmem:s14+$0xA0];
	_ =	sdelay $0x4  }
0x16e: {  	v2 =	vmul.f32 v2, v3;
	_ =	sdelay $0x1  }
0x16f: {  	[tilespmem:s15+$0xC0] =	vst v2  }
0x170: {  	v2 =	vld [tilespmem:s14+$0xB0];
	_ =	sdelay $0x4  }
0x171: {  	v2 =	vmul.f32 v2, v3;
	_ =	sdelay $0x1  }
0x172: {  	[tilespmem:s15+$0xD0] =	vst v2;
	v2 =	vnsel vm0, $0x0, v3  }
0x173: {  	[tilespmem:s15+$0xE0] =	vst v2  }
0x174: {  	v2 =	vld [tilespmem:s14+$0xC0];
	_ =	sdelay $0x2  }
0x175: {  	v3 =	vbroadcast v1, $0xB;
	_ =	sdelay $0x1  }
0x176: {  	v2 =	vmul.f32 v2, v3;
	_ =	sdelay $0x1  }
0x177: {  	[tilespmem:s15+$0xF0] =	vst v2  }
0x178: {  	v2 =	vld [tilespmem:s14+$0xD0];
	_ =	sdelay $0x4  }
0x179: {  	v2 =	vmul.f32 v2, v3;
	_ =	sdelay $0x1  }
0x17a: {  	[tilespmem:s15+$0x100] =	vst v2  }
0x17b: {  	v2 =	vld [tilespmem:s14+$0xE0];
	_ =	sdelay $0x4  }
0x17c: {  	v2 =	vmul.f32 v2, v3;
	_ =	sdelay $0x1  }
0x17d: {  	[tilespmem:s15+$0x110] =	vst v2  }
0x17e: {  	v2 =	vld [tilespmem:s14+$0xF0];
	_ =	sdelay $0x4  }
0x17f: {  	v2 =	vmul.f32 v2, v3;
	_ =	sdelay $0x1  }
0x180: {  	[tilespmem:s15+$0x120] =	vst v2;
	v2 =	vnsel vm0, $0x0, v3  }
0x181: {  	[tilespmem:s15+$0x130] =	vst v2  }
0x182: {  	v2 =	vld [tilespmem:s14+$0x100];
	_ =	sdelay $0x2  }
0x183: {  	v3 =	vbroadcast v1, $0xC;
	_ =	sdelay $0x1  }
0x184: {  	v2 =	vmul.f32 v2, v3;
	_ =	sdelay $0x1  }
0x185: {  	[tilespmem:s15+$0x140] =	vst v2  }
0x186: {  	v2 =	vld [tilespmem:s14+$0x110];
	_ =	sdelay $0x4  }
0x187: {  	v2 =	vmul.f32 v2, v3;
	_ =	sdelay $0x1  }
0x188: {  	[tilespmem:s15+$0x150] =	vst v2  }
0x189: {  	v2 =	vld [tilespmem:s14+$0x120];
	_ =	sdelay $0x4  }
0x18a: {  	v2 =	vmul.f32 v2, v3;
	_ =	sdelay $0x1  }
0x18b: {  	[tilespmem:s15+$0x160] =	vst v2  }
0x18c: {  	v2 =	vld [tilespmem:s14+$0x130];
	_ =	sdelay $0x4  }
0x18d: {  	v2 =	vmul.f32 v2, v3;
	_ =	sdelay $0x1  }
0x18e: {  	[tilespmem:s15+$0x170] =	vst v2;
	v2 =	vnsel vm0, $0x0, v3  }
0x18f: {  	[tilespmem:s15+$0x180] =	vst v2  }
0x190: {  	v2 =	vld [tilespmem:s14+$0x140];
	_ =	sdelay $0x2  }
0x191: {  	v3 =	vbroadcast v1, $0xD;
	_ =	sdelay $0x1  }
0x192: {  	v2 =	vmul.f32 v2, v3;
	_ =	sdelay $0x1  }
0x193: {  	[tilespmem:s15+$0x190] =	vst v2  }
0x194: {  	v2 =	vld [tilespmem:s14+$0x150];
	_ =	sdelay $0x4  }
0x195: {  	v2 =	vmul.f32 v2, v3;
	_ =	sdelay $0x1  }
0x196: {  	[tilespmem:s15+$0x1A0] =	vst v2  }
0x197: {  	v2 =	vld [tilespmem:s14+$0x160];
	_ =	sdelay $0x4  }
0x198: {  	v2 =	vmul.f32 v2, v3;
	_ =	sdelay $0x1  }
0x199: {  	[tilespmem:s15+$0x1B0] =	vst v2  }
0x19a: {  	v2 =	vld [tilespmem:s14+$0x170];
	_ =	sdelay $0x4  }
0x19b: {  	v2 =	vmul.f32 v2, v3;
	_ =	sdelay $0x1  }
0x19c: {  	[tilespmem:s15+$0x1C0] =	vst v2;
	v2 =	vnsel vm0, $0x0, v3  }
0x19d: {  	[tilespmem:s15+$0x1D0] =	vst v2  }
0x19e: {  	v2 =	vld [tilespmem:s14+$0x180];
	_ =	sdelay $0x2  }
0x19f: {  	v3 =	vbroadcast v1, $0xE;
	_ =	sdelay $0x1  }
0x1a0: {  	v2 =	vmul.f32 v2, v3;
	_ =	sdelay $0x1  }
0x1a1: {  	[tilespmem:s15+$0x1E0] =	vst v2  }
0x1a2: {  	v2 =	vld [tilespmem:s14+$0x190];
	_ =	sdelay $0x4  }
0x1a3: {  	v2 =	vmul.f32 v2, v3;
	_ =	sdelay $0x1  }
0x1a4: {  	[tilespmem:s15+$0x1F0] =	vst v2  }
0x1a5: {  	v2 =	vld [tilespmem:s14+$0x1A0];
	_ =	sdelay $0x4  }
0x1a6: {  	v2 =	vmul.f32 v2, v3;
	_ =	sdelay $0x1  }
0x1a7: {  	[tilespmem:s15+$0x200] =	vst v2  }
0x1a8: {  	v2 =	vld [tilespmem:s14+$0x1B0];
	_ =	sdelay $0x4  }
0x1a9: {  	v2 =	vmul.f32 v2, v3;
	_ =	sdelay $0x1  }
0x1aa: {  	[tilespmem:s15+$0x210] =	vst v2;
	v2 =	vnsel vm0, $0x0, v3  }
0x1ab: {  	[tilespmem:s15+$0x220] =	vst v2  }
0x1ac: {  	v2 =	vld [tilespmem:s14+$0x1C0];
	_ =	sdelay $0x2  }
0x1ad: {  	v1 =	vbroadcast v1, $0xF;
	_ =	sdelay $0x1  }
0x1ae: {  	v2 =	vmul.f32 v2, v1;
	_ =	sdelay $0x1  }
0x1af: {  	[tilespmem:s15+$0x230] =	vst v2  }
0x1b0: {  	v2 =	vld [tilespmem:s14+$0x1D0];
	_ =	sdelay $0x4  }
0x1b1: {  	v2 =	vmul.f32 v2, v1;
	_ =	sdelay $0x1  }
0x1b2: {  	[tilespmem:s15+$0x240] =	vst v2  }
0x1b3: {  	v2 =	vld [tilespmem:s14+$0x1E0];
	_ =	sdelay $0x4  }
0x1b4: {  	v2 =	vmul.f32 v2, v1;
	_ =	sdelay $0x1  }
0x1b5: {  	[tilespmem:s15+$0x250] =	vst v2  }
0x1b6: {  	v2 =	vld [tilespmem:s14+$0x1F0];
	_ =	sdelay $0x1  }
0x1b7: {  	p1 =	sne.s32 s12, $0x100  }
.Ltmp2:
0x1b8: {  	_ = 	snop;
	(pc) =	sbr.rel @p1 .LBB2_7-.Ltmp2, $4  }
0x1b9: {  	_ = 	snop  }
0x1ba: {  	v2 =	vmul.f32 v2, v1;
	v1 =	vnsel vm0, $0x0, v1  }
0x1bb: {  	[tilespmem:s15+$0x270] =	vst v1  }
0x1bc: {  	s12 =	sadd.s32 $0x40, s12;
	s14 =	sadd.s32 $0x400, s14;
	[tilespmem:s15+$0x260] =	vst v2;
	s15 =	sadd.s32 $0x500, s15  }
0x1bd: {  	s12 =	smul.u32 $0x280, s4;
	_ =	sdelay $0x1  }
0x1be: {  	s12 =	sshra.s32 s12, $0x2  }
0x1bf: {  	s12 =	sadd.s32 $0x2710, s12  }
0x1c0: {  	[spmem:s2] =	stream.indirect.scatter.add.f32 [tilespmem:s3], [sflag:$0x3], $0x50, s12, s11, $0xb8;
	[tilespmem:$0x1E5A0] =	vst v63  }
0x1c1: {  	_ =	swait.ge [sflag:s25], $0x1400  }
0x1c2: {  	[sflag:s25] =	ssyncset.done $0x0  }
0x1c3: {  	[sflag:s25] =	ssyncadd.s32 $0xFFFFEC00  }
0x1c4: {  	s0 =	sadd.s32 $0x2, s0;
	_ =	swait.ge [sflag:s25], $0x1900  }
0x1c5: {  	s12 =	smul.u32 $0x50, s0;
	[sflag:s25] =	ssyncset.done $0x0  }
0x1c6: {  	s14 =	simm.s32 $0x4E70;
	[sflag:s25] =	ssyncadd.s32 $0xFFFFE700  }
0x1c7: {  	[tilespmem:s14], [sflag:$0x1] =	stream.indirect.gather [hbm4b:s1+s11], $0x40, s12, s11, $0xb8;
	[tilespmem:$0x1E5A0] =	vst v63  }
0x1c8: {  	s15 =	simm.s32 $0x6270;
	s14 =	sadd.s32 $0x2710, s12  }
0x1c9: {  	[tilespmem:s15], [sflag:$0x1] =	stream.indirect.gather [hbm4b:s5+s11], $0x40, s14, s11, $0xb8;
	[tilespmem:$0x1E5A0] =	vst v63  }
0x1ca: {  	s16 =	simm.s32 $0x8A70  }
0x1cb: {  	[tilespmem:s16], [sflag:$0x1] =	stream.indirect.gather [hbm4b:s6+s11], $0x40, s12, s11, $0xb8;
	[tilespmem:$0x1E5A0] =	vst v63  }
0x1cc: {  	s0 =	sadd.s32 s24, s0;
	s16 =	simm.s32 $0xB770  }
0x1cd: {  	[tilespmem:s16], [sflag:$0x1] =	stream.indirect.gather [hbm4b:s7+s11], $0x1, s12, s11, $0xb8;
	[tilespmem:$0x1E5A0] =	vst v63  }
0x1ce: {  	s0 =	smul.u32 $0xA, s0  }
0x1cf: {  	[tilespmem:s18], [sflag:$0x1] =	stream.indirect.gather [hbm4b:s8+s11], $0x1, s14, s11, $0xb8;
	[tilespmem:$0x1E5A0] =	vst v63  }
0x1d0: {  	s0 =	sadd.s32 s9, s0;
	s15 =	simm.s32 $0x0;
	s16 =	sadd.s32 s10, s12  }
0x1d1: {  	[tilespmem:s19], [sflag:$0x1] =	stream.linear.gather [hbm4b:s0+s15], $0x50, $0x38;
	[tilespmem:$0x1E5A0] =	vst v63  }
0x1d2: {  	s0 =	sshll.u32 s16, $0x4  }
0x1d3: {  	s0 =	sand.u32 $0x1FFFFF00, s0  }
0x1d4: {  	s0 =	sadd.s32 s17, s0  }
0x1d5: {  	[tilespmem:s22], [sflag:$0x1] =	stream.strided.gather [hbm4b:s0+s20], $0x1400, s21, s20, $0x38;
	[tilespmem:$0x1E5A0] =	vst v63  }
0x1d6: {  	_ =	swait.ge [sflag:s26], $0x1400  }
0x1d7: {  	[sflag:s26] =	ssyncset.done $0x0  }
0x1d8: {  	[sflag:s26] =	ssyncadd.s32 $0xFFFFEC00  }
0x1d9: {  	_ =	swait.ge [sflag:s26], $0x1400  }
0x1da: {  	[sflag:s26] =	ssyncset.done $0x0  }
0x1db: {  	[sflag:s26] =	ssyncadd.s32 $0xFFFFEC00  }
0x1dc: {  	_ =	swait.ge [sflag:s26], $0x1400  }
0x1dd: {  	[sflag:s26] =	ssyncset.done $0x0  }
0x1de: {  	[sflag:s26] =	ssyncadd.s32 $0xFFFFEC00  }
0x1df: {  	_ =	swait.ge [sflag:s26], $0x1400  }
0x1e0: {  	[sflag:s26] =	ssyncset.done $0x0  }
0x1e1: {  	[sflag:s26] =	ssyncadd.s32 $0xFFFFEC00  }
0x1e2: {  	_ =	swait.ge [sflag:s26], $0x50  }
0x1e3: {  	[sflag:s26] =	ssyncset.done $0x0  }
0x1e4: {  	[sflag:s26] =	ssyncadd.s32 $0xFFFFFFB0  }
0x1e5: {  	_ =	swait.ge [sflag:s26], $0x50  }
0x1e6: {  	[sflag:s26] =	ssyncset.done $0x0  }
0x1e7: {  	[sflag:s26] =	ssyncadd.s32 $0xFFFFFFB0  }
0x1e8: {  	_ =	swait.ge [sflag:s26], $0x50  }
0x1e9: {  	[sflag:s26] =	ssyncset.done $0x0  }
0x1ea: {  	s0 =	simm.s32 $0x0;
	[sflag:s26] =	ssyncadd.s32 $0xFFFFFFB0  }
0x1eb: {  	v1 =	vld [tilespmem:s0+$0xB860]  }
0x1ec: {  	v3 =	vld [tilespmem:s0+$0xCC60]  }
0x1ed: {  	v2 =	vld [tilespmem:s0+$0xB870]  }
0x1ee: {  	v5 =	vld [tilespmem:s0+$0xCC70]  }
0x1ef: {  	v4 =	vld [tilespmem:s0+$0xB880]  }
0x1f0: {  	v7 =	vld [tilespmem:s0+$0xCC80]  }
0x1f1: {  	v6 =	vld [tilespmem:s0+$0xB890]  }
0x1f2: {  	v8 =	vld [tilespmem:s0+$0xCC90]  }
0x1f3: {  	s12 =	simm.s32 $0x100;
	v9 =	vld [tilespmem:s0+$0xE060]  }
.LBB2_9:
0x1f4: {  	p1 =	sne.s32 s12, $0x4F00;
	v10 =	vld [tilespmem:s0+$0xE070]  }
0x1f5: {  	v11 =	vld [tilespmem:s0+$0xE080]  }
0x1f6: {  	s14 =	sshra.s32 s12, $0x2;
	v12 =	vadd.f32 v3, v1;
	v13 =	vld [tilespmem:s0+$0xE090]  }
0x1f7: {  	v5 =	vadd.f32 v5, v2;
	v1 =	vld [tilespmem:s14+$0xB860]  }
0x1f8: {  	v4 =	vadd.f32 v7, v4;
	v3 =	vld [tilespmem:s14+$0xCC60];
	v9 =	vadd.f32 v9, v12  }
0x1f9: {  	v6 =	vadd.f32 v8, v6;
	v2 =	vld [tilespmem:s14+$0xB870];
	v7 =	vadd.f32 v10, v5  }
0x1fa: {  	v5 =	vld [tilespmem:s14+$0xCC70];
	[tilespmem:s0+$0xE060] =	vst v9;
	v8 =	vadd.f32 v11, v4  }
.Ltmp3:
0x1fb: {  	v4 =	vld [tilespmem:s14+$0xB880];
	[tilespmem:s0+$0xE070] =	vst v7;
	v9 =	vadd.f32 v13, v6;
	(pc) =	sbr.rel @p1 .LBB2_9-.Ltmp3, $4  }
0x1fc: {  	v7 =	vld [tilespmem:s14+$0xCC80];
	[tilespmem:s0+$0xE080] =	vst v8  }
0x1fd: {  	v6 =	vld [tilespmem:s14+$0xB890];
	[tilespmem:s0+$0xE090] =	vst v9;
	s0 =	smov.u32 s14  }
0x1fe: {  	v8 =	vld [tilespmem:s0+$0xCC90]  }
0x1ff: {  	s12 =	sadd.s32 $0x100, s12;
	v9 =	vld [tilespmem:s0+$0xE060]  }
0x200: {  	v10 =	vld [tilespmem:s0+$0xE070]  }
0x201: {  	v11 =	vld [tilespmem:s0+$0xE080]  }
0x202: {  	v1 =	vadd.f32 v3, v1;
	v3 =	vld [tilespmem:s0+$0xE090]  }
0x203: {  	v2 =	vadd.f32 v5, v2  }
0x204: {  	v4 =	vadd.f32 v7, v4;
	v1 =	vadd.f32 v9, v1  }
0x205: {  	v50 =	vadd.f32 v8, v6;
	v2 =	vadd.f32 v10, v2  }
0x206: {  	[tilespmem:s0+$0xE060] =	vst v1;
	v1 =	vadd.f32 v11, v4  }
0x207: {  	[tilespmem:s0+$0xE070] =	vst v2;
	v2 =	vadd.f32 v3, v50  }
0x208: {  	[tilespmem:s0+$0xE080] =	vst v1  }
0x209: {  	s28 =	sadd.s32 s29, s28;
	[tilespmem:s0+$0xE090] =	vst v2  }
0x20a: {  	[hbm4b:s28+s20] =	stream.strided.scatter [tilespmem:s31], [sflag:$0x4], $0x1400, s21, s20, $0x38;
	[tilespmem:$0x1E5A0] =	vst v63  }
0x20b: {  	v1 =	vld [tilespmem:$0x12160]  }
0x20c: {  	v2 =	vld [tilespmem:$0x121B0]  }
0x20d: {  	v3 =	vld [tilespmem:$0x12200]  }
0x20e: {  	v51 =	vld [tilespmem:$0x12170]  }
0x20f: {  	v52 =	vld [tilespmem:$0x121C0]  }
0x210: {  	v53 =	vld [tilespmem:$0x12210]  }
0x211: {  	v54 =	vld [tilespmem:$0x12180]  }
0x212: {  	v55 =	vld [tilespmem:$0x121D0]  }
0x213: {  	v56 =	vld [tilespmem:$0x12220]  }
0x214: {  	v57 =	vld [tilespmem:$0x121E0];
	v1 =	vadd.f32 v2, v1  }
0x215: {  	v58 =	vld [tilespmem:$0x121F0]  }
0x216: {  	v2 =	vld [tilespmem:$0x12190];
	v1 =	vadd.f32 v3, v1  }
0x217: {  	v3 =	vld [tilespmem:$0x121A0]  }
0x218: {  	v59 =	vld [tilespmem:$0x12230];
	v4 =	vadd.f32 v52, v51;
	v12 =	vmul.f32 $9.999999770e-03, v1  }
0x219: {  	v13 =	vld [tilespmem:$0x12240];
	vm1 =	vge.f32 v1, $0.0e+00  }
0x21a: {  	v60 =	vadd.f32 v55, v54;
	v4 =	vadd.f32 v53, v4;
	v1 =	vsel vm1, v1, v12  }
0x21b: {  	v2 =	vadd.f32 v57, v2;
	v1 =	vmul.f32 $1.442695020e+00, v1  }
0x21c: {  	v6 =	vadd.f32 v56, v60;
	v61 =	vmul.f32 $9.999999770e-03, v4;
	v3 =	vadd.f32 v58, v3  }
0x21d: {  	vm1 =	vge.f32 v4, $0.0e+00;
	(erf) = vpow2.f32 v1;
	v1 =	vadd.f32 v59, v2  }
0x21e: {  	v62 =	vmul.f32 $9.999999770e-03, v6;
	v2 =	vsel vm1, v4, v61;
	v3 =	vadd.f32 v13, v3  }
0x21f: {  	vm1 =	vge.f32 v6, $0.0e+00;
	v2 =	vmul.f32 $1.442695020e+00, v2;
	v5 =	vmul.f32 $9.999999770e-03, v1  }
0x220: {  	v4 =	vsel vm1, v6, v62;
	vm1 =	vge.f32 v1, $0.0e+00;
	v63 =	vmul.f32 $9.999999770e-03, v3  }
0x221: {  	v4 =	vmul.f32 $1.442695020e+00, v4;
	v1 =	vsel vm1, v1, v5;
	vm1 =	vge.f32 v3, $0.0e+00  }
0x222: {  	(erf) = vpow2.f32 v2;
	v1 =	vmul.f32 $1.442695020e+00, v1;
	v2 =	vsel vm1, v3, v63  }
0x223: {  	(erf) = vpow2.f32 v4;
	v2 =	vmul.f32 $1.442695020e+00, v2  }
0x224: {  	(erf) = vpow2.f32 v1  }
0x225: {  	(erf) = vpow2.f32 v2;
	_ =	sdelay $0x4  }
0x226: {  	v1 =	vpop (erf)  }
0x227: {  	[tilespmem:$0x4E20] =	vst v1;
	v2 =	vpop (erf)  }
0x228: {  	v1 =	vpop (erf);
	[tilespmem:$0x4E30] =	vst v2  }
0x229: {  	[tilespmem:$0x4E40] =	vst v1;
	v2 =	vpop (erf)  }
0x22a: {  	[tilespmem:$0x4E50] =	vst v2;
	v1 =	vpop (erf)  }
0x22b: {  	s12 =	simm.s32 $0xF660;
	s14 =	simm.s32 $0x10AE0;
	s0 =	simm.s32 $0x0;
	[tilespmem:$0x4E60] =	vst v1  }
.LBB2_11:
0x22c: {  	s15 =	sshra.s32 s0, $0x2  }
0x22d: {  	v1 =	vld [tilespmem:s15+$0x4E20];
	_ =	sdelay $0x1  }
0x22e: {  	v2 =	vld [tilespmem:s12+$0xFFFFFE00];
	_ =	sdelay $0x2  }
0x22f: {  	v3 =	vbroadcast v1, $0x0;
	_ =	sdelay $0x1  }
0x230: {  	v2 =	vmul.f32 v3, v2;
	_ =	sdelay $0x1  }
0x231: {  	[tilespmem:s14+$0xFFFFFD80] =	vst v2  }
0x232: {  	v2 =	vld [tilespmem:s12+$0xFFFFFE10];
	_ =	sdelay $0x4  }
0x233: {  	v2 =	vmul.f32 v2, v3;
	_ =	sdelay $0x1  }
0x234: {  	[tilespmem:s14+$0xFFFFFD90] =	vst v2  }
0x235: {  	v2 =	vld [tilespmem:s12+$0xFFFFFE20];
	_ =	sdelay $0x4  }
0x236: {  	v2 =	vmul.f32 v2, v3;
	_ =	sdelay $0x1  }
0x237: {  	[tilespmem:s14+$0xFFFFFDA0] =	vst v2  }
0x238: {  	v2 =	vld [tilespmem:s12+$0xFFFFFE30];
	_ =	sdelay $0x4  }
0x239: {  	v2 =	vmul.f32 v2, v3;
	_ =	sdelay $0x1  }
0x23a: {  	[tilespmem:s14+$0xFFFFFDB0] =	vst v2;
	v2 =	vnsel vm0, $0x0, v1  }
0x23b: {  	[tilespmem:s14+$0xFFFFFDC0] =	vst v2  }
0x23c: {  	v2 =	vld [tilespmem:s12+$0xFFFFFE40];
	_ =	sdelay $0x2  }
0x23d: {  	v3 =	vbroadcast v1, $0x1;
	_ =	sdelay $0x1  }
0x23e: {  	v2 =	vmul.f32 v2, v3;
	_ =	sdelay $0x1  }
0x23f: {  	[tilespmem:s14+$0xFFFFFDD0] =	vst v2  }
0x240: {  	v2 =	vld [tilespmem:s12+$0xFFFFFE50];
	_ =	sdelay $0x4  }
0x241: {  	v2 =	vmul.f32 v2, v3;
	_ =	sdelay $0x1  }
0x242: {  	[tilespmem:s14+$0xFFFFFDE0] =	vst v2  }
0x243: {  	v2 =	vld [tilespmem:s12+$0xFFFFFE60];
	_ =	sdelay $0x4  }
0x244: {  	v2 =	vmul.f32 v2, v3;
	_ =	sdelay $0x1  }
0x245: {  	[tilespmem:s14+$0xFFFFFDF0] =	vst v2  }
0x246: {  	v2 =	vld [tilespmem:s12+$0xFFFFFE70];
	_ =	sdelay $0x4  }
0x247: {  	v2 =	vmul.f32 v2, v3;
	_ =	sdelay $0x1  }
0x248: {  	[tilespmem:s14+$0xFFFFFE00] =	vst v2;
	v2 =	vnsel vm0, $0x0, v3  }
0x249: {  	[tilespmem:s14+$0xFFFFFE10] =	vst v2  }
0x24a: {  	v2 =	vld [tilespmem:s12+$0xFFFFFE80];
	_ =	sdelay $0x2  }
0x24b: {  	v3 =	vbroadcast v1, $0x2;
	_ =	sdelay $0x1  }
0x24c: {  	v2 =	vmul.f32 v2, v3;
	_ =	sdelay $0x1  }
0x24d: {  	[tilespmem:s14+$0xFFFFFE20] =	vst v2  }
0x24e: {  	v2 =	vld [tilespmem:s12+$0xFFFFFE90];
	_ =	sdelay $0x4  }
0x24f: {  	v2 =	vmul.f32 v2, v3;
	_ =	sdelay $0x1  }
0x250: {  	[tilespmem:s14+$0xFFFFFE30] =	vst v2  }
0x251: {  	v2 =	vld [tilespmem:s12+$0xFFFFFEA0];
	_ =	sdelay $0x4  }
0x252: {  	v2 =	vmul.f32 v2, v3;
	_ =	sdelay $0x1  }
0x253: {  	[tilespmem:s14+$0xFFFFFE40] =	vst v2  }
0x254: {  	v2 =	vld [tilespmem:s12+$0xFFFFFEB0];
	_ =	sdelay $0x4  }
0x255: {  	v2 =	vmul.f32 v2, v3;
	_ =	sdelay $0x1  }
0x256: {  	[tilespmem:s14+$0xFFFFFE50] =	vst v2;
	v2 =	vnsel vm0, $0x0, v3  }
0x257: {  	[tilespmem:s14+$0xFFFFFE60] =	vst v2  }
0x258: {  	v2 =	vld [tilespmem:s12+$0xFFFFFEC0];
	_ =	sdelay $0x2  }
0x259: {  	v3 =	vbroadcast v1, $0x3;
	_ =	sdelay $0x1  }
0x25a: {  	v2 =	vmul.f32 v2, v3;
	_ =	sdelay $0x1  }
0x25b: {  	[tilespmem:s14+$0xFFFFFE70] =	vst v2  }
0x25c: {  	v2 =	vld [tilespmem:s12+$0xFFFFFED0];
	_ =	sdelay $0x4  }
0x25d: {  	v2 =	vmul.f32 v2, v3;
	_ =	sdelay $0x1  }
0x25e: {  	[tilespmem:s14+$0xFFFFFE80] =	vst v2  }
0x25f: {  	v2 =	vld [tilespmem:s12+$0xFFFFFEE0];
	_ =	sdelay $0x4  }
0x260: {  	v2 =	vmul.f32 v2, v3;
	_ =	sdelay $0x1  }
0x261: {  	[tilespmem:s14+$0xFFFFFE90] =	vst v2  }
0x262: {  	v2 =	vld [tilespmem:s12+$0xFFFFFEF0];
	_ =	sdelay $0x4  }
0x263: {  	v2 =	vmul.f32 v2, v3;
	_ =	sdelay $0x1  }
0x264: {  	[tilespmem:s14+$0xFFFFFEA0] =	vst v2;
	v2 =	vnsel vm0, $0x0, v3  }
0x265: {  	[tilespmem:s14+$0xFFFFFEB0] =	vst v2  }
0x266: {  	v2 =	vld [tilespmem:s12+$0xFFFFFF00];
	_ =	sdelay $0x2  }
0x267: {  	v3 =	vbroadcast v1, $0x4;
	_ =	sdelay $0x1  }
0x268: {  	v2 =	vmul.f32 v2, v3;
	_ =	sdelay $0x1  }
0x269: {  	[tilespmem:s14+$0xFFFFFEC0] =	vst v2  }
0x26a: {  	v2 =	vld [tilespmem:s12+$0xFFFFFF10];
	_ =	sdelay $0x4  }
0x26b: {  	v2 =	vmul.f32 v2, v3;
	_ =	sdelay $0x1  }
0x26c: {  	[tilespmem:s14+$0xFFFFFED0] =	vst v2  }
0x26d: {  	v2 =	vld [tilespmem:s12+$0xFFFFFF20];
	_ =	sdelay $0x4  }
0x26e: {  	v2 =	vmul.f32 v2, v3;
	_ =	sdelay $0x1  }
0x26f: {  	[tilespmem:s14+$0xFFFFFEE0] =	vst v2  }
0x270: {  	v2 =	vld [tilespmem:s12+$0xFFFFFF30];
	_ =	sdelay $0x4  }
0x271: {  	v2 =	vmul.f32 v2, v3;
	_ =	sdelay $0x1  }
0x272: {  	[tilespmem:s14+$0xFFFFFEF0] =	vst v2;
	v2 =	vnsel vm0, $0x0, v3  }
0x273: {  	[tilespmem:s14+$0xFFFFFF00] =	vst v2  }
0x274: {  	v2 =	vld [tilespmem:s12+$0xFFFFFF40];
	_ =	sdelay $0x2  }
0x275: {  	v3 =	vbroadcast v1, $0x5;
	_ =	sdelay $0x1  }
0x276: {  	v2 =	vmul.f32 v2, v3;
	_ =	sdelay $0x1  }
0x277: {  	[tilespmem:s14+$0xFFFFFF10] =	vst v2  }
0x278: {  	v2 =	vld [tilespmem:s12+$0xFFFFFF50];
	_ =	sdelay $0x4  }
0x279: {  	v2 =	vmul.f32 v2, v3;
	_ =	sdelay $0x1  }
0x27a: {  	[tilespmem:s14+$0xFFFFFF20] =	vst v2  }
0x27b: {  	v2 =	vld [tilespmem:s12+$0xFFFFFF60];
	_ =	sdelay $0x4  }
0x27c: {  	v2 =	vmul.f32 v2, v3;
	_ =	sdelay $0x1  }
0x27d: {  	[tilespmem:s14+$0xFFFFFF30] =	vst v2  }
0x27e: {  	v2 =	vld [tilespmem:s12+$0xFFFFFF70];
	_ =	sdelay $0x4  }
0x27f: {  	v2 =	vmul.f32 v2, v3;
	_ =	sdelay $0x1  }
0x280: {  	[tilespmem:s14+$0xFFFFFF40] =	vst v2;
	v2 =	vnsel vm0, $0x0, v3  }
0x281: {  	[tilespmem:s14+$0xFFFFFF50] =	vst v2  }
0x282: {  	v2 =	vld [tilespmem:s12+$0xFFFFFF80];
	_ =	sdelay $0x2  }
0x283: {  	v3 =	vbroadcast v1, $0x6;
	_ =	sdelay $0x1  }
0x284: {  	v2 =	vmul.f32 v2, v3;
	_ =	sdelay $0x1  }
0x285: {  	[tilespmem:s14+$0xFFFFFF60] =	vst v2  }
0x286: {  	v2 =	vld [tilespmem:s12+$0xFFFFFF90];
	_ =	sdelay $0x4  }
0x287: {  	v2 =	vmul.f32 v2, v3;
	_ =	sdelay $0x1  }
0x288: {  	[tilespmem:s14+$0xFFFFFF70] =	vst v2  }
0x289: {  	v2 =	vld [tilespmem:s12+$0xFFFFFFA0];
	_ =	sdelay $0x4  }
0x28a: {  	v2 =	vmul.f32 v2, v3;
	_ =	sdelay $0x1  }
0x28b: {  	[tilespmem:s14+$0xFFFFFF80] =	vst v2  }
0x28c: {  	v2 =	vld [tilespmem:s12+$0xFFFFFFB0];
	_ =	sdelay $0x4  }
0x28d: {  	v2 =	vmul.f32 v2, v3;
	_ =	sdelay $0x1  }
0x28e: {  	[tilespmem:s14+$0xFFFFFF90] =	vst v2;
	v2 =	vnsel vm0, $0x0, v3  }
0x28f: {  	[tilespmem:s14+$0xFFFFFFA0] =	vst v2  }
0x290: {  	v2 =	vld [tilespmem:s12+$0xFFFFFFC0];
	_ =	sdelay $0x2  }
0x291: {  	v3 =	vbroadcast v1, $0x7;
	_ =	sdelay $0x1  }
0x292: {  	v2 =	vmul.f32 v2, v3;
	_ =	sdelay $0x1  }
0x293: {  	[tilespmem:s14+$0xFFFFFFB0] =	vst v2  }
0x294: {  	v2 =	vld [tilespmem:s12+$0xFFFFFFD0];
	_ =	sdelay $0x4  }
0x295: {  	v2 =	vmul.f32 v2, v3;
	_ =	sdelay $0x1  }
0x296: {  	[tilespmem:s14+$0xFFFFFFC0] =	vst v2  }
0x297: {  	v2 =	vld [tilespmem:s12+$0xFFFFFFE0];
	_ =	sdelay $0x4  }
0x298: {  	v2 =	vmul.f32 v2, v3;
	_ =	sdelay $0x1  }
0x299: {  	[tilespmem:s14+$0xFFFFFFD0] =	vst v2  }
0x29a: {  	v2 =	vld [tilespmem:s12+$0xFFFFFFF0];
	_ =	sdelay $0x4  }
0x29b: {  	v2 =	vmul.f32 v2, v3;
	_ =	sdelay $0x1  }
0x29c: {  	[tilespmem:s14+$0xFFFFFFE0] =	vst v2;
	v2 =	vnsel vm0, $0x0, v3  }
0x29d: {  	[tilespmem:s14+$0xFFFFFFF0] =	vst v2  }
0x29e: {  	v2 =	vld [tilespmem:s12+$0x0];
	_ =	sdelay $0x2  }
0x29f: {  	v3 =	vbroadcast v1, $0x8;
	_ =	sdelay $0x1  }
0x2a0: {  	v2 =	vmul.f32 v2, v3;
	_ =	sdelay $0x1  }
0x2a1: {  	[tilespmem:s14+$0x0] =	vst v2  }
0x2a2: {  	v2 =	vld [tilespmem:s12+$0x10];
	_ =	sdelay $0x4  }
0x2a3: {  	v2 =	vmul.f32 v2, v3;
	_ =	sdelay $0x1  }
0x2a4: {  	[tilespmem:s14+$0x10] =	vst v2  }
0x2a5: {  	v2 =	vld [tilespmem:s12+$0x20];
	_ =	sdelay $0x4  }
0x2a6: {  	v2 =	vmul.f32 v2, v3;
	_ =	sdelay $0x1  }
0x2a7: {  	[tilespmem:s14+$0x20] =	vst v2  }
0x2a8: {  	v2 =	vld [tilespmem:s12+$0x30];
	_ =	sdelay $0x4  }
0x2a9: {  	v2 =	vmul.f32 v2, v3;
	_ =	sdelay $0x1  }
0x2aa: {  	[tilespmem:s14+$0x30] =	vst v2;
	v2 =	vnsel vm0, $0x0, v3  }
0x2ab: {  	[tilespmem:s14+$0x40] =	vst v2  }
0x2ac: {  	v2 =	vld [tilespmem:s12+$0x40];
	_ =	sdelay $0x2  }
0x2ad: {  	v3 =	vbroadcast v1, $0x9;
	_ =	sdelay $0x1  }
0x2ae: {  	v2 =	vmul.f32 v2, v3;
	_ =	sdelay $0x1  }
0x2af: {  	[tilespmem:s14+$0x50] =	vst v2  }
0x2b0: {  	v2 =	vld [tilespmem:s12+$0x50];
	_ =	sdelay $0x4  }
0x2b1: {  	v2 =	vmul.f32 v2, v3;
	_ =	sdelay $0x1  }
0x2b2: {  	[tilespmem:s14+$0x60] =	vst v2  }
0x2b3: {  	v2 =	vld [tilespmem:s12+$0x60];
	_ =	sdelay $0x4  }
0x2b4: {  	v2 =	vmul.f32 v2, v3;
	_ =	sdelay $0x1  }
0x2b5: {  	[tilespmem:s14+$0x70] =	vst v2  }
0x2b6: {  	v2 =	vld [tilespmem:s12+$0x70];
	_ =	sdelay $0x4  }
0x2b7: {  	v2 =	vmul.f32 v2, v3;
	_ =	sdelay $0x1  }
0x2b8: {  	[tilespmem:s14+$0x80] =	vst v2;
	v2 =	vnsel vm0, $0x0, v3  }
0x2b9: {  	[tilespmem:s14+$0x90] =	vst v2  }
0x2ba: {  	v2 =	vld [tilespmem:s12+$0x80];
	_ =	sdelay $0x2  }
0x2bb: {  	v3 =	vbroadcast v1, $0xA;
	_ =	sdelay $0x1  }
0x2bc: {  	v2 =	vmul.f32 v2, v3;
	_ =	sdelay $0x1  }
0x2bd: {  	[tilespmem:s14+$0xA0] =	vst v2  }
0x2be: {  	v2 =	vld [tilespmem:s12+$0x90];
	_ =	sdelay $0x4  }
0x2bf: {  	v2 =	vmul.f32 v2, v3;
	_ =	sdelay $0x1  }
0x2c0: {  	[tilespmem:s14+$0xB0] =	vst v2  }
0x2c1: {  	v2 =	vld [tilespmem:s12+$0xA0];
	_ =	sdelay $0x4  }
0x2c2: {  	v2 =	vmul.f32 v2, v3;
	_ =	sdelay $0x1  }
0x2c3: {  	[tilespmem:s14+$0xC0] =	vst v2  }
0x2c4: {  	v2 =	vld [tilespmem:s12+$0xB0];
	_ =	sdelay $0x4  }
0x2c5: {  	v2 =	vmul.f32 v2, v3;
	_ =	sdelay $0x1  }
0x2c6: {  	[tilespmem:s14+$0xD0] =	vst v2;
	v2 =	vnsel vm0, $0x0, v3  }
0x2c7: {  	[tilespmem:s14+$0xE0] =	vst v2  }
0x2c8: {  	v2 =	vld [tilespmem:s12+$0xC0];
	_ =	sdelay $0x2  }
0x2c9: {  	v3 =	vbroadcast v1, $0xB;
	_ =	sdelay $0x1  }
0x2ca: {  	v2 =	vmul.f32 v2, v3;
	_ =	sdelay $0x1  }
0x2cb: {  	[tilespmem:s14+$0xF0] =	vst v2  }
0x2cc: {  	v2 =	vld [tilespmem:s12+$0xD0];
	_ =	sdelay $0x4  }
0x2cd: {  	v2 =	vmul.f32 v2, v3;
	_ =	sdelay $0x1  }
0x2ce: {  	[tilespmem:s14+$0x100] =	vst v2  }
0x2cf: {  	v2 =	vld [tilespmem:s12+$0xE0];
	_ =	sdelay $0x4  }
0x2d0: {  	v2 =	vmul.f32 v2, v3;
	_ =	sdelay $0x1  }
0x2d1: {  	[tilespmem:s14+$0x110] =	vst v2  }
0x2d2: {  	v2 =	vld [tilespmem:s12+$0xF0];
	_ =	sdelay $0x4  }
0x2d3: {  	v2 =	vmul.f32 v2, v3;
	_ =	sdelay $0x1  }
0x2d4: {  	[tilespmem:s14+$0x120] =	vst v2;
	v2 =	vnsel vm0, $0x0, v3  }
0x2d5: {  	[tilespmem:s14+$0x130] =	vst v2  }
0x2d6: {  	v2 =	vld [tilespmem:s12+$0x100];
	_ =	sdelay $0x2  }
0x2d7: {  	v3 =	vbroadcast v1, $0xC;
	_ =	sdelay $0x1  }
0x2d8: {  	v2 =	vmul.f32 v2, v3;
	_ =	sdelay $0x1  }
0x2d9: {  	[tilespmem:s14+$0x140] =	vst v2  }
0x2da: {  	v2 =	vld [tilespmem:s12+$0x110];
	_ =	sdelay $0x4  }
0x2db: {  	v2 =	vmul.f32 v2, v3;
	_ =	sdelay $0x1  }
0x2dc: {  	[tilespmem:s14+$0x150] =	vst v2  }
0x2dd: {  	v2 =	vld [tilespmem:s12+$0x120];
	_ =	sdelay $0x4  }
0x2de: {  	v2 =	vmul.f32 v2, v3;
	_ =	sdelay $0x1  }
0x2df: {  	[tilespmem:s14+$0x160] =	vst v2  }
0x2e0: {  	v2 =	vld [tilespmem:s12+$0x130];
	_ =	sdelay $0x4  }
0x2e1: {  	v2 =	vmul.f32 v2, v3;
	_ =	sdelay $0x1  }
0x2e2: {  	[tilespmem:s14+$0x170] =	vst v2;
	v2 =	vnsel vm0, $0x0, v3  }
0x2e3: {  	[tilespmem:s14+$0x180] =	vst v2  }
0x2e4: {  	v2 =	vld [tilespmem:s12+$0x140];
	_ =	sdelay $0x2  }
0x2e5: {  	v3 =	vbroadcast v1, $0xD;
	_ =	sdelay $0x1  }
0x2e6: {  	v2 =	vmul.f32 v2, v3;
	_ =	sdelay $0x1  }
0x2e7: {  	[tilespmem:s14+$0x190] =	vst v2  }
0x2e8: {  	v2 =	vld [tilespmem:s12+$0x150];
	_ =	sdelay $0x4  }
0x2e9: {  	v2 =	vmul.f32 v2, v3;
	_ =	sdelay $0x1  }
0x2ea: {  	[tilespmem:s14+$0x1A0] =	vst v2  }
0x2eb: {  	v2 =	vld [tilespmem:s12+$0x160];
	_ =	sdelay $0x4  }
0x2ec: {  	v2 =	vmul.f32 v2, v3;
	_ =	sdelay $0x1  }
0x2ed: {  	[tilespmem:s14+$0x1B0] =	vst v2  }
0x2ee: {  	v2 =	vld [tilespmem:s12+$0x170];
	_ =	sdelay $0x4  }
0x2ef: {  	v2 =	vmul.f32 v2, v3;
	_ =	sdelay $0x1  }
0x2f0: {  	[tilespmem:s14+$0x1C0] =	vst v2;
	v2 =	vnsel vm0, $0x0, v3  }
0x2f1: {  	[tilespmem:s14+$0x1D0] =	vst v2  }
0x2f2: {  	v2 =	vld [tilespmem:s12+$0x180];
	_ =	sdelay $0x2  }
0x2f3: {  	v3 =	vbroadcast v1, $0xE;
	_ =	sdelay $0x1  }
0x2f4: {  	v2 =	vmul.f32 v2, v3;
	_ =	sdelay $0x1  }
0x2f5: {  	[tilespmem:s14+$0x1E0] =	vst v2  }
0x2f6: {  	v2 =	vld [tilespmem:s12+$0x190];
	_ =	sdelay $0x4  }
0x2f7: {  	v2 =	vmul.f32 v2, v3;
	_ =	sdelay $0x1  }
0x2f8: {  	[tilespmem:s14+$0x1F0] =	vst v2  }
0x2f9: {  	v2 =	vld [tilespmem:s12+$0x1A0];
	_ =	sdelay $0x4  }
0x2fa: {  	v2 =	vmul.f32 v2, v3;
	_ =	sdelay $0x1  }
0x2fb: {  	[tilespmem:s14+$0x200] =	vst v2  }
0x2fc: {  	v2 =	vld [tilespmem:s12+$0x1B0];
	_ =	sdelay $0x4  }
0x2fd: {  	v2 =	vmul.f32 v2, v3;
	_ =	sdelay $0x1  }
0x2fe: {  	[tilespmem:s14+$0x210] =	vst v2;
	v2 =	vnsel vm0, $0x0, v3  }
0x2ff: {  	[tilespmem:s14+$0x220] =	vst v2  }
0x300: {  	v2 =	vld [tilespmem:s12+$0x1C0];
	_ =	sdelay $0x2  }
0x301: {  	v1 =	vbroadcast v1, $0xF;
	_ =	sdelay $0x1  }
0x302: {  	v2 =	vmul.f32 v2, v1;
	_ =	sdelay $0x1  }
0x303: {  	[tilespmem:s14+$0x230] =	vst v2  }
0x304: {  	v2 =	vld [tilespmem:s12+$0x1D0];
	_ =	sdelay $0x4  }
0x305: {  	v2 =	vmul.f32 v2, v1;
	_ =	sdelay $0x1  }
0x306: {  	[tilespmem:s14+$0x240] =	vst v2  }
0x307: {  	v2 =	vld [tilespmem:s12+$0x1E0];
	_ =	sdelay $0x4  }
0x308: {  	v2 =	vmul.f32 v2, v1;
	_ =	sdelay $0x1  }
0x309: {  	[tilespmem:s14+$0x250] =	vst v2  }
0x30a: {  	v2 =	vld [tilespmem:s12+$0x1F0];
	_ =	sdelay $0x1  }
0x30b: {  	p1 =	sne.s32 s0, $0x100  }
.Ltmp4:
0x30c: {  	_ = 	snop;
	(pc) =	sbr.rel @p1 .LBB2_11-.Ltmp4, $4  }
0x30d: {  	_ = 	snop  }
0x30e: {  	v2 =	vmul.f32 v2, v1;
	v1 =	vnsel vm0, $0x0, v1  }
0x30f: {  	[tilespmem:s14+$0x270] =	vst v1  }
0x310: {  	s0 =	sadd.s32 $0x40, s0;
	s12 =	sadd.s32 $0x400, s12;
	[tilespmem:s14+$0x260] =	vst v2;
	s14 =	sadd.s32 $0x500, s14  }
0x311: {  	s4 =	sadd.s32 $0x1, s4  }
0x312: {  	p1 =	sne.s32 s4, $0x3E  }
.Ltmp5:
0x313: {  	_ = 	snop;
	(pc) =	sbr.rel @p1 .LBB2_4-.Ltmp5, $3  }
0x314: {  	_ =	sdelay $0x1  }
0x315: {  	s0 =	simm.s32 $0x10860  }
0x316: {  	[spmem:s2] =	stream.indirect.scatter.add.f32 [tilespmem:s0], [sflag:$0x4], $0x50, s13, s11, $0xb8;
	[tilespmem:$0x1E5A0] =	vst v63  }
0x317: {  	s0 =	simm.s32 $0x4  }
0x318: {  	_ =	swait.ge [sflag:s0], $0x1400  }
0x319: {  	[sflag:s0] =	ssyncset.done $0x0  }
0x31a: {  	[sflag:s0] =	ssyncadd.s32 $0xFFFFEC00  }
0x31b: {  	_ =	swait.ge [sflag:s0], $0x1900  }
0x31c: {  	[sflag:s0] =	ssyncset.done $0x0  }
0x31d: {  	[sflag:s0] =	ssyncadd.s32 $0xFFFFE700  }
0x31e: {  	_ =	swait.ge [sflag:s23], $0x1400  }
0x31f: {  	[sflag:s23] =	ssyncset.done $0x0  }
0x320: {  	[sflag:s23] =	ssyncadd.s32 $0xFFFFEC00  }
0x321: {  	_ =	swait.ge [sflag:s23], $0x1400  }
0x322: {  	[sflag:s23] =	ssyncset.done $0x0  }
0x323: {  	[sflag:s23] =	ssyncadd.s32 $0xFFFFEC00  }
0x324: {  	_ =	swait.ge [sflag:s23], $0x1400  }
0x325: {  	[sflag:s23] =	ssyncset.done $0x0  }
0x326: {  	[sflag:s23] =	ssyncadd.s32 $0xFFFFEC00  }
0x327: {  	_ =	swait.ge [sflag:s23], $0x1400  }
0x328: {  	[sflag:s23] =	ssyncset.done $0x0  }
0x329: {  	[sflag:s23] =	ssyncadd.s32 $0xFFFFEC00  }
0x32a: {  	_ =	swait.ge [sflag:s23], $0x50  }
0x32b: {  	[sflag:s23] =	ssyncset.done $0x0  }
0x32c: {  	[sflag:s23] =	ssyncadd.s32 $0xFFFFFFB0  }
0x32d: {  	_ =	swait.ge [sflag:s23], $0x50  }
0x32e: {  	[sflag:s23] =	ssyncset.done $0x0  }
0x32f: {  	[sflag:s23] =	ssyncadd.s32 $0xFFFFFFB0  }
0x330: {  	_ =	swait.ge [sflag:s23], $0x50  }
0x331: {  	[sflag:s23] =	ssyncset.done $0x0  }
0x332: {  	s0 =	simm.s32 $0x0;
	[sflag:s23] =	ssyncadd.s32 $0xFFFFFFB0  }
0x333: {  	v1 =	vld [tilespmem:s0+$0x4E70]  }
0x334: {  	v3 =	vld [tilespmem:s0+$0x6270]  }
0x335: {  	v2 =	vld [tilespmem:s0+$0x4E80]  }
0x336: {  	v5 =	vld [tilespmem:s0+$0x6280]  }
0x337: {  	v4 =	vld [tilespmem:s0+$0x4E90]  }
0x338: {  	v7 =	vld [tilespmem:s0+$0x6290]  }
0x339: {  	v6 =	vld [tilespmem:s0+$0x4EA0]  }
0x33a: {  	v8 =	vld [tilespmem:s0+$0x62A0]  }
0x33b: {  	s4 =	simm.s32 $0x100;
	v9 =	vld [tilespmem:s0+$0x7670]  }
.LBB2_14:
0x33c: {  	p1 =	sne.s32 s4, $0x4F00;
	v10 =	vld [tilespmem:s0+$0x7680]  }
0x33d: {  	v11 =	vld [tilespmem:s0+$0x7690]  }
0x33e: {  	s12 =	sshra.s32 s4, $0x2;
	v12 =	vadd.f32 v3, v1;
	v13 =	vld [tilespmem:s0+$0x76A0]  }
0x33f: {  	v5 =	vadd.f32 v5, v2;
	v1 =	vld [tilespmem:s12+$0x4E70]  }
0x340: {  	v4 =	vadd.f32 v7, v4;
	v3 =	vld [tilespmem:s12+$0x6270];
	v9 =	vadd.f32 v9, v12  }
0x341: {  	v6 =	vadd.f32 v8, v6;
	v2 =	vld [tilespmem:s12+$0x4E80];
	v7 =	vadd.f32 v10, v5  }
0x342: {  	v5 =	vld [tilespmem:s12+$0x6280];
	[tilespmem:s0+$0x7670] =	vst v9;
	v8 =	vadd.f32 v11, v4  }
.Ltmp6:
0x343: {  	v4 =	vld [tilespmem:s12+$0x4E90];
	[tilespmem:s0+$0x7680] =	vst v7;
	v9 =	vadd.f32 v13, v6;
	(pc) =	sbr.rel @p1 .LBB2_14-.Ltmp6, $4  }
0x344: {  	v7 =	vld [tilespmem:s12+$0x6290];
	[tilespmem:s0+$0x7690] =	vst v8  }
0x345: {  	v6 =	vld [tilespmem:s12+$0x4EA0];
	[tilespmem:s0+$0x76A0] =	vst v9;
	s0 =	smov.u32 s12  }
0x346: {  	v8 =	vld [tilespmem:s0+$0x62A0]  }
0x347: {  	s4 =	sadd.s32 $0x100, s4;
	v9 =	vld [tilespmem:s0+$0x7670]  }
0x348: {  	v10 =	vld [tilespmem:s0+$0x7680]  }
0x349: {  	v11 =	vld [tilespmem:s0+$0x7690]  }
0x34a: {  	v1 =	vadd.f32 v3, v1;
	v3 =	vld [tilespmem:s0+$0x76A0]  }
0x34b: {  	v2 =	vadd.f32 v5, v2  }
0x34c: {  	v4 =	vadd.f32 v7, v4;
	v1 =	vadd.f32 v9, v1  }
0x34d: {  	v50 =	vadd.f32 v8, v6;
	v2 =	vadd.f32 v10, v2  }
0x34e: {  	[tilespmem:s0+$0x7670] =	vst v1;
	v1 =	vadd.f32 v11, v4  }
0x34f: {  	[tilespmem:s0+$0x7680] =	vst v2;
	v2 =	vadd.f32 v3, v50  }
0x350: {  	[tilespmem:s0+$0x7690] =	vst v1  }
0x351: {  	s16 =	rddreg [dreg:$0x16];
	[tilespmem:s0+$0x76A0] =	vst v2  }
0x352: {  	[hbm4b:s16+s20] =	stream.strided.scatter [tilespmem:s22], [sflag:$0x3], $0x1400, s21, s20, $0x38;
	[tilespmem:$0x1E5A0] =	vst v63  }
0x353: {  	v1 =	vld [tilespmem:$0xB770]  }
0x354: {  	v2 =	vld [tilespmem:$0xB7C0]  }
0x355: {  	v3 =	vld [tilespmem:$0xB810]  }
0x356: {  	v51 =	vld [tilespmem:$0xB780]  }
0x357: {  	v52 =	vld [tilespmem:$0xB7D0]  }
0x358: {  	v53 =	vld [tilespmem:$0xB820]  }
0x359: {  	v54 =	vld [tilespmem:$0xB790]  }
0x35a: {  	v55 =	vld [tilespmem:$0xB7E0]  }
0x35b: {  	v56 =	vld [tilespmem:$0xB830]  }
0x35c: {  	v57 =	vld [tilespmem:$0xB7F0];
	v1 =	vadd.f32 v2, v1  }
0x35d: {  	v58 =	vld [tilespmem:$0xB800]  }
0x35e: {  	v2 =	vld [tilespmem:$0xB7A0];
	v1 =	vadd.f32 v3, v1  }
0x35f: {  	v3 =	vld [tilespmem:$0xB7B0]  }
0x360: {  	v59 =	vld [tilespmem:$0xB840];
	v4 =	vadd.f32 v52, v51;
	v12 =	vmul.f32 $9.999999770e-03, v1  }
0x361: {  	v13 =	vld [tilespmem:$0xB850];
	vm1 =	vge.f32 v1, $0.0e+00  }
0x362: {  	v60 =	vadd.f32 v55, v54;
	v4 =	vadd.f32 v53, v4;
	v1 =	vsel vm1, v1, v12  }
0x363: {  	v2 =	vadd.f32 v57, v2;
	v1 =	vmul.f32 $1.442695020e+00, v1  }
0x364: {  	v6 =	vadd.f32 v56, v60;
	v61 =	vmul.f32 $9.999999770e-03, v4;
	v3 =	vadd.f32 v58, v3  }
0x365: {  	vm1 =	vge.f32 v4, $0.0e+00;
	(erf) = vpow2.f32 v1;
	v1 =	vadd.f32 v59, v2  }
0x366: {  	v62 =	vmul.f32 $9.999999770e-03, v6;
	v2 =	vsel vm1, v4, v61;
	v3 =	vadd.f32 v13, v3  }
0x367: {  	vm1 =	vge.f32 v6, $0.0e+00;
	v2 =	vmul.f32 $1.442695020e+00, v2;
	v5 =	vmul.f32 $9.999999770e-03, v1  }
0x368: {  	v4 =	vsel vm1, v6, v62;
	vm1 =	vge.f32 v1, $0.0e+00;
	v63 =	vmul.f32 $9.999999770e-03, v3  }
0x369: {  	v4 =	vmul.f32 $1.442695020e+00, v4;
	v1 =	vsel vm1, v1, v5;
	vm1 =	vge.f32 v3, $0.0e+00  }
0x36a: {  	(erf) = vpow2.f32 v2;
	v1 =	vmul.f32 $1.442695020e+00, v1;
	v2 =	vsel vm1, v3, v63  }
0x36b: {  	(erf) = vpow2.f32 v4;
	v2 =	vmul.f32 $1.442695020e+00, v2  }
0x36c: {  	(erf) = vpow2.f32 v1  }
0x36d: {  	(erf) = vpow2.f32 v2;
	_ =	sdelay $0x4  }
0x36e: {  	v1 =	vpop (erf)  }
0x36f: {  	[tilespmem:$0x4E20] =	vst v1;
	v2 =	vpop (erf)  }
0x370: {  	v1 =	vpop (erf);
	[tilespmem:$0x4E30] =	vst v2  }
0x371: {  	[tilespmem:$0x4E40] =	vst v1;
	v2 =	vpop (erf)  }
0x372: {  	s4 =	simm.s32 $0x8C70;
	s12 =	simm.s32 $0xA0F0;
	s28 =	rddreg [dreg:$0x9];
	[tilespmem:$0x4E50] =	vst v2;
	v1 =	vpop (erf)  }
0x373: {  	s14 =	simm.s32 $0x5;
	s15 =	simm.s32 $0x2710;
	s0 =	simm.s32 $0x0;
	[tilespmem:$0x4E60] =	vst v1  }
.LBB2_16:
0x374: {  	s13 =	sshra.s32 s0, $0x2  }
0x375: {  	v1 =	vld [tilespmem:s13+$0x4E20];
	_ =	sdelay $0x1  }
0x376: {  	v2 =	vld [tilespmem:s4+$0xFFFFFE00];
	_ =	sdelay $0x2  }
0x377: {  	v3 =	vbroadcast v1, $0x0;
	_ =	sdelay $0x1  }
0x378: {  	v2 =	vmul.f32 v3, v2;
	_ =	sdelay $0x1  }
0x379: {  	[tilespmem:s12+$0xFFFFFD80] =	vst v2  }
0x37a: {  	v2 =	vld [tilespmem:s4+$0xFFFFFE10];
	_ =	sdelay $0x4  }
0x37b: {  	v2 =	vmul.f32 v2, v3;
	_ =	sdelay $0x1  }
0x37c: {  	[tilespmem:s12+$0xFFFFFD90] =	vst v2  }
0x37d: {  	v2 =	vld [tilespmem:s4+$0xFFFFFE20];
	_ =	sdelay $0x4  }
0x37e: {  	v2 =	vmul.f32 v2, v3;
	_ =	sdelay $0x1  }
0x37f: {  	[tilespmem:s12+$0xFFFFFDA0] =	vst v2  }
0x380: {  	v2 =	vld [tilespmem:s4+$0xFFFFFE30];
	_ =	sdelay $0x4  }
0x381: {  	v2 =	vmul.f32 v2, v3;
	_ =	sdelay $0x1  }
0x382: {  	[tilespmem:s12+$0xFFFFFDB0] =	vst v2;
	v2 =	vnsel vm0, $0x0, v1  }
0x383: {  	[tilespmem:s12+$0xFFFFFDC0] =	vst v2  }
0x384: {  	v2 =	vld [tilespmem:s4+$0xFFFFFE40];
	_ =	sdelay $0x2  }
0x385: {  	v3 =	vbroadcast v1, $0x1;
	_ =	sdelay $0x1  }
0x386: {  	v2 =	vmul.f32 v2, v3;
	_ =	sdelay $0x1  }
0x387: {  	[tilespmem:s12+$0xFFFFFDD0] =	vst v2  }
0x388: {  	v2 =	vld [tilespmem:s4+$0xFFFFFE50];
	_ =	sdelay $0x4  }
0x389: {  	v2 =	vmul.f32 v2, v3;
	_ =	sdelay $0x1  }
0x38a: {  	[tilespmem:s12+$0xFFFFFDE0] =	vst v2  }
0x38b: {  	v2 =	vld [tilespmem:s4+$0xFFFFFE60];
	_ =	sdelay $0x4  }
0x38c: {  	v2 =	vmul.f32 v2, v3;
	_ =	sdelay $0x1  }
0x38d: {  	[tilespmem:s12+$0xFFFFFDF0] =	vst v2  }
0x38e: {  	v2 =	vld [tilespmem:s4+$0xFFFFFE70];
	_ =	sdelay $0x4  }
0x38f: {  	v2 =	vmul.f32 v2, v3;
	_ =	sdelay $0x1  }
0x390: {  	[tilespmem:s12+$0xFFFFFE00] =	vst v2;
	v2 =	vnsel vm0, $0x0, v3  }
0x391: {  	[tilespmem:s12+$0xFFFFFE10] =	vst v2  }
0x392: {  	v2 =	vld [tilespmem:s4+$0xFFFFFE80];
	_ =	sdelay $0x2  }
0x393: {  	v3 =	vbroadcast v1, $0x2;
	_ =	sdelay $0x1  }
0x394: {  	v2 =	vmul.f32 v2, v3;
	_ =	sdelay $0x1  }
0x395: {  	[tilespmem:s12+$0xFFFFFE20] =	vst v2  }
0x396: {  	v2 =	vld [tilespmem:s4+$0xFFFFFE90];
	_ =	sdelay $0x4  }
0x397: {  	v2 =	vmul.f32 v2, v3;
	_ =	sdelay $0x1  }
0x398: {  	[tilespmem:s12+$0xFFFFFE30] =	vst v2  }
0x399: {  	v2 =	vld [tilespmem:s4+$0xFFFFFEA0];
	_ =	sdelay $0x4  }
0x39a: {  	v2 =	vmul.f32 v2, v3;
	_ =	sdelay $0x1  }
0x39b: {  	[tilespmem:s12+$0xFFFFFE40] =	vst v2  }
0x39c: {  	v2 =	vld [tilespmem:s4+$0xFFFFFEB0];
	_ =	sdelay $0x4  }
0x39d: {  	v2 =	vmul.f32 v2, v3;
	_ =	sdelay $0x1  }
0x39e: {  	[tilespmem:s12+$0xFFFFFE50] =	vst v2;
	v2 =	vnsel vm0, $0x0, v3  }
0x39f: {  	[tilespmem:s12+$0xFFFFFE60] =	vst v2  }
0x3a0: {  	v2 =	vld [tilespmem:s4+$0xFFFFFEC0];
	_ =	sdelay $0x2  }
0x3a1: {  	v3 =	vbroadcast v1, $0x3;
	_ =	sdelay $0x1  }
0x3a2: {  	v2 =	vmul.f32 v2, v3;
	_ =	sdelay $0x1  }
0x3a3: {  	[tilespmem:s12+$0xFFFFFE70] =	vst v2  }
0x3a4: {  	v2 =	vld [tilespmem:s4+$0xFFFFFED0];
	_ =	sdelay $0x4  }
0x3a5: {  	v2 =	vmul.f32 v2, v3;
	_ =	sdelay $0x1  }
0x3a6: {  	[tilespmem:s12+$0xFFFFFE80] =	vst v2  }
0x3a7: {  	v2 =	vld [tilespmem:s4+$0xFFFFFEE0];
	_ =	sdelay $0x4  }
0x3a8: {  	v2 =	vmul.f32 v2, v3;
	_ =	sdelay $0x1  }
0x3a9: {  	[tilespmem:s12+$0xFFFFFE90] =	vst v2  }
0x3aa: {  	v2 =	vld [tilespmem:s4+$0xFFFFFEF0];
	_ =	sdelay $0x4  }
0x3ab: {  	v2 =	vmul.f32 v2, v3;
	_ =	sdelay $0x1  }
0x3ac: {  	[tilespmem:s12+$0xFFFFFEA0] =	vst v2;
	v2 =	vnsel vm0, $0x0, v3  }
0x3ad: {  	[tilespmem:s12+$0xFFFFFEB0] =	vst v2  }
0x3ae: {  	v2 =	vld [tilespmem:s4+$0xFFFFFF00];
	_ =	sdelay $0x2  }
0x3af: {  	v3 =	vbroadcast v1, $0x4;
	_ =	sdelay $0x1  }
0x3b0: {  	v2 =	vmul.f32 v2, v3;
	_ =	sdelay $0x1  }
0x3b1: {  	[tilespmem:s12+$0xFFFFFEC0] =	vst v2  }
0x3b2: {  	v2 =	vld [tilespmem:s4+$0xFFFFFF10];
	_ =	sdelay $0x4  }
0x3b3: {  	v2 =	vmul.f32 v2, v3;
	_ =	sdelay $0x1  }
0x3b4: {  	[tilespmem:s12+$0xFFFFFED0] =	vst v2  }
0x3b5: {  	v2 =	vld [tilespmem:s4+$0xFFFFFF20];
	_ =	sdelay $0x4  }
0x3b6: {  	v2 =	vmul.f32 v2, v3;
	_ =	sdelay $0x1  }
0x3b7: {  	[tilespmem:s12+$0xFFFFFEE0] =	vst v2  }
0x3b8: {  	v2 =	vld [tilespmem:s4+$0xFFFFFF30];
	_ =	sdelay $0x4  }
0x3b9: {  	v2 =	vmul.f32 v2, v3;
	_ =	sdelay $0x1  }
0x3ba: {  	[tilespmem:s12+$0xFFFFFEF0] =	vst v2;
	v2 =	vnsel vm0, $0x0, v3  }
0x3bb: {  	[tilespmem:s12+$0xFFFFFF00] =	vst v2  }
0x3bc: {  	v2 =	vld [tilespmem:s4+$0xFFFFFF40];
	_ =	sdelay $0x2  }
0x3bd: {  	v3 =	vbroadcast v1, $0x5;
	_ =	sdelay $0x1  }
0x3be: {  	v2 =	vmul.f32 v2, v3;
	_ =	sdelay $0x1  }
0x3bf: {  	[tilespmem:s12+$0xFFFFFF10] =	vst v2  }
0x3c0: {  	v2 =	vld [tilespmem:s4+$0xFFFFFF50];
	_ =	sdelay $0x4  }
0x3c1: {  	v2 =	vmul.f32 v2, v3;
	_ =	sdelay $0x1  }
0x3c2: {  	[tilespmem:s12+$0xFFFFFF20] =	vst v2  }
0x3c3: {  	v2 =	vld [tilespmem:s4+$0xFFFFFF60];
	_ =	sdelay $0x4  }
0x3c4: {  	v2 =	vmul.f32 v2, v3;
	_ =	sdelay $0x1  }
0x3c5: {  	[tilespmem:s12+$0xFFFFFF30] =	vst v2  }
0x3c6: {  	v2 =	vld [tilespmem:s4+$0xFFFFFF70];
	_ =	sdelay $0x4  }
0x3c7: {  	v2 =	vmul.f32 v2, v3;
	_ =	sdelay $0x1  }
0x3c8: {  	[tilespmem:s12+$0xFFFFFF40] =	vst v2;
	v2 =	vnsel vm0, $0x0, v3  }
0x3c9: {  	[tilespmem:s12+$0xFFFFFF50] =	vst v2  }
0x3ca: {  	v2 =	vld [tilespmem:s4+$0xFFFFFF80];
	_ =	sdelay $0x2  }
0x3cb: {  	v3 =	vbroadcast v1, $0x6;
	_ =	sdelay $0x1  }
0x3cc: {  	v2 =	vmul.f32 v2, v3;
	_ =	sdelay $0x1  }
0x3cd: {  	[tilespmem:s12+$0xFFFFFF60] =	vst v2  }
0x3ce: {  	v2 =	vld [tilespmem:s4+$0xFFFFFF90];
	_ =	sdelay $0x4  }
0x3cf: {  	v2 =	vmul.f32 v2, v3;
	_ =	sdelay $0x1  }
0x3d0: {  	[tilespmem:s12+$0xFFFFFF70] =	vst v2  }
0x3d1: {  	v2 =	vld [tilespmem:s4+$0xFFFFFFA0];
	_ =	sdelay $0x4  }
0x3d2: {  	v2 =	vmul.f32 v2, v3;
	_ =	sdelay $0x1  }
0x3d3: {  	[tilespmem:s12+$0xFFFFFF80] =	vst v2  }
0x3d4: {  	v2 =	vld [tilespmem:s4+$0xFFFFFFB0];
	_ =	sdelay $0x4  }
0x3d5: {  	v2 =	vmul.f32 v2, v3;
	_ =	sdelay $0x1  }
0x3d6: {  	[tilespmem:s12+$0xFFFFFF90] =	vst v2;
	v2 =	vnsel vm0, $0x0, v3  }
0x3d7: {  	[tilespmem:s12+$0xFFFFFFA0] =	vst v2  }
0x3d8: {  	v2 =	vld [tilespmem:s4+$0xFFFFFFC0];
	_ =	sdelay $0x2  }
0x3d9: {  	v3 =	vbroadcast v1, $0x7;
	_ =	sdelay $0x1  }
0x3da: {  	v2 =	vmul.f32 v2, v3;
	_ =	sdelay $0x1  }
0x3db: {  	[tilespmem:s12+$0xFFFFFFB0] =	vst v2  }
0x3dc: {  	v2 =	vld [tilespmem:s4+$0xFFFFFFD0];
	_ =	sdelay $0x4  }
0x3dd: {  	v2 =	vmul.f32 v2, v3;
	_ =	sdelay $0x1  }
0x3de: {  	[tilespmem:s12+$0xFFFFFFC0] =	vst v2  }
0x3df: {  	v2 =	vld [tilespmem:s4+$0xFFFFFFE0];
	_ =	sdelay $0x4  }
0x3e0: {  	v2 =	vmul.f32 v2, v3;
	_ =	sdelay $0x1  }
0x3e1: {  	[tilespmem:s12+$0xFFFFFFD0] =	vst v2  }
0x3e2: {  	v2 =	vld [tilespmem:s4+$0xFFFFFFF0];
	_ =	sdelay $0x4  }
0x3e3: {  	v2 =	vmul.f32 v2, v3;
	_ =	sdelay $0x1  }
0x3e4: {  	[tilespmem:s12+$0xFFFFFFE0] =	vst v2;
	v2 =	vnsel vm0, $0x0, v3  }
0x3e5: {  	[tilespmem:s12+$0xFFFFFFF0] =	vst v2  }
0x3e6: {  	v2 =	vld [tilespmem:s4+$0x0];
	_ =	sdelay $0x2  }
0x3e7: {  	v3 =	vbroadcast v1, $0x8;
	_ =	sdelay $0x1  }
0x3e8: {  	v2 =	vmul.f32 v2, v3;
	_ =	sdelay $0x1  }
0x3e9: {  	[tilespmem:s12+$0x0] =	vst v2  }
0x3ea: {  	v2 =	vld [tilespmem:s4+$0x10];
	_ =	sdelay $0x4  }
0x3eb: {  	v2 =	vmul.f32 v2, v3;
	_ =	sdelay $0x1  }
0x3ec: {  	[tilespmem:s12+$0x10] =	vst v2  }
0x3ed: {  	v2 =	vld [tilespmem:s4+$0x20];
	_ =	sdelay $0x4  }
0x3ee: {  	v2 =	vmul.f32 v2, v3;
	_ =	sdelay $0x1  }
0x3ef: {  	[tilespmem:s12+$0x20] =	vst v2  }
0x3f0: {  	v2 =	vld [tilespmem:s4+$0x30];
	_ =	sdelay $0x4  }
0x3f1: {  	v2 =	vmul.f32 v2, v3;
	_ =	sdelay $0x1  }
0x3f2: {  	[tilespmem:s12+$0x30] =	vst v2;
	v2 =	vnsel vm0, $0x0, v3  }
0x3f3: {  	[tilespmem:s12+$0x40] =	vst v2  }
0x3f4: {  	v2 =	vld [tilespmem:s4+$0x40];
	_ =	sdelay $0x2  }
0x3f5: {  	v3 =	vbroadcast v1, $0x9;
	_ =	sdelay $0x1  }
0x3f6: {  	v2 =	vmul.f32 v2, v3;
	_ =	sdelay $0x1  }
0x3f7: {  	[tilespmem:s12+$0x50] =	vst v2  }
0x3f8: {  	v2 =	vld [tilespmem:s4+$0x50];
	_ =	sdelay $0x4  }
0x3f9: {  	v2 =	vmul.f32 v2, v3;
	_ =	sdelay $0x1  }
0x3fa: {  	[tilespmem:s12+$0x60] =	vst v2  }
0x3fb: {  	v2 =	vld [tilespmem:s4+$0x60];
	_ =	sdelay $0x4  }
0x3fc: {  	v2 =	vmul.f32 v2, v3;
	_ =	sdelay $0x1  }
0x3fd: {  	[tilespmem:s12+$0x70] =	vst v2  }
0x3fe: {  	v2 =	vld [tilespmem:s4+$0x70];
	_ =	sdelay $0x4  }
0x3ff: {  	v2 =	vmul.f32 v2, v3;
	_ =	sdelay $0x1  }
0x400: {  	[tilespmem:s12+$0x80] =	vst v2;
	v2 =	vnsel vm0, $0x0, v3  }
0x401: {  	[tilespmem:s12+$0x90] =	vst v2  }
0x402: {  	v2 =	vld [tilespmem:s4+$0x80];
	_ =	sdelay $0x2  }
0x403: {  	v3 =	vbroadcast v1, $0xA;
	_ =	sdelay $0x1  }
0x404: {  	v2 =	vmul.f32 v2, v3;
	_ =	sdelay $0x1  }
0x405: {  	[tilespmem:s12+$0xA0] =	vst v2  }
0x406: {  	v2 =	vld [tilespmem:s4+$0x90];
	_ =	sdelay $0x4  }
0x407: {  	v2 =	vmul.f32 v2, v3;
	_ =	sdelay $0x1  }
0x408: {  	[tilespmem:s12+$0xB0] =	vst v2  }
0x409: {  	v2 =	vld [tilespmem:s4+$0xA0];
	_ =	sdelay $0x4  }
0x40a: {  	v2 =	vmul.f32 v2, v3;
	_ =	sdelay $0x1  }
0x40b: {  	[tilespmem:s12+$0xC0] =	vst v2  }
0x40c: {  	v2 =	vld [tilespmem:s4+$0xB0];
	_ =	sdelay $0x4  }
0x40d: {  	v2 =	vmul.f32 v2, v3;
	_ =	sdelay $0x1  }
0x40e: {  	[tilespmem:s12+$0xD0] =	vst v2;
	v2 =	vnsel vm0, $0x0, v3  }
0x40f: {  	[tilespmem:s12+$0xE0] =	vst v2  }
0x410: {  	v2 =	vld [tilespmem:s4+$0xC0];
	_ =	sdelay $0x2  }
0x411: {  	v3 =	vbroadcast v1, $0xB;
	_ =	sdelay $0x1  }
0x412: {  	v2 =	vmul.f32 v2, v3;
	_ =	sdelay $0x1  }
0x413: {  	[tilespmem:s12+$0xF0] =	vst v2  }
0x414: {  	v2 =	vld [tilespmem:s4+$0xD0];
	_ =	sdelay $0x4  }
0x415: {  	v2 =	vmul.f32 v2, v3;
	_ =	sdelay $0x1  }
0x416: {  	[tilespmem:s12+$0x100] =	vst v2  }
0x417: {  	v2 =	vld [tilespmem:s4+$0xE0];
	_ =	sdelay $0x4  }
0x418: {  	v2 =	vmul.f32 v2, v3;
	_ =	sdelay $0x1  }
0x419: {  	[tilespmem:s12+$0x110] =	vst v2  }
0x41a: {  	v2 =	vld [tilespmem:s4+$0xF0];
	_ =	sdelay $0x4  }
0x41b: {  	v2 =	vmul.f32 v2, v3;
	_ =	sdelay $0x1  }
0x41c: {  	[tilespmem:s12+$0x120] =	vst v2;
	v2 =	vnsel vm0, $0x0, v3  }
0x41d: {  	[tilespmem:s12+$0x130] =	vst v2  }
0x41e: {  	v2 =	vld [tilespmem:s4+$0x100];
	_ =	sdelay $0x2  }
0x41f: {  	v3 =	vbroadcast v1, $0xC;
	_ =	sdelay $0x1  }
0x420: {  	v2 =	vmul.f32 v2, v3;
	_ =	sdelay $0x1  }
0x421: {  	[tilespmem:s12+$0x140] =	vst v2  }
0x422: {  	v2 =	vld [tilespmem:s4+$0x110];
	_ =	sdelay $0x4  }
0x423: {  	v2 =	vmul.f32 v2, v3;
	_ =	sdelay $0x1  }
0x424: {  	[tilespmem:s12+$0x150] =	vst v2  }
0x425: {  	v2 =	vld [tilespmem:s4+$0x120];
	_ =	sdelay $0x4  }
0x426: {  	v2 =	vmul.f32 v2, v3;
	_ =	sdelay $0x1  }
0x427: {  	[tilespmem:s12+$0x160] =	vst v2  }
0x428: {  	v2 =	vld [tilespmem:s4+$0x130];
	_ =	sdelay $0x4  }
0x429: {  	v2 =	vmul.f32 v2, v3;
	_ =	sdelay $0x1  }
0x42a: {  	[tilespmem:s12+$0x170] =	vst v2;
	v2 =	vnsel vm0, $0x0, v3  }
0x42b: {  	[tilespmem:s12+$0x180] =	vst v2  }
0x42c: {  	v2 =	vld [tilespmem:s4+$0x140];
	_ =	sdelay $0x2  }
0x42d: {  	v3 =	vbroadcast v1, $0xD;
	_ =	sdelay $0x1  }
0x42e: {  	v2 =	vmul.f32 v2, v3;
	_ =	sdelay $0x1  }
0x42f: {  	[tilespmem:s12+$0x190] =	vst v2  }
0x430: {  	v2 =	vld [tilespmem:s4+$0x150];
	_ =	sdelay $0x4  }
0x431: {  	v2 =	vmul.f32 v2, v3;
	_ =	sdelay $0x1  }
0x432: {  	[tilespmem:s12+$0x1A0] =	vst v2  }
0x433: {  	v2 =	vld [tilespmem:s4+$0x160];
	_ =	sdelay $0x4  }
0x434: {  	v2 =	vmul.f32 v2, v3;
	_ =	sdelay $0x1  }
0x435: {  	[tilespmem:s12+$0x1B0] =	vst v2  }
0x436: {  	v2 =	vld [tilespmem:s4+$0x170];
	_ =	sdelay $0x4  }
0x437: {  	v2 =	vmul.f32 v2, v3;
	_ =	sdelay $0x1  }
0x438: {  	[tilespmem:s12+$0x1C0] =	vst v2;
	v2 =	vnsel vm0, $0x0, v3  }
0x439: {  	[tilespmem:s12+$0x1D0] =	vst v2  }
0x43a: {  	v2 =	vld [tilespmem:s4+$0x180];
	_ =	sdelay $0x2  }
0x43b: {  	v3 =	vbroadcast v1, $0xE;
	_ =	sdelay $0x1  }
0x43c: {  	v2 =	vmul.f32 v2, v3;
	_ =	sdelay $0x1  }
0x43d: {  	[tilespmem:s12+$0x1E0] =	vst v2  }
0x43e: {  	v2 =	vld [tilespmem:s4+$0x190];
	_ =	sdelay $0x4  }
0x43f: {  	v2 =	vmul.f32 v2, v3;
	_ =	sdelay $0x1  }
0x440: {  	[tilespmem:s12+$0x1F0] =	vst v2  }
0x441: {  	v2 =	vld [tilespmem:s4+$0x1A0];
	_ =	sdelay $0x4  }
0x442: {  	v2 =	vmul.f32 v2, v3;
	_ =	sdelay $0x1  }
0x443: {  	[tilespmem:s12+$0x200] =	vst v2  }
0x444: {  	v2 =	vld [tilespmem:s4+$0x1B0];
	_ =	sdelay $0x4  }
0x445: {  	v2 =	vmul.f32 v2, v3;
	_ =	sdelay $0x1  }
0x446: {  	[tilespmem:s12+$0x210] =	vst v2;
	v2 =	vnsel vm0, $0x0, v3  }
0x447: {  	[tilespmem:s12+$0x220] =	vst v2  }
0x448: {  	v2 =	vld [tilespmem:s4+$0x1C0];
	_ =	sdelay $0x2  }
0x449: {  	v1 =	vbroadcast v1, $0xF;
	_ =	sdelay $0x1  }
0x44a: {  	v2 =	vmul.f32 v2, v1;
	_ =	sdelay $0x1  }
0x44b: {  	[tilespmem:s12+$0x230] =	vst v2  }
0x44c: {  	v2 =	vld [tilespmem:s4+$0x1D0];
	_ =	sdelay $0x4  }
0x44d: {  	v2 =	vmul.f32 v2, v1;
	_ =	sdelay $0x1  }
0x44e: {  	[tilespmem:s12+$0x240] =	vst v2  }
0x44f: {  	v2 =	vld [tilespmem:s4+$0x1E0];
	_ =	sdelay $0x4  }
0x450: {  	v2 =	vmul.f32 v2, v1;
	_ =	sdelay $0x1  }
0x451: {  	[tilespmem:s12+$0x250] =	vst v2  }
0x452: {  	v2 =	vld [tilespmem:s4+$0x1F0];
	_ =	sdelay $0x1  }
0x453: {  	p1 =	sne.s32 s0, $0x100  }
.Ltmp7:
0x454: {  	_ = 	snop;
	(pc) =	sbr.rel @p1 .LBB2_16-.Ltmp7, $4  }
0x455: {  	_ = 	snop  }
0x456: {  	v2 =	vmul.f32 v2, v1;
	v1 =	vnsel vm0, $0x0, v1  }
0x457: {  	[tilespmem:s12+$0x270] =	vst v1  }
0x458: {  	s0 =	sadd.s32 $0x40, s0;
	s4 =	sadd.s32 $0x400, s4;
	[tilespmem:s12+$0x260] =	vst v2;
	s12 =	sadd.s32 $0x500, s12  }
0x459: {  	s0 =	simm.s32 $0x4DD0  }
0x45a: {  	[spmem:s2] =	stream.indirect.scatter.add.f32 [tilespmem:s3], [sflag:$0x3], $0x50, s0, s11, $0xb8;
	[tilespmem:$0x1E5A0] =	vst v63  }
0x45b: {  	_ =	swait.ge [sflag:s25], $0x1400  }
0x45c: {  	[sflag:s25] =	ssyncset.done $0x0  }
0x45d: {  	[sflag:s25] =	ssyncadd.s32 $0xFFFFEC00  }
0x45e: {  	_ =	swait.ge [sflag:s25], $0x1900  }
0x45f: {  	[sflag:s25] =	ssyncset.done $0x0  }
0x460: {  	s16 =	stileid.u32;
	[sflag:s25] =	ssyncadd.s32 $0xFFFFE700  }
0x461: {  	s0 =	sshll.u32 s16, $0x6;
	[bflag:$0x0] =	sbarrier.arrive $0xFFFF  }
0x462: {  	s4 =	sshrl.u32 s28, $0x3;
	s0 =	sor.u32 $0x1C05, s0;
	s12 =	rddreg [dreg:$0xb]  }
0x463: {  	[hbm:s12], [sflag:s0] =	dma.local [spmem:s4], $0x1860  }
0x464: {  	_ =	swait.ge [sflag:s14], $0x1860  }
0x465: {  	[sflag:s14] =	ssyncset.done $0x0;
	s13 =	rddreg [dreg:$0x17]  }
0x466: {  	s12 =	rddreg [dreg:$0x13];
	[sflag:s14] =	ssyncadd.s32 $0xFFFFE7A0;
	s4 =	sshrl.u32 @!p0 s13, $0x3  }
0x467: {  	[hbm:s12], [sflag:s0] =	dma.local @!p0 [spmem:s4], $0xA0  }
0x468: {  	s0 =	simm.s32 @!p0 $0x5  }
0x469: {  	_ =	swait.ge @!p0 [sflag:s0], $0xA0  }
0x46a: {  	s4 =	rddreg [dreg:$0x18]  }
0x46b: {  	s16 =	rddreg [dreg:$0x14];
	s12 =	sadd.s32 $0x1, s4  }
0x46c: {  	p1 =	sne.s32 s12, s16  }
.Ltmp8:
0x46d: {  	_ = 	snop;
	(pc) =	sbr.rel @p1 .LBB2_1-.Ltmp8, $3  }
0x46e: {  	_ =	sdelay $0x1  }
0x46f: {  	[sflag:s0] =	ssyncset.done @!p0 $0x0  }
0x470: {  	[sflag:s0] =	ssyncadd.s32 @!p0 $0xFFFFFF60  }
0x471: {  	_ =	sfence.sel $0x180000  }
0x472: {  	[bflag:$0x0] =	sbarrier.arrive $0xFFFF  }
0x473: {  	_ =	strace $0x90000047  }
0x474: {  	s0 =	stileid.u32;
	[bflag:$0x2] =	sbarrier.arrive $0xFFFF  }
0x475: {  	p0 =	sne.s32 s0, $0x0;
	s0 =	rddreg [dreg:$0x6]  }
0x476: {  	s0 =	sadd.s32 @!p0 $0x100000, s0  }
0x477: {  	[sflag:s0] =	ssyncadd.tile.s32 @!p0 $0x1;
	_ =	shalt  }
.Lfunc_end2:
_tile_overlayer_lowered:
.L_overlay_start_2:
0x478: {  	(tag) =	ssettag $0x2  }
0x479: {  	s0 =	rddreg [dreg:$0x0];
	s2 =	stileid.u32  }
0x47a: {  	s1 =	rddreg [dreg:$0x1];
	p0 =	sne.s32 s2, $0x0  }
0x47b: {  	s3 =	rddreg [dreg:$0x2];
	[bflag:$0x3] =	sbarrier.arrive $0xFFFF;
	s2 =	simm.s32 @!p0 $0x1C05  }
0x47c: {  	[timem:s3], [sflag:s2] =	dma.local @!p0 [hbm:s0], s1  }
0x47d: {  	s0 =	simm.s32 @!p0 $0x5  }
0x47e: {  	_ =	swait.ge @!p0 [sflag:s0], s1  }
0x47f: {  	s1 =	ssub.s32 @!p0 $0x0, s1;
	[sflag:s0] =	ssyncset.done @!p0 $0x0  }
0x480: {  	[sflag:s0] =	ssyncadd.s32 @!p0 s1  }
0x481: {  	[bflag:$0x3] =	sbarrier.arrive $0xFFFF  }
0x482: {  	_ =	shalt  }

</sc_bundles>
